<compile_context>
chip_gen: v7x
topology: tpu7x:2x2x1
jax: 0.10.2.dev20260603
libtpu: 0.0.44.dev20260713+nightly
codegen_flags: <defaults>
</compile_context>

<pallas_src>
import jax
import jax.numpy as jnp
from jax import lax
from jax.experimental import pallas as pl
from jax.experimental.pallas import tpu as pltpu
from jax.experimental.pallas import tpu_sc as plsc

B, S, D, FF, E = 1, 2048, 768, 2048, 64
N = B * S
BLK = 128
G = N * 2 // BLK + E
P = G * BLK
CH = 128
NC, NS = 2, 16
NW = NC * NS
RPT = P // NW
GP = G + 8
GCH = 64
NGC = RPT // GCH
TPB = N // NW


def _routing_body(x_ref, gwt_ref, gum_ref, d1_ref, d2_ref, w1_ref, w2_ref,
                  be_ref):
    x = x_ref[...]
    logits = jnp.dot(x, gwt_ref[...], preferred_element_type=jnp.float32)
    m = jnp.max(logits, axis=-1, keepdims=True)
    eg = jnp.exp(logits - m)
    gates = eg / jnp.sum(eg, axis=-1, keepdims=True)
    iota_e = lax.broadcasted_iota(jnp.int32, (N, E), 1)
    gmax = jnp.max(gates, axis=-1, keepdims=True)
    idx1 = jnp.min(jnp.where(gates == gmax, iota_e, E), axis=-1)
    mask1 = iota_e == idx1[:, None]
    pert = jnp.where(mask1, -jnp.inf, logits + gum_ref[...])
    pmax = jnp.max(pert, axis=-1, keepdims=True)
    idx2 = jnp.min(jnp.where(pert == pmax, iota_e, E), axis=-1)
    mask2 = iota_e == idx2[:, None]
    g1 = jnp.sum(jnp.where(mask1, gates, 0.0), axis=-1)
    g2 = jnp.sum(jnp.where(mask2, gates, 0.0), axis=-1)
    den = jnp.maximum(g1 + g2, jnp.finfo(jnp.float32).eps)
    w1_ref[0, :] = g1 / den
    w2_ref[0, :] = g2 / den

    m1f = mask1.astype(jnp.float32)
    m2f = mask2.astype(jnp.float32)
    tri = (lax.broadcasted_iota(jnp.int32, (CH, CH), 0)
           >= lax.broadcasted_iota(jnp.int32, (CH, CH), 1)).astype(jnp.float32)

    def cumsum_tokens(mf):
        outs = []
        carry = jnp.zeros((1, E), jnp.float32)
        for k in range(N // CH):
            cs = jnp.dot(tri, mf[k * CH:(k + 1) * CH, :],
                         precision=lax.Precision.HIGHEST) + carry
            outs.append(cs)
            carry = cs[CH - 1:CH, :]
        return jnp.concatenate(outs, axis=0)

    cum1 = cumsum_tokens(m1f)
    cum2 = cumsum_tokens(m2f)
    c1 = cum1[N - 1:N, :]
    c2 = cum2[N - 1:N, :]
    r1 = jnp.sum(jnp.where(mask1, cum1, 0.0), axis=-1) - 1.0
    r2 = jnp.sum(jnp.where(mask2, cum2, 0.0), axis=-1) - 1.0
    cnt = c1 + c2
    nb = jnp.ceil(cnt * (1.0 / BLK))
    upper = (lax.broadcasted_iota(jnp.int32, (E, E), 0)
             <= lax.broadcasted_iota(jnp.int32, (E, E), 1)).astype(jnp.float32)
    cumnb = jnp.dot(nb, upper, precision=lax.Precision.HIGHEST)
    poff = (cumnb - nb) * float(BLK)
    dest1 = jnp.sum(jnp.where(mask1, poff, 0.0), axis=-1) + r1
    dest2 = jnp.sum(jnp.where(mask2, poff + c1, 0.0), axis=-1) + r2
    d1_ref[0, :] = jnp.round(dest1).astype(jnp.int32)
    d2_ref[0, :] = jnp.round(dest2).astype(jnp.int32)
    cumnb_i = jnp.round(cumnb).astype(jnp.int32)
    bio = lax.broadcasted_iota(jnp.int32, (GP, E), 0)
    bev = jnp.sum((bio >= cumnb_i).astype(jnp.int32), axis=-1)
    nb_tot = cumnb_i[:, E - 1]
    be_ref[0, :] = jnp.where(bio[:, 0] < G, jnp.minimum(bev, E - 1), nb_tot)


def _routing(x, gwt, gum):
    out_shape = (
        jax.ShapeDtypeStruct((1, N), jnp.int32),
        jax.ShapeDtypeStruct((1, N), jnp.int32),
        jax.ShapeDtypeStruct((1, N), jnp.float32),
        jax.ShapeDtypeStruct((1, N), jnp.float32),
        jax.ShapeDtypeStruct((1, GP), jnp.int32),
    )
    return pl.pallas_call(_routing_body, out_shape=out_shape)(x, gwt, gum)


APT = 2 * N // NS
ZPT = P // NS


def _dispatch_body(x_hbm, d1_hbm, d2_hbm, wa1_hbm, wa2_hbm, xs_hbm, sw_hbm,
                   dvec, tokv, wv, zbi, zbf, gwin, rowbuf,
                   g_sh, sw_sh, gs0, gs1, ws0, ws1):
    cid = lax.axis_index("c")
    sid = lax.axis_index("s")
    wid = cid * NS + sid
    iota16 = lax.broadcasted_iota(jnp.int32, (16,), 0)

    for k in range(ZPT // 16):
        zbi[pl.ds(k * 16, 16)] = (iota16 + (sid * ZPT + k * 16)) & (N - 1)
        zbf[pl.ds(k * 16, 16)] = jnp.zeros((16,), jnp.float32)
    pltpu.sync_copy(zbi, g_sh.at[pl.ds(sid * ZPT, ZPT)])
    pltpu.sync_copy(zbf, sw_sh.at[pl.ds(sid * ZPT, ZPT)])
    plsc.subcore_barrier()

    tbase = (sid % (NS // 2)) * APT

    @pl.when(sid < NS // 2)
    def _():
        for j in range(APT // 128):
            pltpu.sync_copy(d1_hbm.at[pl.ds(tbase + j * 128, 128)],
                            dvec.at[j])
            pltpu.sync_copy(wa1_hbm.at[pl.ds(tbase + j * 128, 128)],
                            wv.at[j])

    @pl.when(sid >= NS // 2)
    def _():
        for j in range(APT // 128):
            pltpu.sync_copy(d2_hbm.at[pl.ds(tbase + j * 128, 128)],
                            dvec.at[j])
            pltpu.sync_copy(wa2_hbm.at[pl.ds(tbase + j * 128, 128)],
                            wv.at[j])

    for j in range(APT // 128):
        for k in range(8):
            tokv[j, pl.ds(k * 16, 16)] = iota16 + (tbase + j * 128 + k * 16)
    for j in range(APT // 128):
        pltpu.sync_copy(tokv.at[j], g_sh.at[dvec.at[j]])
        pltpu.sync_copy(wv.at[j], sw_sh.at[dvec.at[j]])
    plsc.subcore_barrier()

    win = wid * RPT
    for ci in range(NGC):
        pltpu.sync_copy(g_sh.at[pl.ds(win + ci * GCH, GCH)], gwin.at[ci])
    pltpu.sync_copy(sw_sh.at[pl.ds(win, RPT)], sw_hbm.at[pl.ds(win, RPT)])
    gsem = (gs0, gs1)
    wsem = (ws0, ws1)
    gd = [None, None]
    wd = [None, None]
    gd[0] = pltpu.async_copy(x_hbm.at[gwin.at[0]], rowbuf.at[0], gs0)
    for ci in range(NGC):
        b = ci % 2
        gd[b].wait()
        if ci + 1 < NGC:
            if wd[1 - b] is not None:
                wd[1 - b].wait()
            gd[1 - b] = pltpu.async_copy(x_hbm.at[gwin.at[ci + 1]],
                                         rowbuf.at[1 - b], gsem[1 - b])
        wd[b] = pltpu.async_copy(rowbuf.at[b],
                                 xs_hbm.at[pl.ds(win + ci * GCH, GCH)],
                                 wsem[b])
    for b in range(2):
        if wd[b] is not None:
            wd[b].wait()


_SC_PARAMS = pltpu.CompilerParams(needs_layout_passes=False)


def _dispatch(x, dest1, dest2, wa1, wa2):
    mesh = plsc.VectorSubcoreMesh(core_axis_name="c", subcore_axis_name="s",
                                  num_cores=NC, num_subcores=NS)
    fn = pl.kernel(
        _dispatch_body,
        compiler_params=_SC_PARAMS,
        out_type=(jax.ShapeDtypeStruct((P, D), jnp.float32),
                  jax.ShapeDtypeStruct((P,), jnp.float32)),
        mesh=mesh,
        scratch_types=[
            pltpu.VMEM((APT // 128, 128), jnp.int32),
            pltpu.VMEM((APT // 128, 128), jnp.int32),
            pltpu.VMEM((APT // 128, 128), jnp.float32),
            pltpu.VMEM((ZPT,), jnp.int32),
            pltpu.VMEM((ZPT,), jnp.float32),
            pltpu.VMEM((NGC, GCH), jnp.int32),
            pltpu.VMEM((2, GCH, D), jnp.float32),
            pltpu.VMEM_SHARED((P,), jnp.int32),
            pltpu.VMEM_SHARED((P,), jnp.float32),
            pltpu.SemaphoreType.DMA,
            pltpu.SemaphoreType.DMA,
            pltpu.SemaphoreType.DMA,
            pltpu.SemaphoreType.DMA,
        ],
    )
    return fn(x, dest1, dest2, wa1, wa2)


def _ffn_body(be_ref, xs_ref, w1_ref, w2_ref, sw_ref, ys_ref):
    @pl.when(pl.program_id(0) < be_ref[G])
    def _():
        xb = xs_ref[...]
        h = jnp.dot(xb, w1_ref[0], preferred_element_type=jnp.float32)
        h = 0.5 * h * (1.0 + lax.erf(h * (2.0 ** -0.5)))
        yb = jnp.dot(h, w2_ref[0], preferred_element_type=jnp.float32)
        ys_ref[...] = yb * sw_ref[0, 0, :][:, None]


def _ffn(be, xs, W1, W2, sw3):
    def real(b, be):
        return b < be[G]

    def expert(b, be):
        return be[jnp.minimum(b, jnp.maximum(be[G] - 1, 0))]

    grid_spec = pltpu.PrefetchScalarGridSpec(
        num_scalar_prefetch=1,
        grid=(G,),
        in_specs=[
            pl.BlockSpec((BLK, D),
                         lambda b, be: (jnp.where(real(b, be), b, 0), 0)),
            pl.BlockSpec((1, D, FF), lambda b, be: (expert(b, be), 0, 0)),
            pl.BlockSpec((1, FF, D), lambda b, be: (expert(b, be), 0, 0)),
            pl.BlockSpec((1, 1, BLK),
                         lambda b, be: (jnp.where(real(b, be), b, 0), 0, 0)),
        ],
        out_specs=pl.BlockSpec(
            (BLK, D), lambda b, be: (jnp.where(real(b, be), b, G), 0)),
    )
    return pl.pallas_call(
        _ffn_body, grid_spec=grid_spec,
        out_shape=jax.ShapeDtypeStruct(((G + 1) * BLK, D), jnp.float32),
    )(be, xs, W1, W2, sw3)


def _combine_body(ys_hbm, d1_hbm, d2_hbm, out_hbm, d1v, d2v, rb1, rb2, sem):
    wid = lax.axis_index("s") * NC + lax.axis_index("c")
    base = wid * TPB
    pltpu.sync_copy(d1_hbm.at[pl.ds(base, TPB)], d1v)
    pltpu.sync_copy(d2_hbm.at[pl.ds(base, TPB)], d2v)
    cp1 = pltpu.async_copy(ys_hbm.at[d1v], rb1, sem)
    cp2 = pltpu.async_copy(ys_hbm.at[d2v], rb2, sem)
    cp1.wait()
    cp2.wait()

    def ab(i, carry):
        r = i // (D // 16)
        c = (i % (D // 16)) * 16
        rb1[r, pl.ds(c, 16)] = rb1[r, pl.ds(c, 16)] + rb2[r, pl.ds(c, 16)]
        return carry

    lax.fori_loop(0, TPB * (D // 16), ab, 0)
    pltpu.sync_copy(rb1, out_hbm.at[pl.ds(base, TPB)])


def _combine(ys, dest1, dest2):
    mesh = plsc.VectorSubcoreMesh(core_axis_name="c", subcore_axis_name="s",
                                  num_cores=NC, num_subcores=NS)
    fn = pl.kernel(
        _combine_body,
        compiler_params=_SC_PARAMS,
        out_type=jax.ShapeDtypeStruct((N, D), jnp.float32),
        mesh=mesh,
        scratch_types=[
            pltpu.VMEM((TPB,), jnp.int32),
            pltpu.VMEM((TPB,), jnp.int32),
            pltpu.VMEM((TPB, D), jnp.float32),
            pltpu.VMEM((TPB, D), jnp.float32),
            pltpu.SemaphoreType.DMA,
        ],
    )
    return fn(ys, dest1, dest2)


def kernel(hidden_states, gate_w, W1, W2):
    x = hidden_states.reshape(N, D)
    u = jax.random.uniform(jax.random.key(42), (N, E), dtype=jnp.float32)
    gum = -jnp.log(-jnp.log(jnp.clip(u, 1e-20, None)) + 1e-20)
    d1, d2, wa1, wa2, be = _routing(x, gate_w.T, gum)
    d1, d2 = d1.reshape(N), d2.reshape(N)
    wa1, wa2, be = wa1.reshape(N), wa2.reshape(N), be.reshape(GP)
    xs, sw = _dispatch(x, d1, d2, wa1, wa2)
    ys = _ffn(be, xs, W1, W2, sw.reshape(G, 1, BLK))
    out = _combine(ys, d1, d2)
    return out.reshape(B, S, D)

# --- scband reference (transcript-rebuilt; emitter-appended) ---
"""Pipeline reference for scband-fairscale-mo-eblock-83597243449394 (READ-ONLY COPY).

The authoritative reference and input builder live on the scoring server;
editing this copy changes nothing except your own understanding.
"""

import jax, jax.numpy as jnp
import numpy as np

B, S, D_MODEL, FF, E = 1, 2048, 768, 2048, 64


def setup_inputs(seed: int = 0) -> dict:
    key = jax.random.key(seed)
    k1, k2, k3, k4 = jax.random.split(key, 4)
    hidden_states = jax.random.normal(k1, (B, S, D_MODEL), dtype=jnp.float32)
    gate_w = jax.random.normal(k2, (E, D_MODEL), dtype=jnp.float32) * 0.02
    W1 = jax.random.normal(k3, (E, D_MODEL, FF), dtype=jnp.float32) * (1.0 / np.sqrt(D_MODEL))
    W2 = jax.random.normal(k4, (E, FF, D_MODEL), dtype=jnp.float32) * (1.0 / np.sqrt(FF))
    return {"hidden_states": hidden_states, "gate_w": gate_w, "W1": W1, "W2": W2}


def reference(hidden_states, gate_w, W1, W2):
    Bsz, Sq, D = hidden_states.shape
    Ecnt = gate_w.shape[0]
    x = hidden_states.reshape(-1, D)
    N = x.shape[0]
    # --- GShard top-2 routing ---
    logits = x @ gate_w.T
    gates = jax.nn.softmax(logits.astype(jnp.float32), axis=-1)
    indices1 = jnp.argmax(gates, axis=-1)
    mask1 = jax.nn.one_hot(indices1, Ecnt, dtype=jnp.float32)
    u = jax.random.uniform(jax.random.key(42), logits.shape, dtype=jnp.float32)
    gumbel = -jnp.log(-jnp.log(jnp.clip(u, 1e-20, None)) + 1e-20)
    logits_except1 = jnp.where(mask1 > 0, -jnp.inf, logits + gumbel)
    indices2 = jnp.argmax(logits_except1, axis=-1)
    mask2 = jax.nn.one_hot(indices2, Ecnt, dtype=jnp.float32)
    gates1 = (gates * mask1).sum(axis=-1)
    gates2 = (gates * mask2).sum(axis=-1)
    denom = jnp.maximum(gates1 + gates2, jnp.finfo(jnp.float32).eps)
    routing_weights = jnp.stack([gates1 / denom, gates2 / denom], axis=-1).astype(x.dtype)
    selected_experts = jnp.stack([indices1, indices2], axis=-1)
    # l_aux (computed but not returned, matching torch which stores it on self)
    me = gates.mean(axis=0)
    ce = mask1.mean(axis=0)
    l_aux = jnp.mean(me * ce)
    # --- sparse dispatch ---
    final = jnp.zeros_like(x)
    for e in range(Ecnt):
        w_e = routing_weights[:, 0] * mask1[:, e] + routing_weights[:, 1] * mask2[:, e]
        h = jax.nn.gelu(x @ W1[e], approximate=False)
        out = h @ W2[e]
        final = final + out * w_e[:, None]
    return final.reshape(Bsz, Sq, D)

if __name__ == "__main__":
    import jax
    _d = setup_inputs()
    print(jax.jit(kernel)(*tuple(_d.values())))

</pallas_src>

<mosaic_0001>
#map = affine_map<(d0, d1) -> (0, 0)>
#map1 = affine_map<(d0, d1) -> (0)>
module attributes {stable_mosaic.version = 14 : i64} {
  func.func @_combine_body(%arg0: i32, %arg1: i32, %arg2: memref<12416x768xf32, #tpu.memory_space<hbm>>, %arg3: memref<2048xi32, #tpu.memory_space<hbm>>, %arg4: memref<2048xi32, #tpu.memory_space<hbm>>, %arg5: memref<2048x768xf32, #tpu.memory_space<hbm>>, %arg6: memref<64xi32, #tpu.memory_space<vmem>>, %arg7: memref<64xi32, #tpu.memory_space<vmem>>, %arg8: memref<64x768xf32, #tpu.memory_space<vmem>>, %arg9: memref<64x768xf32, #tpu.memory_space<vmem>>, %arg10: memref<!tpu.dma_semaphore, #tpu.memory_space<semaphore_mem>>) attributes {dimension_semantics = [#tpu.dimension_semantics<core_parallel>, #tpu.dimension_semantics<subcore_parallel>], iteration_bounds = array<i64: 2, 16>, scalar_prefetch = 0 : i64, scratch_operands = 5 : i64, tpu.core_type = #tpu.core_type<sc_vector_subcore>, window_params = [{transform_indices = #map}, {transform_indices = #map1}, {transform_indices = #map1}, {transform_indices = #map}]} {
    %mul3A = arith.constant 2 : i32
    %mul3A_0 = arith.muli %arg1, %mul3A : i32
    %add3A = arith.addi %mul3A_0, %arg0 : i32
    %mul3A_1 = arith.constant 64 : i32
    %mul3A_2 = arith.muli %add3A, %mul3A_1 : i32
    "tpu.region"() ({
      %run_scoped3A = tpu.sem_alloc : memref<!tpu.dma_semaphore, #tpu.memory_space<semaphore_mem>>
      %dma_start3A_18 = tpu.memref_slice %arg3[%mul3A_2] : memref<2048xi32, #tpu.memory_space<hbm>> -> memref<64xi32, #tpu.memory_space<hbm>>
      %dma_start3A_19 = tpu.memref_slice %arg3[%mul3A_2] : memref<2048xi32, #tpu.memory_space<hbm>> -> memref<64xi32, #tpu.memory_space<hbm>>
      tpu.enqueue_dma source(%dma_start3A_19 : memref<64xi32, #tpu.memory_space<hbm>>) target(%arg6 : memref<64xi32, #tpu.memory_space<vmem>>) target_semaphore(%run_scoped3A : memref<!tpu.dma_semaphore, #tpu.memory_space<semaphore_mem>>)
      %dma_wait3A_20 = tpu.memref_slice %arg3[%mul3A_2] : memref<2048xi32, #tpu.memory_space<hbm>> -> memref<64xi32, #tpu.memory_space<hbm>>
      %dma_wait3A_21 = tpu.memref_slice %arg3[%mul3A_2] : memref<2048xi32, #tpu.memory_space<hbm>> -> memref<64xi32, #tpu.memory_space<hbm>>
      tpu.wait_dma2 semaphore(%run_scoped3A : memref<!tpu.dma_semaphore, #tpu.memory_space<semaphore_mem>>) src(%dma_wait3A_21 : memref<64xi32, #tpu.memory_space<hbm>>) dst(%arg6 : memref<64xi32, #tpu.memory_space<vmem>>)
      tpu.yield
    }) : () -> ()
    "tpu.region"() ({
      %run_scoped3A = tpu.sem_alloc : memref<!tpu.dma_semaphore, #tpu.memory_space<semaphore_mem>>
      %dma_start3A_18 = tpu.memref_slice %arg4[%mul3A_2] : memref<2048xi32, #tpu.memory_space<hbm>> -> memref<64xi32, #tpu.memory_space<hbm>>
      %dma_start3A_19 = tpu.memref_slice %arg4[%mul3A_2] : memref<2048xi32, #tpu.memory_space<hbm>> -> memref<64xi32, #tpu.memory_space<hbm>>
      tpu.enqueue_dma source(%dma_start3A_19 : memref<64xi32, #tpu.memory_space<hbm>>) target(%arg7 : memref<64xi32, #tpu.memory_space<vmem>>) target_semaphore(%run_scoped3A : memref<!tpu.dma_semaphore, #tpu.memory_space<semaphore_mem>>)
      %dma_wait3A_20 = tpu.memref_slice %arg4[%mul3A_2] : memref<2048xi32, #tpu.memory_space<hbm>> -> memref<64xi32, #tpu.memory_space<hbm>>
      %dma_wait3A_21 = tpu.memref_slice %arg4[%mul3A_2] : memref<2048xi32, #tpu.memory_space<hbm>> -> memref<64xi32, #tpu.memory_space<hbm>>
      tpu.wait_dma2 semaphore(%run_scoped3A : memref<!tpu.dma_semaphore, #tpu.memory_space<semaphore_mem>>) src(%dma_wait3A_21 : memref<64xi32, #tpu.memory_space<hbm>>) dst(%arg7 : memref<64xi32, #tpu.memory_space<vmem>>)
      tpu.yield
    }) : () -> ()
    %dma_start3A = arith.constant 0 : i32
    %dma_start3A_3 = arith.constant 0 : i32
    %dma_start3A_4 = tpu.memref_slice %arg2[%dma_start3A, %dma_start3A_3] : memref<12416x768xf32, #tpu.memory_space<hbm>> -> memref<12416x768xf32, #tpu.memory_space<hbm>>
    tpu.enqueue_indirect_dma source(%dma_start3A_4 : memref<12416x768xf32, #tpu.memory_space<hbm>>) target(%arg8 : memref<64x768xf32, #tpu.memory_space<vmem>>) offsets(%arg6 : memref<64xi32, #tpu.memory_space<vmem>>) semaphore(%arg10 : memref<!tpu.dma_semaphore, #tpu.memory_space<semaphore_mem>>)
    %dma_start3A_5 = arith.constant 0 : i32
    %dma_start3A_6 = arith.constant 0 : i32
    %dma_start3A_7 = tpu.memref_slice %arg2[%dma_start3A_5, %dma_start3A_6] : memref<12416x768xf32, #tpu.memory_space<hbm>> -> memref<12416x768xf32, #tpu.memory_space<hbm>>
    tpu.enqueue_indirect_dma source(%dma_start3A_7 : memref<12416x768xf32, #tpu.memory_space<hbm>>) target(%arg9 : memref<64x768xf32, #tpu.memory_space<vmem>>) offsets(%arg7 : memref<64xi32, #tpu.memory_space<vmem>>) semaphore(%arg10 : memref<!tpu.dma_semaphore, #tpu.memory_space<semaphore_mem>>)
    %dma_wait3A = arith.constant 0 : i32
    %dma_wait3A_8 = arith.constant 0 : i32
    %dma_wait3A_9 = tpu.memref_slice %arg2[%dma_wait3A, %dma_wait3A_8] : memref<12416x768xf32, #tpu.memory_space<hbm>> -> memref<12416x768xf32, #tpu.memory_space<hbm>>
    tpu.wait_indirect_dma semaphore(%arg10 : memref<!tpu.dma_semaphore, #tpu.memory_space<semaphore_mem>>) src(%dma_wait3A_9 : memref<12416x768xf32, #tpu.memory_space<hbm>>) dst(%arg8 : memref<64x768xf32, #tpu.memory_space<vmem>>)
    %dma_wait3A_10 = arith.constant 0 : i32
    %dma_wait3A_11 = arith.constant 0 : i32
    %dma_wait3A_12 = tpu.memref_slice %arg2[%dma_wait3A_10, %dma_wait3A_11] : memref<12416x768xf32, #tpu.memory_space<hbm>> -> memref<12416x768xf32, #tpu.memory_space<hbm>>
    tpu.wait_indirect_dma semaphore(%arg10 : memref<!tpu.dma_semaphore, #tpu.memory_space<semaphore_mem>>) src(%dma_wait3A_12 : memref<12416x768xf32, #tpu.memory_space<hbm>>) dst(%arg9 : memref<64x768xf32, #tpu.memory_space<vmem>>)
    %scan3A = arith.constant 0 : i32
    %scan3A_13 = arith.constant 0 : i32
    %scan3A_14 = arith.constant 3072 : i32
    %scan3A_15 = arith.addi %scan3A_13, %scan3A_14 : i32
    %scan3A_16 = arith.constant 1 : i32
    scf.for %scan3A_18 = %scan3A_13 to %scan3A_15 step %scan3A_16  : i32 {
      %jit3A = arith.constant 48 : i32
      %div3A = arith.divsi %scan3A_18, %jit3A : i32
      %sign3A = arith.constant 0 : i32
      %sign3A_19 = arith.cmpi sgt, %scan3A_18, %sign3A : i32
      %sign3A_20 = arith.extui %sign3A_19 : i1 to i32
      %sign3A_21 = arith.constant 0 : i32
      %sign3A_22 = arith.cmpi slt, %scan3A_18, %sign3A_21 : i32
      %sign3A_23 = arith.extui %sign3A_22 : i1 to i32
      %sign3A_24 = arith.subi %sign3A_20, %sign3A_23 : i32
      %sign3A_25 = arith.constant 0 : i32
      %sign3A_26 = arith.cmpi sgt, %jit3A, %sign3A_25 : i32
      %sign3A_27 = arith.extui %sign3A_26 : i1 to i32
      %sign3A_28 = arith.constant 0 : i32
      %sign3A_29 = arith.cmpi slt, %jit3A, %sign3A_28 : i32
      %sign3A_30 = arith.extui %sign3A_29 : i1 to i32
      %sign3A_31 = arith.subi %sign3A_27, %sign3A_30 : i32
      %ne3A = arith.cmpi ne, %sign3A_24, %sign3A_31 : i32
      %rem3A = arith.remsi %scan3A_18, %jit3A : i32
      %ne3A_32 = arith.constant 0 : i32
      %ne3A_33 = arith.cmpi ne, %rem3A, %ne3A_32 : i32
      %and3A = arith.andi %ne3A, %ne3A_33 : i1
      %sub3A = arith.constant 1 : i32
      %sub3A_34 = arith.subi %div3A, %sub3A : i32
      %select_n3A = arith.select %and3A, %sub3A_34, %div3A : i32
      %jit3A_35 = arith.constant 48 : i32
      %eq3A = arith.constant 0 : i32
      %eq3A_36 = arith.cmpi eq, %jit3A_35, %eq3A : i32
      %jit3A_37 = arith.constant 1 : i32
      %select_n3A_38 = arith.select %eq3A_36, %jit3A_37, %jit3A_35 : i32
      %rem3A_39 = arith.remsi %scan3A_18, %select_n3A_38 : i32
      %ne3A_40 = arith.constant 0 : i32
      %ne3A_41 = arith.cmpi ne, %rem3A_39, %ne3A_40 : i32
      %lt3A = arith.constant 0 : i32
      %lt3A_42 = arith.cmpi slt, %rem3A_39, %lt3A : i32
      %lt3A_43 = arith.constant 0 : i32
      %lt3A_44 = arith.cmpi slt, %select_n3A_38, %lt3A_43 : i32
      %ne3A_45 = arith.xori %lt3A_42, %lt3A_44 : i1
      %and3A_46 = arith.andi %ne3A_45, %ne3A_41 : i1
      %add3A_47 = arith.addi %rem3A_39, %select_n3A_38 : i32
      %select_n3A_48 = arith.select %and3A_46, %add3A_47, %rem3A_39 : i32
      %mul3A_49 = arith.constant 16 : i32
      %mul3A_50 = arith.muli %select_n3A_48, %mul3A_49 : i32
      %get3A = arith.index_cast %select_n3A : i32 to index
      %get3A_51 = arith.index_cast %mul3A_50 : i32 to index
      %get3A_52 = tpu.vector_load %arg8[%get3A, %get3A_51] {strides = array<i32>} : memref<64x768xf32, #tpu.memory_space<vmem>>, vector<16xf32>,
      %get3A_53 = arith.index_cast %select_n3A : i32 to index
      %get3A_54 = arith.index_cast %mul3A_50 : i32 to index
      %get3A_55 = tpu.vector_load %arg9[%get3A_53, %get3A_54] {strides = array<i32>} : memref<64x768xf32, #tpu.memory_space<vmem>>, vector<16xf32>,
      %add3A_56 = arith.addf %get3A_52, %get3A_55 : vector<16xf32>
      %swap3A = arith.index_cast %select_n3A : i32 to index
      %swap3A_57 = arith.index_cast %mul3A_50 : i32 to index
      %swap3A_58 = tpu.vector_load %arg8[%swap3A, %swap3A_57] {strides = array<i32>} : memref<64x768xf32, #tpu.memory_space<vmem>>, vector<16xf32>,
      tpu.vector_store %arg8[%swap3A, %swap3A_57], %add3A_56 {strides = array<i32>} : memref<64x768xf32, #tpu.memory_space<vmem>>, vector<16xf32>,
    }
    %scan3A_17 = arith.constant 3072 : i32
    "tpu.region"() ({
      %run_scoped3A = tpu.sem_alloc : memref<!tpu.dma_semaphore, #tpu.memory_space<semaphore_mem>>
      %dma_start3A_18 = arith.constant 0 : i32
      %dma_start3A_19 = tpu.memref_slice %arg5[%mul3A_2, %dma_start3A_18] : memref<2048x768xf32, #tpu.memory_space<hbm>> -> memref<64x768xf32, #tpu.memory_space<hbm>>
      %dma_start3A_20 = arith.constant 0 : i32
      %dma_start3A_21 = tpu.memref_slice %arg5[%mul3A_2, %dma_start3A_20] : memref<2048x768xf32, #tpu.memory_space<hbm>> -> memref<64x768xf32, #tpu.memory_space<hbm>>
      tpu.enqueue_dma source(%arg8 : memref<64x768xf32, #tpu.memory_space<vmem>>) target(%dma_start3A_21 : memref<64x768xf32, #tpu.memory_space<hbm>>) target_semaphore(%run_scoped3A : memref<!tpu.dma_semaphore, #tpu.memory_space<semaphore_mem>>)
      %dma_wait3A_22 = arith.constant 0 : i32
      %dma_wait3A_23 = tpu.memref_slice %arg5[%mul3A_2, %dma_wait3A_22] : memref<2048x768xf32, #tpu.memory_space<hbm>> -> memref<64x768xf32, #tpu.memory_space<hbm>>
      %dma_wait3A_24 = arith.constant 0 : i32
      %dma_wait3A_25 = tpu.memref_slice %arg5[%mul3A_2, %dma_wait3A_24] : memref<2048x768xf32, #tpu.memory_space<hbm>> -> memref<64x768xf32, #tpu.memory_space<hbm>>
      tpu.wait_dma2 semaphore(%run_scoped3A : memref<!tpu.dma_semaphore, #tpu.memory_space<semaphore_mem>>) src(%arg8 : memref<64x768xf32, #tpu.memory_space<vmem>>) dst(%dma_wait3A_25 : memref<64x768xf32, #tpu.memory_space<hbm>>)
      tpu.yield
    }) : () -> ()
    return
  }
}

#map = affine_map<(d0, d1) -> (0, 0)>
#map1 = affine_map<(d0, d1) -> (0)>
module attributes {stable_mosaic.version = 14 : i64} {
  func.func @_dispatch_body(%arg0: i32, %arg1: i32, %arg2: memref<2048x768xf32, #tpu.memory_space<hbm>>, %arg3: memref<2048xi32, #tpu.memory_space<hbm>>, %arg4: memref<2048xi32, #tpu.memory_space<hbm>>, %arg5: memref<2048xf32, #tpu.memory_space<hbm>>, %arg6: memref<2048xf32, #tpu.memory_space<hbm>>, %arg7: memref<12288x768xf32, #tpu.memory_space<hbm>>, %arg8: memref<12288xf32, #tpu.memory_space<hbm>>, %arg9: memref<2x128xi32, #tpu.memory_space<vmem>>, %arg10: memref<2x128xi32, #tpu.memory_space<vmem>>, %arg11: memref<2x128xf32, #tpu.memory_space<vmem>>, %arg12: memref<768xi32, #tpu.memory_space<vmem>>, %arg13: memref<768xf32, #tpu.memory_space<vmem>>, %arg14: memref<6x64xi32, #tpu.memory_space<vmem>>, %arg15: memref<2x64x768xf32, #tpu.memory_space<vmem>>, %arg16: memref<12288xi32, #tpu.memory_space<vmem_shared>>, %arg17: memref<12288xf32, #tpu.memory_space<vmem_shared>>, %arg18: memref<!tpu.dma_semaphore, #tpu.memory_space<semaphore_mem>>, %arg19: memref<!tpu.dma_semaphore, #tpu.memory_space<semaphore_mem>>, %arg20: memref<!tpu.dma_semaphore, #tpu.memory_space<semaphore_mem>>, %arg21: memref<!tpu.dma_semaphore, #tpu.memory_space<semaphore_mem>>) attributes {dimension_semantics = [#tpu.dimension_semantics<core_parallel>, #tpu.dimension_semantics<subcore_parallel>], iteration_bounds = array<i64: 2, 16>, scalar_prefetch = 0 : i64, scratch_operands = 13 : i64, tpu.core_type = #tpu.core_type<sc_vector_subcore>, window_params = [{transform_indices = #map}, {transform_indices = #map1}, {transform_indices = #map1}, {transform_indices = #map1}, {transform_indices = #map1}, {transform_indices = #map}, {transform_indices = #map1}]} {
    %mul3A = arith.constant 16 : i32
    %mul3A_0 = arith.muli %arg0, %mul3A : i32
    %add3A = arith.addi %mul3A_0, %arg1 : i32
    %iota3A = tpu.iota {dimensions = array<i32: 0>} : vector<16xi32>
    %mul3A_1 = arith.constant 768 : i32
    %mul3A_2 = arith.muli %arg1, %mul3A_1 : i32
    %add3A_3 = arith.constant 0 : i32
    %add3A_4 = arith.addi %mul3A_2, %add3A_3 : i32
    %add3A_5 = vector.broadcast %add3A_4 : i32 to vector<16xi32>
    %add3A_6 = arith.addi %iota3A, %add3A_5 : vector<16xi32>
    %and3A = arith.constant 2047 : i32
    %and3A_7 = vector.broadcast %and3A : i32 to vector<16xi32>
    %and3A_8 = arith.andi %add3A_6, %and3A_7 : vector<16xi32>
    %swap3A = arith.constant 0 : index
    %swap3A_9 = tpu.vector_load %arg12[%swap3A] {strides = array<i32>} : memref<768xi32, #tpu.memory_space<vmem>>, vector<16xi32>,
    tpu.vector_store %arg12[%swap3A], %and3A_8 {strides = array<i32>} : memref<768xi32, #tpu.memory_space<vmem>>, vector<16xi32>,
    %broadcast_in_dim3A = arith.constant 0.000000e+00 : f32
    %broadcast_in_dim3A_10 = vector.broadcast %broadcast_in_dim3A : f32 to vector<16xf32>
    %swap3A_11 = arith.constant 0 : index
    %swap3A_12 = tpu.vector_load %arg13[%swap3A_11] {strides = array<i32>} : memref<768xf32, #tpu.memory_space<vmem>>, vector<16xf32>,
    tpu.vector_store %arg13[%swap3A_11], %broadcast_in_dim3A_10 {strides = array<i32>} : memref<768xf32, #tpu.memory_space<vmem>>, vector<16xf32>,
    %mul3A_13 = arith.constant 768 : i32
    %mul3A_14 = arith.muli %arg1, %mul3A_13 : i32
    %add3A_15 = arith.constant 16 : i32
    %add3A_16 = arith.addi %mul3A_14, %add3A_15 : i32
    %add3A_17 = vector.broadcast %add3A_16 : i32 to vector<16xi32>
    %add3A_18 = arith.addi %iota3A, %add3A_17 : vector<16xi32>
    %and3A_19 = arith.constant 2047 : i32
    %and3A_20 = vector.broadcast %and3A_19 : i32 to vector<16xi32>
    %and3A_21 = arith.andi %add3A_18, %and3A_20 : vector<16xi32>
    %swap3A_22 = arith.constant 16 : index
    %swap3A_23 = tpu.vector_load %arg12[%swap3A_22] {strides = array<i32>} : memref<768xi32, #tpu.memory_space<vmem>>, vector<16xi32>,
    tpu.vector_store %arg12[%swap3A_22], %and3A_21 {strides = array<i32>} : memref<768xi32, #tpu.memory_space<vmem>>, vector<16xi32>,
    %broadcast_in_dim3A_24 = arith.constant 0.000000e+00 : f32
    %broadcast_in_dim3A_25 = vector.broadcast %broadcast_in_dim3A_24 : f32 to vector<16xf32>
    %swap3A_26 = arith.constant 16 : index
    %swap3A_27 = tpu.vector_load %arg13[%swap3A_26] {strides = array<i32>} : memref<768xf32, #tpu.memory_space<vmem>>, vector<16xf32>,
    tpu.vector_store %arg13[%swap3A_26], %broadcast_in_dim3A_25 {strides = array<i32>} : memref<768xf32, #tpu.memory_space<vmem>>, vector<16xf32>,
    %mul3A_28 = arith.constant 768 : i32
    %mul3A_29 = arith.muli %arg1, %mul3A_28 : i32
    %add3A_30 = arith.constant 32 : i32
    %add3A_31 = arith.addi %mul3A_29, %add3A_30 : i32
    %add3A_32 = vector.broadcast %add3A_31 : i32 to vector<16xi32>
    %add3A_33 = arith.addi %iota3A, %add3A_32 : vector<16xi32>
    %and3A_34 = arith.constant 2047 : i32
    %and3A_35 = vector.broadcast %and3A_34 : i32 to vector<16xi32>
    %and3A_36 = arith.andi %add3A_33, %and3A_35 : vector<16xi32>
    %swap3A_37 = arith.constant 32 : index
    %swap3A_38 = tpu.vector_load %arg12[%swap3A_37] {strides = array<i32>} : memref<768xi32, #tpu.memory_space<vmem>>, vector<16xi32>,
    tpu.vector_store %arg12[%swap3A_37], %and3A_36 {strides = array<i32>} : memref<768xi32, #tpu.memory_space<vmem>>, vector<16xi32>,
    %broadcast_in_dim3A_39 = arith.constant 0.000000e+00 : f32
    %broadcast_in_dim3A_40 = vector.broadcast %broadcast_in_dim3A_39 : f32 to vector<16xf32>
    %swap3A_41 = arith.constant 32 : index
    %swap3A_42 = tpu.vector_load %arg13[%swap3A_41] {strides = array<i32>} : memref<768xf32, #tpu.memory_space<vmem>>, vector<16xf32>,
    tpu.vector_store %arg13[%swap3A_41], %broadcast_in_dim3A_40 {strides = array<i32>} : memref<768xf32, #tpu.memory_space<vmem>>, vector<16xf32>,
    %mul3A_43 = arith.constant 768 : i32
    %mul3A_44 = arith.muli %arg1, %mul3A_43 : i32
    %add3A_45 = arith.constant 48 : i32
    %add3A_46 = arith.addi %mul3A_44, %add3A_45 : i32
    %add3A_47 = vector.broadcast %add3A_46 : i32 to vector<16xi32>
    %add3A_48 = arith.addi %iota3A, %add3A_47 : vector<16xi32>
    %and3A_49 = arith.constant 2047 : i32
    %and3A_50 = vector.broadcast %and3A_49 : i32 to vector<16xi32>
    %and3A_51 = arith.andi %add3A_48, %and3A_50 : vector<16xi32>
    %swap3A_52 = arith.constant 48 : index
    %swap3A_53 = tpu.vector_load %arg12[%swap3A_52] {strides = array<i32>} : memref<768xi32, #tpu.memory_space<vmem>>, vector<16xi32>,
    tpu.vector_store %arg12[%swap3A_52], %and3A_51 {strides = array<i32>} : memref<768xi32, #tpu.memory_space<vmem>>, vector<16xi32>,
    %broadcast_in_dim3A_54 = arith.constant 0.000000e+00 : f32
    %broadcast_in_dim3A_55 = vector.broadcast %broadcast_in_dim3A_54 : f32 to vector<16xf32>
    %swap3A_56 = arith.constant 48 : index
    %swap3A_57 = tpu.vector_load %arg13[%swap3A_56] {strides = array<i32>} : memref<768xf32, #tpu.memory_space<vmem>>, vector<16xf32>,
    tpu.vector_store %arg13[%swap3A_56], %broadcast_in_dim3A_55 {strides = array<i32>} : memref<768xf32, #tpu.memory_space<vmem>>, vector<16xf32>,
    %mul3A_58 = arith.constant 768 : i32
    %mul3A_59 = arith.muli %arg1, %mul3A_58 : i32
    %add3A_60 = arith.constant 64 : i32
    %add3A_61 = arith.addi %mul3A_59, %add3A_60 : i32
    %add3A_62 = vector.broadcast %add3A_61 : i32 to vector<16xi32>
    %add3A_63 = arith.addi %iota3A, %add3A_62 : vector<16xi32>
    %and3A_64 = arith.constant 2047 : i32
    %and3A_65 = vector.broadcast %and3A_64 : i32 to vector<16xi32>
    %and3A_66 = arith.andi %add3A_63, %and3A_65 : vector<16xi32>
    %swap3A_67 = arith.constant 64 : index
    %swap3A_68 = tpu.vector_load %arg12[%swap3A_67] {strides = array<i32>} : memref<768xi32, #tpu.memory_space<vmem>>, vector<16xi32>,
    tpu.vector_store %arg12[%swap3A_67], %and3A_66 {strides = array<i32>} : memref<768xi32, #tpu.memory_space<vmem>>, vector<16xi32>,
    %broadcast_in_dim3A_69 = arith.constant 0.000000e+00 : f32
    %broadcast_in_dim3A_70 = vector.broadcast %broadcast_in_dim3A_69 : f32 to vector<16xf32>
    %swap3A_71 = arith.constant 64 : index
    %swap3A_72 = tpu.vector_load %arg13[%swap3A_71] {strides = array<i32>} : memref<768xf32, #tpu.memory_space<vmem>>, vector<16xf32>,
    tpu.vector_store %arg13[%swap3A_71], %broadcast_in_dim3A_70 {strides = array<i32>} : memref<768xf32, #tpu.memory_space<vmem>>, vector<16xf32>,
    %mul3A_73 = arith.constant 768 : i32
    %mul3A_74 = arith.muli %arg1, %mul3A_73 : i32
    %add3A_75 = arith.constant 80 : i32
    %add3A_76 = arith.addi %mul3A_74, %add3A_75 : i32
    %add3A_77 = vector.broadcast %add3A_76 : i32 to vector<16xi32>
    %add3A_78 = arith.addi %iota3A, %add3A_77 : vector<16xi32>
    %and3A_79 = arith.constant 2047 : i32
    %and3A_80 = vector.broadcast %and3A_79 : i32 to vector<16xi32>
    %and3A_81 = arith.andi %add3A_78, %and3A_80 : vector<16xi32>
    %swap3A_82 = arith.constant 80 : index
    %swap3A_83 = tpu.vector_load %arg12[%swap3A_82] {strides = array<i32>} : memref<768xi32, #tpu.memory_space<vmem>>, vector<16xi32>,
    tpu.vector_store %arg12[%swap3A_82], %and3A_81 {strides = array<i32>} : memref<768xi32, #tpu.memory_space<vmem>>, vector<16xi32>,
    %broadcast_in_dim3A_84 = arith.constant 0.000000e+00 : f32
    %broadcast_in_dim3A_85 = vector.broadcast %broadcast_in_dim3A_84 : f32 to vector<16xf32>
    %swap3A_86 = arith.constant 80 : index
    %swap3A_87 = tpu.vector_load %arg13[%swap3A_86] {strides = array<i32>} : memref<768xf32, #tpu.memory_space<vmem>>, vector<16xf32>,
    tpu.vector_store %arg13[%swap3A_86], %broadcast_in_dim3A_85 {strides = array<i32>} : memref<768xf32, #tpu.memory_space<vmem>>, vector<16xf32>,
    %mul3A_88 = arith.constant 768 : i32
    %mul3A_89 = arith.muli %arg1, %mul3A_88 : i32
    %add3A_90 = arith.constant 96 : i32
    %add3A_91 = arith.addi %mul3A_89, %add3A_90 : i32
    %add3A_92 = vector.broadcast %add3A_91 : i32 to vector<16xi32>
    %add3A_93 = arith.addi %iota3A, %add3A_92 : vector<16xi32>
    %and3A_94 = arith.constant 2047 : i32
    %and3A_95 = vector.broadcast %and3A_94 : i32 to vector<16xi32>
    %and3A_96 = arith.andi %add3A_93, %and3A_95 : vector<16xi32>
    %swap3A_97 = arith.constant 96 : index
    %swap3A_98 = tpu.vector_load %arg12[%swap3A_97] {strides = array<i32>} : memref<768xi32, #tpu.memory_space<vmem>>, vector<16xi32>,
    tpu.vector_store %arg12[%swap3A_97], %and3A_96 {strides = array<i32>} : memref<768xi32, #tpu.memory_space<vmem>>, vector<16xi32>,
    %broadcast_in_dim3A_99 = arith.constant 0.000000e+00 : f32
    %broadcast_in_dim3A_100 = vector.broadcast %broadcast_in_dim3A_99 : f32 to vector<16xf32>
    %swap3A_101 = arith.constant 96 : index
    %swap3A_102 = tpu.vector_load %arg13[%swap3A_101] {strides = array<i32>} : memref<768xf32, #tpu.memory_space<vmem>>, vector<16xf32>,
    tpu.vector_store %arg13[%swap3A_101], %broadcast_in_dim3A_100 {strides = array<i32>} : memref<768xf32, #tpu.memory_space<vmem>>, vector<16xf32>,
    %mul3A_103 = arith.constant 768 : i32
    %mul3A_104 = arith.muli %arg1, %mul3A_103 : i32
    %add3A_105 = arith.constant 112 : i32
    %add3A_106 = arith.addi %mul3A_104, %add3A_105 : i32
    %add3A_107 = vector.broadcast %add3A_106 : i32 to vector<16xi32>
    %add3A_108 = arith.addi %iota3A, %add3A_107 : vector<16xi32>
    %and3A_109 = arith.constant 2047 : i32
    %and3A_110 = vector.broadcast %and3A_109 : i32 to vector<16xi32>
    %and3A_111 = arith.andi %add3A_108, %and3A_110 : vector<16xi32>
    %swap3A_112 = arith.constant 112 : index
    %swap3A_113 = tpu.vector_load %arg12[%swap3A_112] {strides = array<i32>} : memref<768xi32, #tpu.memory_space<vmem>>, vector<16xi32>,
    tpu.vector_store %arg12[%swap3A_112], %and3A_111 {strides = array<i32>} : memref<768xi32, #tpu.memory_space<vmem>>, vector<16xi32>,
    %broadcast_in_dim3A_114 = arith.constant 0.000000e+00 : f32
    %broadcast_in_dim3A_115 = vector.broadcast %broadcast_in_dim3A_114 : f32 to vector<16xf32>
    %swap3A_116 = arith.constant 112 : index
    %swap3A_117 = tpu.vector_load %arg13[%swap3A_116] {strides = array<i32>} : memref<768xf32, #tpu.memory_space<vmem>>, vector<16xf32>,
    tpu.vector_store %arg13[%swap3A_116], %broadcast_in_dim3A_115 {strides = array<i32>} : memref<768xf32, #tpu.memory_space<vmem>>, vector<16xf32>,
    %mul3A_118 = arith.constant 768 : i32
    %mul3A_119 = arith.muli %arg1, %mul3A_118 : i32
    %add3A_120 = arith.constant 128 : i32
    %add3A_121 = arith.addi %mul3A_119, %add3A_120 : i32
    %add3A_122 = vector.broadcast %add3A_121 : i32 to vector<16xi32>
    %add3A_123 = arith.addi %iota3A, %add3A_122 : vector<16xi32>
    %and3A_124 = arith.constant 2047 : i32
    %and3A_125 = vector.broadcast %and3A_124 : i32 to vector<16xi32>
    %and3A_126 = arith.andi %add3A_123, %and3A_125 : vector<16xi32>
    %swap3A_127 = arith.constant 128 : index
    %swap3A_128 = tpu.vector_load %arg12[%swap3A_127] {strides = array<i32>} : memref<768xi32, #tpu.memory_space<vmem>>, vector<16xi32>,
    tpu.vector_store %arg12[%swap3A_127], %and3A_126 {strides = array<i32>} : memref<768xi32, #tpu.memory_space<vmem>>, vector<16xi32>,
    %broadcast_in_dim3A_129 = arith.constant 0.000000e+00 : f32
    %broadcast_in_dim3A_130 = vector.broadcast %broadcast_in_dim3A_129 : f32 to vector<16xf32>
    %swap3A_131 = arith.constant 128 : index
    %swap3A_132 = tpu.vector_load %arg13[%swap3A_131] {strides = array<i32>} : memref<768xf32, #tpu.memory_space<vmem>>, vector<16xf32>,
    tpu.vector_store %arg13[%swap3A_131], %broadcast_in_dim3A_130 {strides = array<i32>} : memref<768xf32, #tpu.memory_space<vmem>>, vector<16xf32>,
    %mul3A_133 = arith.constant 768 : i32
    %mul3A_134 = arith.muli %arg1, %mul3A_133 : i32
    %add3A_135 = arith.constant 144 : i32
    %add3A_136 = arith.addi %mul3A_134, %add3A_135 : i32
    %add3A_137 = vector.broadcast %add3A_136 : i32 to vector<16xi32>
    %add3A_138 = arith.addi %iota3A, %add3A_137 : vector<16xi32>
    %and3A_139 = arith.constant 2047 : i32
    %and3A_140 = vector.broadcast %and3A_139 : i32 to vector<16xi32>
    %and3A_141 = arith.andi %add3A_138, %and3A_140 : vector<16xi32>
    %swap3A_142 = arith.constant 144 : index
    %swap3A_143 = tpu.vector_load %arg12[%swap3A_142] {strides = array<i32>} : memref<768xi32, #tpu.memory_space<vmem>>, vector<16xi32>,
    tpu.vector_store %arg12[%swap3A_142], %and3A_141 {strides = array<i32>} : memref<768xi32, #tpu.memory_space<vmem>>, vector<16xi32>,
    %broadcast_in_dim3A_144 = arith.constant 0.000000e+00 : f32
    %broadcast_in_dim3A_145 = vector.broadcast %broadcast_in_dim3A_144 : f32 to vector<16xf32>
    %swap3A_146 = arith.constant 144 : index
    %swap3A_147 = tpu.vector_load %arg13[%swap3A_146] {strides = array<i32>} : memref<768xf32, #tpu.memory_space<vmem>>, vector<16xf32>,
    tpu.vector_store %arg13[%swap3A_146], %broadcast_in_dim3A_145 {strides = array<i32>} : memref<768xf32, #tpu.memory_space<vmem>>, vector<16xf32>,
    %mul3A_148 = arith.constant 768 : i32
    %mul3A_149 = arith.muli %arg1, %mul3A_148 : i32
    %add3A_150 = arith.constant 160 : i32
    %add3A_151 = arith.addi %mul3A_149, %add3A_150 : i32
    %add3A_152 = vector.broadcast %add3A_151 : i32 to vector<16xi32>
    %add3A_153 = arith.addi %iota3A, %add3A_152 : vector<16xi32>
    %and3A_154 = arith.constant 2047 : i32
    %and3A_155 = vector.broadcast %and3A_154 : i32 to vector<16xi32>
    %and3A_156 = arith.andi %add3A_153, %and3A_155 : vector<16xi32>
    %swap3A_157 = arith.constant 160 : index
    %swap3A_158 = tpu.vector_load %arg12[%swap3A_157] {strides = array<i32>} : memref<768xi32, #tpu.memory_space<vmem>>, vector<16xi32>,
    tpu.vector_store %arg12[%swap3A_157], %and3A_156 {strides = array<i32>} : memref<768xi32, #tpu.memory_space<vmem>>, vector<16xi32>,
    %broadcast_in_dim3A_159 = arith.constant 0.000000e+00 : f32
    %broadcast_in_dim3A_160 = vector.broadcast %broadcast_in_dim3A_159 : f32 to vector<16xf32>
    %swap3A_161 = arith.constant 160 : index
    %swap3A_162 = tpu.vector_load %arg13[%swap3A_161] {strides = array<i32>} : memref<768xf32, #tpu.memory_space<vmem>>, vector<16xf32>,
    tpu.vector_store %arg13[%swap3A_161], %broadcast_in_dim3A_160 {strides = array<i32>} : memref<768xf32, #tpu.memory_space<vmem>>, vector<16xf32>,
    %mul3A_163 = arith.constant 768 : i32
    %mul3A_164 = arith.muli %arg1, %mul3A_163 : i32
    %add3A_165 = arith.constant 176 : i32
    %add3A_166 = arith.addi %mul3A_164, %add3A_165 : i32
    %add3A_167 = vector.broadcast %add3A_166 : i32 to vector<16xi32>
    %add3A_168 = arith.addi %iota3A, %add3A_167 : vector<16xi32>
    %and3A_169 = arith.constant 2047 : i32
    %and3A_170 = vector.broadcast %and3A_169 : i32 to vector<16xi32>
    %and3A_171 = arith.andi %add3A_168, %and3A_170 : vector<16xi32>
    %swap3A_172 = arith.constant 176 : index
    %swap3A_173 = tpu.vector_load %arg12[%swap3A_172] {strides = array<i32>} : memref<768xi32, #tpu.memory_space<vmem>>, vector<16xi32>,
    tpu.vector_store %arg12[%swap3A_172], %and3A_171 {strides = array<i32>} : memref<768xi32, #tpu.memory_space<vmem>>, vector<16xi32>,
    %broadcast_in_dim3A_174 = arith.constant 0.000000e+00 : f32
    %broadcast_in_dim3A_175 = vector.broadcast %broadcast_in_dim3A_174 : f32 to vector<16xf32>
    %swap3A_176 = arith.constant 176 : index
    %swap3A_177 = tpu.vector_load %arg13[%swap3A_176] {strides = array<i32>} : memref<768xf32, #tpu.memory_space<vmem>>, vector<16xf32>,
    tpu.vector_store %arg13[%swap3A_176], %broadcast_in_dim3A_175 {strides = array<i32>} : memref<768xf32, #tpu.memory_space<vmem>>, vector<16xf32>,
    %mul3A_178 = arith.constant 768 : i32
    %mul3A_179 = arith.muli %arg1, %mul3A_178 : i32
    %add3A_180 = arith.constant 192 : i32
    %add3A_181 = arith.addi %mul3A_179, %add3A_180 : i32
    %add3A_182 = vector.broadcast %add3A_181 : i32 to vector<16xi32>
    %add3A_183 = arith.addi %iota3A, %add3A_182 : vector<16xi32>
    %and3A_184 = arith.constant 2047 : i32
    %and3A_185 = vector.broadcast %and3A_184 : i32 to vector<16xi32>
    %and3A_186 = arith.andi %add3A_183, %and3A_185 : vector<16xi32>
    %swap3A_187 = arith.constant 192 : index
    %swap3A_188 = tpu.vector_load %arg12[%swap3A_187] {strides = array<i32>} : memref<768xi32, #tpu.memory_space<vmem>>, vector<16xi32>,
    tpu.vector_store %arg12[%swap3A_187], %and3A_186 {strides = array<i32>} : memref<768xi32, #tpu.memory_space<vmem>>, vector<16xi32>,
    %broadcast_in_dim3A_189 = arith.constant 0.000000e+00 : f32
    %broadcast_in_dim3A_190 = vector.broadcast %broadcast_in_dim3A_189 : f32 to vector<16xf32>
    %swap3A_191 = arith.constant 192 : index
    %swap3A_192 = tpu.vector_load %arg13[%swap3A_191] {strides = array<i32>} : memref<768xf32, #tpu.memory_space<vmem>>, vector<16xf32>,
    tpu.vector_store %arg13[%swap3A_191], %broadcast_in_dim3A_190 {strides = array<i32>} : memref<768xf32, #tpu.memory_space<vmem>>, vector<16xf32>,
    %mul3A_193 = arith.constant 768 : i32
    %mul3A_194 = arith.muli %arg1, %mul3A_193 : i32
    %add3A_195 = arith.constant 208 : i32
    %add3A_196 = arith.addi %mul3A_194, %add3A_195 : i32
    %add3A_197 = vector.broadcast %add3A_196 : i32 to vector<16xi32>
    %add3A_198 = arith.addi %iota3A, %add3A_197 : vector<16xi32>
    %and3A_199 = arith.constant 2047 : i32
    %and3A_200 = vector.broadcast %and3A_199 : i32 to vector<16xi32>
    %and3A_201 = arith.andi %add3A_198, %and3A_200 : vector<16xi32>
    %swap3A_202 = arith.constant 208 : index
    %swap3A_203 = tpu.vector_load %arg12[%swap3A_202] {strides = array<i32>} : memref<768xi32, #tpu.memory_space<vmem>>, vector<16xi32>,
    tpu.vector_store %arg12[%swap3A_202], %and3A_201 {strides = array<i32>} : memref<768xi32, #tpu.memory_space<vmem>>, vector<16xi32>,
    %broadcast_in_dim3A_204 = arith.constant 0.000000e+00 : f32
    %broadcast_in_dim3A_205 = vector.broadcast %broadcast_in_dim3A_204 : f32 to vector<16xf32>
    %swap3A_206 = arith.constant 208 : index
    %swap3A_207 = tpu.vector_load %arg13[%swap3A_206] {strides = array<i32>} : memref<768xf32, #tpu.memory_space<vmem>>, vector<16xf32>,
    tpu.vector_store %arg13[%swap3A_206], %broadcast_in_dim3A_205 {strides = array<i32>} : memref<768xf32, #tpu.memory_space<vmem>>, vector<16xf32>,
    %mul3A_208 = arith.constant 768 : i32
    %mul3A_209 = arith.muli %arg1, %mul3A_208 : i32
    %add3A_210 = arith.constant 224 : i32
    %add3A_211 = arith.addi %mul3A_209, %add3A_210 : i32
    %add3A_212 = vector.broadcast %add3A_211 : i32 to vector<16xi32>
    %add3A_213 = arith.addi %iota3A, %add3A_212 : vector<16xi32>
    %and3A_214 = arith.constant 2047 : i32
    %and3A_215 = vector.broadcast %and3A_214 : i32 to vector<16xi32>
    %and3A_216 = arith.andi %add3A_213, %and3A_215 : vector<16xi32>
    %swap3A_217 = arith.constant 224 : index
    %swap3A_218 = tpu.vector_load %arg12[%swap3A_217] {strides = array<i32>} : memref<768xi32, #tpu.memory_space<vmem>>, vector<16xi32>,
    tpu.vector_store %arg12[%swap3A_217], %and3A_216 {strides = array<i32>} : memref<768xi32, #tpu.memory_space<vmem>>, vector<16xi32>,
    %broadcast_in_dim3A_219 = arith.constant 0.000000e+00 : f32
    %broadcast_in_dim3A_220 = vector.broadcast %broadcast_in_dim3A_219 : f32 to vector<16xf32>
    %swap3A_221 = arith.constant 224 : index
    %swap3A_222 = tpu.vector_load %arg13[%swap3A_221] {strides = array<i32>} : memref<768xf32, #tpu.memory_space<vmem>>, vector<16xf32>,
    tpu.vector_store %arg13[%swap3A_221], %broadcast_in_dim3A_220 {strides = array<i32>} : memref<768xf32, #tpu.memory_space<vmem>>, vector<16xf32>,
    %mul3A_223 = arith.constant 768 : i32
    %mul3A_224 = arith.muli %arg1, %mul3A_223 : i32
    %add3A_225 = arith.constant 240 : i32
    %add3A_226 = arith.addi %mul3A_224, %add3A_225 : i32
    %add3A_227 = vector.broadcast %add3A_226 : i32 to vector<16xi32>
    %add3A_228 = arith.addi %iota3A, %add3A_227 : vector<16xi32>
    %and3A_229 = arith.constant 2047 : i32
    %and3A_230 = vector.broadcast %and3A_229 : i32 to vector<16xi32>
    %and3A_231 = arith.andi %add3A_228, %and3A_230 : vector<16xi32>
    %swap3A_232 = arith.constant 240 : index
    %swap3A_233 = tpu.vector_load %arg12[%swap3A_232] {strides = array<i32>} : memref<768xi32, #tpu.memory_space<vmem>>, vector<16xi32>,
    tpu.vector_store %arg12[%swap3A_232], %and3A_231 {strides = array<i32>} : memref<768xi32, #tpu.memory_space<vmem>>, vector<16xi32>,
    %broadcast_in_dim3A_234 = arith.constant 0.000000e+00 : f32
    %broadcast_in_dim3A_235 = vector.broadcast %broadcast_in_dim3A_234 : f32 to vector<16xf32>
    %swap3A_236 = arith.constant 240 : index
    %swap3A_237 = tpu.vector_load %arg13[%swap3A_236] {strides = array<i32>} : memref<768xf32, #tpu.memory_space<vmem>>, vector<16xf32>,
    tpu.vector_store %arg13[%swap3A_236], %broadcast_in_dim3A_235 {strides = array<i32>} : memref<768xf32, #tpu.memory_space<vmem>>, vector<16xf32>,
    %mul3A_238 = arith.constant 768 : i32
    %mul3A_239 = arith.muli %arg1, %mul3A_238 : i32
    %add3A_240 = arith.constant 256 : i32
    %add3A_241 = arith.addi %mul3A_239, %add3A_240 : i32
    %add3A_242 = vector.broadcast %add3A_241 : i32 to vector<16xi32>
    %add3A_243 = arith.addi %iota3A, %add3A_242 : vector<16xi32>
    %and3A_244 = arith.constant 2047 : i32
    %and3A_245 = vector.broadcast %and3A_244 : i32 to vector<16xi32>
    %and3A_246 = arith.andi %add3A_243, %and3A_245 : vector<16xi32>
    %swap3A_247 = arith.constant 256 : index
    %swap3A_248 = tpu.vector_load %arg12[%swap3A_247] {strides = array<i32>} : memref<768xi32, #tpu.memory_space<vmem>>, vector<16xi32>,
    tpu.vector_store %arg12[%swap3A_247], %and3A_246 {strides = array<i32>} : memref<768xi32, #tpu.memory_space<vmem>>, vector<16xi32>,
    %broadcast_in_dim3A_249 = arith.constant 0.000000e+00 : f32
    %broadcast_in_dim3A_250 = vector.broadcast %broadcast_in_dim3A_249 : f32 to vector<16xf32>
    %swap3A_251 = arith.constant 256 : index
    %swap3A_252 = tpu.vector_load %arg13[%swap3A_251] {strides = array<i32>} : memref<768xf32, #tpu.memory_space<vmem>>, vector<16xf32>,
    tpu.vector_store %arg13[%swap3A_251], %broadcast_in_dim3A_250 {strides = array<i32>} : memref<768xf32, #tpu.memory_space<vmem>>, vector<16xf32>,
    %mul3A_253 = arith.constant 768 : i32
    %mul3A_254 = arith.muli %arg1, %mul3A_253 : i32
    %add3A_255 = arith.constant 272 : i32
    %add3A_256 = arith.addi %mul3A_254, %add3A_255 : i32
    %add3A_257 = vector.broadcast %add3A_256 : i32 to vector<16xi32>
    %add3A_258 = arith.addi %iota3A, %add3A_257 : vector<16xi32>
    %and3A_259 = arith.constant 2047 : i32
    %and3A_260 = vector.broadcast %and3A_259 : i32 to vector<16xi32>
    %and3A_261 = arith.andi %add3A_258, %and3A_260 : vector<16xi32>
    %swap3A_262 = arith.constant 272 : index
    %swap3A_263 = tpu.vector_load %arg12[%swap3A_262] {strides = array<i32>} : memref<768xi32, #tpu.memory_space<vmem>>, vector<16xi32>,
    tpu.vector_store %arg12[%swap3A_262], %and3A_261 {strides = array<i32>} : memref<768xi32, #tpu.memory_space<vmem>>, vector<16xi32>,
    %broadcast_in_dim3A_264 = arith.constant 0.000000e+00 : f32
    %broadcast_in_dim3A_265 = vector.broadcast %broadcast_in_dim3A_264 : f32 to vector<16xf32>
    %swap3A_266 = arith.constant 272 : index
    %swap3A_267 = tpu.vector_load %arg13[%swap3A_266] {strides = array<i32>} : memref<768xf32, #tpu.memory_space<vmem>>, vector<16xf32>,
    tpu.vector_store %arg13[%swap3A_266], %broadcast_in_dim3A_265 {strides = array<i32>} : memref<768xf32, #tpu.memory_space<vmem>>, vector<16xf32>,
    %mul3A_268 = arith.constant 768 : i32
    %mul3A_269 = arith.muli %arg1, %mul3A_268 : i32
    %add3A_270 = arith.constant 288 : i32
    %add3A_271 = arith.addi %mul3A_269, %add3A_270 : i32
    %add3A_272 = vector.broadcast %add3A_271 : i32 to vector<16xi32>
    %add3A_273 = arith.addi %iota3A, %add3A_272 : vector<16xi32>
    %and3A_274 = arith.constant 2047 : i32
    %and3A_275 = vector.broadcast %and3A_274 : i32 to vector<16xi32>
    %and3A_276 = arith.andi %add3A_273, %and3A_275 : vector<16xi32>
    %swap3A_277 = arith.constant 288 : index
    %swap3A_278 = tpu.vector_load %arg12[%swap3A_277] {strides = array<i32>} : memref<768xi32, #tpu.memory_space<vmem>>, vector<16xi32>,
    tpu.vector_store %arg12[%swap3A_277], %and3A_276 {strides = array<i32>} : memref<768xi32, #tpu.memory_space<vmem>>, vector<16xi32>,
    %broadcast_in_dim3A_279 = arith.constant 0.000000e+00 : f32
    %broadcast_in_dim3A_280 = vector.broadcast %broadcast_in_dim3A_279 : f32 to vector<16xf32>
    %swap3A_281 = arith.constant 288 : index
    %swap3A_282 = tpu.vector_load %arg13[%swap3A_281] {strides = array<i32>} : memref<768xf32, #tpu.memory_space<vmem>>, vector<16xf32>,
    tpu.vector_store %arg13[%swap3A_281], %broadcast_in_dim3A_280 {strides = array<i32>} : memref<768xf32, #tpu.memory_space<vmem>>, vector<16xf32>,
    %mul3A_283 = arith.constant 768 : i32
    %mul3A_284 = arith.muli %arg1, %mul3A_283 : i32
    %add3A_285 = arith.constant 304 : i32
    %add3A_286 = arith.addi %mul3A_284, %add3A_285 : i32
    %add3A_287 = vector.broadcast %add3A_286 : i32 to vector<16xi32>
    %add3A_288 = arith.addi %iota3A, %add3A_287 : vector<16xi32>
    %and3A_289 = arith.constant 2047 : i32
    %and3A_290 = vector.broadcast %and3A_289 : i32 to vector<16xi32>
    %and3A_291 = arith.andi %add3A_288, %and3A_290 : vector<16xi32>
    %swap3A_292 = arith.constant 304 : index
    %swap3A_293 = tpu.vector_load %arg12[%swap3A_292] {strides = array<i32>} : memref<768xi32, #tpu.memory_space<vmem>>, vector<16xi32>,
    tpu.vector_store %arg12[%swap3A_292], %and3A_291 {strides = array<i32>} : memref<768xi32, #tpu.memory_space<vmem>>, vector<16xi32>,
    %broadcast_in_dim3A_294 = arith.constant 0.000000e+00 : f32
    %broadcast_in_dim3A_295 = vector.broadcast %broadcast_in_dim3A_294 : f32 to vector<16xf32>
    %swap3A_296 = arith.constant 304 : index
    %swap3A_297 = tpu.vector_load %arg13[%swap3A_296] {strides = array<i32>} : memref<768xf32, #tpu.memory_space<vmem>>, vector<16xf32>,
    tpu.vector_store %arg13[%swap3A_296], %broadcast_in_dim3A_295 {strides = array<i32>} : memref<768xf32, #tpu.memory_space<vmem>>, vector<16xf32>,
    %mul3A_298 = arith.constant 768 : i32
    %mul3A_299 = arith.muli %arg1, %mul3A_298 : i32
    %add3A_300 = arith.constant 320 : i32
    %add3A_301 = arith.addi %mul3A_299, %add3A_300 : i32
    %add3A_302 = vector.broadcast %add3A_301 : i32 to vector<16xi32>
    %add3A_303 = arith.addi %iota3A, %add3A_302 : vector<16xi32>
    %and3A_304 = arith.constant 2047 : i32
    %and3A_305 = vector.broadcast %and3A_304 : i32 to vector<16xi32>
    %and3A_306 = arith.andi %add3A_303, %and3A_305 : vector<16xi32>
    %swap3A_307 = arith.constant 320 : index
    %swap3A_308 = tpu.vector_load %arg12[%swap3A_307] {strides = array<i32>} : memref<768xi32, #tpu.memory_space<vmem>>, vector<16xi32>,
    tpu.vector_store %arg12[%swap3A_307], %and3A_306 {strides = array<i32>} : memref<768xi32, #tpu.memory_space<vmem>>, vector<16xi32>,
    %broadcast_in_dim3A_309 = arith.constant 0.000000e+00 : f32
    %broadcast_in_dim3A_310 = vector.broadcast %broadcast_in_dim3A_309 : f32 to vector<16xf32>
    %swap3A_311 = arith.constant 320 : index
    %swap3A_312 = tpu.vector_load %arg13[%swap3A_311] {strides = array<i32>} : memref<768xf32, #tpu.memory_space<vmem>>, vector<16xf32>,
    tpu.vector_store %arg13[%swap3A_311], %broadcast_in_dim3A_310 {strides = array<i32>} : memref<768xf32, #tpu.memory_space<vmem>>, vector<16xf32>,
    %mul3A_313 = arith.constant 768 : i32
    %mul3A_314 = arith.muli %arg1, %mul3A_313 : i32
    %add3A_315 = arith.constant 336 : i32
    %add3A_316 = arith.addi %mul3A_314, %add3A_315 : i32
    %add3A_317 = vector.broadcast %add3A_316 : i32 to vector<16xi32>
    %add3A_318 = arith.addi %iota3A, %add3A_317 : vector<16xi32>
    %and3A_319 = arith.constant 2047 : i32
    %and3A_320 = vector.broadcast %and3A_319 : i32 to vector<16xi32>
    %and3A_321 = arith.andi %add3A_318, %and3A_320 : vector<16xi32>
    %swap3A_322 = arith.constant 336 : index
    %swap3A_323 = tpu.vector_load %arg12[%swap3A_322] {strides = array<i32>} : memref<768xi32, #tpu.memory_space<vmem>>, vector<16xi32>,
    tpu.vector_store %arg12[%swap3A_322], %and3A_321 {strides = array<i32>} : memref<768xi32, #tpu.memory_space<vmem>>, vector<16xi32>,
    %broadcast_in_dim3A_324 = arith.constant 0.000000e+00 : f32
    %broadcast_in_dim3A_325 = vector.broadcast %broadcast_in_dim3A_324 : f32 to vector<16xf32>
    %swap3A_326 = arith.constant 336 : index
    %swap3A_327 = tpu.vector_load %arg13[%swap3A_326] {strides = array<i32>} : memref<768xf32, #tpu.memory_space<vmem>>, vector<16xf32>,
    tpu.vector_store %arg13[%swap3A_326], %broadcast_in_dim3A_325 {strides = array<i32>} : memref<768xf32, #tpu.memory_space<vmem>>, vector<16xf32>,
    %mul3A_328 = arith.constant 768 : i32
    %mul3A_329 = arith.muli %arg1, %mul3A_328 : i32
    %add3A_330 = arith.constant 352 : i32
    %add3A_331 = arith.addi %mul3A_329, %add3A_330 : i32
    %add3A_332 = vector.broadcast %add3A_331 : i32 to vector<16xi32>
    %add3A_333 = arith.addi %iota3A, %add3A_332 : vector<16xi32>
    %and3A_334 = arith.constant 2047 : i32
    %and3A_335 = vector.broadcast %and3A_334 : i32 to vector<16xi32>
    %and3A_336 = arith.andi %add3A_333, %and3A_335 : vector<16xi32>
    %swap3A_337 = arith.constant 352 : index
    %swap3A_338 = tpu.vector_load %arg12[%swap3A_337] {strides = array<i32>} : memref<768xi32, #tpu.memory_space<vmem>>, vector<16xi32>,
    tpu.vector_store %arg12[%swap3A_337], %and3A_336 {strides = array<i32>} : memref<768xi32, #tpu.memory_space<vmem>>, vector<16xi32>,
    %broadcast_in_dim3A_339 = arith.constant 0.000000e+00 : f32
    %broadcast_in_dim3A_340 = vector.broadcast %broadcast_in_dim3A_339 : f32 to vector<16xf32>
    %swap3A_341 = arith.constant 352 : index
    %swap3A_342 = tpu.vector_load %arg13[%swap3A_341] {strides = array<i32>} : memref<768xf32, #tpu.memory_space<vmem>>, vector<16xf32>,
    tpu.vector_store %arg13[%swap3A_341], %broadcast_in_dim3A_340 {strides = array<i32>} : memref<768xf32, #tpu.memory_space<vmem>>, vector<16xf32>,
    %mul3A_343 = arith.constant 768 : i32
    %mul3A_344 = arith.muli %arg1, %mul3A_343 : i32
    %add3A_345 = arith.constant 368 : i32
    %add3A_346 = arith.addi %mul3A_344, %add3A_345 : i32
    %add3A_347 = vector.broadcast %add3A_346 : i32 to vector<16xi32>
    %add3A_348 = arith.addi %iota3A, %add3A_347 : vector<16xi32>
    %and3A_349 = arith.constant 2047 : i32
    %and3A_350 = vector.broadcast %and3A_349 : i32 to vector<16xi32>
    %and3A_351 = arith.andi %add3A_348, %and3A_350 : vector<16xi32>
    %swap3A_352 = arith.constant 368 : index
    %swap3A_353 = tpu.vector_load %arg12[%swap3A_352] {strides = array<i32>} : memref<768xi32, #tpu.memory_space<vmem>>, vector<16xi32>,
    tpu.vector_store %arg12[%swap3A_352], %and3A_351 {strides = array<i32>} : memref<768xi32, #tpu.memory_space<vmem>>, vector<16xi32>,
    %broadcast_in_dim3A_354 = arith.constant 0.000000e+00 : f32
    %broadcast_in_dim3A_355 = vector.broadcast %broadcast_in_dim3A_354 : f32 to vector<16xf32>
    %swap3A_356 = arith.constant 368 : index
    %swap3A_357 = tpu.vector_load %arg13[%swap3A_356] {strides = array<i32>} : memref<768xf32, #tpu.memory_space<vmem>>, vector<16xf32>,
    tpu.vector_store %arg13[%swap3A_356], %broadcast_in_dim3A_355 {strides = array<i32>} : memref<768xf32, #tpu.memory_space<vmem>>, vector<16xf32>,
    %mul3A_358 = arith.constant 768 : i32
    %mul3A_359 = arith.muli %arg1, %mul3A_358 : i32
    %add3A_360 = arith.constant 384 : i32
    %add3A_361 = arith.addi %mul3A_359, %add3A_360 : i32
    %add3A_362 = vector.broadcast %add3A_361 : i32 to vector<16xi32>
    %add3A_363 = arith.addi %iota3A, %add3A_362 : vector<16xi32>
    %and3A_364 = arith.constant 2047 : i32
    %and3A_365 = vector.broadcast %and3A_364 : i32 to vector<16xi32>
    %and3A_366 = arith.andi %add3A_363, %and3A_365 : vector<16xi32>
    %swap3A_367 = arith.constant 384 : index
    %swap3A_368 = tpu.vector_load %arg12[%swap3A_367] {strides = array<i32>} : memref<768xi32, #tpu.memory_space<vmem>>, vector<16xi32>,
    tpu.vector_store %arg12[%swap3A_367], %and3A_366 {strides = array<i32>} : memref<768xi32, #tpu.memory_space<vmem>>, vector<16xi32>,
    %broadcast_in_dim3A_369 = arith.constant 0.000000e+00 : f32
    %broadcast_in_dim3A_370 = vector.broadcast %broadcast_in_dim3A_369 : f32 to vector<16xf32>
    %swap3A_371 = arith.constant 384 : index
    %swap3A_372 = tpu.vector_load %arg13[%swap3A_371] {strides = array<i32>} : memref<768xf32, #tpu.memory_space<vmem>>, vector<16xf32>,
    tpu.vector_store %arg13[%swap3A_371], %broadcast_in_dim3A_370 {strides = array<i32>} : memref<768xf32, #tpu.memory_space<vmem>>, vector<16xf32>,
    %mul3A_373 = arith.constant 768 : i32
    %mul3A_374 = arith.muli %arg1, %mul3A_373 : i32
    %add3A_375 = arith.constant 400 : i32
    %add3A_376 = arith.addi %mul3A_374, %add3A_375 : i32
    %add3A_377 = vector.broadcast %add3A_376 : i32 to vector<16xi32>
    %add3A_378 = arith.addi %iota3A, %add3A_377 : vector<16xi32>
    %and3A_379 = arith.constant 2047 : i32
    %and3A_380 = vector.broadcast %and3A_379 : i32 to vector<16xi32>
    %and3A_381 = arith.andi %add3A_378, %and3A_380 : vector<16xi32>
    %swap3A_382 = arith.constant 400 : index
    %swap3A_383 = tpu.vector_load %arg12[%swap3A_382] {strides = array<i32>} : memref<768xi32, #tpu.memory_space<vmem>>, vector<16xi32>,
    tpu.vector_store %arg12[%swap3A_382], %and3A_381 {strides = array<i32>} : memref<768xi32, #tpu.memory_space<vmem>>, vector<16xi32>,
    %broadcast_in_dim3A_384 = arith.constant 0.000000e+00 : f32
    %broadcast_in_dim3A_385 = vector.broadcast %broadcast_in_dim3A_384 : f32 to vector<16xf32>
    %swap3A_386 = arith.constant 400 : index
    %swap3A_387 = tpu.vector_load %arg13[%swap3A_386] {strides = array<i32>} : memref<768xf32, #tpu.memory_space<vmem>>, vector<16xf32>,
    tpu.vector_store %arg13[%swap3A_386], %broadcast_in_dim3A_385 {strides = array<i32>} : memref<768xf32, #tpu.memory_space<vmem>>, vector<16xf32>,
    %mul3A_388 = arith.constant 768 : i32
    %mul3A_389 = arith.muli %arg1, %mul3A_388 : i32
    %add3A_390 = arith.constant 416 : i32
    %add3A_391 = arith.addi %mul3A_389, %add3A_390 : i32
    %add3A_392 = vector.broadcast %add3A_391 : i32 to vector<16xi32>
    %add3A_393 = arith.addi %iota3A, %add3A_392 : vector<16xi32>
    %and3A_394 = arith.constant 2047 : i32
    %and3A_395 = vector.broadcast %and3A_394 : i32 to vector<16xi32>
    %and3A_396 = arith.andi %add3A_393, %and3A_395 : vector<16xi32>
    %swap3A_397 = arith.constant 416 : index
    %swap3A_398 = tpu.vector_load %arg12[%swap3A_397] {strides = array<i32>} : memref<768xi32, #tpu.memory_space<vmem>>, vector<16xi32>,
    tpu.vector_store %arg12[%swap3A_397], %and3A_396 {strides = array<i32>} : memref<768xi32, #tpu.memory_space<vmem>>, vector<16xi32>,
    %broadcast_in_dim3A_399 = arith.constant 0.000000e+00 : f32
    %broadcast_in_dim3A_400 = vector.broadcast %broadcast_in_dim3A_399 : f32 to vector<16xf32>
    %swap3A_401 = arith.constant 416 : index
    %swap3A_402 = tpu.vector_load %arg13[%swap3A_401] {strides = array<i32>} : memref<768xf32, #tpu.memory_space<vmem>>, vector<16xf32>,
    tpu.vector_store %arg13[%swap3A_401], %broadcast_in_dim3A_400 {strides = array<i32>} : memref<768xf32, #tpu.memory_space<vmem>>, vector<16xf32>,
    %mul3A_403 = arith.constant 768 : i32
    %mul3A_404 = arith.muli %arg1, %mul3A_403 : i32
    %add3A_405 = arith.constant 432 : i32
    %add3A_406 = arith.addi %mul3A_404, %add3A_405 : i32
    %add3A_407 = vector.broadcast %add3A_406 : i32 to vector<16xi32>
    %add3A_408 = arith.addi %iota3A, %add3A_407 : vector<16xi32>
    %and3A_409 = arith.constant 2047 : i32
    %and3A_410 = vector.broadcast %and3A_409 : i32 to vector<16xi32>
    %and3A_411 = arith.andi %add3A_408, %and3A_410 : vector<16xi32>
    %swap3A_412 = arith.constant 432 : index
    %swap3A_413 = tpu.vector_load %arg12[%swap3A_412] {strides = array<i32>} : memref<768xi32, #tpu.memory_space<vmem>>, vector<16xi32>,
    tpu.vector_store %arg12[%swap3A_412], %and3A_411 {strides = array<i32>} : memref<768xi32, #tpu.memory_space<vmem>>, vector<16xi32>,
    %broadcast_in_dim3A_414 = arith.constant 0.000000e+00 : f32
    %broadcast_in_dim3A_415 = vector.broadcast %broadcast_in_dim3A_414 : f32 to vector<16xf32>
    %swap3A_416 = arith.constant 432 : index
    %swap3A_417 = tpu.vector_load %arg13[%swap3A_416] {strides = array<i32>} : memref<768xf32, #tpu.memory_space<vmem>>, vector<16xf32>,
    tpu.vector_store %arg13[%swap3A_416], %broadcast_in_dim3A_415 {strides = array<i32>} : memref<768xf32, #tpu.memory_space<vmem>>, vector<16xf32>,
    %mul3A_418 = arith.constant 768 : i32
    %mul3A_419 = arith.muli %arg1, %mul3A_418 : i32
    %add3A_420 = arith.constant 448 : i32
    %add3A_421 = arith.addi %mul3A_419, %add3A_420 : i32
    %add3A_422 = vector.broadcast %add3A_421 : i32 to vector<16xi32>
    %add3A_423 = arith.addi %iota3A, %add3A_422 : vector<16xi32>
    %and3A_424 = arith.constant 2047 : i32
    %and3A_425 = vector.broadcast %and3A_424 : i32 to vector<16xi32>
    %and3A_426 = arith.andi %add3A_423, %and3A_425 : vector<16xi32>
    %swap3A_427 = arith.constant 448 : index
    %swap3A_428 = tpu.vector_load %arg12[%swap3A_427] {strides = array<i32>} : memref<768xi32, #tpu.memory_space<vmem>>, vector<16xi32>,
    tpu.vector_store %arg12[%swap3A_427], %and3A_426 {strides = array<i32>} : memref<768xi32, #tpu.memory_space<vmem>>, vector<16xi32>,
    %broadcast_in_dim3A_429 = arith.constant 0.000000e+00 : f32
    %broadcast_in_dim3A_430 = vector.broadcast %broadcast_in_dim3A_429 : f32 to vector<16xf32>
    %swap3A_431 = arith.constant 448 : index
    %swap3A_432 = tpu.vector_load %arg13[%swap3A_431] {strides = array<i32>} : memref<768xf32, #tpu.memory_space<vmem>>, vector<16xf32>,
    tpu.vector_store %arg13[%swap3A_431], %broadcast_in_dim3A_430 {strides = array<i32>} : memref<768xf32, #tpu.memory_space<vmem>>, vector<16xf32>,
    %mul3A_433 = arith.constant 768 : i32
    %mul3A_434 = arith.muli %arg1, %mul3A_433 : i32
    %add3A_435 = arith.constant 464 : i32
    %add3A_436 = arith.addi %mul3A_434, %add3A_435 : i32
    %add3A_437 = vector.broadcast %add3A_436 : i32 to vector<16xi32>
    %add3A_438 = arith.addi %iota3A, %add3A_437 : vector<16xi32>
    %and3A_439 = arith.constant 2047 : i32
    %and3A_440 = vector.broadcast %and3A_439 : i32 to vector<16xi32>
    %and3A_441 = arith.andi %add3A_438, %and3A_440 : vector<16xi32>
    %swap3A_442 = arith.constant 464 : index
    %swap3A_443 = tpu.vector_load %arg12[%swap3A_442] {strides = array<i32>} : memref<768xi32, #tpu.memory_space<vmem>>, vector<16xi32>,
    tpu.vector_store %arg12[%swap3A_442], %and3A_441 {strides = array<i32>} : memref<768xi32, #tpu.memory_space<vmem>>, vector<16xi32>,
    %broadcast_in_dim3A_444 = arith.constant 0.000000e+00 : f32
    %broadcast_in_dim3A_445 = vector.broadcast %broadcast_in_dim3A_444 : f32 to vector<16xf32>
    %swap3A_446 = arith.constant 464 : index
    %swap3A_447 = tpu.vector_load %arg13[%swap3A_446] {strides = array<i32>} : memref<768xf32, #tpu.memory_space<vmem>>, vector<16xf32>,
    tpu.vector_store %arg13[%swap3A_446], %broadcast_in_dim3A_445 {strides = array<i32>} : memref<768xf32, #tpu.memory_space<vmem>>, vector<16xf32>,
    %mul3A_448 = arith.constant 768 : i32
    %mul3A_449 = arith.muli %arg1, %mul3A_448 : i32
    %add3A_450 = arith.constant 480 : i32
    %add3A_451 = arith.addi %mul3A_449, %add3A_450 : i32
    %add3A_452 = vector.broadcast %add3A_451 : i32 to vector<16xi32>
    %add3A_453 = arith.addi %iota3A, %add3A_452 : vector<16xi32>
    %and3A_454 = arith.constant 2047 : i32
    %and3A_455 = vector.broadcast %and3A_454 : i32 to vector<16xi32>
    %and3A_456 = arith.andi %add3A_453, %and3A_455 : vector<16xi32>
    %swap3A_457 = arith.constant 480 : index
    %swap3A_458 = tpu.vector_load %arg12[%swap3A_457] {strides = array<i32>} : memref<768xi32, #tpu.memory_space<vmem>>, vector<16xi32>,
    tpu.vector_store %arg12[%swap3A_457], %and3A_456 {strides = array<i32>} : memref<768xi32, #tpu.memory_space<vmem>>, vector<16xi32>,
    %broadcast_in_dim3A_459 = arith.constant 0.000000e+00 : f32
    %broadcast_in_dim3A_460 = vector.broadcast %broadcast_in_dim3A_459 : f32 to vector<16xf32>
    %swap3A_461 = arith.constant 480 : index
    %swap3A_462 = tpu.vector_load %arg13[%swap3A_461] {strides = array<i32>} : memref<768xf32, #tpu.memory_space<vmem>>, vector<16xf32>,
    tpu.vector_store %arg13[%swap3A_461], %broadcast_in_dim3A_460 {strides = array<i32>} : memref<768xf32, #tpu.memory_space<vmem>>, vector<16xf32>,
    %mul3A_463 = arith.constant 768 : i32
    %mul3A_464 = arith.muli %arg1, %mul3A_463 : i32
    %add3A_465 = arith.constant 496 : i32
    %add3A_466 = arith.addi %mul3A_464, %add3A_465 : i32
    %add3A_467 = vector.broadcast %add3A_466 : i32 to vector<16xi32>
    %add3A_468 = arith.addi %iota3A, %add3A_467 : vector<16xi32>
    %and3A_469 = arith.constant 2047 : i32
    %and3A_470 = vector.broadcast %and3A_469 : i32 to vector<16xi32>
    %and3A_471 = arith.andi %add3A_468, %and3A_470 : vector<16xi32>
    %swap3A_472 = arith.constant 496 : index
    %swap3A_473 = tpu.vector_load %arg12[%swap3A_472] {strides = array<i32>} : memref<768xi32, #tpu.memory_space<vmem>>, vector<16xi32>,
    tpu.vector_store %arg12[%swap3A_472], %and3A_471 {strides = array<i32>} : memref<768xi32, #tpu.memory_space<vmem>>, vector<16xi32>,
    %broadcast_in_dim3A_474 = arith.constant 0.000000e+00 : f32
    %broadcast_in_dim3A_475 = vector.broadcast %broadcast_in_dim3A_474 : f32 to vector<16xf32>
    %swap3A_476 = arith.constant 496 : index
    %swap3A_477 = tpu.vector_load %arg13[%swap3A_476] {strides = array<i32>} : memref<768xf32, #tpu.memory_space<vmem>>, vector<16xf32>,
    tpu.vector_store %arg13[%swap3A_476], %broadcast_in_dim3A_475 {strides = array<i32>} : memref<768xf32, #tpu.memory_space<vmem>>, vector<16xf32>,
    %mul3A_478 = arith.constant 768 : i32
    %mul3A_479 = arith.muli %arg1, %mul3A_478 : i32
    %add3A_480 = arith.constant 512 : i32
    %add3A_481 = arith.addi %mul3A_479, %add3A_480 : i32
    %add3A_482 = vector.broadcast %add3A_481 : i32 to vector<16xi32>
    %add3A_483 = arith.addi %iota3A, %add3A_482 : vector<16xi32>
    %and3A_484 = arith.constant 2047 : i32
    %and3A_485 = vector.broadcast %and3A_484 : i32 to vector<16xi32>
    %and3A_486 = arith.andi %add3A_483, %and3A_485 : vector<16xi32>
    %swap3A_487 = arith.constant 512 : index
    %swap3A_488 = tpu.vector_load %arg12[%swap3A_487] {strides = array<i32>} : memref<768xi32, #tpu.memory_space<vmem>>, vector<16xi32>,
    tpu.vector_store %arg12[%swap3A_487], %and3A_486 {strides = array<i32>} : memref<768xi32, #tpu.memory_space<vmem>>, vector<16xi32>,
    %broadcast_in_dim3A_489 = arith.constant 0.000000e+00 : f32
    %broadcast_in_dim3A_490 = vector.broadcast %broadcast_in_dim3A_489 : f32 to vector<16xf32>
    %swap3A_491 = arith.constant 512 : index
    %swap3A_492 = tpu.vector_load %arg13[%swap3A_491] {strides = array<i32>} : memref<768xf32, #tpu.memory_space<vmem>>, vector<16xf32>,
    tpu.vector_store %arg13[%swap3A_491], %broadcast_in_dim3A_490 {strides = array<i32>} : memref<768xf32, #tpu.memory_space<vmem>>, vector<16xf32>,
    %mul3A_493 = arith.constant 768 : i32
    %mul3A_494 = arith.muli %arg1, %mul3A_493 : i32
    %add3A_495 = arith.constant 528 : i32
    %add3A_496 = arith.addi %mul3A_494, %add3A_495 : i32
    %add3A_497 = vector.broadcast %add3A_496 : i32 to vector<16xi32>
    %add3A_498 = arith.addi %iota3A, %add3A_497 : vector<16xi32>
    %and3A_499 = arith.constant 2047 : i32
    %and3A_500 = vector.broadcast %and3A_499 : i32 to vector<16xi32>
    %and3A_501 = arith.andi %add3A_498, %and3A_500 : vector<16xi32>
    %swap3A_502 = arith.constant 528 : index
    %swap3A_503 = tpu.vector_load %arg12[%swap3A_502] {strides = array<i32>} : memref<768xi32, #tpu.memory_space<vmem>>, vector<16xi32>,
    tpu.vector_store %arg12[%swap3A_502], %and3A_501 {strides = array<i32>} : memref<768xi32, #tpu.memory_space<vmem>>, vector<16xi32>,
    %broadcast_in_dim3A_504 = arith.constant 0.000000e+00 : f32
    %broadcast_in_dim3A_505 = vector.broadcast %broadcast_in_dim3A_504 : f32 to vector<16xf32>
    %swap3A_506 = arith.constant 528 : index
    %swap3A_507 = tpu.vector_load %arg13[%swap3A_506] {strides = array<i32>} : memref<768xf32, #tpu.memory_space<vmem>>, vector<16xf32>,
    tpu.vector_store %arg13[%swap3A_506], %broadcast_in_dim3A_505 {strides = array<i32>} : memref<768xf32, #tpu.memory_space<vmem>>, vector<16xf32>,
    %mul3A_508 = arith.constant 768 : i32
    %mul3A_509 = arith.muli %arg1, %mul3A_508 : i32
    %add3A_510 = arith.constant 544 : i32
    %add3A_511 = arith.addi %mul3A_509, %add3A_510 : i32
    %add3A_512 = vector.broadcast %add3A_511 : i32 to vector<16xi32>
    %add3A_513 = arith.addi %iota3A, %add3A_512 : vector<16xi32>
    %and3A_514 = arith.constant 2047 : i32
    %and3A_515 = vector.broadcast %and3A_514 : i32 to vector<16xi32>
    %and3A_516 = arith.andi %add3A_513, %and3A_515 : vector<16xi32>
    %swap3A_517 = arith.constant 544 : index
    %swap3A_518 = tpu.vector_load %arg12[%swap3A_517] {strides = array<i32>} : memref<768xi32, #tpu.memory_space<vmem>>, vector<16xi32>,
    tpu.vector_store %arg12[%swap3A_517], %and3A_516 {strides = array<i32>} : memref<768xi32, #tpu.memory_space<vmem>>, vector<16xi32>,
    %broadcast_in_dim3A_519 = arith.constant 0.000000e+00 : f32
    %broadcast_in_dim3A_520 = vector.broadcast %broadcast_in_dim3A_519 : f32 to vector<16xf32>
    %swap3A_521 = arith.constant 544 : index
    %swap3A_522 = tpu.vector_load %arg13[%swap3A_521] {strides = array<i32>} : memref<768xf32, #tpu.memory_space<vmem>>, vector<16xf32>,
    tpu.vector_store %arg13[%swap3A_521], %broadcast_in_dim3A_520 {strides = array<i32>} : memref<768xf32, #tpu.memory_space<vmem>>, vector<16xf32>,
    %mul3A_523 = arith.constant 768 : i32
    %mul3A_524 = arith.muli %arg1, %mul3A_523 : i32
    %add3A_525 = arith.constant 560 : i32
    %add3A_526 = arith.addi %mul3A_524, %add3A_525 : i32
    %add3A_527 = vector.broadcast %add3A_526 : i32 to vector<16xi32>
    %add3A_528 = arith.addi %iota3A, %add3A_527 : vector<16xi32>
    %and3A_529 = arith.constant 2047 : i32
    %and3A_530 = vector.broadcast %and3A_529 : i32 to vector<16xi32>
    %and3A_531 = arith.andi %add3A_528, %and3A_530 : vector<16xi32>
    %swap3A_532 = arith.constant 560 : index
    %swap3A_533 = tpu.vector_load %arg12[%swap3A_532] {strides = array<i32>} : memref<768xi32, #tpu.memory_space<vmem>>, vector<16xi32>,
    tpu.vector_store %arg12[%swap3A_532], %and3A_531 {strides = array<i32>} : memref<768xi32, #tpu.memory_space<vmem>>, vector<16xi32>,
    %broadcast_in_dim3A_534 = arith.constant 0.000000e+00 : f32
    %broadcast_in_dim3A_535 = vector.broadcast %broadcast_in_dim3A_534 : f32 to vector<16xf32>
    %swap3A_536 = arith.constant 560 : index
    %swap3A_537 = tpu.vector_load %arg13[%swap3A_536] {strides = array<i32>} : memref<768xf32, #tpu.memory_space<vmem>>, vector<16xf32>,
    tpu.vector_store %arg13[%swap3A_536], %broadcast_in_dim3A_535 {strides = array<i32>} : memref<768xf32, #tpu.memory_space<vmem>>, vector<16xf32>,
    %mul3A_538 = arith.constant 768 : i32
    %mul3A_539 = arith.muli %arg1, %mul3A_538 : i32
    %add3A_540 = arith.constant 576 : i32
    %add3A_541 = arith.addi %mul3A_539, %add3A_540 : i32
    %add3A_542 = vector.broadcast %add3A_541 : i32 to vector<16xi32>
    %add3A_543 = arith.addi %iota3A, %add3A_542 : vector<16xi32>
    %and3A_544 = arith.constant 2047 : i32
    %and3A_545 = vector.broadcast %and3A_544 : i32 to vector<16xi32>
    %and3A_546 = arith.andi %add3A_543, %and3A_545 : vector<16xi32>
    %swap3A_547 = arith.constant 576 : index
    %swap3A_548 = tpu.vector_load %arg12[%swap3A_547] {strides = array<i32>} : memref<768xi32, #tpu.memory_space<vmem>>, vector<16xi32>,
    tpu.vector_store %arg12[%swap3A_547], %and3A_546 {strides = array<i32>} : memref<768xi32, #tpu.memory_space<vmem>>, vector<16xi32>,
    %broadcast_in_dim3A_549 = arith.constant 0.000000e+00 : f32
    %broadcast_in_dim3A_550 = vector.broadcast %broadcast_in_dim3A_549 : f32 to vector<16xf32>
    %swap3A_551 = arith.constant 576 : index
    %swap3A_552 = tpu.vector_load %arg13[%swap3A_551] {strides = array<i32>} : memref<768xf32, #tpu.memory_space<vmem>>, vector<16xf32>,
    tpu.vector_store %arg13[%swap3A_551], %broadcast_in_dim3A_550 {strides = array<i32>} : memref<768xf32, #tpu.memory_space<vmem>>, vector<16xf32>,
    %mul3A_553 = arith.constant 768 : i32
    %mul3A_554 = arith.muli %arg1, %mul3A_553 : i32
    %add3A_555 = arith.constant 592 : i32
    %add3A_556 = arith.addi %mul3A_554, %add3A_555 : i32
    %add3A_557 = vector.broadcast %add3A_556 : i32 to vector<16xi32>
    %add3A_558 = arith.addi %iota3A, %add3A_557 : vector<16xi32>
    %and3A_559 = arith.constant 2047 : i32
    %and3A_560 = vector.broadcast %and3A_559 : i32 to vector<16xi32>
    %and3A_561 = arith.andi %add3A_558, %and3A_560 : vector<16xi32>
    %swap3A_562 = arith.constant 592 : index
    %swap3A_563 = tpu.vector_load %arg12[%swap3A_562] {strides = array<i32>} : memref<768xi32, #tpu.memory_space<vmem>>, vector<16xi32>,
    tpu.vector_store %arg12[%swap3A_562], %and3A_561 {strides = array<i32>} : memref<768xi32, #tpu.memory_space<vmem>>, vector<16xi32>,
    %broadcast_in_dim3A_564 = arith.constant 0.000000e+00 : f32
    %broadcast_in_dim3A_565 = vector.broadcast %broadcast_in_dim3A_564 : f32 to vector<16xf32>
    %swap3A_566 = arith.constant 592 : index
    %swap3A_567 = tpu.vector_load %arg13[%swap3A_566] {strides = array<i32>} : memref<768xf32, #tpu.memory_space<vmem>>, vector<16xf32>,
    tpu.vector_store %arg13[%swap3A_566], %broadcast_in_dim3A_565 {strides = array<i32>} : memref<768xf32, #tpu.memory_space<vmem>>, vector<16xf32>,
    %mul3A_568 = arith.constant 768 : i32
    %mul3A_569 = arith.muli %arg1, %mul3A_568 : i32
    %add3A_570 = arith.constant 608 : i32
    %add3A_571 = arith.addi %mul3A_569, %add3A_570 : i32
    %add3A_572 = vector.broadcast %add3A_571 : i32 to vector<16xi32>
    %add3A_573 = arith.addi %iota3A, %add3A_572 : vector<16xi32>
    %and3A_574 = arith.constant 2047 : i32
    %and3A_575 = vector.broadcast %and3A_574 : i32 to vector<16xi32>
    %and3A_576 = arith.andi %add3A_573, %and3A_575 : vector<16xi32>
    %swap3A_577 = arith.constant 608 : index
    %swap3A_578 = tpu.vector_load %arg12[%swap3A_577] {strides = array<i32>} : memref<768xi32, #tpu.memory_space<vmem>>, vector<16xi32>,
    tpu.vector_store %arg12[%swap3A_577], %and3A_576 {strides = array<i32>} : memref<768xi32, #tpu.memory_space<vmem>>, vector<16xi32>,
    %broadcast_in_dim3A_579 = arith.constant 0.000000e+00 : f32
    %broadcast_in_dim3A_580 = vector.broadcast %broadcast_in_dim3A_579 : f32 to vector<16xf32>
    %swap3A_581 = arith.constant 608 : index
    %swap3A_582 = tpu.vector_load %arg13[%swap3A_581] {strides = array<i32>} : memref<768xf32, #tpu.memory_space<vmem>>, vector<16xf32>,
    tpu.vector_store %arg13[%swap3A_581], %broadcast_in_dim3A_580 {strides = array<i32>} : memref<768xf32, #tpu.memory_space<vmem>>, vector<16xf32>,
    %mul3A_583 = arith.constant 768 : i32
    %mul3A_584 = arith.muli %arg1, %mul3A_583 : i32
    %add3A_585 = arith.constant 624 : i32
    %add3A_586 = arith.addi %mul3A_584, %add3A_585 : i32
    %add3A_587 = vector.broadcast %add3A_586 : i32 to vector<16xi32>
    %add3A_588 = arith.addi %iota3A, %add3A_587 : vector<16xi32>
    %and3A_589 = arith.constant 2047 : i32
    %and3A_590 = vector.broadcast %and3A_589 : i32 to vector<16xi32>
    %and3A_591 = arith.andi %add3A_588, %and3A_590 : vector<16xi32>
    %swap3A_592 = arith.constant 624 : index
    %swap3A_593 = tpu.vector_load %arg12[%swap3A_592] {strides = array<i32>} : memref<768xi32, #tpu.memory_space<vmem>>, vector<16xi32>,
    tpu.vector_store %arg12[%swap3A_592], %and3A_591 {strides = array<i32>} : memref<768xi32, #tpu.memory_space<vmem>>, vector<16xi32>,
    %broadcast_in_dim3A_594 = arith.constant 0.000000e+00 : f32
    %broadcast_in_dim3A_595 = vector.broadcast %broadcast_in_dim3A_594 : f32 to vector<16xf32>
    %swap3A_596 = arith.constant 624 : index
    %swap3A_597 = tpu.vector_load %arg13[%swap3A_596] {strides = array<i32>} : memref<768xf32, #tpu.memory_space<vmem>>, vector<16xf32>,
    tpu.vector_store %arg13[%swap3A_596], %broadcast_in_dim3A_595 {strides = array<i32>} : memref<768xf32, #tpu.memory_space<vmem>>, vector<16xf32>,
    %mul3A_598 = arith.constant 768 : i32
    %mul3A_599 = arith.muli %arg1, %mul3A_598 : i32
    %add3A_600 = arith.constant 640 : i32
    %add3A_601 = arith.addi %mul3A_599, %add3A_600 : i32
    %add3A_602 = vector.broadcast %add3A_601 : i32 to vector<16xi32>
    %add3A_603 = arith.addi %iota3A, %add3A_602 : vector<16xi32>
    %and3A_604 = arith.constant 2047 : i32
    %and3A_605 = vector.broadcast %and3A_604 : i32 to vector<16xi32>
    %and3A_606 = arith.andi %add3A_603, %and3A_605 : vector<16xi32>
    %swap3A_607 = arith.constant 640 : index
    %swap3A_608 = tpu.vector_load %arg12[%swap3A_607] {strides = array<i32>} : memref<768xi32, #tpu.memory_space<vmem>>, vector<16xi32>,
    tpu.vector_store %arg12[%swap3A_607], %and3A_606 {strides = array<i32>} : memref<768xi32, #tpu.memory_space<vmem>>, vector<16xi32>,
    %broadcast_in_dim3A_609 = arith.constant 0.000000e+00 : f32
    %broadcast_in_dim3A_610 = vector.broadcast %broadcast_in_dim3A_609 : f32 to vector<16xf32>
    %swap3A_611 = arith.constant 640 : index
    %swap3A_612 = tpu.vector_load %arg13[%swap3A_611] {strides = array<i32>} : memref<768xf32, #tpu.memory_space<vmem>>, vector<16xf32>,
    tpu.vector_store %arg13[%swap3A_611], %broadcast_in_dim3A_610 {strides = array<i32>} : memref<768xf32, #tpu.memory_space<vmem>>, vector<16xf32>,
    %mul3A_613 = arith.constant 768 : i32
    %mul3A_614 = arith.muli %arg1, %mul3A_613 : i32
    %add3A_615 = arith.constant 656 : i32
    %add3A_616 = arith.addi %mul3A_614, %add3A_615 : i32
    %add3A_617 = vector.broadcast %add3A_616 : i32 to vector<16xi32>
    %add3A_618 = arith.addi %iota3A, %add3A_617 : vector<16xi32>
    %and3A_619 = arith.constant 2047 : i32
    %and3A_620 = vector.broadcast %and3A_619 : i32 to vector<16xi32>
    %and3A_621 = arith.andi %add3A_618, %and3A_620 : vector<16xi32>
    %swap3A_622 = arith.constant 656 : index
    %swap3A_623 = tpu.vector_load %arg12[%swap3A_622] {strides = array<i32>} : memref<768xi32, #tpu.memory_space<vmem>>, vector<16xi32>,
    tpu.vector_store %arg12[%swap3A_622], %and3A_621 {strides = array<i32>} : memref<768xi32, #tpu.memory_space<vmem>>, vector<16xi32>,
    %broadcast_in_dim3A_624 = arith.constant 0.000000e+00 : f32
    %broadcast_in_dim3A_625 = vector.broadcast %broadcast_in_dim3A_624 : f32 to vector<16xf32>
    %swap3A_626 = arith.constant 656 : index
    %swap3A_627 = tpu.vector_load %arg13[%swap3A_626] {strides = array<i32>} : memref<768xf32, #tpu.memory_space<vmem>>, vector<16xf32>,
    tpu.vector_store %arg13[%swap3A_626], %broadcast_in_dim3A_625 {strides = array<i32>} : memref<768xf32, #tpu.memory_space<vmem>>, vector<16xf32>,
    %mul3A_628 = arith.constant 768 : i32
    %mul3A_629 = arith.muli %arg1, %mul3A_628 : i32
    %add3A_630 = arith.constant 672 : i32
    %add3A_631 = arith.addi %mul3A_629, %add3A_630 : i32
    %add3A_632 = vector.broadcast %add3A_631 : i32 to vector<16xi32>
    %add3A_633 = arith.addi %iota3A, %add3A_632 : vector<16xi32>
    %and3A_634 = arith.constant 2047 : i32
    %and3A_635 = vector.broadcast %and3A_634 : i32 to vector<16xi32>
    %and3A_636 = arith.andi %add3A_633, %and3A_635 : vector<16xi32>
    %swap3A_637 = arith.constant 672 : index
    %swap3A_638 = tpu.vector_load %arg12[%swap3A_637] {strides = array<i32>} : memref<768xi32, #tpu.memory_space<vmem>>, vector<16xi32>,
    tpu.vector_store %arg12[%swap3A_637], %and3A_636 {strides = array<i32>} : memref<768xi32, #tpu.memory_space<vmem>>, vector<16xi32>,
    %broadcast_in_dim3A_639 = arith.constant 0.000000e+00 : f32
    %broadcast_in_dim3A_640 = vector.broadcast %broadcast_in_dim3A_639 : f32 to vector<16xf32>
    %swap3A_641 = arith.constant 672 : index
    %swap3A_642 = tpu.vector_load %arg13[%swap3A_641] {strides = array<i32>} : memref<768xf32, #tpu.memory_space<vmem>>, vector<16xf32>,
    tpu.vector_store %arg13[%swap3A_641], %broadcast_in_dim3A_640 {strides = array<i32>} : memref<768xf32, #tpu.memory_space<vmem>>, vector<16xf32>,
    %mul3A_643 = arith.constant 768 : i32
    %mul3A_644 = arith.muli %arg1, %mul3A_643 : i32
    %add3A_645 = arith.constant 688 : i32
    %add3A_646 = arith.addi %mul3A_644, %add3A_645 : i32
    %add3A_647 = vector.broadcast %add3A_646 : i32 to vector<16xi32>
    %add3A_648 = arith.addi %iota3A, %add3A_647 : vector<16xi32>
    %and3A_649 = arith.constant 2047 : i32
    %and3A_650 = vector.broadcast %and3A_649 : i32 to vector<16xi32>
    %and3A_651 = arith.andi %add3A_648, %and3A_650 : vector<16xi32>
    %swap3A_652 = arith.constant 688 : index
    %swap3A_653 = tpu.vector_load %arg12[%swap3A_652] {strides = array<i32>} : memref<768xi32, #tpu.memory_space<vmem>>, vector<16xi32>,
    tpu.vector_store %arg12[%swap3A_652], %and3A_651 {strides = array<i32>} : memref<768xi32, #tpu.memory_space<vmem>>, vector<16xi32>,
    %broadcast_in_dim3A_654 = arith.constant 0.000000e+00 : f32
    %broadcast_in_dim3A_655 = vector.broadcast %broadcast_in_dim3A_654 : f32 to vector<16xf32>
    %swap3A_656 = arith.constant 688 : index
    %swap3A_657 = tpu.vector_load %arg13[%swap3A_656] {strides = array<i32>} : memref<768xf32, #tpu.memory_space<vmem>>, vector<16xf32>,
    tpu.vector_store %arg13[%swap3A_656], %broadcast_in_dim3A_655 {strides = array<i32>} : memref<768xf32, #tpu.memory_space<vmem>>, vector<16xf32>,
    %mul3A_658 = arith.constant 768 : i32
    %mul3A_659 = arith.muli %arg1, %mul3A_658 : i32
    %add3A_660 = arith.constant 704 : i32
    %add3A_661 = arith.addi %mul3A_659, %add3A_660 : i32
    %add3A_662 = vector.broadcast %add3A_661 : i32 to vector<16xi32>
    %add3A_663 = arith.addi %iota3A, %add3A_662 : vector<16xi32>
    %and3A_664 = arith.constant 2047 : i32
    %and3A_665 = vector.broadcast %and3A_664 : i32 to vector<16xi32>
    %and3A_666 = arith.andi %add3A_663, %and3A_665 : vector<16xi32>
    %swap3A_667 = arith.constant 704 : index
    %swap3A_668 = tpu.vector_load %arg12[%swap3A_667] {strides = array<i32>} : memref<768xi32, #tpu.memory_space<vmem>>, vector<16xi32>,
    tpu.vector_store %arg12[%swap3A_667], %and3A_666 {strides = array<i32>} : memref<768xi32, #tpu.memory_space<vmem>>, vector<16xi32>,
    %broadcast_in_dim3A_669 = arith.constant 0.000000e+00 : f32
    %broadcast_in_dim3A_670 = vector.broadcast %broadcast_in_dim3A_669 : f32 to vector<16xf32>
    %swap3A_671 = arith.constant 704 : index
    %swap3A_672 = tpu.vector_load %arg13[%swap3A_671] {strides = array<i32>} : memref<768xf32, #tpu.memory_space<vmem>>, vector<16xf32>,
    tpu.vector_store %arg13[%swap3A_671], %broadcast_in_dim3A_670 {strides = array<i32>} : memref<768xf32, #tpu.memory_space<vmem>>, vector<16xf32>,
    %mul3A_673 = arith.constant 768 : i32
    %mul3A_674 = arith.muli %arg1, %mul3A_673 : i32
    %add3A_675 = arith.constant 720 : i32
    %add3A_676 = arith.addi %mul3A_674, %add3A_675 : i32
    %add3A_677 = vector.broadcast %add3A_676 : i32 to vector<16xi32>
    %add3A_678 = arith.addi %iota3A, %add3A_677 : vector<16xi32>
    %and3A_679 = arith.constant 2047 : i32
    %and3A_680 = vector.broadcast %and3A_679 : i32 to vector<16xi32>
    %and3A_681 = arith.andi %add3A_678, %and3A_680 : vector<16xi32>
    %swap3A_682 = arith.constant 720 : index
    %swap3A_683 = tpu.vector_load %arg12[%swap3A_682] {strides = array<i32>} : memref<768xi32, #tpu.memory_space<vmem>>, vector<16xi32>,
    tpu.vector_store %arg12[%swap3A_682], %and3A_681 {strides = array<i32>} : memref<768xi32, #tpu.memory_space<vmem>>, vector<16xi32>,
    %broadcast_in_dim3A_684 = arith.constant 0.000000e+00 : f32
    %broadcast_in_dim3A_685 = vector.broadcast %broadcast_in_dim3A_684 : f32 to vector<16xf32>
    %swap3A_686 = arith.constant 720 : index
    %swap3A_687 = tpu.vector_load %arg13[%swap3A_686] {strides = array<i32>} : memref<768xf32, #tpu.memory_space<vmem>>, vector<16xf32>,
    tpu.vector_store %arg13[%swap3A_686], %broadcast_in_dim3A_685 {strides = array<i32>} : memref<768xf32, #tpu.memory_space<vmem>>, vector<16xf32>,
    %mul3A_688 = arith.constant 768 : i32
    %mul3A_689 = arith.muli %arg1, %mul3A_688 : i32
    %add3A_690 = arith.constant 736 : i32
    %add3A_691 = arith.addi %mul3A_689, %add3A_690 : i32
    %add3A_692 = vector.broadcast %add3A_691 : i32 to vector<16xi32>
    %add3A_693 = arith.addi %iota3A, %add3A_692 : vector<16xi32>
    %and3A_694 = arith.constant 2047 : i32
    %and3A_695 = vector.broadcast %and3A_694 : i32 to vector<16xi32>
    %and3A_696 = arith.andi %add3A_693, %and3A_695 : vector<16xi32>
    %swap3A_697 = arith.constant 736 : index
    %swap3A_698 = tpu.vector_load %arg12[%swap3A_697] {strides = array<i32>} : memref<768xi32, #tpu.memory_space<vmem>>, vector<16xi32>,
    tpu.vector_store %arg12[%swap3A_697], %and3A_696 {strides = array<i32>} : memref<768xi32, #tpu.memory_space<vmem>>, vector<16xi32>,
    %broadcast_in_dim3A_699 = arith.constant 0.000000e+00 : f32
    %broadcast_in_dim3A_700 = vector.broadcast %broadcast_in_dim3A_699 : f32 to vector<16xf32>
    %swap3A_701 = arith.constant 736 : index
    %swap3A_702 = tpu.vector_load %arg13[%swap3A_701] {strides = array<i32>} : memref<768xf32, #tpu.memory_space<vmem>>, vector<16xf32>,
    tpu.vector_store %arg13[%swap3A_701], %broadcast_in_dim3A_700 {strides = array<i32>} : memref<768xf32, #tpu.memory_space<vmem>>, vector<16xf32>,
    %mul3A_703 = arith.constant 768 : i32
    %mul3A_704 = arith.muli %arg1, %mul3A_703 : i32
    %add3A_705 = arith.constant 752 : i32
    %add3A_706 = arith.addi %mul3A_704, %add3A_705 : i32
    %add3A_707 = vector.broadcast %add3A_706 : i32 to vector<16xi32>
    %add3A_708 = arith.addi %iota3A, %add3A_707 : vector<16xi32>
    %and3A_709 = arith.constant 2047 : i32
    %and3A_710 = vector.broadcast %and3A_709 : i32 to vector<16xi32>
    %and3A_711 = arith.andi %add3A_708, %and3A_710 : vector<16xi32>
    %swap3A_712 = arith.constant 752 : index
    %swap3A_713 = tpu.vector_load %arg12[%swap3A_712] {strides = array<i32>} : memref<768xi32, #tpu.memory_space<vmem>>, vector<16xi32>,
    tpu.vector_store %arg12[%swap3A_712], %and3A_711 {strides = array<i32>} : memref<768xi32, #tpu.memory_space<vmem>>, vector<16xi32>,
    %broadcast_in_dim3A_714 = arith.constant 0.000000e+00 : f32
    %broadcast_in_dim3A_715 = vector.broadcast %broadcast_in_dim3A_714 : f32 to vector<16xf32>
    %swap3A_716 = arith.constant 752 : index
    %swap3A_717 = tpu.vector_load %arg13[%swap3A_716] {strides = array<i32>} : memref<768xf32, #tpu.memory_space<vmem>>, vector<16xf32>,
    tpu.vector_store %arg13[%swap3A_716], %broadcast_in_dim3A_715 {strides = array<i32>} : memref<768xf32, #tpu.memory_space<vmem>>, vector<16xf32>,
    %mul3A_718 = arith.constant 768 : i32
    %mul3A_719 = arith.muli %arg1, %mul3A_718 : i32
    "tpu.region"() ({
      %run_scoped3A_1239 = tpu.sem_alloc : memref<!tpu.dma_semaphore, #tpu.memory_space<semaphore_mem>>
      %dma_start3A_1240 = tpu.memref_slice %arg16[%mul3A_719] : memref<12288xi32, #tpu.memory_space<vmem_shared>> -> memref<768xi32, #tpu.memory_space<vmem_shared>>
      %dma_start3A_1241 = tpu.memref_slice %arg16[%mul3A_719] : memref<12288xi32, #tpu.memory_space<vmem_shared>> -> memref<768xi32, #tpu.memory_space<vmem_shared>>
      tpu.enqueue_dma source(%arg12 : memref<768xi32, #tpu.memory_space<vmem>>) target(%dma_start3A_1241 : memref<768xi32, #tpu.memory_space<vmem_shared>>) target_semaphore(%run_scoped3A_1239 : memref<!tpu.dma_semaphore, #tpu.memory_space<semaphore_mem>>)
      %dma_wait3A_1242 = tpu.memref_slice %arg16[%mul3A_719] : memref<12288xi32, #tpu.memory_space<vmem_shared>> -> memref<768xi32, #tpu.memory_space<vmem_shared>>
      %dma_wait3A_1243 = tpu.memref_slice %arg16[%mul3A_719] : memref<12288xi32, #tpu.memory_space<vmem_shared>> -> memref<768xi32, #tpu.memory_space<vmem_shared>>
      tpu.wait_dma2 semaphore(%run_scoped3A_1239 : memref<!tpu.dma_semaphore, #tpu.memory_space<semaphore_mem>>) src(%arg12 : memref<768xi32, #tpu.memory_space<vmem>>) dst(%dma_wait3A_1243 : memref<768xi32, #tpu.memory_space<vmem_shared>>)
      tpu.yield
    }) : () -> ()
    %mul3A_720 = arith.constant 768 : i32
    %mul3A_721 = arith.muli %arg1, %mul3A_720 : i32
    "tpu.region"() ({
      %run_scoped3A_1239 = tpu.sem_alloc : memref<!tpu.dma_semaphore, #tpu.memory_space<semaphore_mem>>
      %dma_start3A_1240 = tpu.memref_slice %arg17[%mul3A_721] : memref<12288xf32, #tpu.memory_space<vmem_shared>> -> memref<768xf32, #tpu.memory_space<vmem_shared>>
      %dma_start3A_1241 = tpu.memref_slice %arg17[%mul3A_721] : memref<12288xf32, #tpu.memory_space<vmem_shared>> -> memref<768xf32, #tpu.memory_space<vmem_shared>>
      tpu.enqueue_dma source(%arg13 : memref<768xf32, #tpu.memory_space<vmem>>) target(%dma_start3A_1241 : memref<768xf32, #tpu.memory_space<vmem_shared>>) target_semaphore(%run_scoped3A_1239 : memref<!tpu.dma_semaphore, #tpu.memory_space<semaphore_mem>>)
      %dma_wait3A_1242 = tpu.memref_slice %arg17[%mul3A_721] : memref<12288xf32, #tpu.memory_space<vmem_shared>> -> memref<768xf32, #tpu.memory_space<vmem_shared>>
      %dma_wait3A_1243 = tpu.memref_slice %arg17[%mul3A_721] : memref<12288xf32, #tpu.memory_space<vmem_shared>> -> memref<768xf32, #tpu.memory_space<vmem_shared>>
      tpu.wait_dma2 semaphore(%run_scoped3A_1239 : memref<!tpu.dma_semaphore, #tpu.memory_space<semaphore_mem>>) src(%arg13 : memref<768xf32, #tpu.memory_space<vmem>>) dst(%dma_wait3A_1243 : memref<768xf32, #tpu.memory_space<vmem_shared>>)
      tpu.yield
    }) : () -> ()
    %barrier3A = arith.constant 0 : index
    tpu.barrier barrier_id(%barrier3A)
    %jit3A = arith.constant 8 : i32
    %eq3A = arith.constant 0 : i32
    %eq3A_722 = arith.cmpi eq, %jit3A, %eq3A : i32
    %jit3A_723 = arith.constant 1 : i32
    %select_n3A = arith.select %eq3A_722, %jit3A_723, %jit3A : i32
    %rem3A = arith.remsi %arg1, %select_n3A : i32
    %ne3A = arith.constant 0 : i32
    %ne3A_724 = arith.cmpi ne, %rem3A, %ne3A : i32
    %lt3A = arith.constant 0 : i32
    %lt3A_725 = arith.cmpi slt, %rem3A, %lt3A : i32
    %lt3A_726 = arith.constant 0 : i32
    %lt3A_727 = arith.cmpi slt, %select_n3A, %lt3A_726 : i32
    %ne3A_728 = arith.xori %lt3A_725, %lt3A_727 : i1
    %and3A_729 = arith.andi %ne3A_728, %ne3A_724 : i1
    %add3A_730 = arith.addi %rem3A, %select_n3A : i32
    %select_n3A_731 = arith.select %and3A_729, %add3A_730, %rem3A : i32
    %mul3A_732 = arith.constant 256 : i32
    %mul3A_733 = arith.muli %select_n3A_731, %mul3A_732 : i32
    %lt3A_734 = arith.constant 8 : i32
    %lt3A_735 = arith.cmpi slt, %arg1, %lt3A_734 : i32
    %convert_element_type3A = arith.extui %lt3A_735 : i1 to i32
    %cond3A = arith.constant 0 : i32
    %cond3A_736 = arith.cmpi ne, %convert_element_type3A, %cond3A : i32
    scf.if %cond3A_736 {
      %add3A_1239 = arith.constant 0 : i32
      %add3A_1240 = arith.addi %mul3A_733, %add3A_1239 : i32
      %run_scoped3A_1241 = arith.constant 0 : i32
      "tpu.region"() ({
        %run_scoped3A_1251 = tpu.sem_alloc : memref<!tpu.dma_semaphore, #tpu.memory_space<semaphore_mem>>
        %dma_start3A_1252 = arith.constant 0 : i32
        %dma_start3A_1253 = tpu.memref_slice %arg9[%run_scoped3A_1241, %dma_start3A_1252] : memref<2x128xi32, #tpu.memory_space<vmem>> -> memref<1x128xi32, #tpu.memory_space<vmem>>
        %dma_start3A_1254 = tpu.memref_squeeze %dma_start3A_1253 : memref<1x128xi32, #tpu.memory_space<vmem>> -> memref<128xi32, #tpu.memory_space<vmem>>
        %dma_start3A_1255 = tpu.memref_slice %arg3[%add3A_1240] : memref<2048xi32, #tpu.memory_space<hbm>> -> memref<128xi32, #tpu.memory_space<hbm>>
        %dma_start3A_1256 = arith.constant 0 : i32
        %dma_start3A_1257 = tpu.memref_slice %arg9[%run_scoped3A_1241, %dma_start3A_1256] : memref<2x128xi32, #tpu.memory_space<vmem>> -> memref<1x128xi32, #tpu.memory_space<vmem>>
        %dma_start3A_1258 = tpu.memref_squeeze %dma_start3A_1257 : memref<1x128xi32, #tpu.memory_space<vmem>> -> memref<128xi32, #tpu.memory_space<vmem>>
        %dma_start3A_1259 = tpu.memref_slice %arg3[%add3A_1240] : memref<2048xi32, #tpu.memory_space<hbm>> -> memref<128xi32, #tpu.memory_space<hbm>>
        tpu.enqueue_dma source(%dma_start3A_1259 : memref<128xi32, #tpu.memory_space<hbm>>) target(%dma_start3A_1258 : memref<128xi32, #tpu.memory_space<vmem>>) target_semaphore(%run_scoped3A_1251 : memref<!tpu.dma_semaphore, #tpu.memory_space<semaphore_mem>>)
        %dma_wait3A_1260 = arith.constant 0 : i32
        %dma_wait3A_1261 = tpu.memref_slice %arg9[%run_scoped3A_1241, %dma_wait3A_1260] : memref<2x128xi32, #tpu.memory_space<vmem>> -> memref<1x128xi32, #tpu.memory_space<vmem>>
        %dma_wait3A_1262 = tpu.memref_squeeze %dma_wait3A_1261 : memref<1x128xi32, #tpu.memory_space<vmem>> -> memref<128xi32, #tpu.memory_space<vmem>>
        %dma_wait3A_1263 = tpu.memref_slice %arg3[%add3A_1240] : memref<2048xi32, #tpu.memory_space<hbm>> -> memref<128xi32, #tpu.memory_space<hbm>>
        %dma_wait3A_1264 = arith.constant 0 : i32
        %dma_wait3A_1265 = tpu.memref_slice %arg9[%run_scoped3A_1241, %dma_wait3A_1264] : memref<2x128xi32, #tpu.memory_space<vmem>> -> memref<1x128xi32, #tpu.memory_space<vmem>>
        %dma_wait3A_1266 = tpu.memref_squeeze %dma_wait3A_1265 : memref<1x128xi32, #tpu.memory_space<vmem>> -> memref<128xi32, #tpu.memory_space<vmem>>
        %dma_wait3A_1267 = tpu.memref_slice %arg3[%add3A_1240] : memref<2048xi32, #tpu.memory_space<hbm>> -> memref<128xi32, #tpu.memory_space<hbm>>
        tpu.wait_dma2 semaphore(%run_scoped3A_1251 : memref<!tpu.dma_semaphore, #tpu.memory_space<semaphore_mem>>) src(%dma_wait3A_1267 : memref<128xi32, #tpu.memory_space<hbm>>) dst(%dma_wait3A_1266 : memref<128xi32, #tpu.memory_space<vmem>>)
        tpu.yield
      }) : () -> ()
      %add3A_1242 = arith.constant 0 : i32
      %add3A_1243 = arith.addi %mul3A_733, %add3A_1242 : i32
      %run_scoped3A_1244 = arith.constant 0 : i32
      "tpu.region"() ({
        %run_scoped3A_1251 = tpu.sem_alloc : memref<!tpu.dma_semaphore, #tpu.memory_space<semaphore_mem>>
        %dma_start3A_1252 = arith.constant 0 : i32
        %dma_start3A_1253 = tpu.memref_slice %arg11[%run_scoped3A_1244, %dma_start3A_1252] : memref<2x128xf32, #tpu.memory_space<vmem>> -> memref<1x128xf32, #tpu.memory_space<vmem>>
        %dma_start3A_1254 = tpu.memref_squeeze %dma_start3A_1253 : memref<1x128xf32, #tpu.memory_space<vmem>> -> memref<128xf32, #tpu.memory_space<vmem>>
        %dma_start3A_1255 = tpu.memref_slice %arg5[%add3A_1243] : memref<2048xf32, #tpu.memory_space<hbm>> -> memref<128xf32, #tpu.memory_space<hbm>>
        %dma_start3A_1256 = arith.constant 0 : i32
        %dma_start3A_1257 = tpu.memref_slice %arg11[%run_scoped3A_1244, %dma_start3A_1256] : memref<2x128xf32, #tpu.memory_space<vmem>> -> memref<1x128xf32, #tpu.memory_space<vmem>>
        %dma_start3A_1258 = tpu.memref_squeeze %dma_start3A_1257 : memref<1x128xf32, #tpu.memory_space<vmem>> -> memref<128xf32, #tpu.memory_space<vmem>>
        %dma_start3A_1259 = tpu.memref_slice %arg5[%add3A_1243] : memref<2048xf32, #tpu.memory_space<hbm>> -> memref<128xf32, #tpu.memory_space<hbm>>
        tpu.enqueue_dma source(%dma_start3A_1259 : memref<128xf32, #tpu.memory_space<hbm>>) target(%dma_start3A_1258 : memref<128xf32, #tpu.memory_space<vmem>>) target_semaphore(%run_scoped3A_1251 : memref<!tpu.dma_semaphore, #tpu.memory_space<semaphore_mem>>)
        %dma_wait3A_1260 = arith.constant 0 : i32
        %dma_wait3A_1261 = tpu.memref_slice %arg11[%run_scoped3A_1244, %dma_wait3A_1260] : memref<2x128xf32, #tpu.memory_space<vmem>> -> memref<1x128xf32, #tpu.memory_space<vmem>>
        %dma_wait3A_1262 = tpu.memref_squeeze %dma_wait3A_1261 : memref<1x128xf32, #tpu.memory_space<vmem>> -> memref<128xf32, #tpu.memory_space<vmem>>
        %dma_wait3A_1263 = tpu.memref_slice %arg5[%add3A_1243] : memref<2048xf32, #tpu.memory_space<hbm>> -> memref<128xf32, #tpu.memory_space<hbm>>
        %dma_wait3A_1264 = arith.constant 0 : i32
        %dma_wait3A_1265 = tpu.memref_slice %arg11[%run_scoped3A_1244, %dma_wait3A_1264] : memref<2x128xf32, #tpu.memory_space<vmem>> -> memref<1x128xf32, #tpu.memory_space<vmem>>
        %dma_wait3A_1266 = tpu.memref_squeeze %dma_wait3A_1265 : memref<1x128xf32, #tpu.memory_space<vmem>> -> memref<128xf32, #tpu.memory_space<vmem>>
        %dma_wait3A_1267 = tpu.memref_slice %arg5[%add3A_1243] : memref<2048xf32, #tpu.memory_space<hbm>> -> memref<128xf32, #tpu.memory_space<hbm>>
        tpu.wait_dma2 semaphore(%run_scoped3A_1251 : memref<!tpu.dma_semaphore, #tpu.memory_space<semaphore_mem>>) src(%dma_wait3A_1267 : memref<128xf32, #tpu.memory_space<hbm>>) dst(%dma_wait3A_1266 : memref<128xf32, #tpu.memory_space<vmem>>)
        tpu.yield
      }) : () -> ()
      %add3A_1245 = arith.constant 128 : i32
      %add3A_1246 = arith.addi %mul3A_733, %add3A_1245 : i32
      %run_scoped3A_1247 = arith.constant 1 : i32
      "tpu.region"() ({
        %run_scoped3A_1251 = tpu.sem_alloc : memref<!tpu.dma_semaphore, #tpu.memory_space<semaphore_mem>>
        %dma_start3A_1252 = arith.constant 0 : i32
        %dma_start3A_1253 = tpu.memref_slice %arg9[%run_scoped3A_1247, %dma_start3A_1252] : memref<2x128xi32, #tpu.memory_space<vmem>> -> memref<1x128xi32, #tpu.memory_space<vmem>>
        %dma_start3A_1254 = tpu.memref_squeeze %dma_start3A_1253 : memref<1x128xi32, #tpu.memory_space<vmem>> -> memref<128xi32, #tpu.memory_space<vmem>>
        %dma_start3A_1255 = tpu.memref_slice %arg3[%add3A_1246] : memref<2048xi32, #tpu.memory_space<hbm>> -> memref<128xi32, #tpu.memory_space<hbm>>
        %dma_start3A_1256 = arith.constant 0 : i32
        %dma_start3A_1257 = tpu.memref_slice %arg9[%run_scoped3A_1247, %dma_start3A_1256] : memref<2x128xi32, #tpu.memory_space<vmem>> -> memref<1x128xi32, #tpu.memory_space<vmem>>
        %dma_start3A_1258 = tpu.memref_squeeze %dma_start3A_1257 : memref<1x128xi32, #tpu.memory_space<vmem>> -> memref<128xi32, #tpu.memory_space<vmem>>
        %dma_start3A_1259 = tpu.memref_slice %arg3[%add3A_1246] : memref<2048xi32, #tpu.memory_space<hbm>> -> memref<128xi32, #tpu.memory_space<hbm>>
        tpu.enqueue_dma source(%dma_start3A_1259 : memref<128xi32, #tpu.memory_space<hbm>>) target(%dma_start3A_1258 : memref<128xi32, #tpu.memory_space<vmem>>) target_semaphore(%run_scoped3A_1251 : memref<!tpu.dma_semaphore, #tpu.memory_space<semaphore_mem>>)
        %dma_wait3A_1260 = arith.constant 0 : i32
        %dma_wait3A_1261 = tpu.memref_slice %arg9[%run_scoped3A_1247, %dma_wait3A_1260] : memref<2x128xi32, #tpu.memory_space<vmem>> -> memref<1x128xi32, #tpu.memory_space<vmem>>
        %dma_wait3A_1262 = tpu.memref_squeeze %dma_wait3A_1261 : memref<1x128xi32, #tpu.memory_space<vmem>> -> memref<128xi32, #tpu.memory_space<vmem>>
        %dma_wait3A_1263 = tpu.memref_slice %arg3[%add3A_1246] : memref<2048xi32, #tpu.memory_space<hbm>> -> memref<128xi32, #tpu.memory_space<hbm>>
        %dma_wait3A_1264 = arith.constant 0 : i32
        %dma_wait3A_1265 = tpu.memref_slice %arg9[%run_scoped3A_1247, %dma_wait3A_1264] : memref<2x128xi32, #tpu.memory_space<vmem>> -> memref<1x128xi32, #tpu.memory_space<vmem>>
        %dma_wait3A_1266 = tpu.memref_squeeze %dma_wait3A_1265 : memref<1x128xi32, #tpu.memory_space<vmem>> -> memref<128xi32, #tpu.memory_space<vmem>>
        %dma_wait3A_1267 = tpu.memref_slice %arg3[%add3A_1246] : memref<2048xi32, #tpu.memory_space<hbm>> -> memref<128xi32, #tpu.memory_space<hbm>>
        tpu.wait_dma2 semaphore(%run_scoped3A_1251 : memref<!tpu.dma_semaphore, #tpu.memory_space<semaphore_mem>>) src(%dma_wait3A_1267 : memref<128xi32, #tpu.memory_space<hbm>>) dst(%dma_wait3A_1266 : memref<128xi32, #tpu.memory_space<vmem>>)
        tpu.yield
      }) : () -> ()
      %add3A_1248 = arith.constant 128 : i32
      %add3A_1249 = arith.addi %mul3A_733, %add3A_1248 : i32
      %run_scoped3A_1250 = arith.constant 1 : i32
      "tpu.region"() ({
        %run_scoped3A_1251 = tpu.sem_alloc : memref<!tpu.dma_semaphore, #tpu.memory_space<semaphore_mem>>
        %dma_start3A_1252 = arith.constant 0 : i32
        %dma_start3A_1253 = tpu.memref_slice %arg11[%run_scoped3A_1250, %dma_start3A_1252] : memref<2x128xf32, #tpu.memory_space<vmem>> -> memref<1x128xf32, #tpu.memory_space<vmem>>
        %dma_start3A_1254 = tpu.memref_squeeze %dma_start3A_1253 : memref<1x128xf32, #tpu.memory_space<vmem>> -> memref<128xf32, #tpu.memory_space<vmem>>
        %dma_start3A_1255 = tpu.memref_slice %arg5[%add3A_1249] : memref<2048xf32, #tpu.memory_space<hbm>> -> memref<128xf32, #tpu.memory_space<hbm>>
        %dma_start3A_1256 = arith.constant 0 : i32
        %dma_start3A_1257 = tpu.memref_slice %arg11[%run_scoped3A_1250, %dma_start3A_1256] : memref<2x128xf32, #tpu.memory_space<vmem>> -> memref<1x128xf32, #tpu.memory_space<vmem>>
        %dma_start3A_1258 = tpu.memref_squeeze %dma_start3A_1257 : memref<1x128xf32, #tpu.memory_space<vmem>> -> memref<128xf32, #tpu.memory_space<vmem>>
        %dma_start3A_1259 = tpu.memref_slice %arg5[%add3A_1249] : memref<2048xf32, #tpu.memory_space<hbm>> -> memref<128xf32, #tpu.memory_space<hbm>>
        tpu.enqueue_dma source(%dma_start3A_1259 : memref<128xf32, #tpu.memory_space<hbm>>) target(%dma_start3A_1258 : memref<128xf32, #tpu.memory_space<vmem>>) target_semaphore(%run_scoped3A_1251 : memref<!tpu.dma_semaphore, #tpu.memory_space<semaphore_mem>>)
        %dma_wait3A_1260 = arith.constant 0 : i32
        %dma_wait3A_1261 = tpu.memref_slice %arg11[%run_scoped3A_1250, %dma_wait3A_1260] : memref<2x128xf32, #tpu.memory_space<vmem>> -> memref<1x128xf32, #tpu.memory_space<vmem>>
        %dma_wait3A_1262 = tpu.memref_squeeze %dma_wait3A_1261 : memref<1x128xf32, #tpu.memory_space<vmem>> -> memref<128xf32, #tpu.memory_space<vmem>>
        %dma_wait3A_1263 = tpu.memref_slice %arg5[%add3A_1249] : memref<2048xf32, #tpu.memory_space<hbm>> -> memref<128xf32, #tpu.memory_space<hbm>>
        %dma_wait3A_1264 = arith.constant 0 : i32
        %dma_wait3A_1265 = tpu.memref_slice %arg11[%run_scoped3A_1250, %dma_wait3A_1264] : memref<2x128xf32, #tpu.memory_space<vmem>> -> memref<1x128xf32, #tpu.memory_space<vmem>>
        %dma_wait3A_1266 = tpu.memref_squeeze %dma_wait3A_1265 : memref<1x128xf32, #tpu.memory_space<vmem>> -> memref<128xf32, #tpu.memory_space<vmem>>
        %dma_wait3A_1267 = tpu.memref_slice %arg5[%add3A_1249] : memref<2048xf32, #tpu.memory_space<hbm>> -> memref<128xf32, #tpu.memory_space<hbm>>
        tpu.wait_dma2 semaphore(%run_scoped3A_1251 : memref<!tpu.dma_semaphore, #tpu.memory_space<semaphore_mem>>) src(%dma_wait3A_1267 : memref<128xf32, #tpu.memory_space<hbm>>) dst(%dma_wait3A_1266 : memref<128xf32, #tpu.memory_space<vmem>>)
        tpu.yield
      }) : () -> ()
    } else {
    }
    %ge3A = arith.constant 8 : i32
    %ge3A_737 = arith.cmpi sge, %arg1, %ge3A : i32
    %convert_element_type3A_738 = arith.extui %ge3A_737 : i1 to i32
    %cond3A_739 = arith.constant 0 : i32
    %cond3A_740 = arith.cmpi ne, %convert_element_type3A_738, %cond3A_739 : i32
    scf.if %cond3A_740 {
      %add3A_1239 = arith.constant 0 : i32
      %add3A_1240 = arith.addi %mul3A_733, %add3A_1239 : i32
      %run_scoped3A_1241 = arith.constant 0 : i32
      "tpu.region"() ({
        %run_scoped3A_1251 = tpu.sem_alloc : memref<!tpu.dma_semaphore, #tpu.memory_space<semaphore_mem>>
        %dma_start3A_1252 = arith.constant 0 : i32
        %dma_start3A_1253 = tpu.memref_slice %arg9[%run_scoped3A_1241, %dma_start3A_1252] : memref<2x128xi32, #tpu.memory_space<vmem>> -> memref<1x128xi32, #tpu.memory_space<vmem>>
        %dma_start3A_1254 = tpu.memref_squeeze %dma_start3A_1253 : memref<1x128xi32, #tpu.memory_space<vmem>> -> memref<128xi32, #tpu.memory_space<vmem>>
        %dma_start3A_1255 = tpu.memref_slice %arg4[%add3A_1240] : memref<2048xi32, #tpu.memory_space<hbm>> -> memref<128xi32, #tpu.memory_space<hbm>>
        %dma_start3A_1256 = arith.constant 0 : i32
        %dma_start3A_1257 = tpu.memref_slice %arg9[%run_scoped3A_1241, %dma_start3A_1256] : memref<2x128xi32, #tpu.memory_space<vmem>> -> memref<1x128xi32, #tpu.memory_space<vmem>>
        %dma_start3A_1258 = tpu.memref_squeeze %dma_start3A_1257 : memref<1x128xi32, #tpu.memory_space<vmem>> -> memref<128xi32, #tpu.memory_space<vmem>>
        %dma_start3A_1259 = tpu.memref_slice %arg4[%add3A_1240] : memref<2048xi32, #tpu.memory_space<hbm>> -> memref<128xi32, #tpu.memory_space<hbm>>
        tpu.enqueue_dma source(%dma_start3A_1259 : memref<128xi32, #tpu.memory_space<hbm>>) target(%dma_start3A_1258 : memref<128xi32, #tpu.memory_space<vmem>>) target_semaphore(%run_scoped3A_1251 : memref<!tpu.dma_semaphore, #tpu.memory_space<semaphore_mem>>)
        %dma_wait3A_1260 = arith.constant 0 : i32
        %dma_wait3A_1261 = tpu.memref_slice %arg9[%run_scoped3A_1241, %dma_wait3A_1260] : memref<2x128xi32, #tpu.memory_space<vmem>> -> memref<1x128xi32, #tpu.memory_space<vmem>>
        %dma_wait3A_1262 = tpu.memref_squeeze %dma_wait3A_1261 : memref<1x128xi32, #tpu.memory_space<vmem>> -> memref<128xi32, #tpu.memory_space<vmem>>
        %dma_wait3A_1263 = tpu.memref_slice %arg4[%add3A_1240] : memref<2048xi32, #tpu.memory_space<hbm>> -> memref<128xi32, #tpu.memory_space<hbm>>
        %dma_wait3A_1264 = arith.constant 0 : i32
        %dma_wait3A_1265 = tpu.memref_slice %arg9[%run_scoped3A_1241, %dma_wait3A_1264] : memref<2x128xi32, #tpu.memory_space<vmem>> -> memref<1x128xi32, #tpu.memory_space<vmem>>
        %dma_wait3A_1266 = tpu.memref_squeeze %dma_wait3A_1265 : memref<1x128xi32, #tpu.memory_space<vmem>> -> memref<128xi32, #tpu.memory_space<vmem>>
        %dma_wait3A_1267 = tpu.memref_slice %arg4[%add3A_1240] : memref<2048xi32, #tpu.memory_space<hbm>> -> memref<128xi32, #tpu.memory_space<hbm>>
        tpu.wait_dma2 semaphore(%run_scoped3A_1251 : memref<!tpu.dma_semaphore, #tpu.memory_space<semaphore_mem>>) src(%dma_wait3A_1267 : memref<128xi32, #tpu.memory_space<hbm>>) dst(%dma_wait3A_1266 : memref<128xi32, #tpu.memory_space<vmem>>)
        tpu.yield
      }) : () -> ()
      %add3A_1242 = arith.constant 0 : i32
      %add3A_1243 = arith.addi %mul3A_733, %add3A_1242 : i32
      %run_scoped3A_1244 = arith.constant 0 : i32
      "tpu.region"() ({
        %run_scoped3A_1251 = tpu.sem_alloc : memref<!tpu.dma_semaphore, #tpu.memory_space<semaphore_mem>>
        %dma_start3A_1252 = arith.constant 0 : i32
        %dma_start3A_1253 = tpu.memref_slice %arg11[%run_scoped3A_1244, %dma_start3A_1252] : memref<2x128xf32, #tpu.memory_space<vmem>> -> memref<1x128xf32, #tpu.memory_space<vmem>>
        %dma_start3A_1254 = tpu.memref_squeeze %dma_start3A_1253 : memref<1x128xf32, #tpu.memory_space<vmem>> -> memref<128xf32, #tpu.memory_space<vmem>>
        %dma_start3A_1255 = tpu.memref_slice %arg6[%add3A_1243] : memref<2048xf32, #tpu.memory_space<hbm>> -> memref<128xf32, #tpu.memory_space<hbm>>
        %dma_start3A_1256 = arith.constant 0 : i32
        %dma_start3A_1257 = tpu.memref_slice %arg11[%run_scoped3A_1244, %dma_start3A_1256] : memref<2x128xf32, #tpu.memory_space<vmem>> -> memref<1x128xf32, #tpu.memory_space<vmem>>
        %dma_start3A_1258 = tpu.memref_squeeze %dma_start3A_1257 : memref<1x128xf32, #tpu.memory_space<vmem>> -> memref<128xf32, #tpu.memory_space<vmem>>
        %dma_start3A_1259 = tpu.memref_slice %arg6[%add3A_1243] : memref<2048xf32, #tpu.memory_space<hbm>> -> memref<128xf32, #tpu.memory_space<hbm>>
        tpu.enqueue_dma source(%dma_start3A_1259 : memref<128xf32, #tpu.memory_space<hbm>>) target(%dma_start3A_1258 : memref<128xf32, #tpu.memory_space<vmem>>) target_semaphore(%run_scoped3A_1251 : memref<!tpu.dma_semaphore, #tpu.memory_space<semaphore_mem>>)
        %dma_wait3A_1260 = arith.constant 0 : i32
        %dma_wait3A_1261 = tpu.memref_slice %arg11[%run_scoped3A_1244, %dma_wait3A_1260] : memref<2x128xf32, #tpu.memory_space<vmem>> -> memref<1x128xf32, #tpu.memory_space<vmem>>
        %dma_wait3A_1262 = tpu.memref_squeeze %dma_wait3A_1261 : memref<1x128xf32, #tpu.memory_space<vmem>> -> memref<128xf32, #tpu.memory_space<vmem>>
        %dma_wait3A_1263 = tpu.memref_slice %arg6[%add3A_1243] : memref<2048xf32, #tpu.memory_space<hbm>> -> memref<128xf32, #tpu.memory_space<hbm>>
        %dma_wait3A_1264 = arith.constant 0 : i32
        %dma_wait3A_1265 = tpu.memref_slice %arg11[%run_scoped3A_1244, %dma_wait3A_1264] : memref<2x128xf32, #tpu.memory_space<vmem>> -> memref<1x128xf32, #tpu.memory_space<vmem>>
        %dma_wait3A_1266 = tpu.memref_squeeze %dma_wait3A_1265 : memref<1x128xf32, #tpu.memory_space<vmem>> -> memref<128xf32, #tpu.memory_space<vmem>>
        %dma_wait3A_1267 = tpu.memref_slice %arg6[%add3A_1243] : memref<2048xf32, #tpu.memory_space<hbm>> -> memref<128xf32, #tpu.memory_space<hbm>>
        tpu.wait_dma2 semaphore(%run_scoped3A_1251 : memref<!tpu.dma_semaphore, #tpu.memory_space<semaphore_mem>>) src(%dma_wait3A_1267 : memref<128xf32, #tpu.memory_space<hbm>>) dst(%dma_wait3A_1266 : memref<128xf32, #tpu.memory_space<vmem>>)
        tpu.yield
      }) : () -> ()
      %add3A_1245 = arith.constant 128 : i32
      %add3A_1246 = arith.addi %mul3A_733, %add3A_1245 : i32
      %run_scoped3A_1247 = arith.constant 1 : i32
      "tpu.region"() ({
        %run_scoped3A_1251 = tpu.sem_alloc : memref<!tpu.dma_semaphore, #tpu.memory_space<semaphore_mem>>
        %dma_start3A_1252 = arith.constant 0 : i32
        %dma_start3A_1253 = tpu.memref_slice %arg9[%run_scoped3A_1247, %dma_start3A_1252] : memref<2x128xi32, #tpu.memory_space<vmem>> -> memref<1x128xi32, #tpu.memory_space<vmem>>
        %dma_start3A_1254 = tpu.memref_squeeze %dma_start3A_1253 : memref<1x128xi32, #tpu.memory_space<vmem>> -> memref<128xi32, #tpu.memory_space<vmem>>
        %dma_start3A_1255 = tpu.memref_slice %arg4[%add3A_1246] : memref<2048xi32, #tpu.memory_space<hbm>> -> memref<128xi32, #tpu.memory_space<hbm>>
        %dma_start3A_1256 = arith.constant 0 : i32
        %dma_start3A_1257 = tpu.memref_slice %arg9[%run_scoped3A_1247, %dma_start3A_1256] : memref<2x128xi32, #tpu.memory_space<vmem>> -> memref<1x128xi32, #tpu.memory_space<vmem>>
        %dma_start3A_1258 = tpu.memref_squeeze %dma_start3A_1257 : memref<1x128xi32, #tpu.memory_space<vmem>> -> memref<128xi32, #tpu.memory_space<vmem>>
        %dma_start3A_1259 = tpu.memref_slice %arg4[%add3A_1246] : memref<2048xi32, #tpu.memory_space<hbm>> -> memref<128xi32, #tpu.memory_space<hbm>>
        tpu.enqueue_dma source(%dma_start3A_1259 : memref<128xi32, #tpu.memory_space<hbm>>) target(%dma_start3A_1258 : memref<128xi32, #tpu.memory_space<vmem>>) target_semaphore(%run_scoped3A_1251 : memref<!tpu.dma_semaphore, #tpu.memory_space<semaphore_mem>>)
        %dma_wait3A_1260 = arith.constant 0 : i32
        %dma_wait3A_1261 = tpu.memref_slice %arg9[%run_scoped3A_1247, %dma_wait3A_1260] : memref<2x128xi32, #tpu.memory_space<vmem>> -> memref<1x128xi32, #tpu.memory_space<vmem>>
        %dma_wait3A_1262 = tpu.memref_squeeze %dma_wait3A_1261 : memref<1x128xi32, #tpu.memory_space<vmem>> -> memref<128xi32, #tpu.memory_space<vmem>>
        %dma_wait3A_1263 = tpu.memref_slice %arg4[%add3A_1246] : memref<2048xi32, #tpu.memory_space<hbm>> -> memref<128xi32, #tpu.memory_space<hbm>>
        %dma_wait3A_1264 = arith.constant 0 : i32
        %dma_wait3A_1265 = tpu.memref_slice %arg9[%run_scoped3A_1247, %dma_wait3A_1264] : memref<2x128xi32, #tpu.memory_space<vmem>> -> memref<1x128xi32, #tpu.memory_space<vmem>>
        %dma_wait3A_1266 = tpu.memref_squeeze %dma_wait3A_1265 : memref<1x128xi32, #tpu.memory_space<vmem>> -> memref<128xi32, #tpu.memory_space<vmem>>
        %dma_wait3A_1267 = tpu.memref_slice %arg4[%add3A_1246] : memref<2048xi32, #tpu.memory_space<hbm>> -> memref<128xi32, #tpu.memory_space<hbm>>
        tpu.wait_dma2 semaphore(%run_scoped3A_1251 : memref<!tpu.dma_semaphore, #tpu.memory_space<semaphore_mem>>) src(%dma_wait3A_1267 : memref<128xi32, #tpu.memory_space<hbm>>) dst(%dma_wait3A_1266 : memref<128xi32, #tpu.memory_space<vmem>>)
        tpu.yield
      }) : () -> ()
      %add3A_1248 = arith.constant 128 : i32
      %add3A_1249 = arith.addi %mul3A_733, %add3A_1248 : i32
      %run_scoped3A_1250 = arith.constant 1 : i32
      "tpu.region"() ({
        %run_scoped3A_1251 = tpu.sem_alloc : memref<!tpu.dma_semaphore, #tpu.memory_space<semaphore_mem>>
        %dma_start3A_1252 = arith.constant 0 : i32
        %dma_start3A_1253 = tpu.memref_slice %arg11[%run_scoped3A_1250, %dma_start3A_1252] : memref<2x128xf32, #tpu.memory_space<vmem>> -> memref<1x128xf32, #tpu.memory_space<vmem>>
        %dma_start3A_1254 = tpu.memref_squeeze %dma_start3A_1253 : memref<1x128xf32, #tpu.memory_space<vmem>> -> memref<128xf32, #tpu.memory_space<vmem>>
        %dma_start3A_1255 = tpu.memref_slice %arg6[%add3A_1249] : memref<2048xf32, #tpu.memory_space<hbm>> -> memref<128xf32, #tpu.memory_space<hbm>>
        %dma_start3A_1256 = arith.constant 0 : i32
        %dma_start3A_1257 = tpu.memref_slice %arg11[%run_scoped3A_1250, %dma_start3A_1256] : memref<2x128xf32, #tpu.memory_space<vmem>> -> memref<1x128xf32, #tpu.memory_space<vmem>>
        %dma_start3A_1258 = tpu.memref_squeeze %dma_start3A_1257 : memref<1x128xf32, #tpu.memory_space<vmem>> -> memref<128xf32, #tpu.memory_space<vmem>>
        %dma_start3A_1259 = tpu.memref_slice %arg6[%add3A_1249] : memref<2048xf32, #tpu.memory_space<hbm>> -> memref<128xf32, #tpu.memory_space<hbm>>
        tpu.enqueue_dma source(%dma_start3A_1259 : memref<128xf32, #tpu.memory_space<hbm>>) target(%dma_start3A_1258 : memref<128xf32, #tpu.memory_space<vmem>>) target_semaphore(%run_scoped3A_1251 : memref<!tpu.dma_semaphore, #tpu.memory_space<semaphore_mem>>)
        %dma_wait3A_1260 = arith.constant 0 : i32
        %dma_wait3A_1261 = tpu.memref_slice %arg11[%run_scoped3A_1250, %dma_wait3A_1260] : memref<2x128xf32, #tpu.memory_space<vmem>> -> memref<1x128xf32, #tpu.memory_space<vmem>>
        %dma_wait3A_1262 = tpu.memref_squeeze %dma_wait3A_1261 : memref<1x128xf32, #tpu.memory_space<vmem>> -> memref<128xf32, #tpu.memory_space<vmem>>
        %dma_wait3A_1263 = tpu.memref_slice %arg6[%add3A_1249] : memref<2048xf32, #tpu.memory_space<hbm>> -> memref<128xf32, #tpu.memory_space<hbm>>
        %dma_wait3A_1264 = arith.constant 0 : i32
        %dma_wait3A_1265 = tpu.memref_slice %arg11[%run_scoped3A_1250, %dma_wait3A_1264] : memref<2x128xf32, #tpu.memory_space<vmem>> -> memref<1x128xf32, #tpu.memory_space<vmem>>
        %dma_wait3A_1266 = tpu.memref_squeeze %dma_wait3A_1265 : memref<1x128xf32, #tpu.memory_space<vmem>> -> memref<128xf32, #tpu.memory_space<vmem>>
        %dma_wait3A_1267 = tpu.memref_slice %arg6[%add3A_1249] : memref<2048xf32, #tpu.memory_space<hbm>> -> memref<128xf32, #tpu.memory_space<hbm>>
        tpu.wait_dma2 semaphore(%run_scoped3A_1251 : memref<!tpu.dma_semaphore, #tpu.memory_space<semaphore_mem>>) src(%dma_wait3A_1267 : memref<128xf32, #tpu.memory_space<hbm>>) dst(%dma_wait3A_1266 : memref<128xf32, #tpu.memory_space<vmem>>)
        tpu.yield
      }) : () -> ()
    } else {
    }
    %add3A_741 = arith.constant 0 : i32
    %add3A_742 = arith.addi %mul3A_733, %add3A_741 : i32
    %add3A_743 = arith.constant 0 : i32
    %add3A_744 = arith.addi %add3A_742, %add3A_743 : i32
    %add3A_745 = vector.broadcast %add3A_744 : i32 to vector<16xi32>
    %add3A_746 = arith.addi %iota3A, %add3A_745 : vector<16xi32>
    %swap3A_747 = arith.constant 0 : i32
    %swap3A_748 = arith.index_cast %swap3A_747 : i32 to index
    %swap3A_749 = arith.constant 0 : index
    %swap3A_750 = tpu.vector_load %arg10[%swap3A_748, %swap3A_749] {strides = array<i32>} : memref<2x128xi32, #tpu.memory_space<vmem>>, vector<16xi32>,
    tpu.vector_store %arg10[%swap3A_748, %swap3A_749], %add3A_746 {strides = array<i32>} : memref<2x128xi32, #tpu.memory_space<vmem>>, vector<16xi32>,
    %add3A_751 = arith.constant 0 : i32
    %add3A_752 = arith.addi %mul3A_733, %add3A_751 : i32
    %add3A_753 = arith.constant 16 : i32
    %add3A_754 = arith.addi %add3A_752, %add3A_753 : i32
    %add3A_755 = vector.broadcast %add3A_754 : i32 to vector<16xi32>
    %add3A_756 = arith.addi %iota3A, %add3A_755 : vector<16xi32>
    %swap3A_757 = arith.constant 0 : i32
    %swap3A_758 = arith.index_cast %swap3A_757 : i32 to index
    %swap3A_759 = arith.constant 16 : index
    %swap3A_760 = tpu.vector_load %arg10[%swap3A_758, %swap3A_759] {strides = array<i32>} : memref<2x128xi32, #tpu.memory_space<vmem>>, vector<16xi32>,
    tpu.vector_store %arg10[%swap3A_758, %swap3A_759], %add3A_756 {strides = array<i32>} : memref<2x128xi32, #tpu.memory_space<vmem>>, vector<16xi32>,
    %add3A_761 = arith.constant 0 : i32
    %add3A_762 = arith.addi %mul3A_733, %add3A_761 : i32
    %add3A_763 = arith.constant 32 : i32
    %add3A_764 = arith.addi %add3A_762, %add3A_763 : i32
    %add3A_765 = vector.broadcast %add3A_764 : i32 to vector<16xi32>
    %add3A_766 = arith.addi %iota3A, %add3A_765 : vector<16xi32>
    %swap3A_767 = arith.constant 0 : i32
    %swap3A_768 = arith.index_cast %swap3A_767 : i32 to index
    %swap3A_769 = arith.constant 32 : index
    %swap3A_770 = tpu.vector_load %arg10[%swap3A_768, %swap3A_769] {strides = array<i32>} : memref<2x128xi32, #tpu.memory_space<vmem>>, vector<16xi32>,
    tpu.vector_store %arg10[%swap3A_768, %swap3A_769], %add3A_766 {strides = array<i32>} : memref<2x128xi32, #tpu.memory_space<vmem>>, vector<16xi32>,
    %add3A_771 = arith.constant 0 : i32
    %add3A_772 = arith.addi %mul3A_733, %add3A_771 : i32
    %add3A_773 = arith.constant 48 : i32
    %add3A_774 = arith.addi %add3A_772, %add3A_773 : i32
    %add3A_775 = vector.broadcast %add3A_774 : i32 to vector<16xi32>
    %add3A_776 = arith.addi %iota3A, %add3A_775 : vector<16xi32>
    %swap3A_777 = arith.constant 0 : i32
    %swap3A_778 = arith.index_cast %swap3A_777 : i32 to index
    %swap3A_779 = arith.constant 48 : index
    %swap3A_780 = tpu.vector_load %arg10[%swap3A_778, %swap3A_779] {strides = array<i32>} : memref<2x128xi32, #tpu.memory_space<vmem>>, vector<16xi32>,
    tpu.vector_store %arg10[%swap3A_778, %swap3A_779], %add3A_776 {strides = array<i32>} : memref<2x128xi32, #tpu.memory_space<vmem>>, vector<16xi32>,
    %add3A_781 = arith.constant 0 : i32
    %add3A_782 = arith.addi %mul3A_733, %add3A_781 : i32
    %add3A_783 = arith.constant 64 : i32
    %add3A_784 = arith.addi %add3A_782, %add3A_783 : i32
    %add3A_785 = vector.broadcast %add3A_784 : i32 to vector<16xi32>
    %add3A_786 = arith.addi %iota3A, %add3A_785 : vector<16xi32>
    %swap3A_787 = arith.constant 0 : i32
    %swap3A_788 = arith.index_cast %swap3A_787 : i32 to index
    %swap3A_789 = arith.constant 64 : index
    %swap3A_790 = tpu.vector_load %arg10[%swap3A_788, %swap3A_789] {strides = array<i32>} : memref<2x128xi32, #tpu.memory_space<vmem>>, vector<16xi32>,
    tpu.vector_store %arg10[%swap3A_788, %swap3A_789], %add3A_786 {strides = array<i32>} : memref<2x128xi32, #tpu.memory_space<vmem>>, vector<16xi32>,
    %add3A_791 = arith.constant 0 : i32
    %add3A_792 = arith.addi %mul3A_733, %add3A_791 : i32
    %add3A_793 = arith.constant 80 : i32
    %add3A_794 = arith.addi %add3A_792, %add3A_793 : i32
    %add3A_795 = vector.broadcast %add3A_794 : i32 to vector<16xi32>
    %add3A_796 = arith.addi %iota3A, %add3A_795 : vector<16xi32>
    %swap3A_797 = arith.constant 0 : i32
    %swap3A_798 = arith.index_cast %swap3A_797 : i32 to index
    %swap3A_799 = arith.constant 80 : index
    %swap3A_800 = tpu.vector_load %arg10[%swap3A_798, %swap3A_799] {strides = array<i32>} : memref<2x128xi32, #tpu.memory_space<vmem>>, vector<16xi32>,
    tpu.vector_store %arg10[%swap3A_798, %swap3A_799], %add3A_796 {strides = array<i32>} : memref<2x128xi32, #tpu.memory_space<vmem>>, vector<16xi32>,
    %add3A_801 = arith.constant 0 : i32
    %add3A_802 = arith.addi %mul3A_733, %add3A_801 : i32
    %add3A_803 = arith.constant 96 : i32
    %add3A_804 = arith.addi %add3A_802, %add3A_803 : i32
    %add3A_805 = vector.broadcast %add3A_804 : i32 to vector<16xi32>
    %add3A_806 = arith.addi %iota3A, %add3A_805 : vector<16xi32>
    %swap3A_807 = arith.constant 0 : i32
    %swap3A_808 = arith.index_cast %swap3A_807 : i32 to index
    %swap3A_809 = arith.constant 96 : index
    %swap3A_810 = tpu.vector_load %arg10[%swap3A_808, %swap3A_809] {strides = array<i32>} : memref<2x128xi32, #tpu.memory_space<vmem>>, vector<16xi32>,
    tpu.vector_store %arg10[%swap3A_808, %swap3A_809], %add3A_806 {strides = array<i32>} : memref<2x128xi32, #tpu.memory_space<vmem>>, vector<16xi32>,
    %add3A_811 = arith.constant 0 : i32
    %add3A_812 = arith.addi %mul3A_733, %add3A_811 : i32
    %add3A_813 = arith.constant 112 : i32
    %add3A_814 = arith.addi %add3A_812, %add3A_813 : i32
    %add3A_815 = vector.broadcast %add3A_814 : i32 to vector<16xi32>
    %add3A_816 = arith.addi %iota3A, %add3A_815 : vector<16xi32>
    %swap3A_817 = arith.constant 0 : i32
    %swap3A_818 = arith.index_cast %swap3A_817 : i32 to index
    %swap3A_819 = arith.constant 112 : index
    %swap3A_820 = tpu.vector_load %arg10[%swap3A_818, %swap3A_819] {strides = array<i32>} : memref<2x128xi32, #tpu.memory_space<vmem>>, vector<16xi32>,
    tpu.vector_store %arg10[%swap3A_818, %swap3A_819], %add3A_816 {strides = array<i32>} : memref<2x128xi32, #tpu.memory_space<vmem>>, vector<16xi32>,
    %add3A_821 = arith.constant 128 : i32
    %add3A_822 = arith.addi %mul3A_733, %add3A_821 : i32
    %add3A_823 = arith.constant 0 : i32
    %add3A_824 = arith.addi %add3A_822, %add3A_823 : i32
    %add3A_825 = vector.broadcast %add3A_824 : i32 to vector<16xi32>
    %add3A_826 = arith.addi %iota3A, %add3A_825 : vector<16xi32>
    %swap3A_827 = arith.constant 1 : i32
    %swap3A_828 = arith.index_cast %swap3A_827 : i32 to index
    %swap3A_829 = arith.constant 0 : index
    %swap3A_830 = tpu.vector_load %arg10[%swap3A_828, %swap3A_829] {strides = array<i32>} : memref<2x128xi32, #tpu.memory_space<vmem>>, vector<16xi32>,
    tpu.vector_store %arg10[%swap3A_828, %swap3A_829], %add3A_826 {strides = array<i32>} : memref<2x128xi32, #tpu.memory_space<vmem>>, vector<16xi32>,
    %add3A_831 = arith.constant 128 : i32
    %add3A_832 = arith.addi %mul3A_733, %add3A_831 : i32
    %add3A_833 = arith.constant 16 : i32
    %add3A_834 = arith.addi %add3A_832, %add3A_833 : i32
    %add3A_835 = vector.broadcast %add3A_834 : i32 to vector<16xi32>
    %add3A_836 = arith.addi %iota3A, %add3A_835 : vector<16xi32>
    %swap3A_837 = arith.constant 1 : i32
    %swap3A_838 = arith.index_cast %swap3A_837 : i32 to index
    %swap3A_839 = arith.constant 16 : index
    %swap3A_840 = tpu.vector_load %arg10[%swap3A_838, %swap3A_839] {strides = array<i32>} : memref<2x128xi32, #tpu.memory_space<vmem>>, vector<16xi32>,
    tpu.vector_store %arg10[%swap3A_838, %swap3A_839], %add3A_836 {strides = array<i32>} : memref<2x128xi32, #tpu.memory_space<vmem>>, vector<16xi32>,
    %add3A_841 = arith.constant 128 : i32
    %add3A_842 = arith.addi %mul3A_733, %add3A_841 : i32
    %add3A_843 = arith.constant 32 : i32
    %add3A_844 = arith.addi %add3A_842, %add3A_843 : i32
    %add3A_845 = vector.broadcast %add3A_844 : i32 to vector<16xi32>
    %add3A_846 = arith.addi %iota3A, %add3A_845 : vector<16xi32>
    %swap3A_847 = arith.constant 1 : i32
    %swap3A_848 = arith.index_cast %swap3A_847 : i32 to index
    %swap3A_849 = arith.constant 32 : index
    %swap3A_850 = tpu.vector_load %arg10[%swap3A_848, %swap3A_849] {strides = array<i32>} : memref<2x128xi32, #tpu.memory_space<vmem>>, vector<16xi32>,
    tpu.vector_store %arg10[%swap3A_848, %swap3A_849], %add3A_846 {strides = array<i32>} : memref<2x128xi32, #tpu.memory_space<vmem>>, vector<16xi32>,
    %add3A_851 = arith.constant 128 : i32
    %add3A_852 = arith.addi %mul3A_733, %add3A_851 : i32
    %add3A_853 = arith.constant 48 : i32
    %add3A_854 = arith.addi %add3A_852, %add3A_853 : i32
    %add3A_855 = vector.broadcast %add3A_854 : i32 to vector<16xi32>
    %add3A_856 = arith.addi %iota3A, %add3A_855 : vector<16xi32>
    %swap3A_857 = arith.constant 1 : i32
    %swap3A_858 = arith.index_cast %swap3A_857 : i32 to index
    %swap3A_859 = arith.constant 48 : index
    %swap3A_860 = tpu.vector_load %arg10[%swap3A_858, %swap3A_859] {strides = array<i32>} : memref<2x128xi32, #tpu.memory_space<vmem>>, vector<16xi32>,
    tpu.vector_store %arg10[%swap3A_858, %swap3A_859], %add3A_856 {strides = array<i32>} : memref<2x128xi32, #tpu.memory_space<vmem>>, vector<16xi32>,
    %add3A_861 = arith.constant 128 : i32
    %add3A_862 = arith.addi %mul3A_733, %add3A_861 : i32
    %add3A_863 = arith.constant 64 : i32
    %add3A_864 = arith.addi %add3A_862, %add3A_863 : i32
    %add3A_865 = vector.broadcast %add3A_864 : i32 to vector<16xi32>
    %add3A_866 = arith.addi %iota3A, %add3A_865 : vector<16xi32>
    %swap3A_867 = arith.constant 1 : i32
    %swap3A_868 = arith.index_cast %swap3A_867 : i32 to index
    %swap3A_869 = arith.constant 64 : index
    %swap3A_870 = tpu.vector_load %arg10[%swap3A_868, %swap3A_869] {strides = array<i32>} : memref<2x128xi32, #tpu.memory_space<vmem>>, vector<16xi32>,
    tpu.vector_store %arg10[%swap3A_868, %swap3A_869], %add3A_866 {strides = array<i32>} : memref<2x128xi32, #tpu.memory_space<vmem>>, vector<16xi32>,
    %add3A_871 = arith.constant 128 : i32
    %add3A_872 = arith.addi %mul3A_733, %add3A_871 : i32
    %add3A_873 = arith.constant 80 : i32
    %add3A_874 = arith.addi %add3A_872, %add3A_873 : i32
    %add3A_875 = vector.broadcast %add3A_874 : i32 to vector<16xi32>
    %add3A_876 = arith.addi %iota3A, %add3A_875 : vector<16xi32>
    %swap3A_877 = arith.constant 1 : i32
    %swap3A_878 = arith.index_cast %swap3A_877 : i32 to index
    %swap3A_879 = arith.constant 80 : index
    %swap3A_880 = tpu.vector_load %arg10[%swap3A_878, %swap3A_879] {strides = array<i32>} : memref<2x128xi32, #tpu.memory_space<vmem>>, vector<16xi32>,
    tpu.vector_store %arg10[%swap3A_878, %swap3A_879], %add3A_876 {strides = array<i32>} : memref<2x128xi32, #tpu.memory_space<vmem>>, vector<16xi32>,
    %add3A_881 = arith.constant 128 : i32
    %add3A_882 = arith.addi %mul3A_733, %add3A_881 : i32
    %add3A_883 = arith.constant 96 : i32
    %add3A_884 = arith.addi %add3A_882, %add3A_883 : i32
    %add3A_885 = vector.broadcast %add3A_884 : i32 to vector<16xi32>
    %add3A_886 = arith.addi %iota3A, %add3A_885 : vector<16xi32>
    %swap3A_887 = arith.constant 1 : i32
    %swap3A_888 = arith.index_cast %swap3A_887 : i32 to index
    %swap3A_889 = arith.constant 96 : index
    %swap3A_890 = tpu.vector_load %arg10[%swap3A_888, %swap3A_889] {strides = array<i32>} : memref<2x128xi32, #tpu.memory_space<vmem>>, vector<16xi32>,
    tpu.vector_store %arg10[%swap3A_888, %swap3A_889], %add3A_886 {strides = array<i32>} : memref<2x128xi32, #tpu.memory_space<vmem>>, vector<16xi32>,
    %add3A_891 = arith.constant 128 : i32
    %add3A_892 = arith.addi %mul3A_733, %add3A_891 : i32
    %add3A_893 = arith.constant 112 : i32
    %add3A_894 = arith.addi %add3A_892, %add3A_893 : i32
    %add3A_895 = vector.broadcast %add3A_894 : i32 to vector<16xi32>
    %add3A_896 = arith.addi %iota3A, %add3A_895 : vector<16xi32>
    %swap3A_897 = arith.constant 1 : i32
    %swap3A_898 = arith.index_cast %swap3A_897 : i32 to index
    %swap3A_899 = arith.constant 112 : index
    %swap3A_900 = tpu.vector_load %arg10[%swap3A_898, %swap3A_899] {strides = array<i32>} : memref<2x128xi32, #tpu.memory_space<vmem>>, vector<16xi32>,
    tpu.vector_store %arg10[%swap3A_898, %swap3A_899], %add3A_896 {strides = array<i32>} : memref<2x128xi32, #tpu.memory_space<vmem>>, vector<16xi32>,
    %run_scoped3A = arith.constant 0 : i32
    %run_scoped3A_901 = arith.constant 0 : i32
    "tpu.region"() ({
      %run_scoped3A_1239 = tpu.sem_alloc : memref<!tpu.dma_semaphore, #tpu.memory_space<semaphore_mem>>
      %dma_start3A_1240 = arith.constant 0 : i32
      %dma_start3A_1241 = tpu.memref_slice %arg10[%run_scoped3A, %dma_start3A_1240] : memref<2x128xi32, #tpu.memory_space<vmem>> -> memref<1x128xi32, #tpu.memory_space<vmem>>
      %dma_start3A_1242 = tpu.memref_squeeze %dma_start3A_1241 : memref<1x128xi32, #tpu.memory_space<vmem>> -> memref<128xi32, #tpu.memory_space<vmem>>
      %dma_start3A_1243 = arith.constant 0 : i32
      %dma_start3A_1244 = tpu.memref_slice %arg9[%run_scoped3A_901, %dma_start3A_1243] : memref<2x128xi32, #tpu.memory_space<vmem>> -> memref<1x128xi32, #tpu.memory_space<vmem>>
      %dma_start3A_1245 = tpu.memref_squeeze %dma_start3A_1244 : memref<1x128xi32, #tpu.memory_space<vmem>> -> memref<128xi32, #tpu.memory_space<vmem>>
      %dma_start3A_1246 = arith.constant 0 : i32
      %dma_start3A_1247 = tpu.memref_slice %arg16[%dma_start3A_1246] : memref<12288xi32, #tpu.memory_space<vmem_shared>> -> memref<12288xi32, #tpu.memory_space<vmem_shared>>
      tpu.enqueue_indirect_dma source(%dma_start3A_1242 : memref<128xi32, #tpu.memory_space<vmem>>) target(%dma_start3A_1247 : memref<12288xi32, #tpu.memory_space<vmem_shared>>) offsets(%dma_start3A_1245 : memref<128xi32, #tpu.memory_space<vmem>>) semaphore(%run_scoped3A_1239 : memref<!tpu.dma_semaphore, #tpu.memory_space<semaphore_mem>>)
      %dma_wait3A_1248 = arith.constant 0 : i32
      %dma_wait3A_1249 = tpu.memref_slice %arg10[%run_scoped3A, %dma_wait3A_1248] : memref<2x128xi32, #tpu.memory_space<vmem>> -> memref<1x128xi32, #tpu.memory_space<vmem>>
      %dma_wait3A_1250 = tpu.memref_squeeze %dma_wait3A_1249 : memref<1x128xi32, #tpu.memory_space<vmem>> -> memref<128xi32, #tpu.memory_space<vmem>>
      %dma_wait3A_1251 = arith.constant 0 : i32
      %dma_wait3A_1252 = tpu.memref_slice %arg9[%run_scoped3A_901, %dma_wait3A_1251] : memref<2x128xi32, #tpu.memory_space<vmem>> -> memref<1x128xi32, #tpu.memory_space<vmem>>
      %dma_wait3A_1253 = tpu.memref_squeeze %dma_wait3A_1252 : memref<1x128xi32, #tpu.memory_space<vmem>> -> memref<128xi32, #tpu.memory_space<vmem>>
      %dma_wait3A_1254 = arith.constant 0 : i32
      %dma_wait3A_1255 = tpu.memref_slice %arg16[%dma_wait3A_1254] : memref<12288xi32, #tpu.memory_space<vmem_shared>> -> memref<12288xi32, #tpu.memory_space<vmem_shared>>
      tpu.wait_indirect_dma semaphore(%run_scoped3A_1239 : memref<!tpu.dma_semaphore, #tpu.memory_space<semaphore_mem>>) src(%dma_wait3A_1250 : memref<128xi32, #tpu.memory_space<vmem>>) dst(%dma_wait3A_1255 : memref<12288xi32, #tpu.memory_space<vmem_shared>>)
      tpu.yield
    }) : () -> ()
    %run_scoped3A_902 = arith.constant 0 : i32
    %run_scoped3A_903 = arith.constant 0 : i32
    "tpu.region"() ({
      %run_scoped3A_1239 = tpu.sem_alloc : memref<!tpu.dma_semaphore, #tpu.memory_space<semaphore_mem>>
      %dma_start3A_1240 = arith.constant 0 : i32
      %dma_start3A_1241 = tpu.memref_slice %arg11[%run_scoped3A_902, %dma_start3A_1240] : memref<2x128xf32, #tpu.memory_space<vmem>> -> memref<1x128xf32, #tpu.memory_space<vmem>>
      %dma_start3A_1242 = tpu.memref_squeeze %dma_start3A_1241 : memref<1x128xf32, #tpu.memory_space<vmem>> -> memref<128xf32, #tpu.memory_space<vmem>>
      %dma_start3A_1243 = arith.constant 0 : i32
      %dma_start3A_1244 = tpu.memref_slice %arg9[%run_scoped3A_903, %dma_start3A_1243] : memref<2x128xi32, #tpu.memory_space<vmem>> -> memref<1x128xi32, #tpu.memory_space<vmem>>
      %dma_start3A_1245 = tpu.memref_squeeze %dma_start3A_1244 : memref<1x128xi32, #tpu.memory_space<vmem>> -> memref<128xi32, #tpu.memory_space<vmem>>
      %dma_start3A_1246 = arith.constant 0 : i32
      %dma_start3A_1247 = tpu.memref_slice %arg17[%dma_start3A_1246] : memref<12288xf32, #tpu.memory_space<vmem_shared>> -> memref<12288xf32, #tpu.memory_space<vmem_shared>>
      tpu.enqueue_indirect_dma source(%dma_start3A_1242 : memref<128xf32, #tpu.memory_space<vmem>>) target(%dma_start3A_1247 : memref<12288xf32, #tpu.memory_space<vmem_shared>>) offsets(%dma_start3A_1245 : memref<128xi32, #tpu.memory_space<vmem>>) semaphore(%run_scoped3A_1239 : memref<!tpu.dma_semaphore, #tpu.memory_space<semaphore_mem>>)
      %dma_wait3A_1248 = arith.constant 0 : i32
      %dma_wait3A_1249 = tpu.memref_slice %arg11[%run_scoped3A_902, %dma_wait3A_1248] : memref<2x128xf32, #tpu.memory_space<vmem>> -> memref<1x128xf32, #tpu.memory_space<vmem>>
      %dma_wait3A_1250 = tpu.memref_squeeze %dma_wait3A_1249 : memref<1x128xf32, #tpu.memory_space<vmem>> -> memref<128xf32, #tpu.memory_space<vmem>>
      %dma_wait3A_1251 = arith.constant 0 : i32
      %dma_wait3A_1252 = tpu.memref_slice %arg9[%run_scoped3A_903, %dma_wait3A_1251] : memref<2x128xi32, #tpu.memory_space<vmem>> -> memref<1x128xi32, #tpu.memory_space<vmem>>
      %dma_wait3A_1253 = tpu.memref_squeeze %dma_wait3A_1252 : memref<1x128xi32, #tpu.memory_space<vmem>> -> memref<128xi32, #tpu.memory_space<vmem>>
      %dma_wait3A_1254 = arith.constant 0 : i32
      %dma_wait3A_1255 = tpu.memref_slice %arg17[%dma_wait3A_1254] : memref<12288xf32, #tpu.memory_space<vmem_shared>> -> memref<12288xf32, #tpu.memory_space<vmem_shared>>
      tpu.wait_indirect_dma semaphore(%run_scoped3A_1239 : memref<!tpu.dma_semaphore, #tpu.memory_space<semaphore_mem>>) src(%dma_wait3A_1250 : memref<128xf32, #tpu.memory_space<vmem>>) dst(%dma_wait3A_1255 : memref<12288xf32, #tpu.memory_space<vmem_shared>>)
      tpu.yield
    }) : () -> ()
    %run_scoped3A_904 = arith.constant 1 : i32
    %run_scoped3A_905 = arith.constant 1 : i32
    "tpu.region"() ({
      %run_scoped3A_1239 = tpu.sem_alloc : memref<!tpu.dma_semaphore, #tpu.memory_space<semaphore_mem>>
      %dma_start3A_1240 = arith.constant 0 : i32
      %dma_start3A_1241 = tpu.memref_slice %arg10[%run_scoped3A_904, %dma_start3A_1240] : memref<2x128xi32, #tpu.memory_space<vmem>> -> memref<1x128xi32, #tpu.memory_space<vmem>>
      %dma_start3A_1242 = tpu.memref_squeeze %dma_start3A_1241 : memref<1x128xi32, #tpu.memory_space<vmem>> -> memref<128xi32, #tpu.memory_space<vmem>>
      %dma_start3A_1243 = arith.constant 0 : i32
      %dma_start3A_1244 = tpu.memref_slice %arg9[%run_scoped3A_905, %dma_start3A_1243] : memref<2x128xi32, #tpu.memory_space<vmem>> -> memref<1x128xi32, #tpu.memory_space<vmem>>
      %dma_start3A_1245 = tpu.memref_squeeze %dma_start3A_1244 : memref<1x128xi32, #tpu.memory_space<vmem>> -> memref<128xi32, #tpu.memory_space<vmem>>
      %dma_start3A_1246 = arith.constant 0 : i32
      %dma_start3A_1247 = tpu.memref_slice %arg16[%dma_start3A_1246] : memref<12288xi32, #tpu.memory_space<vmem_shared>> -> memref<12288xi32, #tpu.memory_space<vmem_shared>>
      tpu.enqueue_indirect_dma source(%dma_start3A_1242 : memref<128xi32, #tpu.memory_space<vmem>>) target(%dma_start3A_1247 : memref<12288xi32, #tpu.memory_space<vmem_shared>>) offsets(%dma_start3A_1245 : memref<128xi32, #tpu.memory_space<vmem>>) semaphore(%run_scoped3A_1239 : memref<!tpu.dma_semaphore, #tpu.memory_space<semaphore_mem>>)
      %dma_wait3A_1248 = arith.constant 0 : i32
      %dma_wait3A_1249 = tpu.memref_slice %arg10[%run_scoped3A_904, %dma_wait3A_1248] : memref<2x128xi32, #tpu.memory_space<vmem>> -> memref<1x128xi32, #tpu.memory_space<vmem>>
      %dma_wait3A_1250 = tpu.memref_squeeze %dma_wait3A_1249 : memref<1x128xi32, #tpu.memory_space<vmem>> -> memref<128xi32, #tpu.memory_space<vmem>>
      %dma_wait3A_1251 = arith.constant 0 : i32
      %dma_wait3A_1252 = tpu.memref_slice %arg9[%run_scoped3A_905, %dma_wait3A_1251] : memref<2x128xi32, #tpu.memory_space<vmem>> -> memref<1x128xi32, #tpu.memory_space<vmem>>
      %dma_wait3A_1253 = tpu.memref_squeeze %dma_wait3A_1252 : memref<1x128xi32, #tpu.memory_space<vmem>> -> memref<128xi32, #tpu.memory_space<vmem>>
      %dma_wait3A_1254 = arith.constant 0 : i32
      %dma_wait3A_1255 = tpu.memref_slice %arg16[%dma_wait3A_1254] : memref<12288xi32, #tpu.memory_space<vmem_shared>> -> memref<12288xi32, #tpu.memory_space<vmem_shared>>
      tpu.wait_indirect_dma semaphore(%run_scoped3A_1239 : memref<!tpu.dma_semaphore, #tpu.memory_space<semaphore_mem>>) src(%dma_wait3A_1250 : memref<128xi32, #tpu.memory_space<vmem>>) dst(%dma_wait3A_1255 : memref<12288xi32, #tpu.memory_space<vmem_shared>>)
      tpu.yield
    }) : () -> ()
    %run_scoped3A_906 = arith.constant 1 : i32
    %run_scoped3A_907 = arith.constant 1 : i32
    "tpu.region"() ({
      %run_scoped3A_1239 = tpu.sem_alloc : memref<!tpu.dma_semaphore, #tpu.memory_space<semaphore_mem>>
      %dma_start3A_1240 = arith.constant 0 : i32
      %dma_start3A_1241 = tpu.memref_slice %arg11[%run_scoped3A_906, %dma_start3A_1240] : memref<2x128xf32, #tpu.memory_space<vmem>> -> memref<1x128xf32, #tpu.memory_space<vmem>>
      %dma_start3A_1242 = tpu.memref_squeeze %dma_start3A_1241 : memref<1x128xf32, #tpu.memory_space<vmem>> -> memref<128xf32, #tpu.memory_space<vmem>>
      %dma_start3A_1243 = arith.constant 0 : i32
      %dma_start3A_1244 = tpu.memref_slice %arg9[%run_scoped3A_907, %dma_start3A_1243] : memref<2x128xi32, #tpu.memory_space<vmem>> -> memref<1x128xi32, #tpu.memory_space<vmem>>
      %dma_start3A_1245 = tpu.memref_squeeze %dma_start3A_1244 : memref<1x128xi32, #tpu.memory_space<vmem>> -> memref<128xi32, #tpu.memory_space<vmem>>
      %dma_start3A_1246 = arith.constant 0 : i32
      %dma_start3A_1247 = tpu.memref_slice %arg17[%dma_start3A_1246] : memref<12288xf32, #tpu.memory_space<vmem_shared>> -> memref<12288xf32, #tpu.memory_space<vmem_shared>>
      tpu.enqueue_indirect_dma source(%dma_start3A_1242 : memref<128xf32, #tpu.memory_space<vmem>>) target(%dma_start3A_1247 : memref<12288xf32, #tpu.memory_space<vmem_shared>>) offsets(%dma_start3A_1245 : memref<128xi32, #tpu.memory_space<vmem>>) semaphore(%run_scoped3A_1239 : memref<!tpu.dma_semaphore, #tpu.memory_space<semaphore_mem>>)
      %dma_wait3A_1248 = arith.constant 0 : i32
      %dma_wait3A_1249 = tpu.memref_slice %arg11[%run_scoped3A_906, %dma_wait3A_1248] : memref<2x128xf32, #tpu.memory_space<vmem>> -> memref<1x128xf32, #tpu.memory_space<vmem>>
      %dma_wait3A_1250 = tpu.memref_squeeze %dma_wait3A_1249 : memref<1x128xf32, #tpu.memory_space<vmem>> -> memref<128xf32, #tpu.memory_space<vmem>>
      %dma_wait3A_1251 = arith.constant 0 : i32
      %dma_wait3A_1252 = tpu.memref_slice %arg9[%run_scoped3A_907, %dma_wait3A_1251] : memref<2x128xi32, #tpu.memory_space<vmem>> -> memref<1x128xi32, #tpu.memory_space<vmem>>
      %dma_wait3A_1253 = tpu.memref_squeeze %dma_wait3A_1252 : memref<1x128xi32, #tpu.memory_space<vmem>> -> memref<128xi32, #tpu.memory_space<vmem>>
      %dma_wait3A_1254 = arith.constant 0 : i32
      %dma_wait3A_1255 = tpu.memref_slice %arg17[%dma_wait3A_1254] : memref<12288xf32, #tpu.memory_space<vmem_shared>> -> memref<12288xf32, #tpu.memory_space<vmem_shared>>
      tpu.wait_indirect_dma semaphore(%run_scoped3A_1239 : memref<!tpu.dma_semaphore, #tpu.memory_space<semaphore_mem>>) src(%dma_wait3A_1250 : memref<128xf32, #tpu.memory_space<vmem>>) dst(%dma_wait3A_1255 : memref<12288xf32, #tpu.memory_space<vmem_shared>>)
      tpu.yield
    }) : () -> ()
    %barrier3A_908 = arith.constant 0 : index
    tpu.barrier barrier_id(%barrier3A_908)
    %mul3A_909 = arith.constant 384 : i32
    %mul3A_910 = arith.muli %add3A, %mul3A_909 : i32
    %add3A_911 = arith.constant 0 : i32
    %add3A_912 = arith.addi %mul3A_910, %add3A_911 : i32
    %run_scoped3A_913 = arith.constant 0 : i32
    "tpu.region"() ({
      %run_scoped3A_1239 = tpu.sem_alloc : memref<!tpu.dma_semaphore, #tpu.memory_space<semaphore_mem>>
      %dma_start3A_1240 = arith.constant 0 : i32
      %dma_start3A_1241 = tpu.memref_slice %arg14[%run_scoped3A_913, %dma_start3A_1240] : memref<6x64xi32, #tpu.memory_space<vmem>> -> memref<1x64xi32, #tpu.memory_space<vmem>>
      %dma_start3A_1242 = tpu.memref_squeeze %dma_start3A_1241 : memref<1x64xi32, #tpu.memory_space<vmem>> -> memref<64xi32, #tpu.memory_space<vmem>>
      %dma_start3A_1243 = tpu.memref_slice %arg16[%add3A_912] : memref<12288xi32, #tpu.memory_space<vmem_shared>> -> memref<64xi32, #tpu.memory_space<vmem_shared>>
      %dma_start3A_1244 = arith.constant 0 : i32
      %dma_start3A_1245 = tpu.memref_slice %arg14[%run_scoped3A_913, %dma_start3A_1244] : memref<6x64xi32, #tpu.memory_space<vmem>> -> memref<1x64xi32, #tpu.memory_space<vmem>>
      %dma_start3A_1246 = tpu.memref_squeeze %dma_start3A_1245 : memref<1x64xi32, #tpu.memory_space<vmem>> -> memref<64xi32, #tpu.memory_space<vmem>>
      %dma_start3A_1247 = tpu.memref_slice %arg16[%add3A_912] : memref<12288xi32, #tpu.memory_space<vmem_shared>> -> memref<64xi32, #tpu.memory_space<vmem_shared>>
      tpu.enqueue_dma source(%dma_start3A_1247 : memref<64xi32, #tpu.memory_space<vmem_shared>>) target(%dma_start3A_1246 : memref<64xi32, #tpu.memory_space<vmem>>) target_semaphore(%run_scoped3A_1239 : memref<!tpu.dma_semaphore, #tpu.memory_space<semaphore_mem>>)
      %dma_wait3A_1248 = arith.constant 0 : i32
      %dma_wait3A_1249 = tpu.memref_slice %arg14[%run_scoped3A_913, %dma_wait3A_1248] : memref<6x64xi32, #tpu.memory_space<vmem>> -> memref<1x64xi32, #tpu.memory_space<vmem>>
      %dma_wait3A_1250 = tpu.memref_squeeze %dma_wait3A_1249 : memref<1x64xi32, #tpu.memory_space<vmem>> -> memref<64xi32, #tpu.memory_space<vmem>>
      %dma_wait3A_1251 = tpu.memref_slice %arg16[%add3A_912] : memref<12288xi32, #tpu.memory_space<vmem_shared>> -> memref<64xi32, #tpu.memory_space<vmem_shared>>
      %dma_wait3A_1252 = arith.constant 0 : i32
      %dma_wait3A_1253 = tpu.memref_slice %arg14[%run_scoped3A_913, %dma_wait3A_1252] : memref<6x64xi32, #tpu.memory_space<vmem>> -> memref<1x64xi32, #tpu.memory_space<vmem>>
      %dma_wait3A_1254 = tpu.memref_squeeze %dma_wait3A_1253 : memref<1x64xi32, #tpu.memory_space<vmem>> -> memref<64xi32, #tpu.memory_space<vmem>>
      %dma_wait3A_1255 = tpu.memref_slice %arg16[%add3A_912] : memref<12288xi32, #tpu.memory_space<vmem_shared>> -> memref<64xi32, #tpu.memory_space<vmem_shared>>
      tpu.wait_dma2 semaphore(%run_scoped3A_1239 : memref<!tpu.dma_semaphore, #tpu.memory_space<semaphore_mem>>) src(%dma_wait3A_1255 : memref<64xi32, #tpu.memory_space<vmem_shared>>) dst(%dma_wait3A_1254 : memref<64xi32, #tpu.memory_space<vmem>>)
      tpu.yield
    }) : () -> ()
    %add3A_914 = arith.constant 64 : i32
    %add3A_915 = arith.addi %mul3A_910, %add3A_914 : i32
    %run_scoped3A_916 = arith.constant 1 : i32
    "tpu.region"() ({
      %run_scoped3A_1239 = tpu.sem_alloc : memref<!tpu.dma_semaphore, #tpu.memory_space<semaphore_mem>>
      %dma_start3A_1240 = arith.constant 0 : i32
      %dma_start3A_1241 = tpu.memref_slice %arg14[%run_scoped3A_916, %dma_start3A_1240] : memref<6x64xi32, #tpu.memory_space<vmem>> -> memref<1x64xi32, #tpu.memory_space<vmem>>
      %dma_start3A_1242 = tpu.memref_squeeze %dma_start3A_1241 : memref<1x64xi32, #tpu.memory_space<vmem>> -> memref<64xi32, #tpu.memory_space<vmem>>
      %dma_start3A_1243 = tpu.memref_slice %arg16[%add3A_915] : memref<12288xi32, #tpu.memory_space<vmem_shared>> -> memref<64xi32, #tpu.memory_space<vmem_shared>>
      %dma_start3A_1244 = arith.constant 0 : i32
      %dma_start3A_1245 = tpu.memref_slice %arg14[%run_scoped3A_916, %dma_start3A_1244] : memref<6x64xi32, #tpu.memory_space<vmem>> -> memref<1x64xi32, #tpu.memory_space<vmem>>
      %dma_start3A_1246 = tpu.memref_squeeze %dma_start3A_1245 : memref<1x64xi32, #tpu.memory_space<vmem>> -> memref<64xi32, #tpu.memory_space<vmem>>
      %dma_start3A_1247 = tpu.memref_slice %arg16[%add3A_915] : memref<12288xi32, #tpu.memory_space<vmem_shared>> -> memref<64xi32, #tpu.memory_space<vmem_shared>>
      tpu.enqueue_dma source(%dma_start3A_1247 : memref<64xi32, #tpu.memory_space<vmem_shared>>) target(%dma_start3A_1246 : memref<64xi32, #tpu.memory_space<vmem>>) target_semaphore(%run_scoped3A_1239 : memref<!tpu.dma_semaphore, #tpu.memory_space<semaphore_mem>>)
      %dma_wait3A_1248 = arith.constant 0 : i32
      %dma_wait3A_1249 = tpu.memref_slice %arg14[%run_scoped3A_916, %dma_wait3A_1248] : memref<6x64xi32, #tpu.memory_space<vmem>> -> memref<1x64xi32, #tpu.memory_space<vmem>>
      %dma_wait3A_1250 = tpu.memref_squeeze %dma_wait3A_1249 : memref<1x64xi32, #tpu.memory_space<vmem>> -> memref<64xi32, #tpu.memory_space<vmem>>
      %dma_wait3A_1251 = tpu.memref_slice %arg16[%add3A_915] : memref<12288xi32, #tpu.memory_space<vmem_shared>> -> memref<64xi32, #tpu.memory_space<vmem_shared>>
      %dma_wait3A_1252 = arith.constant 0 : i32
      %dma_wait3A_1253 = tpu.memref_slice %arg14[%run_scoped3A_916, %dma_wait3A_1252] : memref<6x64xi32, #tpu.memory_space<vmem>> -> memref<1x64xi32, #tpu.memory_space<vmem>>
      %dma_wait3A_1254 = tpu.memref_squeeze %dma_wait3A_1253 : memref<1x64xi32, #tpu.memory_space<vmem>> -> memref<64xi32, #tpu.memory_space<vmem>>
      %dma_wait3A_1255 = tpu.memref_slice %arg16[%add3A_915] : memref<12288xi32, #tpu.memory_space<vmem_shared>> -> memref<64xi32, #tpu.memory_space<vmem_shared>>
      tpu.wait_dma2 semaphore(%run_scoped3A_1239 : memref<!tpu.dma_semaphore, #tpu.memory_space<semaphore_mem>>) src(%dma_wait3A_1255 : memref<64xi32, #tpu.memory_space<vmem_shared>>) dst(%dma_wait3A_1254 : memref<64xi32, #tpu.memory_space<vmem>>)
      tpu.yield
    }) : () -> ()
    %add3A_917 = arith.constant 128 : i32
    %add3A_918 = arith.addi %mul3A_910, %add3A_917 : i32
    %run_scoped3A_919 = arith.constant 2 : i32
    "tpu.region"() ({
      %run_scoped3A_1239 = tpu.sem_alloc : memref<!tpu.dma_semaphore, #tpu.memory_space<semaphore_mem>>
      %dma_start3A_1240 = arith.constant 0 : i32
      %dma_start3A_1241 = tpu.memref_slice %arg14[%run_scoped3A_919, %dma_start3A_1240] : memref<6x64xi32, #tpu.memory_space<vmem>> -> memref<1x64xi32, #tpu.memory_space<vmem>>
      %dma_start3A_1242 = tpu.memref_squeeze %dma_start3A_1241 : memref<1x64xi32, #tpu.memory_space<vmem>> -> memref<64xi32, #tpu.memory_space<vmem>>
      %dma_start3A_1243 = tpu.memref_slice %arg16[%add3A_918] : memref<12288xi32, #tpu.memory_space<vmem_shared>> -> memref<64xi32, #tpu.memory_space<vmem_shared>>
      %dma_start3A_1244 = arith.constant 0 : i32
      %dma_start3A_1245 = tpu.memref_slice %arg14[%run_scoped3A_919, %dma_start3A_1244] : memref<6x64xi32, #tpu.memory_space<vmem>> -> memref<1x64xi32, #tpu.memory_space<vmem>>
      %dma_start3A_1246 = tpu.memref_squeeze %dma_start3A_1245 : memref<1x64xi32, #tpu.memory_space<vmem>> -> memref<64xi32, #tpu.memory_space<vmem>>
      %dma_start3A_1247 = tpu.memref_slice %arg16[%add3A_918] : memref<12288xi32, #tpu.memory_space<vmem_shared>> -> memref<64xi32, #tpu.memory_space<vmem_shared>>
      tpu.enqueue_dma source(%dma_start3A_1247 : memref<64xi32, #tpu.memory_space<vmem_shared>>) target(%dma_start3A_1246 : memref<64xi32, #tpu.memory_space<vmem>>) target_semaphore(%run_scoped3A_1239 : memref<!tpu.dma_semaphore, #tpu.memory_space<semaphore_mem>>)
      %dma_wait3A_1248 = arith.constant 0 : i32
      %dma_wait3A_1249 = tpu.memref_slice %arg14[%run_scoped3A_919, %dma_wait3A_1248] : memref<6x64xi32, #tpu.memory_space<vmem>> -> memref<1x64xi32, #tpu.memory_space<vmem>>
      %dma_wait3A_1250 = tpu.memref_squeeze %dma_wait3A_1249 : memref<1x64xi32, #tpu.memory_space<vmem>> -> memref<64xi32, #tpu.memory_space<vmem>>
      %dma_wait3A_1251 = tpu.memref_slice %arg16[%add3A_918] : memref<12288xi32, #tpu.memory_space<vmem_shared>> -> memref<64xi32, #tpu.memory_space<vmem_shared>>
      %dma_wait3A_1252 = arith.constant 0 : i32
      %dma_wait3A_1253 = tpu.memref_slice %arg14[%run_scoped3A_919, %dma_wait3A_1252] : memref<6x64xi32, #tpu.memory_space<vmem>> -> memref<1x64xi32, #tpu.memory_space<vmem>>
      %dma_wait3A_1254 = tpu.memref_squeeze %dma_wait3A_1253 : memref<1x64xi32, #tpu.memory_space<vmem>> -> memref<64xi32, #tpu.memory_space<vmem>>
      %dma_wait3A_1255 = tpu.memref_slice %arg16[%add3A_918] : memref<12288xi32, #tpu.memory_space<vmem_shared>> -> memref<64xi32, #tpu.memory_space<vmem_shared>>
      tpu.wait_dma2 semaphore(%run_scoped3A_1239 : memref<!tpu.dma_semaphore, #tpu.memory_space<semaphore_mem>>) src(%dma_wait3A_1255 : memref<64xi32, #tpu.memory_space<vmem_shared>>) dst(%dma_wait3A_1254 : memref<64xi32, #tpu.memory_space<vmem>>)
      tpu.yield
    }) : () -> ()
    %add3A_920 = arith.constant 192 : i32
    %add3A_921 = arith.addi %mul3A_910, %add3A_920 : i32
    %run_scoped3A_922 = arith.constant 3 : i32
    "tpu.region"() ({
      %run_scoped3A_1239 = tpu.sem_alloc : memref<!tpu.dma_semaphore, #tpu.memory_space<semaphore_mem>>
      %dma_start3A_1240 = arith.constant 0 : i32
      %dma_start3A_1241 = tpu.memref_slice %arg14[%run_scoped3A_922, %dma_start3A_1240] : memref<6x64xi32, #tpu.memory_space<vmem>> -> memref<1x64xi32, #tpu.memory_space<vmem>>
      %dma_start3A_1242 = tpu.memref_squeeze %dma_start3A_1241 : memref<1x64xi32, #tpu.memory_space<vmem>> -> memref<64xi32, #tpu.memory_space<vmem>>
      %dma_start3A_1243 = tpu.memref_slice %arg16[%add3A_921] : memref<12288xi32, #tpu.memory_space<vmem_shared>> -> memref<64xi32, #tpu.memory_space<vmem_shared>>
      %dma_start3A_1244 = arith.constant 0 : i32
      %dma_start3A_1245 = tpu.memref_slice %arg14[%run_scoped3A_922, %dma_start3A_1244] : memref<6x64xi32, #tpu.memory_space<vmem>> -> memref<1x64xi32, #tpu.memory_space<vmem>>
      %dma_start3A_1246 = tpu.memref_squeeze %dma_start3A_1245 : memref<1x64xi32, #tpu.memory_space<vmem>> -> memref<64xi32, #tpu.memory_space<vmem>>
      %dma_start3A_1247 = tpu.memref_slice %arg16[%add3A_921] : memref<12288xi32, #tpu.memory_space<vmem_shared>> -> memref<64xi32, #tpu.memory_space<vmem_shared>>
      tpu.enqueue_dma source(%dma_start3A_1247 : memref<64xi32, #tpu.memory_space<vmem_shared>>) target(%dma_start3A_1246 : memref<64xi32, #tpu.memory_space<vmem>>) target_semaphore(%run_scoped3A_1239 : memref<!tpu.dma_semaphore, #tpu.memory_space<semaphore_mem>>)
      %dma_wait3A_1248 = arith.constant 0 : i32
      %dma_wait3A_1249 = tpu.memref_slice %arg14[%run_scoped3A_922, %dma_wait3A_1248] : memref<6x64xi32, #tpu.memory_space<vmem>> -> memref<1x64xi32, #tpu.memory_space<vmem>>
      %dma_wait3A_1250 = tpu.memref_squeeze %dma_wait3A_1249 : memref<1x64xi32, #tpu.memory_space<vmem>> -> memref<64xi32, #tpu.memory_space<vmem>>
      %dma_wait3A_1251 = tpu.memref_slice %arg16[%add3A_921] : memref<12288xi32, #tpu.memory_space<vmem_shared>> -> memref<64xi32, #tpu.memory_space<vmem_shared>>
      %dma_wait3A_1252 = arith.constant 0 : i32
      %dma_wait3A_1253 = tpu.memref_slice %arg14[%run_scoped3A_922, %dma_wait3A_1252] : memref<6x64xi32, #tpu.memory_space<vmem>> -> memref<1x64xi32, #tpu.memory_space<vmem>>
      %dma_wait3A_1254 = tpu.memref_squeeze %dma_wait3A_1253 : memref<1x64xi32, #tpu.memory_space<vmem>> -> memref<64xi32, #tpu.memory_space<vmem>>
      %dma_wait3A_1255 = tpu.memref_slice %arg16[%add3A_921] : memref<12288xi32, #tpu.memory_space<vmem_shared>> -> memref<64xi32, #tpu.memory_space<vmem_shared>>
      tpu.wait_dma2 semaphore(%run_scoped3A_1239 : memref<!tpu.dma_semaphore, #tpu.memory_space<semaphore_mem>>) src(%dma_wait3A_1255 : memref<64xi32, #tpu.memory_space<vmem_shared>>) dst(%dma_wait3A_1254 : memref<64xi32, #tpu.memory_space<vmem>>)
      tpu.yield
    }) : () -> ()
    %add3A_923 = arith.constant 256 : i32
    %add3A_924 = arith.addi %mul3A_910, %add3A_923 : i32
    %run_scoped3A_925 = arith.constant 4 : i32
    "tpu.region"() ({
      %run_scoped3A_1239 = tpu.sem_alloc : memref<!tpu.dma_semaphore, #tpu.memory_space<semaphore_mem>>
      %dma_start3A_1240 = arith.constant 0 : i32
      %dma_start3A_1241 = tpu.memref_slice %arg14[%run_scoped3A_925, %dma_start3A_1240] : memref<6x64xi32, #tpu.memory_space<vmem>> -> memref<1x64xi32, #tpu.memory_space<vmem>>
      %dma_start3A_1242 = tpu.memref_squeeze %dma_start3A_1241 : memref<1x64xi32, #tpu.memory_space<vmem>> -> memref<64xi32, #tpu.memory_space<vmem>>
      %dma_start3A_1243 = tpu.memref_slice %arg16[%add3A_924] : memref<12288xi32, #tpu.memory_space<vmem_shared>> -> memref<64xi32, #tpu.memory_space<vmem_shared>>
      %dma_start3A_1244 = arith.constant 0 : i32
      %dma_start3A_1245 = tpu.memref_slice %arg14[%run_scoped3A_925, %dma_start3A_1244] : memref<6x64xi32, #tpu.memory_space<vmem>> -> memref<1x64xi32, #tpu.memory_space<vmem>>
      %dma_start3A_1246 = tpu.memref_squeeze %dma_start3A_1245 : memref<1x64xi32, #tpu.memory_space<vmem>> -> memref<64xi32, #tpu.memory_space<vmem>>
      %dma_start3A_1247 = tpu.memref_slice %arg16[%add3A_924] : memref<12288xi32, #tpu.memory_space<vmem_shared>> -> memref<64xi32, #tpu.memory_space<vmem_shared>>
      tpu.enqueue_dma source(%dma_start3A_1247 : memref<64xi32, #tpu.memory_space<vmem_shared>>) target(%dma_start3A_1246 : memref<64xi32, #tpu.memory_space<vmem>>) target_semaphore(%run_scoped3A_1239 : memref<!tpu.dma_semaphore, #tpu.memory_space<semaphore_mem>>)
      %dma_wait3A_1248 = arith.constant 0 : i32
      %dma_wait3A_1249 = tpu.memref_slice %arg14[%run_scoped3A_925, %dma_wait3A_1248] : memref<6x64xi32, #tpu.memory_space<vmem>> -> memref<1x64xi32, #tpu.memory_space<vmem>>
      %dma_wait3A_1250 = tpu.memref_squeeze %dma_wait3A_1249 : memref<1x64xi32, #tpu.memory_space<vmem>> -> memref<64xi32, #tpu.memory_space<vmem>>
      %dma_wait3A_1251 = tpu.memref_slice %arg16[%add3A_924] : memref<12288xi32, #tpu.memory_space<vmem_shared>> -> memref<64xi32, #tpu.memory_space<vmem_shared>>
      %dma_wait3A_1252 = arith.constant 0 : i32
      %dma_wait3A_1253 = tpu.memref_slice %arg14[%run_scoped3A_925, %dma_wait3A_1252] : memref<6x64xi32, #tpu.memory_space<vmem>> -> memref<1x64xi32, #tpu.memory_space<vmem>>
      %dma_wait3A_1254 = tpu.memref_squeeze %dma_wait3A_1253 : memref<1x64xi32, #tpu.memory_space<vmem>> -> memref<64xi32, #tpu.memory_space<vmem>>
      %dma_wait3A_1255 = tpu.memref_slice %arg16[%add3A_924] : memref<12288xi32, #tpu.memory_space<vmem_shared>> -> memref<64xi32, #tpu.memory_space<vmem_shared>>
      tpu.wait_dma2 semaphore(%run_scoped3A_1239 : memref<!tpu.dma_semaphore, #tpu.memory_space<semaphore_mem>>) src(%dma_wait3A_1255 : memref<64xi32, #tpu.memory_space<vmem_shared>>) dst(%dma_wait3A_1254 : memref<64xi32, #tpu.memory_space<vmem>>)
      tpu.yield
    }) : () -> ()
    %add3A_926 = arith.constant 320 : i32
    %add3A_927 = arith.addi %mul3A_910, %add3A_926 : i32
    %run_scoped3A_928 = arith.constant 5 : i32
    "tpu.region"() ({
      %run_scoped3A_1239 = tpu.sem_alloc : memref<!tpu.dma_semaphore, #tpu.memory_space<semaphore_mem>>
      %dma_start3A_1240 = arith.constant 0 : i32
      %dma_start3A_1241 = tpu.memref_slice %arg14[%run_scoped3A_928, %dma_start3A_1240] : memref<6x64xi32, #tpu.memory_space<vmem>> -> memref<1x64xi32, #tpu.memory_space<vmem>>
      %dma_start3A_1242 = tpu.memref_squeeze %dma_start3A_1241 : memref<1x64xi32, #tpu.memory_space<vmem>> -> memref<64xi32, #tpu.memory_space<vmem>>
      %dma_start3A_1243 = tpu.memref_slice %arg16[%add3A_927] : memref<12288xi32, #tpu.memory_space<vmem_shared>> -> memref<64xi32, #tpu.memory_space<vmem_shared>>
      %dma_start3A_1244 = arith.constant 0 : i32
      %dma_start3A_1245 = tpu.memref_slice %arg14[%run_scoped3A_928, %dma_start3A_1244] : memref<6x64xi32, #tpu.memory_space<vmem>> -> memref<1x64xi32, #tpu.memory_space<vmem>>
      %dma_start3A_1246 = tpu.memref_squeeze %dma_start3A_1245 : memref<1x64xi32, #tpu.memory_space<vmem>> -> memref<64xi32, #tpu.memory_space<vmem>>
      %dma_start3A_1247 = tpu.memref_slice %arg16[%add3A_927] : memref<12288xi32, #tpu.memory_space<vmem_shared>> -> memref<64xi32, #tpu.memory_space<vmem_shared>>
      tpu.enqueue_dma source(%dma_start3A_1247 : memref<64xi32, #tpu.memory_space<vmem_shared>>) target(%dma_start3A_1246 : memref<64xi32, #tpu.memory_space<vmem>>) target_semaphore(%run_scoped3A_1239 : memref<!tpu.dma_semaphore, #tpu.memory_space<semaphore_mem>>)
      %dma_wait3A_1248 = arith.constant 0 : i32
      %dma_wait3A_1249 = tpu.memref_slice %arg14[%run_scoped3A_928, %dma_wait3A_1248] : memref<6x64xi32, #tpu.memory_space<vmem>> -> memref<1x64xi32, #tpu.memory_space<vmem>>
      %dma_wait3A_1250 = tpu.memref_squeeze %dma_wait3A_1249 : memref<1x64xi32, #tpu.memory_space<vmem>> -> memref<64xi32, #tpu.memory_space<vmem>>
      %dma_wait3A_1251 = tpu.memref_slice %arg16[%add3A_927] : memref<12288xi32, #tpu.memory_space<vmem_shared>> -> memref<64xi32, #tpu.memory_space<vmem_shared>>
      %dma_wait3A_1252 = arith.constant 0 : i32
      %dma_wait3A_1253 = tpu.memref_slice %arg14[%run_scoped3A_928, %dma_wait3A_1252] : memref<6x64xi32, #tpu.memory_space<vmem>> -> memref<1x64xi32, #tpu.memory_space<vmem>>
      %dma_wait3A_1254 = tpu.memref_squeeze %dma_wait3A_1253 : memref<1x64xi32, #tpu.memory_space<vmem>> -> memref<64xi32, #tpu.memory_space<vmem>>
      %dma_wait3A_1255 = tpu.memref_slice %arg16[%add3A_927] : memref<12288xi32, #tpu.memory_space<vmem_shared>> -> memref<64xi32, #tpu.memory_space<vmem_shared>>
      tpu.wait_dma2 semaphore(%run_scoped3A_1239 : memref<!tpu.dma_semaphore, #tpu.memory_space<semaphore_mem>>) src(%dma_wait3A_1255 : memref<64xi32, #tpu.memory_space<vmem_shared>>) dst(%dma_wait3A_1254 : memref<64xi32, #tpu.memory_space<vmem>>)
      tpu.yield
    }) : () -> ()
    "tpu.region"() ({
      %run_scoped3A_1239 = tpu.sem_alloc : memref<!tpu.dma_semaphore, #tpu.memory_space<semaphore_mem>>
      %dma_start3A_1240 = tpu.memref_slice %arg8[%mul3A_910] : memref<12288xf32, #tpu.memory_space<hbm>> -> memref<384xf32, #tpu.memory_space<hbm>>
      %dma_start3A_1241 = tpu.memref_slice %arg17[%mul3A_910] : memref<12288xf32, #tpu.memory_space<vmem_shared>> -> memref<384xf32, #tpu.memory_space<vmem_shared>>
      tpu.enqueue_dma source(%dma_start3A_1241 : memref<384xf32, #tpu.memory_space<vmem_shared>>) target(%dma_start3A_1240 : memref<384xf32, #tpu.memory_space<hbm>>) target_semaphore(%run_scoped3A_1239 : memref<!tpu.dma_semaphore, #tpu.memory_space<semaphore_mem>>)
      %dma_wait3A_1242 = tpu.memref_slice %arg8[%mul3A_910] : memref<12288xf32, #tpu.memory_space<hbm>> -> memref<384xf32, #tpu.memory_space<hbm>>
      %dma_wait3A_1243 = tpu.memref_slice %arg17[%mul3A_910] : memref<12288xf32, #tpu.memory_space<vmem_shared>> -> memref<384xf32, #tpu.memory_space<vmem_shared>>
      tpu.wait_dma2 semaphore(%run_scoped3A_1239 : memref<!tpu.dma_semaphore, #tpu.memory_space<semaphore_mem>>) src(%dma_wait3A_1243 : memref<384xf32, #tpu.memory_space<vmem_shared>>) dst(%dma_wait3A_1242 : memref<384xf32, #tpu.memory_space<hbm>>)
      tpu.yield
    }) : () -> ()
    %dma_start3A = arith.constant 0 : i32
    %dma_start3A_929 = arith.constant 0 : i32
    %dma_start3A_930 = arith.constant 0 : i32
    %dma_start3A_931 = arith.constant 0 : i32
    %dma_start3A_932 = tpu.memref_slice %arg15[%dma_start3A_929, %dma_start3A_930, %dma_start3A_931] : memref<2x64x768xf32, #tpu.memory_space<vmem>> -> memref<1x64x768xf32, #tpu.memory_space<vmem>>
    %dma_start3A_933 = tpu.memref_squeeze %dma_start3A_932 : memref<1x64x768xf32, #tpu.memory_space<vmem>> -> memref<64x768xf32, #tpu.memory_space<vmem>>
    %dma_start3A_934 = arith.constant 0 : i32
    %dma_start3A_935 = tpu.memref_slice %arg14[%dma_start3A, %dma_start3A_934] : memref<6x64xi32, #tpu.memory_space<vmem>> -> memref<1x64xi32, #tpu.memory_space<vmem>>
    %dma_start3A_936 = tpu.memref_squeeze %dma_start3A_935 : memref<1x64xi32, #tpu.memory_space<vmem>> -> memref<64xi32, #tpu.memory_space<vmem>>
    %dma_start3A_937 = arith.constant 0 : i32
    %dma_start3A_938 = arith.constant 0 : i32
    %dma_start3A_939 = tpu.memref_slice %arg2[%dma_start3A_937, %dma_start3A_938] : memref<2048x768xf32, #tpu.memory_space<hbm>> -> memref<2048x768xf32, #tpu.memory_space<hbm>>
    tpu.enqueue_indirect_dma source(%dma_start3A_939 : memref<2048x768xf32, #tpu.memory_space<hbm>>) target(%dma_start3A_933 : memref<64x768xf32, #tpu.memory_space<vmem>>) offsets(%dma_start3A_936 : memref<64xi32, #tpu.memory_space<vmem>>) semaphore(%arg18 : memref<!tpu.dma_semaphore, #tpu.memory_space<semaphore_mem>>)
    %dma_wait3A = arith.constant 0 : i32
    %dma_wait3A_940 = arith.constant 0 : i32
    %dma_wait3A_941 = arith.constant 0 : i32
    %dma_wait3A_942 = arith.constant 0 : i32
    %dma_wait3A_943 = tpu.memref_slice %arg15[%dma_wait3A_940, %dma_wait3A_941, %dma_wait3A_942] : memref<2x64x768xf32, #tpu.memory_space<vmem>> -> memref<1x64x768xf32, #tpu.memory_space<vmem>>
    %dma_wait3A_944 = tpu.memref_squeeze %dma_wait3A_943 : memref<1x64x768xf32, #tpu.memory_space<vmem>> -> memref<64x768xf32, #tpu.memory_space<vmem>>
    %dma_wait3A_945 = arith.constant 0 : i32
    %dma_wait3A_946 = tpu.memref_slice %arg14[%dma_wait3A, %dma_wait3A_945] : memref<6x64xi32, #tpu.memory_space<vmem>> -> memref<1x64xi32, #tpu.memory_space<vmem>>
    %dma_wait3A_947 = tpu.memref_squeeze %dma_wait3A_946 : memref<1x64xi32, #tpu.memory_space<vmem>> -> memref<64xi32, #tpu.memory_space<vmem>>
    %dma_wait3A_948 = arith.constant 0 : i32
    %dma_wait3A_949 = arith.constant 0 : i32
    %dma_wait3A_950 = tpu.memref_slice %arg2[%dma_wait3A_948, %dma_wait3A_949] : memref<2048x768xf32, #tpu.memory_space<hbm>> -> memref<2048x768xf32, #tpu.memory_space<hbm>>
    tpu.wait_indirect_dma semaphore(%arg18 : memref<!tpu.dma_semaphore, #tpu.memory_space<semaphore_mem>>) src(%dma_wait3A_950 : memref<2048x768xf32, #tpu.memory_space<hbm>>) dst(%dma_wait3A_944 : memref<64x768xf32, #tpu.memory_space<vmem>>)
    %dma_start3A_951 = arith.constant 1 : i32
    %dma_start3A_952 = arith.constant 1 : i32
    %dma_start3A_953 = arith.constant 0 : i32
    %dma_start3A_954 = arith.constant 0 : i32
    %dma_start3A_955 = tpu.memref_slice %arg15[%dma_start3A_952, %dma_start3A_953, %dma_start3A_954] : memref<2x64x768xf32, #tpu.memory_space<vmem>> -> memref<1x64x768xf32, #tpu.memory_space<vmem>>
    %dma_start3A_956 = tpu.memref_squeeze %dma_start3A_955 : memref<1x64x768xf32, #tpu.memory_space<vmem>> -> memref<64x768xf32, #tpu.memory_space<vmem>>
    %dma_start3A_957 = arith.constant 0 : i32
    %dma_start3A_958 = tpu.memref_slice %arg14[%dma_start3A_951, %dma_start3A_957] : memref<6x64xi32, #tpu.memory_space<vmem>> -> memref<1x64xi32, #tpu.memory_space<vmem>>
    %dma_start3A_959 = tpu.memref_squeeze %dma_start3A_958 : memref<1x64xi32, #tpu.memory_space<vmem>> -> memref<64xi32, #tpu.memory_space<vmem>>
    %dma_start3A_960 = arith.constant 0 : i32
    %dma_start3A_961 = arith.constant 0 : i32
    %dma_start3A_962 = tpu.memref_slice %arg2[%dma_start3A_960, %dma_start3A_961] : memref<2048x768xf32, #tpu.memory_space<hbm>> -> memref<2048x768xf32, #tpu.memory_space<hbm>>
    tpu.enqueue_indirect_dma source(%dma_start3A_962 : memref<2048x768xf32, #tpu.memory_space<hbm>>) target(%dma_start3A_956 : memref<64x768xf32, #tpu.memory_space<vmem>>) offsets(%dma_start3A_959 : memref<64xi32, #tpu.memory_space<vmem>>) semaphore(%arg19 : memref<!tpu.dma_semaphore, #tpu.memory_space<semaphore_mem>>)
    %add3A_963 = arith.constant 0 : i32
    %add3A_964 = arith.addi %mul3A_910, %add3A_963 : i32
    %dma_start3A_965 = arith.constant 0 : i32
    %dma_start3A_966 = arith.constant 0 : i32
    %dma_start3A_967 = arith.constant 0 : i32
    %dma_start3A_968 = tpu.memref_slice %arg15[%dma_start3A_965, %dma_start3A_966, %dma_start3A_967] : memref<2x64x768xf32, #tpu.memory_space<vmem>> -> memref<1x64x768xf32, #tpu.memory_space<vmem>>
    %dma_start3A_969 = tpu.memref_squeeze %dma_start3A_968 : memref<1x64x768xf32, #tpu.memory_space<vmem>> -> memref<64x768xf32, #tpu.memory_space<vmem>>
    %dma_start3A_970 = arith.constant 0 : i32
    %dma_start3A_971 = tpu.memref_slice %arg7[%add3A_964, %dma_start3A_970] : memref<12288x768xf32, #tpu.memory_space<hbm>> -> memref<64x768xf32, #tpu.memory_space<hbm>>
    %dma_start3A_972 = arith.constant 0 : i32
    %dma_start3A_973 = tpu.memref_slice %arg7[%add3A_964, %dma_start3A_972] : memref<12288x768xf32, #tpu.memory_space<hbm>> -> memref<64x768xf32, #tpu.memory_space<hbm>>
    %dma_start3A_974 = arith.constant 0 : i32
    %dma_start3A_975 = arith.constant 0 : i32
    %dma_start3A_976 = tpu.memref_slice %arg15[%dma_start3A_965, %dma_start3A_974, %dma_start3A_975] : memref<2x64x768xf32, #tpu.memory_space<vmem>> -> memref<1x64x768xf32, #tpu.memory_space<vmem>>
    %dma_start3A_977 = tpu.memref_squeeze %dma_start3A_976 : memref<1x64x768xf32, #tpu.memory_space<vmem>> -> memref<64x768xf32, #tpu.memory_space<vmem>>
    tpu.enqueue_dma source(%dma_start3A_977 : memref<64x768xf32, #tpu.memory_space<vmem>>) target(%dma_start3A_973 : memref<64x768xf32, #tpu.memory_space<hbm>>) target_semaphore(%arg20 : memref<!tpu.dma_semaphore, #tpu.memory_space<semaphore_mem>>)
    %dma_wait3A_978 = arith.constant 1 : i32
    %dma_wait3A_979 = arith.constant 1 : i32
    %dma_wait3A_980 = arith.constant 0 : i32
    %dma_wait3A_981 = arith.constant 0 : i32
    %dma_wait3A_982 = tpu.memref_slice %arg15[%dma_wait3A_979, %dma_wait3A_980, %dma_wait3A_981] : memref<2x64x768xf32, #tpu.memory_space<vmem>> -> memref<1x64x768xf32, #tpu.memory_space<vmem>>
    %dma_wait3A_983 = tpu.memref_squeeze %dma_wait3A_982 : memref<1x64x768xf32, #tpu.memory_space<vmem>> -> memref<64x768xf32, #tpu.memory_space<vmem>>
    %dma_wait3A_984 = arith.constant 0 : i32
    %dma_wait3A_985 = tpu.memref_slice %arg14[%dma_wait3A_978, %dma_wait3A_984] : memref<6x64xi32, #tpu.memory_space<vmem>> -> memref<1x64xi32, #tpu.memory_space<vmem>>
    %dma_wait3A_986 = tpu.memref_squeeze %dma_wait3A_985 : memref<1x64xi32, #tpu.memory_space<vmem>> -> memref<64xi32, #tpu.memory_space<vmem>>
    %dma_wait3A_987 = arith.constant 0 : i32
    %dma_wait3A_988 = arith.constant 0 : i32
    %dma_wait3A_989 = tpu.memref_slice %arg2[%dma_wait3A_987, %dma_wait3A_988] : memref<2048x768xf32, #tpu.memory_space<hbm>> -> memref<2048x768xf32, #tpu.memory_space<hbm>>
    tpu.wait_indirect_dma semaphore(%arg19 : memref<!tpu.dma_semaphore, #tpu.memory_space<semaphore_mem>>) src(%dma_wait3A_989 : memref<2048x768xf32, #tpu.memory_space<hbm>>) dst(%dma_wait3A_983 : memref<64x768xf32, #tpu.memory_space<vmem>>)
    %dma_wait3A_990 = arith.constant 0 : i32
    %dma_wait3A_991 = arith.constant 0 : i32
    %dma_wait3A_992 = arith.constant 0 : i32
    %dma_wait3A_993 = tpu.memref_slice %arg15[%dma_wait3A_990, %dma_wait3A_991, %dma_wait3A_992] : memref<2x64x768xf32, #tpu.memory_space<vmem>> -> memref<1x64x768xf32, #tpu.memory_space<vmem>>
    %dma_wait3A_994 = tpu.memref_squeeze %dma_wait3A_993 : memref<1x64x768xf32, #tpu.memory_space<vmem>> -> memref<64x768xf32, #tpu.memory_space<vmem>>
    %dma_wait3A_995 = arith.constant 0 : i32
    %dma_wait3A_996 = tpu.memref_slice %arg7[%add3A_964, %dma_wait3A_995] : memref<12288x768xf32, #tpu.memory_space<hbm>> -> memref<64x768xf32, #tpu.memory_space<hbm>>
    %dma_wait3A_997 = arith.constant 0 : i32
    %dma_wait3A_998 = tpu.memref_slice %arg7[%add3A_964, %dma_wait3A_997] : memref<12288x768xf32, #tpu.memory_space<hbm>> -> memref<64x768xf32, #tpu.memory_space<hbm>>
    %dma_wait3A_999 = arith.constant 0 : i32
    %dma_wait3A_1000 = arith.constant 0 : i32
    %dma_wait3A_1001 = tpu.memref_slice %arg15[%dma_wait3A_990, %dma_wait3A_999, %dma_wait3A_1000] : memref<2x64x768xf32, #tpu.memory_space<vmem>> -> memref<1x64x768xf32, #tpu.memory_space<vmem>>
    %dma_wait3A_1002 = tpu.memref_squeeze %dma_wait3A_1001 : memref<1x64x768xf32, #tpu.memory_space<vmem>> -> memref<64x768xf32, #tpu.memory_space<vmem>>
    tpu.wait_dma2 semaphore(%arg20 : memref<!tpu.dma_semaphore, #tpu.memory_space<semaphore_mem>>) src(%dma_wait3A_1002 : memref<64x768xf32, #tpu.memory_space<vmem>>) dst(%dma_wait3A_998 : memref<64x768xf32, #tpu.memory_space<hbm>>)
    %dma_start3A_1003 = arith.constant 2 : i32
    %dma_start3A_1004 = arith.constant 0 : i32
    %dma_start3A_1005 = arith.constant 0 : i32
    %dma_start3A_1006 = arith.constant 0 : i32
    %dma_start3A_1007 = tpu.memref_slice %arg15[%dma_start3A_1004, %dma_start3A_1005, %dma_start3A_1006] : memref<2x64x768xf32, #tpu.memory_space<vmem>> -> memref<1x64x768xf32, #tpu.memory_space<vmem>>
    %dma_start3A_1008 = tpu.memref_squeeze %dma_start3A_1007 : memref<1x64x768xf32, #tpu.memory_space<vmem>> -> memref<64x768xf32, #tpu.memory_space<vmem>>
    %dma_start3A_1009 = arith.constant 0 : i32
    %dma_start3A_1010 = tpu.memref_slice %arg14[%dma_start3A_1003, %dma_start3A_1009] : memref<6x64xi32, #tpu.memory_space<vmem>> -> memref<1x64xi32, #tpu.memory_space<vmem>>
    %dma_start3A_1011 = tpu.memref_squeeze %dma_start3A_1010 : memref<1x64xi32, #tpu.memory_space<vmem>> -> memref<64xi32, #tpu.memory_space<vmem>>
    %dma_start3A_1012 = arith.constant 0 : i32
    %dma_start3A_1013 = arith.constant 0 : i32
    %dma_start3A_1014 = tpu.memref_slice %arg2[%dma_start3A_1012, %dma_start3A_1013] : memref<2048x768xf32, #tpu.memory_space<hbm>> -> memref<2048x768xf32, #tpu.memory_space<hbm>>
    tpu.enqueue_indirect_dma source(%dma_start3A_1014 : memref<2048x768xf32, #tpu.memory_space<hbm>>) target(%dma_start3A_1008 : memref<64x768xf32, #tpu.memory_space<vmem>>) offsets(%dma_start3A_1011 : memref<64xi32, #tpu.memory_space<vmem>>) semaphore(%arg18 : memref<!tpu.dma_semaphore, #tpu.memory_space<semaphore_mem>>)
    %add3A_1015 = arith.constant 64 : i32
    %add3A_1016 = arith.addi %mul3A_910, %add3A_1015 : i32
    %dma_start3A_1017 = arith.constant 1 : i32
    %dma_start3A_1018 = arith.constant 0 : i32
    %dma_start3A_1019 = arith.constant 0 : i32
    %dma_start3A_1020 = tpu.memref_slice %arg15[%dma_start3A_1017, %dma_start3A_1018, %dma_start3A_1019] : memref<2x64x768xf32, #tpu.memory_space<vmem>> -> memref<1x64x768xf32, #tpu.memory_space<vmem>>
    %dma_start3A_1021 = tpu.memref_squeeze %dma_start3A_1020 : memref<1x64x768xf32, #tpu.memory_space<vmem>> -> memref<64x768xf32, #tpu.memory_space<vmem>>
    %dma_start3A_1022 = arith.constant 0 : i32
    %dma_start3A_1023 = tpu.memref_slice %arg7[%add3A_1016, %dma_start3A_1022] : memref<12288x768xf32, #tpu.memory_space<hbm>> -> memref<64x768xf32, #tpu.memory_space<hbm>>
    %dma_start3A_1024 = arith.constant 0 : i32
    %dma_start3A_1025 = tpu.memref_slice %arg7[%add3A_1016, %dma_start3A_1024] : memref<12288x768xf32, #tpu.memory_space<hbm>> -> memref<64x768xf32, #tpu.memory_space<hbm>>
    %dma_start3A_1026 = arith.constant 0 : i32
    %dma_start3A_1027 = arith.constant 0 : i32
    %dma_start3A_1028 = tpu.memref_slice %arg15[%dma_start3A_1017, %dma_start3A_1026, %dma_start3A_1027] : memref<2x64x768xf32, #tpu.memory_space<vmem>> -> memref<1x64x768xf32, #tpu.memory_space<vmem>>
    %dma_start3A_1029 = tpu.memref_squeeze %dma_start3A_1028 : memref<1x64x768xf32, #tpu.memory_space<vmem>> -> memref<64x768xf32, #tpu.memory_space<vmem>>
    tpu.enqueue_dma source(%dma_start3A_1029 : memref<64x768xf32, #tpu.memory_space<vmem>>) target(%dma_start3A_1025 : memref<64x768xf32, #tpu.memory_space<hbm>>) target_semaphore(%arg21 : memref<!tpu.dma_semaphore, #tpu.memory_space<semaphore_mem>>)
    %dma_wait3A_1030 = arith.constant 2 : i32
    %dma_wait3A_1031 = arith.constant 0 : i32
    %dma_wait3A_1032 = arith.constant 0 : i32
    %dma_wait3A_1033 = arith.constant 0 : i32
    %dma_wait3A_1034 = tpu.memref_slice %arg15[%dma_wait3A_1031, %dma_wait3A_1032, %dma_wait3A_1033] : memref<2x64x768xf32, #tpu.memory_space<vmem>> -> memref<1x64x768xf32, #tpu.memory_space<vmem>>
    %dma_wait3A_1035 = tpu.memref_squeeze %dma_wait3A_1034 : memref<1x64x768xf32, #tpu.memory_space<vmem>> -> memref<64x768xf32, #tpu.memory_space<vmem>>
    %dma_wait3A_1036 = arith.constant 0 : i32
    %dma_wait3A_1037 = tpu.memref_slice %arg14[%dma_wait3A_1030, %dma_wait3A_1036] : memref<6x64xi32, #tpu.memory_space<vmem>> -> memref<1x64xi32, #tpu.memory_space<vmem>>
    %dma_wait3A_1038 = tpu.memref_squeeze %dma_wait3A_1037 : memref<1x64xi32, #tpu.memory_space<vmem>> -> memref<64xi32, #tpu.memory_space<vmem>>
    %dma_wait3A_1039 = arith.constant 0 : i32
    %dma_wait3A_1040 = arith.constant 0 : i32
    %dma_wait3A_1041 = tpu.memref_slice %arg2[%dma_wait3A_1039, %dma_wait3A_1040] : memref<2048x768xf32, #tpu.memory_space<hbm>> -> memref<2048x768xf32, #tpu.memory_space<hbm>>
    tpu.wait_indirect_dma semaphore(%arg18 : memref<!tpu.dma_semaphore, #tpu.memory_space<semaphore_mem>>) src(%dma_wait3A_1041 : memref<2048x768xf32, #tpu.memory_space<hbm>>) dst(%dma_wait3A_1035 : memref<64x768xf32, #tpu.memory_space<vmem>>)
    %dma_wait3A_1042 = arith.constant 1 : i32
    %dma_wait3A_1043 = arith.constant 0 : i32
    %dma_wait3A_1044 = arith.constant 0 : i32
    %dma_wait3A_1045 = tpu.memref_slice %arg15[%dma_wait3A_1042, %dma_wait3A_1043, %dma_wait3A_1044] : memref<2x64x768xf32, #tpu.memory_space<vmem>> -> memref<1x64x768xf32, #tpu.memory_space<vmem>>
    %dma_wait3A_1046 = tpu.memref_squeeze %dma_wait3A_1045 : memref<1x64x768xf32, #tpu.memory_space<vmem>> -> memref<64x768xf32, #tpu.memory_space<vmem>>
    %dma_wait3A_1047 = arith.constant 0 : i32
    %dma_wait3A_1048 = tpu.memref_slice %arg7[%add3A_1016, %dma_wait3A_1047] : memref<12288x768xf32, #tpu.memory_space<hbm>> -> memref<64x768xf32, #tpu.memory_space<hbm>>
    %dma_wait3A_1049 = arith.constant 0 : i32
    %dma_wait3A_1050 = tpu.memref_slice %arg7[%add3A_1016, %dma_wait3A_1049] : memref<12288x768xf32, #tpu.memory_space<hbm>> -> memref<64x768xf32, #tpu.memory_space<hbm>>
    %dma_wait3A_1051 = arith.constant 0 : i32
    %dma_wait3A_1052 = arith.constant 0 : i32
    %dma_wait3A_1053 = tpu.memref_slice %arg15[%dma_wait3A_1042, %dma_wait3A_1051, %dma_wait3A_1052] : memref<2x64x768xf32, #tpu.memory_space<vmem>> -> memref<1x64x768xf32, #tpu.memory_space<vmem>>
    %dma_wait3A_1054 = tpu.memref_squeeze %dma_wait3A_1053 : memref<1x64x768xf32, #tpu.memory_space<vmem>> -> memref<64x768xf32, #tpu.memory_space<vmem>>
    tpu.wait_dma2 semaphore(%arg21 : memref<!tpu.dma_semaphore, #tpu.memory_space<semaphore_mem>>) src(%dma_wait3A_1054 : memref<64x768xf32, #tpu.memory_space<vmem>>) dst(%dma_wait3A_1050 : memref<64x768xf32, #tpu.memory_space<hbm>>)
    %dma_start3A_1055 = arith.constant 3 : i32
    %dma_start3A_1056 = arith.constant 1 : i32
    %dma_start3A_1057 = arith.constant 0 : i32
    %dma_start3A_1058 = arith.constant 0 : i32
    %dma_start3A_1059 = tpu.memref_slice %arg15[%dma_start3A_1056, %dma_start3A_1057, %dma_start3A_1058] : memref<2x64x768xf32, #tpu.memory_space<vmem>> -> memref<1x64x768xf32, #tpu.memory_space<vmem>>
    %dma_start3A_1060 = tpu.memref_squeeze %dma_start3A_1059 : memref<1x64x768xf32, #tpu.memory_space<vmem>> -> memref<64x768xf32, #tpu.memory_space<vmem>>
    %dma_start3A_1061 = arith.constant 0 : i32
    %dma_start3A_1062 = tpu.memref_slice %arg14[%dma_start3A_1055, %dma_start3A_1061] : memref<6x64xi32, #tpu.memory_space<vmem>> -> memref<1x64xi32, #tpu.memory_space<vmem>>
    %dma_start3A_1063 = tpu.memref_squeeze %dma_start3A_1062 : memref<1x64xi32, #tpu.memory_space<vmem>> -> memref<64xi32, #tpu.memory_space<vmem>>
    %dma_start3A_1064 = arith.constant 0 : i32
    %dma_start3A_1065 = arith.constant 0 : i32
    %dma_start3A_1066 = tpu.memref_slice %arg2[%dma_start3A_1064, %dma_start3A_1065] : memref<2048x768xf32, #tpu.memory_space<hbm>> -> memref<2048x768xf32, #tpu.memory_space<hbm>>
    tpu.enqueue_indirect_dma source(%dma_start3A_1066 : memref<2048x768xf32, #tpu.memory_space<hbm>>) target(%dma_start3A_1060 : memref<64x768xf32, #tpu.memory_space<vmem>>) offsets(%dma_start3A_1063 : memref<64xi32, #tpu.memory_space<vmem>>) semaphore(%arg19 : memref<!tpu.dma_semaphore, #tpu.memory_space<semaphore_mem>>)
    %add3A_1067 = arith.constant 128 : i32
    %add3A_1068 = arith.addi %mul3A_910, %add3A_1067 : i32
    %dma_start3A_1069 = arith.constant 0 : i32
    %dma_start3A_1070 = arith.constant 0 : i32
    %dma_start3A_1071 = arith.constant 0 : i32
    %dma_start3A_1072 = tpu.memref_slice %arg15[%dma_start3A_1069, %dma_start3A_1070, %dma_start3A_1071] : memref<2x64x768xf32, #tpu.memory_space<vmem>> -> memref<1x64x768xf32, #tpu.memory_space<vmem>>
    %dma_start3A_1073 = tpu.memref_squeeze %dma_start3A_1072 : memref<1x64x768xf32, #tpu.memory_space<vmem>> -> memref<64x768xf32, #tpu.memory_space<vmem>>
    %dma_start3A_1074 = arith.constant 0 : i32
    %dma_start3A_1075 = tpu.memref_slice %arg7[%add3A_1068, %dma_start3A_1074] : memref<12288x768xf32, #tpu.memory_space<hbm>> -> memref<64x768xf32, #tpu.memory_space<hbm>>
    %dma_start3A_1076 = arith.constant 0 : i32
    %dma_start3A_1077 = tpu.memref_slice %arg7[%add3A_1068, %dma_start3A_1076] : memref<12288x768xf32, #tpu.memory_space<hbm>> -> memref<64x768xf32, #tpu.memory_space<hbm>>
    %dma_start3A_1078 = arith.constant 0 : i32
    %dma_start3A_1079 = arith.constant 0 : i32
    %dma_start3A_1080 = tpu.memref_slice %arg15[%dma_start3A_1069, %dma_start3A_1078, %dma_start3A_1079] : memref<2x64x768xf32, #tpu.memory_space<vmem>> -> memref<1x64x768xf32, #tpu.memory_space<vmem>>
    %dma_start3A_1081 = tpu.memref_squeeze %dma_start3A_1080 : memref<1x64x768xf32, #tpu.memory_space<vmem>> -> memref<64x768xf32, #tpu.memory_space<vmem>>
    tpu.enqueue_dma source(%dma_start3A_1081 : memref<64x768xf32, #tpu.memory_space<vmem>>) target(%dma_start3A_1077 : memref<64x768xf32, #tpu.memory_space<hbm>>) target_semaphore(%arg20 : memref<!tpu.dma_semaphore, #tpu.memory_space<semaphore_mem>>)
    %dma_wait3A_1082 = arith.constant 3 : i32
    %dma_wait3A_1083 = arith.constant 1 : i32
    %dma_wait3A_1084 = arith.constant 0 : i32
    %dma_wait3A_1085 = arith.constant 0 : i32
    %dma_wait3A_1086 = tpu.memref_slice %arg15[%dma_wait3A_1083, %dma_wait3A_1084, %dma_wait3A_1085] : memref<2x64x768xf32, #tpu.memory_space<vmem>> -> memref<1x64x768xf32, #tpu.memory_space<vmem>>
    %dma_wait3A_1087 = tpu.memref_squeeze %dma_wait3A_1086 : memref<1x64x768xf32, #tpu.memory_space<vmem>> -> memref<64x768xf32, #tpu.memory_space<vmem>>
    %dma_wait3A_1088 = arith.constant 0 : i32
    %dma_wait3A_1089 = tpu.memref_slice %arg14[%dma_wait3A_1082, %dma_wait3A_1088] : memref<6x64xi32, #tpu.memory_space<vmem>> -> memref<1x64xi32, #tpu.memory_space<vmem>>
    %dma_wait3A_1090 = tpu.memref_squeeze %dma_wait3A_1089 : memref<1x64xi32, #tpu.memory_space<vmem>> -> memref<64xi32, #tpu.memory_space<vmem>>
    %dma_wait3A_1091 = arith.constant 0 : i32
    %dma_wait3A_1092 = arith.constant 0 : i32
    %dma_wait3A_1093 = tpu.memref_slice %arg2[%dma_wait3A_1091, %dma_wait3A_1092] : memref<2048x768xf32, #tpu.memory_space<hbm>> -> memref<2048x768xf32, #tpu.memory_space<hbm>>
    tpu.wait_indirect_dma semaphore(%arg19 : memref<!tpu.dma_semaphore, #tpu.memory_space<semaphore_mem>>) src(%dma_wait3A_1093 : memref<2048x768xf32, #tpu.memory_space<hbm>>) dst(%dma_wait3A_1087 : memref<64x768xf32, #tpu.memory_space<vmem>>)
    %dma_wait3A_1094 = arith.constant 0 : i32
    %dma_wait3A_1095 = arith.constant 0 : i32
    %dma_wait3A_1096 = arith.constant 0 : i32
    %dma_wait3A_1097 = tpu.memref_slice %arg15[%dma_wait3A_1094, %dma_wait3A_1095, %dma_wait3A_1096] : memref<2x64x768xf32, #tpu.memory_space<vmem>> -> memref<1x64x768xf32, #tpu.memory_space<vmem>>
    %dma_wait3A_1098 = tpu.memref_squeeze %dma_wait3A_1097 : memref<1x64x768xf32, #tpu.memory_space<vmem>> -> memref<64x768xf32, #tpu.memory_space<vmem>>
    %dma_wait3A_1099 = arith.constant 0 : i32
    %dma_wait3A_1100 = tpu.memref_slice %arg7[%add3A_1068, %dma_wait3A_1099] : memref<12288x768xf32, #tpu.memory_space<hbm>> -> memref<64x768xf32, #tpu.memory_space<hbm>>
    %dma_wait3A_1101 = arith.constant 0 : i32
    %dma_wait3A_1102 = tpu.memref_slice %arg7[%add3A_1068, %dma_wait3A_1101] : memref<12288x768xf32, #tpu.memory_space<hbm>> -> memref<64x768xf32, #tpu.memory_space<hbm>>
    %dma_wait3A_1103 = arith.constant 0 : i32
    %dma_wait3A_1104 = arith.constant 0 : i32
    %dma_wait3A_1105 = tpu.memref_slice %arg15[%dma_wait3A_1094, %dma_wait3A_1103, %dma_wait3A_1104] : memref<2x64x768xf32, #tpu.memory_space<vmem>> -> memref<1x64x768xf32, #tpu.memory_space<vmem>>
    %dma_wait3A_1106 = tpu.memref_squeeze %dma_wait3A_1105 : memref<1x64x768xf32, #tpu.memory_space<vmem>> -> memref<64x768xf32, #tpu.memory_space<vmem>>
    tpu.wait_dma2 semaphore(%arg20 : memref<!tpu.dma_semaphore, #tpu.memory_space<semaphore_mem>>) src(%dma_wait3A_1106 : memref<64x768xf32, #tpu.memory_space<vmem>>) dst(%dma_wait3A_1102 : memref<64x768xf32, #tpu.memory_space<hbm>>)
    %dma_start3A_1107 = arith.constant 4 : i32
    %dma_start3A_1108 = arith.constant 0 : i32
    %dma_start3A_1109 = arith.constant 0 : i32
    %dma_start3A_1110 = arith.constant 0 : i32
    %dma_start3A_1111 = tpu.memref_slice %arg15[%dma_start3A_1108, %dma_start3A_1109, %dma_start3A_1110] : memref<2x64x768xf32, #tpu.memory_space<vmem>> -> memref<1x64x768xf32, #tpu.memory_space<vmem>>
    %dma_start3A_1112 = tpu.memref_squeeze %dma_start3A_1111 : memref<1x64x768xf32, #tpu.memory_space<vmem>> -> memref<64x768xf32, #tpu.memory_space<vmem>>
    %dma_start3A_1113 = arith.constant 0 : i32
    %dma_start3A_1114 = tpu.memref_slice %arg14[%dma_start3A_1107, %dma_start3A_1113] : memref<6x64xi32, #tpu.memory_space<vmem>> -> memref<1x64xi32, #tpu.memory_space<vmem>>
    %dma_start3A_1115 = tpu.memref_squeeze %dma_start3A_1114 : memref<1x64xi32, #tpu.memory_space<vmem>> -> memref<64xi32, #tpu.memory_space<vmem>>
    %dma_start3A_1116 = arith.constant 0 : i32
    %dma_start3A_1117 = arith.constant 0 : i32
    %dma_start3A_1118 = tpu.memref_slice %arg2[%dma_start3A_1116, %dma_start3A_1117] : memref<2048x768xf32, #tpu.memory_space<hbm>> -> memref<2048x768xf32, #tpu.memory_space<hbm>>
    tpu.enqueue_indirect_dma source(%dma_start3A_1118 : memref<2048x768xf32, #tpu.memory_space<hbm>>) target(%dma_start3A_1112 : memref<64x768xf32, #tpu.memory_space<vmem>>) offsets(%dma_start3A_1115 : memref<64xi32, #tpu.memory_space<vmem>>) semaphore(%arg18 : memref<!tpu.dma_semaphore, #tpu.memory_space<semaphore_mem>>)
    %add3A_1119 = arith.constant 192 : i32
    %add3A_1120 = arith.addi %mul3A_910, %add3A_1119 : i32
    %dma_start3A_1121 = arith.constant 1 : i32
    %dma_start3A_1122 = arith.constant 0 : i32
    %dma_start3A_1123 = arith.constant 0 : i32
    %dma_start3A_1124 = tpu.memref_slice %arg15[%dma_start3A_1121, %dma_start3A_1122, %dma_start3A_1123] : memref<2x64x768xf32, #tpu.memory_space<vmem>> -> memref<1x64x768xf32, #tpu.memory_space<vmem>>
    %dma_start3A_1125 = tpu.memref_squeeze %dma_start3A_1124 : memref<1x64x768xf32, #tpu.memory_space<vmem>> -> memref<64x768xf32, #tpu.memory_space<vmem>>
    %dma_start3A_1126 = arith.constant 0 : i32
    %dma_start3A_1127 = tpu.memref_slice %arg7[%add3A_1120, %dma_start3A_1126] : memref<12288x768xf32, #tpu.memory_space<hbm>> -> memref<64x768xf32, #tpu.memory_space<hbm>>
    %dma_start3A_1128 = arith.constant 0 : i32
    %dma_start3A_1129 = tpu.memref_slice %arg7[%add3A_1120, %dma_start3A_1128] : memref<12288x768xf32, #tpu.memory_space<hbm>> -> memref<64x768xf32, #tpu.memory_space<hbm>>
    %dma_start3A_1130 = arith.constant 0 : i32
    %dma_start3A_1131 = arith.constant 0 : i32
    %dma_start3A_1132 = tpu.memref_slice %arg15[%dma_start3A_1121, %dma_start3A_1130, %dma_start3A_1131] : memref<2x64x768xf32, #tpu.memory_space<vmem>> -> memref<1x64x768xf32, #tpu.memory_space<vmem>>
    %dma_start3A_1133 = tpu.memref_squeeze %dma_start3A_1132 : memref<1x64x768xf32, #tpu.memory_space<vmem>> -> memref<64x768xf32, #tpu.memory_space<vmem>>
    tpu.enqueue_dma source(%dma_start3A_1133 : memref<64x768xf32, #tpu.memory_space<vmem>>) target(%dma_start3A_1129 : memref<64x768xf32, #tpu.memory_space<hbm>>) target_semaphore(%arg21 : memref<!tpu.dma_semaphore, #tpu.memory_space<semaphore_mem>>)
    %dma_wait3A_1134 = arith.constant 4 : i32
    %dma_wait3A_1135 = arith.constant 0 : i32
    %dma_wait3A_1136 = arith.constant 0 : i32
    %dma_wait3A_1137 = arith.constant 0 : i32
    %dma_wait3A_1138 = tpu.memref_slice %arg15[%dma_wait3A_1135, %dma_wait3A_1136, %dma_wait3A_1137] : memref<2x64x768xf32, #tpu.memory_space<vmem>> -> memref<1x64x768xf32, #tpu.memory_space<vmem>>
    %dma_wait3A_1139 = tpu.memref_squeeze %dma_wait3A_1138 : memref<1x64x768xf32, #tpu.memory_space<vmem>> -> memref<64x768xf32, #tpu.memory_space<vmem>>
    %dma_wait3A_1140 = arith.constant 0 : i32
    %dma_wait3A_1141 = tpu.memref_slice %arg14[%dma_wait3A_1134, %dma_wait3A_1140] : memref<6x64xi32, #tpu.memory_space<vmem>> -> memref<1x64xi32, #tpu.memory_space<vmem>>
    %dma_wait3A_1142 = tpu.memref_squeeze %dma_wait3A_1141 : memref<1x64xi32, #tpu.memory_space<vmem>> -> memref<64xi32, #tpu.memory_space<vmem>>
    %dma_wait3A_1143 = arith.constant 0 : i32
    %dma_wait3A_1144 = arith.constant 0 : i32
    %dma_wait3A_1145 = tpu.memref_slice %arg2[%dma_wait3A_1143, %dma_wait3A_1144] : memref<2048x768xf32, #tpu.memory_space<hbm>> -> memref<2048x768xf32, #tpu.memory_space<hbm>>
    tpu.wait_indirect_dma semaphore(%arg18 : memref<!tpu.dma_semaphore, #tpu.memory_space<semaphore_mem>>) src(%dma_wait3A_1145 : memref<2048x768xf32, #tpu.memory_space<hbm>>) dst(%dma_wait3A_1139 : memref<64x768xf32, #tpu.memory_space<vmem>>)
    %dma_wait3A_1146 = arith.constant 1 : i32
    %dma_wait3A_1147 = arith.constant 0 : i32
    %dma_wait3A_1148 = arith.constant 0 : i32
    %dma_wait3A_1149 = tpu.memref_slice %arg15[%dma_wait3A_1146, %dma_wait3A_1147, %dma_wait3A_1148] : memref<2x64x768xf32, #tpu.memory_space<vmem>> -> memref<1x64x768xf32, #tpu.memory_space<vmem>>
    %dma_wait3A_1150 = tpu.memref_squeeze %dma_wait3A_1149 : memref<1x64x768xf32, #tpu.memory_space<vmem>> -> memref<64x768xf32, #tpu.memory_space<vmem>>
    %dma_wait3A_1151 = arith.constant 0 : i32
    %dma_wait3A_1152 = tpu.memref_slice %arg7[%add3A_1120, %dma_wait3A_1151] : memref<12288x768xf32, #tpu.memory_space<hbm>> -> memref<64x768xf32, #tpu.memory_space<hbm>>
    %dma_wait3A_1153 = arith.constant 0 : i32
    %dma_wait3A_1154 = tpu.memref_slice %arg7[%add3A_1120, %dma_wait3A_1153] : memref<12288x768xf32, #tpu.memory_space<hbm>> -> memref<64x768xf32, #tpu.memory_space<hbm>>
    %dma_wait3A_1155 = arith.constant 0 : i32
    %dma_wait3A_1156 = arith.constant 0 : i32
    %dma_wait3A_1157 = tpu.memref_slice %arg15[%dma_wait3A_1146, %dma_wait3A_1155, %dma_wait3A_1156] : memref<2x64x768xf32, #tpu.memory_space<vmem>> -> memref<1x64x768xf32, #tpu.memory_space<vmem>>
    %dma_wait3A_1158 = tpu.memref_squeeze %dma_wait3A_1157 : memref<1x64x768xf32, #tpu.memory_space<vmem>> -> memref<64x768xf32, #tpu.memory_space<vmem>>
    tpu.wait_dma2 semaphore(%arg21 : memref<!tpu.dma_semaphore, #tpu.memory_space<semaphore_mem>>) src(%dma_wait3A_1158 : memref<64x768xf32, #tpu.memory_space<vmem>>) dst(%dma_wait3A_1154 : memref<64x768xf32, #tpu.memory_space<hbm>>)
    %dma_start3A_1159 = arith.constant 5 : i32
    %dma_start3A_1160 = arith.constant 1 : i32
    %dma_start3A_1161 = arith.constant 0 : i32
    %dma_start3A_1162 = arith.constant 0 : i32
    %dma_start3A_1163 = tpu.memref_slice %arg15[%dma_start3A_1160, %dma_start3A_1161, %dma_start3A_1162] : memref<2x64x768xf32, #tpu.memory_space<vmem>> -> memref<1x64x768xf32, #tpu.memory_space<vmem>>
    %dma_start3A_1164 = tpu.memref_squeeze %dma_start3A_1163 : memref<1x64x768xf32, #tpu.memory_space<vmem>> -> memref<64x768xf32, #tpu.memory_space<vmem>>
    %dma_start3A_1165 = arith.constant 0 : i32
    %dma_start3A_1166 = tpu.memref_slice %arg14[%dma_start3A_1159, %dma_start3A_1165] : memref<6x64xi32, #tpu.memory_space<vmem>> -> memref<1x64xi32, #tpu.memory_space<vmem>>
    %dma_start3A_1167 = tpu.memref_squeeze %dma_start3A_1166 : memref<1x64xi32, #tpu.memory_space<vmem>> -> memref<64xi32, #tpu.memory_space<vmem>>
    %dma_start3A_1168 = arith.constant 0 : i32
    %dma_start3A_1169 = arith.constant 0 : i32
    %dma_start3A_1170 = tpu.memref_slice %arg2[%dma_start3A_1168, %dma_start3A_1169] : memref<2048x768xf32, #tpu.memory_space<hbm>> -> memref<2048x768xf32, #tpu.memory_space<hbm>>
    tpu.enqueue_indirect_dma source(%dma_start3A_1170 : memref<2048x768xf32, #tpu.memory_space<hbm>>) target(%dma_start3A_1164 : memref<64x768xf32, #tpu.memory_space<vmem>>) offsets(%dma_start3A_1167 : memref<64xi32, #tpu.memory_space<vmem>>) semaphore(%arg19 : memref<!tpu.dma_semaphore, #tpu.memory_space<semaphore_mem>>)
    %add3A_1171 = arith.constant 256 : i32
    %add3A_1172 = arith.addi %mul3A_910, %add3A_1171 : i32
    %dma_start3A_1173 = arith.constant 0 : i32
    %dma_start3A_1174 = arith.constant 0 : i32
    %dma_start3A_1175 = arith.constant 0 : i32
    %dma_start3A_1176 = tpu.memref_slice %arg15[%dma_start3A_1173, %dma_start3A_1174, %dma_start3A_1175] : memref<2x64x768xf32, #tpu.memory_space<vmem>> -> memref<1x64x768xf32, #tpu.memory_space<vmem>>
    %dma_start3A_1177 = tpu.memref_squeeze %dma_start3A_1176 : memref<1x64x768xf32, #tpu.memory_space<vmem>> -> memref<64x768xf32, #tpu.memory_space<vmem>>
    %dma_start3A_1178 = arith.constant 0 : i32
    %dma_start3A_1179 = tpu.memref_slice %arg7[%add3A_1172, %dma_start3A_1178] : memref<12288x768xf32, #tpu.memory_space<hbm>> -> memref<64x768xf32, #tpu.memory_space<hbm>>
    %dma_start3A_1180 = arith.constant 0 : i32
    %dma_start3A_1181 = tpu.memref_slice %arg7[%add3A_1172, %dma_start3A_1180] : memref<12288x768xf32, #tpu.memory_space<hbm>> -> memref<64x768xf32, #tpu.memory_space<hbm>>
    %dma_start3A_1182 = arith.constant 0 : i32
    %dma_start3A_1183 = arith.constant 0 : i32
    %dma_start3A_1184 = tpu.memref_slice %arg15[%dma_start3A_1173, %dma_start3A_1182, %dma_start3A_1183] : memref<2x64x768xf32, #tpu.memory_space<vmem>> -> memref<1x64x768xf32, #tpu.memory_space<vmem>>
    %dma_start3A_1185 = tpu.memref_squeeze %dma_start3A_1184 : memref<1x64x768xf32, #tpu.memory_space<vmem>> -> memref<64x768xf32, #tpu.memory_space<vmem>>
    tpu.enqueue_dma source(%dma_start3A_1185 : memref<64x768xf32, #tpu.memory_space<vmem>>) target(%dma_start3A_1181 : memref<64x768xf32, #tpu.memory_space<hbm>>) target_semaphore(%arg20 : memref<!tpu.dma_semaphore, #tpu.memory_space<semaphore_mem>>)
    %dma_wait3A_1186 = arith.constant 5 : i32
    %dma_wait3A_1187 = arith.constant 1 : i32
    %dma_wait3A_1188 = arith.constant 0 : i32
    %dma_wait3A_1189 = arith.constant 0 : i32
    %dma_wait3A_1190 = tpu.memref_slice %arg15[%dma_wait3A_1187, %dma_wait3A_1188, %dma_wait3A_1189] : memref<2x64x768xf32, #tpu.memory_space<vmem>> -> memref<1x64x768xf32, #tpu.memory_space<vmem>>
    %dma_wait3A_1191 = tpu.memref_squeeze %dma_wait3A_1190 : memref<1x64x768xf32, #tpu.memory_space<vmem>> -> memref<64x768xf32, #tpu.memory_space<vmem>>
    %dma_wait3A_1192 = arith.constant 0 : i32
    %dma_wait3A_1193 = tpu.memref_slice %arg14[%dma_wait3A_1186, %dma_wait3A_1192] : memref<6x64xi32, #tpu.memory_space<vmem>> -> memref<1x64xi32, #tpu.memory_space<vmem>>
    %dma_wait3A_1194 = tpu.memref_squeeze %dma_wait3A_1193 : memref<1x64xi32, #tpu.memory_space<vmem>> -> memref<64xi32, #tpu.memory_space<vmem>>
    %dma_wait3A_1195 = arith.constant 0 : i32
    %dma_wait3A_1196 = arith.constant 0 : i32
    %dma_wait3A_1197 = tpu.memref_slice %arg2[%dma_wait3A_1195, %dma_wait3A_1196] : memref<2048x768xf32, #tpu.memory_space<hbm>> -> memref<2048x768xf32, #tpu.memory_space<hbm>>
    tpu.wait_indirect_dma semaphore(%arg19 : memref<!tpu.dma_semaphore, #tpu.memory_space<semaphore_mem>>) src(%dma_wait3A_1197 : memref<2048x768xf32, #tpu.memory_space<hbm>>) dst(%dma_wait3A_1191 : memref<64x768xf32, #tpu.memory_space<vmem>>)
    %add3A_1198 = arith.constant 320 : i32
    %add3A_1199 = arith.addi %mul3A_910, %add3A_1198 : i32
    %dma_start3A_1200 = arith.constant 1 : i32
    %dma_start3A_1201 = arith.constant 0 : i32
    %dma_start3A_1202 = arith.constant 0 : i32
    %dma_start3A_1203 = tpu.memref_slice %arg15[%dma_start3A_1200, %dma_start3A_1201, %dma_start3A_1202] : memref<2x64x768xf32, #tpu.memory_space<vmem>> -> memref<1x64x768xf32, #tpu.memory_space<vmem>>
    %dma_start3A_1204 = tpu.memref_squeeze %dma_start3A_1203 : memref<1x64x768xf32, #tpu.memory_space<vmem>> -> memref<64x768xf32, #tpu.memory_space<vmem>>
    %dma_start3A_1205 = arith.constant 0 : i32
    %dma_start3A_1206 = tpu.memref_slice %arg7[%add3A_1199, %dma_start3A_1205] : memref<12288x768xf32, #tpu.memory_space<hbm>> -> memref<64x768xf32, #tpu.memory_space<hbm>>
    %dma_start3A_1207 = arith.constant 0 : i32
    %dma_start3A_1208 = tpu.memref_slice %arg7[%add3A_1199, %dma_start3A_1207] : memref<12288x768xf32, #tpu.memory_space<hbm>> -> memref<64x768xf32, #tpu.memory_space<hbm>>
    %dma_start3A_1209 = arith.constant 0 : i32
    %dma_start3A_1210 = arith.constant 0 : i32
    %dma_start3A_1211 = tpu.memref_slice %arg15[%dma_start3A_1200, %dma_start3A_1209, %dma_start3A_1210] : memref<2x64x768xf32, #tpu.memory_space<vmem>> -> memref<1x64x768xf32, #tpu.memory_space<vmem>>
    %dma_start3A_1212 = tpu.memref_squeeze %dma_start3A_1211 : memref<1x64x768xf32, #tpu.memory_space<vmem>> -> memref<64x768xf32, #tpu.memory_space<vmem>>
    tpu.enqueue_dma source(%dma_start3A_1212 : memref<64x768xf32, #tpu.memory_space<vmem>>) target(%dma_start3A_1208 : memref<64x768xf32, #tpu.memory_space<hbm>>) target_semaphore(%arg21 : memref<!tpu.dma_semaphore, #tpu.memory_space<semaphore_mem>>)
    %dma_wait3A_1213 = arith.constant 0 : i32
    %dma_wait3A_1214 = arith.constant 0 : i32
    %dma_wait3A_1215 = arith.constant 0 : i32
    %dma_wait3A_1216 = tpu.memref_slice %arg15[%dma_wait3A_1213, %dma_wait3A_1214, %dma_wait3A_1215] : memref<2x64x768xf32, #tpu.memory_space<vmem>> -> memref<1x64x768xf32, #tpu.memory_space<vmem>>
    %dma_wait3A_1217 = tpu.memref_squeeze %dma_wait3A_1216 : memref<1x64x768xf32, #tpu.memory_space<vmem>> -> memref<64x768xf32, #tpu.memory_space<vmem>>
    %dma_wait3A_1218 = arith.constant 0 : i32
    %dma_wait3A_1219 = tpu.memref_slice %arg7[%add3A_1172, %dma_wait3A_1218] : memref<12288x768xf32, #tpu.memory_space<hbm>> -> memref<64x768xf32, #tpu.memory_space<hbm>>
    %dma_wait3A_1220 = arith.constant 0 : i32
    %dma_wait3A_1221 = tpu.memref_slice %arg7[%add3A_1172, %dma_wait3A_1220] : memref<12288x768xf32, #tpu.memory_space<hbm>> -> memref<64x768xf32, #tpu.memory_space<hbm>>
    %dma_wait3A_1222 = arith.constant 0 : i32
    %dma_wait3A_1223 = arith.constant 0 : i32
    %dma_wait3A_1224 = tpu.memref_slice %arg15[%dma_wait3A_1213, %dma_wait3A_1222, %dma_wait3A_1223] : memref<2x64x768xf32, #tpu.memory_space<vmem>> -> memref<1x64x768xf32, #tpu.memory_space<vmem>>
    %dma_wait3A_1225 = tpu.memref_squeeze %dma_wait3A_1224 : memref<1x64x768xf32, #tpu.memory_space<vmem>> -> memref<64x768xf32, #tpu.memory_space<vmem>>
    tpu.wait_dma2 semaphore(%arg20 : memref<!tpu.dma_semaphore, #tpu.memory_space<semaphore_mem>>) src(%dma_wait3A_1225 : memref<64x768xf32, #tpu.memory_space<vmem>>) dst(%dma_wait3A_1221 : memref<64x768xf32, #tpu.memory_space<hbm>>)
    %dma_wait3A_1226 = arith.constant 1 : i32
    %dma_wait3A_1227 = arith.constant 0 : i32
    %dma_wait3A_1228 = arith.constant 0 : i32
    %dma_wait3A_1229 = tpu.memref_slice %arg15[%dma_wait3A_1226, %dma_wait3A_1227, %dma_wait3A_1228] : memref<2x64x768xf32, #tpu.memory_space<vmem>> -> memref<1x64x768xf32, #tpu.memory_space<vmem>>
    %dma_wait3A_1230 = tpu.memref_squeeze %dma_wait3A_1229 : memref<1x64x768xf32, #tpu.memory_space<vmem>> -> memref<64x768xf32, #tpu.memory_space<vmem>>
    %dma_wait3A_1231 = arith.constant 0 : i32
    %dma_wait3A_1232 = tpu.memref_slice %arg7[%add3A_1199, %dma_wait3A_1231] : memref<12288x768xf32, #tpu.memory_space<hbm>> -> memref<64x768xf32, #tpu.memory_space<hbm>>
    %dma_wait3A_1233 = arith.constant 0 : i32
    %dma_wait3A_1234 = tpu.memref_slice %arg7[%add3A_1199, %dma_wait3A_1233] : memref<12288x768xf32, #tpu.memory_space<hbm>> -> memref<64x768xf32, #tpu.memory_space<hbm>>
    %dma_wait3A_1235 = arith.constant 0 : i32
    %dma_wait3A_1236 = arith.constant 0 : i32
    %dma_wait3A_1237 = tpu.memref_slice %arg15[%dma_wait3A_1226, %dma_wait3A_1235, %dma_wait3A_1236] : memref<2x64x768xf32, #tpu.memory_space<vmem>> -> memref<1x64x768xf32, #tpu.memory_space<vmem>>
    %dma_wait3A_1238 = tpu.memref_squeeze %dma_wait3A_1237 : memref<1x64x768xf32, #tpu.memory_space<vmem>> -> memref<64x768xf32, #tpu.memory_space<vmem>>
    tpu.wait_dma2 semaphore(%arg21 : memref<!tpu.dma_semaphore, #tpu.memory_space<semaphore_mem>>) src(%dma_wait3A_1238 : memref<64x768xf32, #tpu.memory_space<vmem>>) dst(%dma_wait3A_1234 : memref<64x768xf32, #tpu.memory_space<hbm>>)
    return
  }
}

module attributes {stable_mosaic.version = 14 : i64} {
  func.func @_routing_body(%arg0: memref<2048x768xf32, #tpu.memory_space<vmem>>, %arg1: memref<768x64xf32, #tpu.memory_space<vmem>>, %arg2: memref<2048x64xf32, #tpu.memory_space<vmem>>, %arg3: memref<1x2048xi32, #tpu.memory_space<vmem>>, %arg4: memref<1x2048xi32, #tpu.memory_space<vmem>>, %arg5: memref<1x2048xf32, #tpu.memory_space<vmem>>, %arg6: memref<1x2048xf32, #tpu.memory_space<vmem>>, %arg7: memref<1x104xi32, #tpu.memory_space<vmem>>) attributes {dimension_semantics = [], scalar_prefetch = 0 : i64, scratch_operands = 0 : i64, tpu.core_type = #tpu.core_type<tc>} {
    %get3A = arith.constant 0 : index
    %get3A_0 = arith.constant 0 : index
    %get3A_1 = vector.load %arg0[%get3A, %get3A_0] : memref<2048x768xf32, #tpu.memory_space<vmem>>, vector<2048x768xf32>
    %get3A_2 = arith.constant 0 : index
    %get3A_3 = arith.constant 0 : index
    %get3A_4 = vector.load %arg1[%get3A_2, %get3A_3] : memref<768x64xf32, #tpu.memory_space<vmem>>, vector<768x64xf32>
    %dot_general3A = arith.constant dense<0.000000e+00> : vector<2048x64xf32>
    %dot_general3A_5 = tpu.matmul %get3A_1, %get3A_4, %dot_general3A {dimension_numbers = #tpu.dot_dimension_numbers<[1], [0], [0], [1], [0, 0, 1, 1], [], []>, transpose_lhs_hint = false} : vector<2048x768xf32>, vector<768x64xf32>, vector<2048x64xf32> -> vector<2048x64xf32>
    %reduce_max3A = arith.constant dense<0xFF800000> : vector<2048xf32>
    %reduce_max3A_6 = vector.multi_reduction <maximumf>, %dot_general3A_5, %reduce_max3A [1] : vector<2048x64xf32> to vector<2048xf32>
    %broadcast_in_dim3A = vector.shape_cast %reduce_max3A_6 : vector<2048xf32> to vector<2048x1xf32>
    %sub3A = vector.broadcast %broadcast_in_dim3A : vector<2048x1xf32> to vector<2048x64xf32>
    %sub3A_7 = arith.subf %dot_general3A_5, %sub3A : vector<2048x64xf32>
    %exp3A = math.exp %sub3A_7 : vector<2048x64xf32>
    %reduce_sum3A = arith.constant dense<0.000000e+00> : vector<2048xf32>
    %reduce_sum3A_8 = vector.multi_reduction <add>, %exp3A, %reduce_sum3A [1] : vector<2048x64xf32> to vector<2048xf32>
    %broadcast_in_dim3A_9 = vector.shape_cast %reduce_sum3A_8 : vector<2048xf32> to vector<2048x1xf32>
    %div3A = vector.broadcast %broadcast_in_dim3A_9 : vector<2048x1xf32> to vector<2048x64xf32>
    %div3A_10 = arith.divf %exp3A, %div3A : vector<2048x64xf32>
    %iota3A = tpu.iota {dimensions = array<i32: 1>} : vector<2048x64xi32>
    %reduce_max3A_11 = arith.constant dense<0xFF800000> : vector<2048xf32>
    %reduce_max3A_12 = vector.multi_reduction <maximumf>, %div3A_10, %reduce_max3A_11 [1] : vector<2048x64xf32> to vector<2048xf32>
    %broadcast_in_dim3A_13 = vector.shape_cast %reduce_max3A_12 : vector<2048xf32> to vector<2048x1xf32>
    %eq3A = vector.broadcast %broadcast_in_dim3A_13 : vector<2048x1xf32> to vector<2048x64xf32>
    %eq3A_14 = arith.cmpf oeq, %div3A_10, %eq3A : vector<2048x64xf32>
    %jit3A = arith.constant 64 : i32
    %broadcast_in_dim3A_15 = vector.broadcast %jit3A : i32 to vector<2048x64xi32>
    %select_n3A = arith.select %eq3A_14, %iota3A, %broadcast_in_dim3A_15 : vector<2048x64xi1>, vector<2048x64xi32>
    %reduce_min3A = arith.constant dense<2147483647> : vector<2048xi32>
    %reduce_min3A_16 = vector.multi_reduction <minsi>, %select_n3A, %reduce_min3A [1] : vector<2048x64xi32> to vector<2048xi32>
    %broadcast_in_dim3A_17 = vector.shape_cast %reduce_min3A_16 : vector<2048xi32> to vector<2048x1xi32>
    %eq3A_18 = vector.broadcast %broadcast_in_dim3A_17 : vector<2048x1xi32> to vector<2048x64xi32>
    %eq3A_19 = arith.cmpi eq, %iota3A, %eq3A_18 : vector<2048x64xi32>
    %get3A_20 = arith.constant 0 : index
    %get3A_21 = arith.constant 0 : index
    %get3A_22 = vector.load %arg2[%get3A_20, %get3A_21] : memref<2048x64xf32, #tpu.memory_space<vmem>>, vector<2048x64xf32>
    %add3A = arith.addf %dot_general3A_5, %get3A_22 : vector<2048x64xf32>
    %jit3A_23 = arith.constant 0xFF800000 : f32
    %broadcast_in_dim3A_24 = vector.broadcast %jit3A_23 : f32 to vector<2048x64xf32>
    %select_n3A_25 = arith.select %eq3A_19, %broadcast_in_dim3A_24, %add3A : vector<2048x64xi1>, vector<2048x64xf32>
    %reduce_max3A_26 = arith.constant dense<0xFF800000> : vector<2048xf32>
    %reduce_max3A_27 = vector.multi_reduction <maximumf>, %select_n3A_25, %reduce_max3A_26 [1] : vector<2048x64xf32> to vector<2048xf32>
    %broadcast_in_dim3A_28 = vector.shape_cast %reduce_max3A_27 : vector<2048xf32> to vector<2048x1xf32>
    %eq3A_29 = vector.broadcast %broadcast_in_dim3A_28 : vector<2048x1xf32> to vector<2048x64xf32>
    %eq3A_30 = arith.cmpf oeq, %select_n3A_25, %eq3A_29 : vector<2048x64xf32>
    %jit3A_31 = arith.constant 64 : i32
    %broadcast_in_dim3A_32 = vector.broadcast %jit3A_31 : i32 to vector<2048x64xi32>
    %select_n3A_33 = arith.select %eq3A_30, %iota3A, %broadcast_in_dim3A_32 : vector<2048x64xi1>, vector<2048x64xi32>
    %reduce_min3A_34 = arith.constant dense<2147483647> : vector<2048xi32>
    %reduce_min3A_35 = vector.multi_reduction <minsi>, %select_n3A_33, %reduce_min3A_34 [1] : vector<2048x64xi32> to vector<2048xi32>
    %broadcast_in_dim3A_36 = vector.shape_cast %reduce_min3A_35 : vector<2048xi32> to vector<2048x1xi32>
    %eq3A_37 = vector.broadcast %broadcast_in_dim3A_36 : vector<2048x1xi32> to vector<2048x64xi32>
    %eq3A_38 = arith.cmpi eq, %iota3A, %eq3A_37 : vector<2048x64xi32>
    %jit3A_39 = arith.constant 0.000000e+00 : f32
    %broadcast_in_dim3A_40 = vector.broadcast %jit3A_39 : f32 to vector<2048x64xf32>
    %select_n3A_41 = arith.select %eq3A_19, %div3A_10, %broadcast_in_dim3A_40 : vector<2048x64xi1>, vector<2048x64xf32>
    %reduce_sum3A_42 = arith.constant dense<0.000000e+00> : vector<2048xf32>
    %reduce_sum3A_43 = vector.multi_reduction <add>, %select_n3A_41, %reduce_sum3A_42 [1] : vector<2048x64xf32> to vector<2048xf32>
    %jit3A_44 = arith.constant 0.000000e+00 : f32
    %broadcast_in_dim3A_45 = vector.broadcast %jit3A_44 : f32 to vector<2048x64xf32>
    %select_n3A_46 = arith.select %eq3A_38, %div3A_10, %broadcast_in_dim3A_45 : vector<2048x64xi1>, vector<2048x64xf32>
    %reduce_sum3A_47 = arith.constant dense<0.000000e+00> : vector<2048xf32>
    %reduce_sum3A_48 = vector.multi_reduction <add>, %select_n3A_46, %reduce_sum3A_47 [1] : vector<2048x64xf32> to vector<2048xf32>
    %add3A_49 = arith.addf %reduce_sum3A_43, %reduce_sum3A_48 : vector<2048xf32>
    %max3A = arith.constant 1.1920929E-7 : f32
    %max3A_50 = vector.broadcast %max3A : f32 to vector<2048xf32>
    %max3A_51 = arith.maximumf %add3A_49, %max3A_50 : vector<2048xf32>
    %div3A_52 = arith.divf %reduce_sum3A_43, %max3A_51 : vector<2048xf32>
    %swap3A = arith.constant 0 : index
    %swap3A_53 = arith.constant 0 : index
    %swap3A_54 = vector.load %arg5[%swap3A, %swap3A_53] : memref<1x2048xf32, #tpu.memory_space<vmem>>, vector<1x2048xf32>
    %swap3A_55 = vector.shape_cast %swap3A_54 : vector<1x2048xf32> to vector<2048xf32>
    %swap3A_56 = vector.shape_cast %div3A_52 : vector<2048xf32> to vector<1x2048xf32>
    tpu.vector_store %arg5[%swap3A, %swap3A_53], %swap3A_56 {strides = array<i32>} : memref<1x2048xf32, #tpu.memory_space<vmem>>, vector<1x2048xf32>,
    %div3A_57 = arith.divf %reduce_sum3A_48, %max3A_51 : vector<2048xf32>
    %swap3A_58 = arith.constant 0 : index
    %swap3A_59 = arith.constant 0 : index
    %swap3A_60 = vector.load %arg6[%swap3A_58, %swap3A_59] : memref<1x2048xf32, #tpu.memory_space<vmem>>, vector<1x2048xf32>
    %swap3A_61 = vector.shape_cast %swap3A_60 : vector<1x2048xf32> to vector<2048xf32>
    %swap3A_62 = vector.shape_cast %div3A_57 : vector<2048xf32> to vector<1x2048xf32>
    tpu.vector_store %arg6[%swap3A_58, %swap3A_59], %swap3A_62 {strides = array<i32>} : memref<1x2048xf32, #tpu.memory_space<vmem>>, vector<1x2048xf32>,
    %convert_element_type3A = arith.extui %eq3A_19 : vector<2048x64xi1> to vector<2048x64xi32>
    %convert_element_type3A_63 = arith.sitofp %convert_element_type3A : vector<2048x64xi32> to vector<2048x64xf32>
    %convert_element_type3A_64 = arith.extui %eq3A_38 : vector<2048x64xi1> to vector<2048x64xi32>
    %convert_element_type3A_65 = arith.sitofp %convert_element_type3A_64 : vector<2048x64xi32> to vector<2048x64xf32>
    %iota3A_66 = tpu.iota {dimensions = array<i32: 0>} : vector<128x128xi32>
    %iota3A_67 = tpu.iota {dimensions = array<i32: 1>} : vector<128x128xi32>
    %ge3A = arith.cmpi sge, %iota3A_66, %iota3A_67 : vector<128x128xi32>
    %convert_element_type3A_68 = arith.extui %ge3A : vector<128x128xi1> to vector<128x128xi32>
    %convert_element_type3A_69 = arith.sitofp %convert_element_type3A_68 : vector<128x128xi32> to vector<128x128xf32>
    %broadcast_in_dim3A_70 = arith.constant 0.000000e+00 : f32
    %broadcast_in_dim3A_71 = vector.broadcast %broadcast_in_dim3A_70 : f32 to vector<1x64xf32>
    %slice3A = vector.extract_strided_slice %convert_element_type3A_63 {offsets = [0, 0], sizes = [128, 64], strides = [1, 1]} : vector<2048x64xf32> to vector<128x64xf32>
    %dot_general3A_72 = arith.constant dense<0.000000e+00> : vector<128x64xf32>
    %dot_general3A_73 = tpu.matmul %convert_element_type3A_69, %slice3A, %dot_general3A_72 {dimension_numbers = #tpu.dot_dimension_numbers<[1], [0], [0], [1], [0, 0, 1, 1], [], []>, precision = #tpu.contract_precision<fp32>, transpose_lhs_hint = false} : vector<128x128xf32>, vector<128x64xf32>, vector<128x64xf32> -> vector<128x64xf32>
    %add3A_74 = vector.broadcast %broadcast_in_dim3A_71 : vector<1x64xf32> to vector<128x64xf32>
    %add3A_75 = arith.addf %dot_general3A_73, %add3A_74 : vector<128x64xf32>
    %slice3A_76 = vector.extract_strided_slice %add3A_75 {offsets = [127, 0], sizes = [1, 64], strides = [1, 1]} : vector<128x64xf32> to vector<1x64xf32>
    %slice3A_77 = vector.extract_strided_slice %convert_element_type3A_63 {offsets = [128, 0], sizes = [128, 64], strides = [1, 1]} : vector<2048x64xf32> to vector<128x64xf32>
    %dot_general3A_78 = arith.constant dense<0.000000e+00> : vector<128x64xf32>
    %dot_general3A_79 = tpu.matmul %convert_element_type3A_69, %slice3A_77, %dot_general3A_78 {dimension_numbers = #tpu.dot_dimension_numbers<[1], [0], [0], [1], [0, 0, 1, 1], [], []>, precision = #tpu.contract_precision<fp32>, transpose_lhs_hint = false} : vector<128x128xf32>, vector<128x64xf32>, vector<128x64xf32> -> vector<128x64xf32>
    %add3A_80 = vector.broadcast %slice3A_76 : vector<1x64xf32> to vector<128x64xf32>
    %add3A_81 = arith.addf %dot_general3A_79, %add3A_80 : vector<128x64xf32>
    %slice3A_82 = vector.extract_strided_slice %add3A_81 {offsets = [127, 0], sizes = [1, 64], strides = [1, 1]} : vector<128x64xf32> to vector<1x64xf32>
    %slice3A_83 = vector.extract_strided_slice %convert_element_type3A_63 {offsets = [256, 0], sizes = [128, 64], strides = [1, 1]} : vector<2048x64xf32> to vector<128x64xf32>
    %dot_general3A_84 = arith.constant dense<0.000000e+00> : vector<128x64xf32>
    %dot_general3A_85 = tpu.matmul %convert_element_type3A_69, %slice3A_83, %dot_general3A_84 {dimension_numbers = #tpu.dot_dimension_numbers<[1], [0], [0], [1], [0, 0, 1, 1], [], []>, precision = #tpu.contract_precision<fp32>, transpose_lhs_hint = false} : vector<128x128xf32>, vector<128x64xf32>, vector<128x64xf32> -> vector<128x64xf32>
    %add3A_86 = vector.broadcast %slice3A_82 : vector<1x64xf32> to vector<128x64xf32>
    %add3A_87 = arith.addf %dot_general3A_85, %add3A_86 : vector<128x64xf32>
    %slice3A_88 = vector.extract_strided_slice %add3A_87 {offsets = [127, 0], sizes = [1, 64], strides = [1, 1]} : vector<128x64xf32> to vector<1x64xf32>
    %slice3A_89 = vector.extract_strided_slice %convert_element_type3A_63 {offsets = [384, 0], sizes = [128, 64], strides = [1, 1]} : vector<2048x64xf32> to vector<128x64xf32>
    %dot_general3A_90 = arith.constant dense<0.000000e+00> : vector<128x64xf32>
    %dot_general3A_91 = tpu.matmul %convert_element_type3A_69, %slice3A_89, %dot_general3A_90 {dimension_numbers = #tpu.dot_dimension_numbers<[1], [0], [0], [1], [0, 0, 1, 1], [], []>, precision = #tpu.contract_precision<fp32>, transpose_lhs_hint = false} : vector<128x128xf32>, vector<128x64xf32>, vector<128x64xf32> -> vector<128x64xf32>
    %add3A_92 = vector.broadcast %slice3A_88 : vector<1x64xf32> to vector<128x64xf32>
    %add3A_93 = arith.addf %dot_general3A_91, %add3A_92 : vector<128x64xf32>
    %slice3A_94 = vector.extract_strided_slice %add3A_93 {offsets = [127, 0], sizes = [1, 64], strides = [1, 1]} : vector<128x64xf32> to vector<1x64xf32>
    %slice3A_95 = vector.extract_strided_slice %convert_element_type3A_63 {offsets = [512, 0], sizes = [128, 64], strides = [1, 1]} : vector<2048x64xf32> to vector<128x64xf32>
    %dot_general3A_96 = arith.constant dense<0.000000e+00> : vector<128x64xf32>
    %dot_general3A_97 = tpu.matmul %convert_element_type3A_69, %slice3A_95, %dot_general3A_96 {dimension_numbers = #tpu.dot_dimension_numbers<[1], [0], [0], [1], [0, 0, 1, 1], [], []>, precision = #tpu.contract_precision<fp32>, transpose_lhs_hint = false} : vector<128x128xf32>, vector<128x64xf32>, vector<128x64xf32> -> vector<128x64xf32>
    %add3A_98 = vector.broadcast %slice3A_94 : vector<1x64xf32> to vector<128x64xf32>
    %add3A_99 = arith.addf %dot_general3A_97, %add3A_98 : vector<128x64xf32>
    %slice3A_100 = vector.extract_strided_slice %add3A_99 {offsets = [127, 0], sizes = [1, 64], strides = [1, 1]} : vector<128x64xf32> to vector<1x64xf32>
    %slice3A_101 = vector.extract_strided_slice %convert_element_type3A_63 {offsets = [640, 0], sizes = [128, 64], strides = [1, 1]} : vector<2048x64xf32> to vector<128x64xf32>
    %dot_general3A_102 = arith.constant dense<0.000000e+00> : vector<128x64xf32>
    %dot_general3A_103 = tpu.matmul %convert_element_type3A_69, %slice3A_101, %dot_general3A_102 {dimension_numbers = #tpu.dot_dimension_numbers<[1], [0], [0], [1], [0, 0, 1, 1], [], []>, precision = #tpu.contract_precision<fp32>, transpose_lhs_hint = false} : vector<128x128xf32>, vector<128x64xf32>, vector<128x64xf32> -> vector<128x64xf32>
    %add3A_104 = vector.broadcast %slice3A_100 : vector<1x64xf32> to vector<128x64xf32>
    %add3A_105 = arith.addf %dot_general3A_103, %add3A_104 : vector<128x64xf32>
    %slice3A_106 = vector.extract_strided_slice %add3A_105 {offsets = [127, 0], sizes = [1, 64], strides = [1, 1]} : vector<128x64xf32> to vector<1x64xf32>
    %slice3A_107 = vector.extract_strided_slice %convert_element_type3A_63 {offsets = [768, 0], sizes = [128, 64], strides = [1, 1]} : vector<2048x64xf32> to vector<128x64xf32>
    %dot_general3A_108 = arith.constant dense<0.000000e+00> : vector<128x64xf32>
    %dot_general3A_109 = tpu.matmul %convert_element_type3A_69, %slice3A_107, %dot_general3A_108 {dimension_numbers = #tpu.dot_dimension_numbers<[1], [0], [0], [1], [0, 0, 1, 1], [], []>, precision = #tpu.contract_precision<fp32>, transpose_lhs_hint = false} : vector<128x128xf32>, vector<128x64xf32>, vector<128x64xf32> -> vector<128x64xf32>
    %add3A_110 = vector.broadcast %slice3A_106 : vector<1x64xf32> to vector<128x64xf32>
    %add3A_111 = arith.addf %dot_general3A_109, %add3A_110 : vector<128x64xf32>
    %slice3A_112 = vector.extract_strided_slice %add3A_111 {offsets = [127, 0], sizes = [1, 64], strides = [1, 1]} : vector<128x64xf32> to vector<1x64xf32>
    %slice3A_113 = vector.extract_strided_slice %convert_element_type3A_63 {offsets = [896, 0], sizes = [128, 64], strides = [1, 1]} : vector<2048x64xf32> to vector<128x64xf32>
    %dot_general3A_114 = arith.constant dense<0.000000e+00> : vector<128x64xf32>
    %dot_general3A_115 = tpu.matmul %convert_element_type3A_69, %slice3A_113, %dot_general3A_114 {dimension_numbers = #tpu.dot_dimension_numbers<[1], [0], [0], [1], [0, 0, 1, 1], [], []>, precision = #tpu.contract_precision<fp32>, transpose_lhs_hint = false} : vector<128x128xf32>, vector<128x64xf32>, vector<128x64xf32> -> vector<128x64xf32>
    %add3A_116 = vector.broadcast %slice3A_112 : vector<1x64xf32> to vector<128x64xf32>
    %add3A_117 = arith.addf %dot_general3A_115, %add3A_116 : vector<128x64xf32>
    %slice3A_118 = vector.extract_strided_slice %add3A_117 {offsets = [127, 0], sizes = [1, 64], strides = [1, 1]} : vector<128x64xf32> to vector<1x64xf32>
    %slice3A_119 = vector.extract_strided_slice %convert_element_type3A_63 {offsets = [1024, 0], sizes = [128, 64], strides = [1, 1]} : vector<2048x64xf32> to vector<128x64xf32>
    %dot_general3A_120 = arith.constant dense<0.000000e+00> : vector<128x64xf32>
    %dot_general3A_121 = tpu.matmul %convert_element_type3A_69, %slice3A_119, %dot_general3A_120 {dimension_numbers = #tpu.dot_dimension_numbers<[1], [0], [0], [1], [0, 0, 1, 1], [], []>, precision = #tpu.contract_precision<fp32>, transpose_lhs_hint = false} : vector<128x128xf32>, vector<128x64xf32>, vector<128x64xf32> -> vector<128x64xf32>
    %add3A_122 = vector.broadcast %slice3A_118 : vector<1x64xf32> to vector<128x64xf32>
    %add3A_123 = arith.addf %dot_general3A_121, %add3A_122 : vector<128x64xf32>
    %slice3A_124 = vector.extract_strided_slice %add3A_123 {offsets = [127, 0], sizes = [1, 64], strides = [1, 1]} : vector<128x64xf32> to vector<1x64xf32>
    %slice3A_125 = vector.extract_strided_slice %convert_element_type3A_63 {offsets = [1152, 0], sizes = [128, 64], strides = [1, 1]} : vector<2048x64xf32> to vector<128x64xf32>
    %dot_general3A_126 = arith.constant dense<0.000000e+00> : vector<128x64xf32>
    %dot_general3A_127 = tpu.matmul %convert_element_type3A_69, %slice3A_125, %dot_general3A_126 {dimension_numbers = #tpu.dot_dimension_numbers<[1], [0], [0], [1], [0, 0, 1, 1], [], []>, precision = #tpu.contract_precision<fp32>, transpose_lhs_hint = false} : vector<128x128xf32>, vector<128x64xf32>, vector<128x64xf32> -> vector<128x64xf32>
    %add3A_128 = vector.broadcast %slice3A_124 : vector<1x64xf32> to vector<128x64xf32>
    %add3A_129 = arith.addf %dot_general3A_127, %add3A_128 : vector<128x64xf32>
    %slice3A_130 = vector.extract_strided_slice %add3A_129 {offsets = [127, 0], sizes = [1, 64], strides = [1, 1]} : vector<128x64xf32> to vector<1x64xf32>
    %slice3A_131 = vector.extract_strided_slice %convert_element_type3A_63 {offsets = [1280, 0], sizes = [128, 64], strides = [1, 1]} : vector<2048x64xf32> to vector<128x64xf32>
    %dot_general3A_132 = arith.constant dense<0.000000e+00> : vector<128x64xf32>
    %dot_general3A_133 = tpu.matmul %convert_element_type3A_69, %slice3A_131, %dot_general3A_132 {dimension_numbers = #tpu.dot_dimension_numbers<[1], [0], [0], [1], [0, 0, 1, 1], [], []>, precision = #tpu.contract_precision<fp32>, transpose_lhs_hint = false} : vector<128x128xf32>, vector<128x64xf32>, vector<128x64xf32> -> vector<128x64xf32>
    %add3A_134 = vector.broadcast %slice3A_130 : vector<1x64xf32> to vector<128x64xf32>
    %add3A_135 = arith.addf %dot_general3A_133, %add3A_134 : vector<128x64xf32>
    %slice3A_136 = vector.extract_strided_slice %add3A_135 {offsets = [127, 0], sizes = [1, 64], strides = [1, 1]} : vector<128x64xf32> to vector<1x64xf32>
    %slice3A_137 = vector.extract_strided_slice %convert_element_type3A_63 {offsets = [1408, 0], sizes = [128, 64], strides = [1, 1]} : vector<2048x64xf32> to vector<128x64xf32>
    %dot_general3A_138 = arith.constant dense<0.000000e+00> : vector<128x64xf32>
    %dot_general3A_139 = tpu.matmul %convert_element_type3A_69, %slice3A_137, %dot_general3A_138 {dimension_numbers = #tpu.dot_dimension_numbers<[1], [0], [0], [1], [0, 0, 1, 1], [], []>, precision = #tpu.contract_precision<fp32>, transpose_lhs_hint = false} : vector<128x128xf32>, vector<128x64xf32>, vector<128x64xf32> -> vector<128x64xf32>
    %add3A_140 = vector.broadcast %slice3A_136 : vector<1x64xf32> to vector<128x64xf32>
    %add3A_141 = arith.addf %dot_general3A_139, %add3A_140 : vector<128x64xf32>
    %slice3A_142 = vector.extract_strided_slice %add3A_141 {offsets = [127, 0], sizes = [1, 64], strides = [1, 1]} : vector<128x64xf32> to vector<1x64xf32>
    %slice3A_143 = vector.extract_strided_slice %convert_element_type3A_63 {offsets = [1536, 0], sizes = [128, 64], strides = [1, 1]} : vector<2048x64xf32> to vector<128x64xf32>
    %dot_general3A_144 = arith.constant dense<0.000000e+00> : vector<128x64xf32>
    %dot_general3A_145 = tpu.matmul %convert_element_type3A_69, %slice3A_143, %dot_general3A_144 {dimension_numbers = #tpu.dot_dimension_numbers<[1], [0], [0], [1], [0, 0, 1, 1], [], []>, precision = #tpu.contract_precision<fp32>, transpose_lhs_hint = false} : vector<128x128xf32>, vector<128x64xf32>, vector<128x64xf32> -> vector<128x64xf32>
    %add3A_146 = vector.broadcast %slice3A_142 : vector<1x64xf32> to vector<128x64xf32>
    %add3A_147 = arith.addf %dot_general3A_145, %add3A_146 : vector<128x64xf32>
    %slice3A_148 = vector.extract_strided_slice %add3A_147 {offsets = [127, 0], sizes = [1, 64], strides = [1, 1]} : vector<128x64xf32> to vector<1x64xf32>
    %slice3A_149 = vector.extract_strided_slice %convert_element_type3A_63 {offsets = [1664, 0], sizes = [128, 64], strides = [1, 1]} : vector<2048x64xf32> to vector<128x64xf32>
    %dot_general3A_150 = arith.constant dense<0.000000e+00> : vector<128x64xf32>
    %dot_general3A_151 = tpu.matmul %convert_element_type3A_69, %slice3A_149, %dot_general3A_150 {dimension_numbers = #tpu.dot_dimension_numbers<[1], [0], [0], [1], [0, 0, 1, 1], [], []>, precision = #tpu.contract_precision<fp32>, transpose_lhs_hint = false} : vector<128x128xf32>, vector<128x64xf32>, vector<128x64xf32> -> vector<128x64xf32>
    %add3A_152 = vector.broadcast %slice3A_148 : vector<1x64xf32> to vector<128x64xf32>
    %add3A_153 = arith.addf %dot_general3A_151, %add3A_152 : vector<128x64xf32>
    %slice3A_154 = vector.extract_strided_slice %add3A_153 {offsets = [127, 0], sizes = [1, 64], strides = [1, 1]} : vector<128x64xf32> to vector<1x64xf32>
    %slice3A_155 = vector.extract_strided_slice %convert_element_type3A_63 {offsets = [1792, 0], sizes = [128, 64], strides = [1, 1]} : vector<2048x64xf32> to vector<128x64xf32>
    %dot_general3A_156 = arith.constant dense<0.000000e+00> : vector<128x64xf32>
    %dot_general3A_157 = tpu.matmul %convert_element_type3A_69, %slice3A_155, %dot_general3A_156 {dimension_numbers = #tpu.dot_dimension_numbers<[1], [0], [0], [1], [0, 0, 1, 1], [], []>, precision = #tpu.contract_precision<fp32>, transpose_lhs_hint = false} : vector<128x128xf32>, vector<128x64xf32>, vector<128x64xf32> -> vector<128x64xf32>
    %add3A_158 = vector.broadcast %slice3A_154 : vector<1x64xf32> to vector<128x64xf32>
    %add3A_159 = arith.addf %dot_general3A_157, %add3A_158 : vector<128x64xf32>
    %slice3A_160 = vector.extract_strided_slice %add3A_159 {offsets = [127, 0], sizes = [1, 64], strides = [1, 1]} : vector<128x64xf32> to vector<1x64xf32>
    %slice3A_161 = vector.extract_strided_slice %convert_element_type3A_63 {offsets = [1920, 0], sizes = [128, 64], strides = [1, 1]} : vector<2048x64xf32> to vector<128x64xf32>
    %dot_general3A_162 = arith.constant dense<0.000000e+00> : vector<128x64xf32>
    %dot_general3A_163 = tpu.matmul %convert_element_type3A_69, %slice3A_161, %dot_general3A_162 {dimension_numbers = #tpu.dot_dimension_numbers<[1], [0], [0], [1], [0, 0, 1, 1], [], []>, precision = #tpu.contract_precision<fp32>, transpose_lhs_hint = false} : vector<128x128xf32>, vector<128x64xf32>, vector<128x64xf32> -> vector<128x64xf32>
    %add3A_164 = vector.broadcast %slice3A_160 : vector<1x64xf32> to vector<128x64xf32>
    %add3A_165 = arith.addf %dot_general3A_163, %add3A_164 : vector<128x64xf32>
    %concatenate3A = tpu.concatenate %add3A_75, %add3A_81, %add3A_87, %add3A_93, %add3A_99, %add3A_105, %add3A_111, %add3A_117, %add3A_123, %add3A_129, %add3A_135, %add3A_141, %add3A_147, %add3A_153, %add3A_159, %add3A_165 in 0 : vector<128x64xf32>, vector<128x64xf32>, vector<128x64xf32>, vector<128x64xf32>, vector<128x64xf32>, vector<128x64xf32>, vector<128x64xf32>, vector<128x64xf32>, vector<128x64xf32>, vector<128x64xf32>, vector<128x64xf32>, vector<128x64xf32>, vector<128x64xf32>, vector<128x64xf32>, vector<128x64xf32>, vector<128x64xf32> -> vector<2048x64xf32>
    %broadcast_in_dim3A_166 = arith.constant 0.000000e+00 : f32
    %broadcast_in_dim3A_167 = vector.broadcast %broadcast_in_dim3A_166 : f32 to vector<1x64xf32>
    %slice3A_168 = vector.extract_strided_slice %convert_element_type3A_65 {offsets = [0, 0], sizes = [128, 64], strides = [1, 1]} : vector<2048x64xf32> to vector<128x64xf32>
    %dot_general3A_169 = arith.constant dense<0.000000e+00> : vector<128x64xf32>
    %dot_general3A_170 = tpu.matmul %convert_element_type3A_69, %slice3A_168, %dot_general3A_169 {dimension_numbers = #tpu.dot_dimension_numbers<[1], [0], [0], [1], [0, 0, 1, 1], [], []>, precision = #tpu.contract_precision<fp32>, transpose_lhs_hint = false} : vector<128x128xf32>, vector<128x64xf32>, vector<128x64xf32> -> vector<128x64xf32>
    %add3A_171 = vector.broadcast %broadcast_in_dim3A_167 : vector<1x64xf32> to vector<128x64xf32>
    %add3A_172 = arith.addf %dot_general3A_170, %add3A_171 : vector<128x64xf32>
    %slice3A_173 = vector.extract_strided_slice %add3A_172 {offsets = [127, 0], sizes = [1, 64], strides = [1, 1]} : vector<128x64xf32> to vector<1x64xf32>
    %slice3A_174 = vector.extract_strided_slice %convert_element_type3A_65 {offsets = [128, 0], sizes = [128, 64], strides = [1, 1]} : vector<2048x64xf32> to vector<128x64xf32>
    %dot_general3A_175 = arith.constant dense<0.000000e+00> : vector<128x64xf32>
    %dot_general3A_176 = tpu.matmul %convert_element_type3A_69, %slice3A_174, %dot_general3A_175 {dimension_numbers = #tpu.dot_dimension_numbers<[1], [0], [0], [1], [0, 0, 1, 1], [], []>, precision = #tpu.contract_precision<fp32>, transpose_lhs_hint = false} : vector<128x128xf32>, vector<128x64xf32>, vector<128x64xf32> -> vector<128x64xf32>
    %add3A_177 = vector.broadcast %slice3A_173 : vector<1x64xf32> to vector<128x64xf32>
    %add3A_178 = arith.addf %dot_general3A_176, %add3A_177 : vector<128x64xf32>
    %slice3A_179 = vector.extract_strided_slice %add3A_178 {offsets = [127, 0], sizes = [1, 64], strides = [1, 1]} : vector<128x64xf32> to vector<1x64xf32>
    %slice3A_180 = vector.extract_strided_slice %convert_element_type3A_65 {offsets = [256, 0], sizes = [128, 64], strides = [1, 1]} : vector<2048x64xf32> to vector<128x64xf32>
    %dot_general3A_181 = arith.constant dense<0.000000e+00> : vector<128x64xf32>
    %dot_general3A_182 = tpu.matmul %convert_element_type3A_69, %slice3A_180, %dot_general3A_181 {dimension_numbers = #tpu.dot_dimension_numbers<[1], [0], [0], [1], [0, 0, 1, 1], [], []>, precision = #tpu.contract_precision<fp32>, transpose_lhs_hint = false} : vector<128x128xf32>, vector<128x64xf32>, vector<128x64xf32> -> vector<128x64xf32>
    %add3A_183 = vector.broadcast %slice3A_179 : vector<1x64xf32> to vector<128x64xf32>
    %add3A_184 = arith.addf %dot_general3A_182, %add3A_183 : vector<128x64xf32>
    %slice3A_185 = vector.extract_strided_slice %add3A_184 {offsets = [127, 0], sizes = [1, 64], strides = [1, 1]} : vector<128x64xf32> to vector<1x64xf32>
    %slice3A_186 = vector.extract_strided_slice %convert_element_type3A_65 {offsets = [384, 0], sizes = [128, 64], strides = [1, 1]} : vector<2048x64xf32> to vector<128x64xf32>
    %dot_general3A_187 = arith.constant dense<0.000000e+00> : vector<128x64xf32>
    %dot_general3A_188 = tpu.matmul %convert_element_type3A_69, %slice3A_186, %dot_general3A_187 {dimension_numbers = #tpu.dot_dimension_numbers<[1], [0], [0], [1], [0, 0, 1, 1], [], []>, precision = #tpu.contract_precision<fp32>, transpose_lhs_hint = false} : vector<128x128xf32>, vector<128x64xf32>, vector<128x64xf32> -> vector<128x64xf32>
    %add3A_189 = vector.broadcast %slice3A_185 : vector<1x64xf32> to vector<128x64xf32>
    %add3A_190 = arith.addf %dot_general3A_188, %add3A_189 : vector<128x64xf32>
    %slice3A_191 = vector.extract_strided_slice %add3A_190 {offsets = [127, 0], sizes = [1, 64], strides = [1, 1]} : vector<128x64xf32> to vector<1x64xf32>
    %slice3A_192 = vector.extract_strided_slice %convert_element_type3A_65 {offsets = [512, 0], sizes = [128, 64], strides = [1, 1]} : vector<2048x64xf32> to vector<128x64xf32>
    %dot_general3A_193 = arith.constant dense<0.000000e+00> : vector<128x64xf32>
    %dot_general3A_194 = tpu.matmul %convert_element_type3A_69, %slice3A_192, %dot_general3A_193 {dimension_numbers = #tpu.dot_dimension_numbers<[1], [0], [0], [1], [0, 0, 1, 1], [], []>, precision = #tpu.contract_precision<fp32>, transpose_lhs_hint = false} : vector<128x128xf32>, vector<128x64xf32>, vector<128x64xf32> -> vector<128x64xf32>
    %add3A_195 = vector.broadcast %slice3A_191 : vector<1x64xf32> to vector<128x64xf32>
    %add3A_196 = arith.addf %dot_general3A_194, %add3A_195 : vector<128x64xf32>
    %slice3A_197 = vector.extract_strided_slice %add3A_196 {offsets = [127, 0], sizes = [1, 64], strides = [1, 1]} : vector<128x64xf32> to vector<1x64xf32>
    %slice3A_198 = vector.extract_strided_slice %convert_element_type3A_65 {offsets = [640, 0], sizes = [128, 64], strides = [1, 1]} : vector<2048x64xf32> to vector<128x64xf32>
    %dot_general3A_199 = arith.constant dense<0.000000e+00> : vector<128x64xf32>
    %dot_general3A_200 = tpu.matmul %convert_element_type3A_69, %slice3A_198, %dot_general3A_199 {dimension_numbers = #tpu.dot_dimension_numbers<[1], [0], [0], [1], [0, 0, 1, 1], [], []>, precision = #tpu.contract_precision<fp32>, transpose_lhs_hint = false} : vector<128x128xf32>, vector<128x64xf32>, vector<128x64xf32> -> vector<128x64xf32>
    %add3A_201 = vector.broadcast %slice3A_197 : vector<1x64xf32> to vector<128x64xf32>
    %add3A_202 = arith.addf %dot_general3A_200, %add3A_201 : vector<128x64xf32>
    %slice3A_203 = vector.extract_strided_slice %add3A_202 {offsets = [127, 0], sizes = [1, 64], strides = [1, 1]} : vector<128x64xf32> to vector<1x64xf32>
    %slice3A_204 = vector.extract_strided_slice %convert_element_type3A_65 {offsets = [768, 0], sizes = [128, 64], strides = [1, 1]} : vector<2048x64xf32> to vector<128x64xf32>
    %dot_general3A_205 = arith.constant dense<0.000000e+00> : vector<128x64xf32>
    %dot_general3A_206 = tpu.matmul %convert_element_type3A_69, %slice3A_204, %dot_general3A_205 {dimension_numbers = #tpu.dot_dimension_numbers<[1], [0], [0], [1], [0, 0, 1, 1], [], []>, precision = #tpu.contract_precision<fp32>, transpose_lhs_hint = false} : vector<128x128xf32>, vector<128x64xf32>, vector<128x64xf32> -> vector<128x64xf32>
    %add3A_207 = vector.broadcast %slice3A_203 : vector<1x64xf32> to vector<128x64xf32>
    %add3A_208 = arith.addf %dot_general3A_206, %add3A_207 : vector<128x64xf32>
    %slice3A_209 = vector.extract_strided_slice %add3A_208 {offsets = [127, 0], sizes = [1, 64], strides = [1, 1]} : vector<128x64xf32> to vector<1x64xf32>
    %slice3A_210 = vector.extract_strided_slice %convert_element_type3A_65 {offsets = [896, 0], sizes = [128, 64], strides = [1, 1]} : vector<2048x64xf32> to vector<128x64xf32>
    %dot_general3A_211 = arith.constant dense<0.000000e+00> : vector<128x64xf32>
    %dot_general3A_212 = tpu.matmul %convert_element_type3A_69, %slice3A_210, %dot_general3A_211 {dimension_numbers = #tpu.dot_dimension_numbers<[1], [0], [0], [1], [0, 0, 1, 1], [], []>, precision = #tpu.contract_precision<fp32>, transpose_lhs_hint = false} : vector<128x128xf32>, vector<128x64xf32>, vector<128x64xf32> -> vector<128x64xf32>
    %add3A_213 = vector.broadcast %slice3A_209 : vector<1x64xf32> to vector<128x64xf32>
    %add3A_214 = arith.addf %dot_general3A_212, %add3A_213 : vector<128x64xf32>
    %slice3A_215 = vector.extract_strided_slice %add3A_214 {offsets = [127, 0], sizes = [1, 64], strides = [1, 1]} : vector<128x64xf32> to vector<1x64xf32>
    %slice3A_216 = vector.extract_strided_slice %convert_element_type3A_65 {offsets = [1024, 0], sizes = [128, 64], strides = [1, 1]} : vector<2048x64xf32> to vector<128x64xf32>
    %dot_general3A_217 = arith.constant dense<0.000000e+00> : vector<128x64xf32>
    %dot_general3A_218 = tpu.matmul %convert_element_type3A_69, %slice3A_216, %dot_general3A_217 {dimension_numbers = #tpu.dot_dimension_numbers<[1], [0], [0], [1], [0, 0, 1, 1], [], []>, precision = #tpu.contract_precision<fp32>, transpose_lhs_hint = false} : vector<128x128xf32>, vector<128x64xf32>, vector<128x64xf32> -> vector<128x64xf32>
    %add3A_219 = vector.broadcast %slice3A_215 : vector<1x64xf32> to vector<128x64xf32>
    %add3A_220 = arith.addf %dot_general3A_218, %add3A_219 : vector<128x64xf32>
    %slice3A_221 = vector.extract_strided_slice %add3A_220 {offsets = [127, 0], sizes = [1, 64], strides = [1, 1]} : vector<128x64xf32> to vector<1x64xf32>
    %slice3A_222 = vector.extract_strided_slice %convert_element_type3A_65 {offsets = [1152, 0], sizes = [128, 64], strides = [1, 1]} : vector<2048x64xf32> to vector<128x64xf32>
    %dot_general3A_223 = arith.constant dense<0.000000e+00> : vector<128x64xf32>
    %dot_general3A_224 = tpu.matmul %convert_element_type3A_69, %slice3A_222, %dot_general3A_223 {dimension_numbers = #tpu.dot_dimension_numbers<[1], [0], [0], [1], [0, 0, 1, 1], [], []>, precision = #tpu.contract_precision<fp32>, transpose_lhs_hint = false} : vector<128x128xf32>, vector<128x64xf32>, vector<128x64xf32> -> vector<128x64xf32>
    %add3A_225 = vector.broadcast %slice3A_221 : vector<1x64xf32> to vector<128x64xf32>
    %add3A_226 = arith.addf %dot_general3A_224, %add3A_225 : vector<128x64xf32>
    %slice3A_227 = vector.extract_strided_slice %add3A_226 {offsets = [127, 0], sizes = [1, 64], strides = [1, 1]} : vector<128x64xf32> to vector<1x64xf32>
    %slice3A_228 = vector.extract_strided_slice %convert_element_type3A_65 {offsets = [1280, 0], sizes = [128, 64], strides = [1, 1]} : vector<2048x64xf32> to vector<128x64xf32>
    %dot_general3A_229 = arith.constant dense<0.000000e+00> : vector<128x64xf32>
    %dot_general3A_230 = tpu.matmul %convert_element_type3A_69, %slice3A_228, %dot_general3A_229 {dimension_numbers = #tpu.dot_dimension_numbers<[1], [0], [0], [1], [0, 0, 1, 1], [], []>, precision = #tpu.contract_precision<fp32>, transpose_lhs_hint = false} : vector<128x128xf32>, vector<128x64xf32>, vector<128x64xf32> -> vector<128x64xf32>
    %add3A_231 = vector.broadcast %slice3A_227 : vector<1x64xf32> to vector<128x64xf32>
    %add3A_232 = arith.addf %dot_general3A_230, %add3A_231 : vector<128x64xf32>
    %slice3A_233 = vector.extract_strided_slice %add3A_232 {offsets = [127, 0], sizes = [1, 64], strides = [1, 1]} : vector<128x64xf32> to vector<1x64xf32>
    %slice3A_234 = vector.extract_strided_slice %convert_element_type3A_65 {offsets = [1408, 0], sizes = [128, 64], strides = [1, 1]} : vector<2048x64xf32> to vector<128x64xf32>
    %dot_general3A_235 = arith.constant dense<0.000000e+00> : vector<128x64xf32>
    %dot_general3A_236 = tpu.matmul %convert_element_type3A_69, %slice3A_234, %dot_general3A_235 {dimension_numbers = #tpu.dot_dimension_numbers<[1], [0], [0], [1], [0, 0, 1, 1], [], []>, precision = #tpu.contract_precision<fp32>, transpose_lhs_hint = false} : vector<128x128xf32>, vector<128x64xf32>, vector<128x64xf32> -> vector<128x64xf32>
    %add3A_237 = vector.broadcast %slice3A_233 : vector<1x64xf32> to vector<128x64xf32>
    %add3A_238 = arith.addf %dot_general3A_236, %add3A_237 : vector<128x64xf32>
    %slice3A_239 = vector.extract_strided_slice %add3A_238 {offsets = [127, 0], sizes = [1, 64], strides = [1, 1]} : vector<128x64xf32> to vector<1x64xf32>
    %slice3A_240 = vector.extract_strided_slice %convert_element_type3A_65 {offsets = [1536, 0], sizes = [128, 64], strides = [1, 1]} : vector<2048x64xf32> to vector<128x64xf32>
    %dot_general3A_241 = arith.constant dense<0.000000e+00> : vector<128x64xf32>
    %dot_general3A_242 = tpu.matmul %convert_element_type3A_69, %slice3A_240, %dot_general3A_241 {dimension_numbers = #tpu.dot_dimension_numbers<[1], [0], [0], [1], [0, 0, 1, 1], [], []>, precision = #tpu.contract_precision<fp32>, transpose_lhs_hint = false} : vector<128x128xf32>, vector<128x64xf32>, vector<128x64xf32> -> vector<128x64xf32>
    %add3A_243 = vector.broadcast %slice3A_239 : vector<1x64xf32> to vector<128x64xf32>
    %add3A_244 = arith.addf %dot_general3A_242, %add3A_243 : vector<128x64xf32>
    %slice3A_245 = vector.extract_strided_slice %add3A_244 {offsets = [127, 0], sizes = [1, 64], strides = [1, 1]} : vector<128x64xf32> to vector<1x64xf32>
    %slice3A_246 = vector.extract_strided_slice %convert_element_type3A_65 {offsets = [1664, 0], sizes = [128, 64], strides = [1, 1]} : vector<2048x64xf32> to vector<128x64xf32>
    %dot_general3A_247 = arith.constant dense<0.000000e+00> : vector<128x64xf32>
    %dot_general3A_248 = tpu.matmul %convert_element_type3A_69, %slice3A_246, %dot_general3A_247 {dimension_numbers = #tpu.dot_dimension_numbers<[1], [0], [0], [1], [0, 0, 1, 1], [], []>, precision = #tpu.contract_precision<fp32>, transpose_lhs_hint = false} : vector<128x128xf32>, vector<128x64xf32>, vector<128x64xf32> -> vector<128x64xf32>
    %add3A_249 = vector.broadcast %slice3A_245 : vector<1x64xf32> to vector<128x64xf32>
    %add3A_250 = arith.addf %dot_general3A_248, %add3A_249 : vector<128x64xf32>
    %slice3A_251 = vector.extract_strided_slice %add3A_250 {offsets = [127, 0], sizes = [1, 64], strides = [1, 1]} : vector<128x64xf32> to vector<1x64xf32>
    %slice3A_252 = vector.extract_strided_slice %convert_element_type3A_65 {offsets = [1792, 0], sizes = [128, 64], strides = [1, 1]} : vector<2048x64xf32> to vector<128x64xf32>
    %dot_general3A_253 = arith.constant dense<0.000000e+00> : vector<128x64xf32>
    %dot_general3A_254 = tpu.matmul %convert_element_type3A_69, %slice3A_252, %dot_general3A_253 {dimension_numbers = #tpu.dot_dimension_numbers<[1], [0], [0], [1], [0, 0, 1, 1], [], []>, precision = #tpu.contract_precision<fp32>, transpose_lhs_hint = false} : vector<128x128xf32>, vector<128x64xf32>, vector<128x64xf32> -> vector<128x64xf32>
    %add3A_255 = vector.broadcast %slice3A_251 : vector<1x64xf32> to vector<128x64xf32>
    %add3A_256 = arith.addf %dot_general3A_254, %add3A_255 : vector<128x64xf32>
    %slice3A_257 = vector.extract_strided_slice %add3A_256 {offsets = [127, 0], sizes = [1, 64], strides = [1, 1]} : vector<128x64xf32> to vector<1x64xf32>
    %slice3A_258 = vector.extract_strided_slice %convert_element_type3A_65 {offsets = [1920, 0], sizes = [128, 64], strides = [1, 1]} : vector<2048x64xf32> to vector<128x64xf32>
    %dot_general3A_259 = arith.constant dense<0.000000e+00> : vector<128x64xf32>
    %dot_general3A_260 = tpu.matmul %convert_element_type3A_69, %slice3A_258, %dot_general3A_259 {dimension_numbers = #tpu.dot_dimension_numbers<[1], [0], [0], [1], [0, 0, 1, 1], [], []>, precision = #tpu.contract_precision<fp32>, transpose_lhs_hint = false} : vector<128x128xf32>, vector<128x64xf32>, vector<128x64xf32> -> vector<128x64xf32>
    %add3A_261 = vector.broadcast %slice3A_257 : vector<1x64xf32> to vector<128x64xf32>
    %add3A_262 = arith.addf %dot_general3A_260, %add3A_261 : vector<128x64xf32>
    %concatenate3A_263 = tpu.concatenate %add3A_172, %add3A_178, %add3A_184, %add3A_190, %add3A_196, %add3A_202, %add3A_208, %add3A_214, %add3A_220, %add3A_226, %add3A_232, %add3A_238, %add3A_244, %add3A_250, %add3A_256, %add3A_262 in 0 : vector<128x64xf32>, vector<128x64xf32>, vector<128x64xf32>, vector<128x64xf32>, vector<128x64xf32>, vector<128x64xf32>, vector<128x64xf32>, vector<128x64xf32>, vector<128x64xf32>, vector<128x64xf32>, vector<128x64xf32>, vector<128x64xf32>, vector<128x64xf32>, vector<128x64xf32>, vector<128x64xf32>, vector<128x64xf32> -> vector<2048x64xf32>
    %slice3A_264 = vector.extract_strided_slice %concatenate3A {offsets = [2047, 0], sizes = [1, 64], strides = [1, 1]} : vector<2048x64xf32> to vector<1x64xf32>
    %slice3A_265 = vector.extract_strided_slice %concatenate3A_263 {offsets = [2047, 0], sizes = [1, 64], strides = [1, 1]} : vector<2048x64xf32> to vector<1x64xf32>
    %jit3A_266 = arith.constant 0.000000e+00 : f32
    %broadcast_in_dim3A_267 = vector.broadcast %jit3A_266 : f32 to vector<2048x64xf32>
    %select_n3A_268 = arith.select %eq3A_19, %concatenate3A, %broadcast_in_dim3A_267 : vector<2048x64xi1>, vector<2048x64xf32>
    %reduce_sum3A_269 = arith.constant dense<0.000000e+00> : vector<2048xf32>
    %reduce_sum3A_270 = vector.multi_reduction <add>, %select_n3A_268, %reduce_sum3A_269 [1] : vector<2048x64xf32> to vector<2048xf32>
    %sub3A_271 = arith.constant 1.000000e+00 : f32
    %sub3A_272 = vector.broadcast %sub3A_271 : f32 to vector<2048xf32>
    %sub3A_273 = arith.subf %reduce_sum3A_270, %sub3A_272 : vector<2048xf32>
    %jit3A_274 = arith.constant 0.000000e+00 : f32
    %broadcast_in_dim3A_275 = vector.broadcast %jit3A_274 : f32 to vector<2048x64xf32>
    %select_n3A_276 = arith.select %eq3A_38, %concatenate3A_263, %broadcast_in_dim3A_275 : vector<2048x64xi1>, vector<2048x64xf32>
    %reduce_sum3A_277 = arith.constant dense<0.000000e+00> : vector<2048xf32>
    %reduce_sum3A_278 = vector.multi_reduction <add>, %select_n3A_276, %reduce_sum3A_277 [1] : vector<2048x64xf32> to vector<2048xf32>
    %sub3A_279 = arith.constant 1.000000e+00 : f32
    %sub3A_280 = vector.broadcast %sub3A_279 : f32 to vector<2048xf32>
    %sub3A_281 = arith.subf %reduce_sum3A_278, %sub3A_280 : vector<2048xf32>
    %add3A_282 = arith.addf %slice3A_264, %slice3A_265 : vector<1x64xf32>
    %mul3A = arith.constant 7.812500e-03 : f32
    %mul3A_283 = vector.broadcast %mul3A : f32 to vector<1x64xf32>
    %mul3A_284 = arith.mulf %add3A_282, %mul3A_283 : vector<1x64xf32>
    %ceil3A = math.ceil %mul3A_284 : vector<1x64xf32>
    %iota3A_285 = tpu.iota {dimensions = array<i32: 0>} : vector<64x64xi32>
    %iota3A_286 = tpu.iota {dimensions = array<i32: 1>} : vector<64x64xi32>
    %le3A = arith.cmpi sle, %iota3A_285, %iota3A_286 : vector<64x64xi32>
    %convert_element_type3A_287 = arith.extui %le3A : vector<64x64xi1> to vector<64x64xi32>
    %convert_element_type3A_288 = arith.sitofp %convert_element_type3A_287 : vector<64x64xi32> to vector<64x64xf32>
    %dot_general3A_289 = arith.constant dense<0.000000e+00> : vector<1x64xf32>
    %dot_general3A_290 = tpu.matmul %ceil3A, %convert_element_type3A_288, %dot_general3A_289 {dimension_numbers = #tpu.dot_dimension_numbers<[1], [0], [0], [1], [0, 0, 1, 1], [], []>, precision = #tpu.contract_precision<fp32>, transpose_lhs_hint = false} : vector<1x64xf32>, vector<64x64xf32>, vector<1x64xf32> -> vector<1x64xf32>
    %sub3A_291 = arith.subf %dot_general3A_290, %ceil3A : vector<1x64xf32>
    %mul3A_292 = arith.constant 1.280000e+02 : f32
    %mul3A_293 = vector.broadcast %mul3A_292 : f32 to vector<1x64xf32>
    %mul3A_294 = arith.mulf %sub3A_291, %mul3A_293 : vector<1x64xf32>
    %jit3A_295 = arith.constant 0.000000e+00 : f32
    %broadcast_in_dim3A_296 = vector.shape_cast %mul3A_294 : vector<1x64xf32> to vector<1x64xf32>
    %broadcast_in_dim3A_297 = vector.broadcast %broadcast_in_dim3A_296 : vector<1x64xf32> to vector<2048x64xf32>
    %broadcast_in_dim3A_298 = vector.broadcast %jit3A_295 : f32 to vector<2048x64xf32>
    %select_n3A_299 = arith.select %eq3A_19, %broadcast_in_dim3A_297, %broadcast_in_dim3A_298 : vector<2048x64xi1>, vector<2048x64xf32>
    %reduce_sum3A_300 = arith.constant dense<0.000000e+00> : vector<2048xf32>
    %reduce_sum3A_301 = vector.multi_reduction <add>, %select_n3A_299, %reduce_sum3A_300 [1] : vector<2048x64xf32> to vector<2048xf32>
    %add3A_302 = arith.addf %reduce_sum3A_301, %sub3A_273 : vector<2048xf32>
    %add3A_303 = arith.addf %mul3A_294, %slice3A_264 : vector<1x64xf32>
    %jit3A_304 = arith.constant 0.000000e+00 : f32
    %broadcast_in_dim3A_305 = vector.shape_cast %add3A_303 : vector<1x64xf32> to vector<1x64xf32>
    %broadcast_in_dim3A_306 = vector.broadcast %broadcast_in_dim3A_305 : vector<1x64xf32> to vector<2048x64xf32>
    %broadcast_in_dim3A_307 = vector.broadcast %jit3A_304 : f32 to vector<2048x64xf32>
    %select_n3A_308 = arith.select %eq3A_38, %broadcast_in_dim3A_306, %broadcast_in_dim3A_307 : vector<2048x64xi1>, vector<2048x64xf32>
    %reduce_sum3A_309 = arith.constant dense<0.000000e+00> : vector<2048xf32>
    %reduce_sum3A_310 = vector.multi_reduction <add>, %select_n3A_308, %reduce_sum3A_309 [1] : vector<2048x64xf32> to vector<2048xf32>
    %add3A_311 = arith.addf %reduce_sum3A_310, %sub3A_281 : vector<2048xf32>
    %round3A = math.roundeven %add3A_302 : vector<2048xf32>
    %convert_element_type3A_312 = arith.fptosi %round3A : vector<2048xf32> to vector<2048xi32>
    %swap3A_313 = arith.constant 0 : index
    %swap3A_314 = arith.constant 0 : index
    %swap3A_315 = vector.load %arg3[%swap3A_313, %swap3A_314] : memref<1x2048xi32, #tpu.memory_space<vmem>>, vector<1x2048xi32>
    %swap3A_316 = vector.shape_cast %swap3A_315 : vector<1x2048xi32> to vector<2048xi32>
    %swap3A_317 = vector.shape_cast %convert_element_type3A_312 : vector<2048xi32> to vector<1x2048xi32>
    tpu.vector_store %arg3[%swap3A_313, %swap3A_314], %swap3A_317 {strides = array<i32>} : memref<1x2048xi32, #tpu.memory_space<vmem>>, vector<1x2048xi32>,
    %round3A_318 = math.roundeven %add3A_311 : vector<2048xf32>
    %convert_element_type3A_319 = arith.fptosi %round3A_318 : vector<2048xf32> to vector<2048xi32>
    %swap3A_320 = arith.constant 0 : index
    %swap3A_321 = arith.constant 0 : index
    %swap3A_322 = vector.load %arg4[%swap3A_320, %swap3A_321] : memref<1x2048xi32, #tpu.memory_space<vmem>>, vector<1x2048xi32>
    %swap3A_323 = vector.shape_cast %swap3A_322 : vector<1x2048xi32> to vector<2048xi32>
    %swap3A_324 = vector.shape_cast %convert_element_type3A_319 : vector<2048xi32> to vector<1x2048xi32>
    tpu.vector_store %arg4[%swap3A_320, %swap3A_321], %swap3A_324 {strides = array<i32>} : memref<1x2048xi32, #tpu.memory_space<vmem>>, vector<1x2048xi32>,
    %round3A_325 = math.roundeven %dot_general3A_290 : vector<1x64xf32>
    %convert_element_type3A_326 = arith.fptosi %round3A_325 : vector<1x64xf32> to vector<1x64xi32>
    %iota3A_327 = tpu.iota {dimensions = array<i32: 0>} : vector<104x64xi32>
    %ge3A_328 = vector.broadcast %convert_element_type3A_326 : vector<1x64xi32> to vector<104x64xi32>
    %ge3A_329 = arith.cmpi sge, %iota3A_327, %ge3A_328 : vector<104x64xi32>
    %convert_element_type3A_330 = arith.extui %ge3A_329 : vector<104x64xi1> to vector<104x64xi32>
    %reduce_sum3A_331 = arith.constant dense<0> : vector<104xi32>
    %reduce_sum3A_332 = vector.multi_reduction <add>, %convert_element_type3A_330, %reduce_sum3A_331 [1] : vector<104x64xi32> to vector<104xi32>
    %slice3A_333 = vector.extract_strided_slice %convert_element_type3A_326 {offsets = [0, 63], sizes = [1, 1], strides = [1, 1]} : vector<1x64xi32> to vector<1x1xi32>
    %squeeze3A = vector.shape_cast %slice3A_333 : vector<1x1xi32> to vector<1xi32>
    %slice3A_334 = vector.extract_strided_slice %iota3A_327 {offsets = [0, 0], sizes = [104, 1], strides = [1, 1]} : vector<104x64xi32> to vector<104x1xi32>
    %squeeze3A_335 = vector.shape_cast %slice3A_334 : vector<104x1xi32> to vector<104xi32>
    %lt3A = arith.constant 96 : i32
    %lt3A_336 = vector.broadcast %lt3A : i32 to vector<104xi32>
    %lt3A_337 = arith.cmpi slt, %squeeze3A_335, %lt3A_336 : vector<104xi32>
    %min3A = arith.constant 63 : i32
    %min3A_338 = vector.broadcast %min3A : i32 to vector<104xi32>
    %min3A_339 = arith.minsi %reduce_sum3A_332, %min3A_338 : vector<104xi32>
    %broadcast_in_dim3A_340 = vector.shape_cast %squeeze3A : vector<1xi32> to vector<1xi32>
    %broadcast_in_dim3A_341 = vector.broadcast %broadcast_in_dim3A_340 : vector<1xi32> to vector<104xi32>
    %select_n3A_342 = arith.select %lt3A_337, %min3A_339, %broadcast_in_dim3A_341 : vector<104xi1>, vector<104xi32>
    %swap3A_343 = arith.constant 0 : index
    %swap3A_344 = arith.constant 0 : index
    %swap3A_345 = vector.load %arg7[%swap3A_343, %swap3A_344] : memref<1x104xi32, #tpu.memory_space<vmem>>, vector<1x104xi32>
    %swap3A_346 = vector.shape_cast %swap3A_345 : vector<1x104xi32> to vector<104xi32>
    %swap3A_347 = vector.shape_cast %select_n3A_342 : vector<104xi32> to vector<1x104xi32>
    tpu.vector_store %arg7[%swap3A_343, %swap3A_344], %swap3A_347 {strides = array<i32>} : memref<1x104xi32, #tpu.memory_space<vmem>>, vector<1x104xi32>,
    return
  }
}

module attributes {stable_mosaic.version = 14 : i64} {
  func.func @_ffn_body(%arg0: i32, %arg1: memref<104xi32, #tpu.memory_space<smem>>, %arg2: memref<128x768xf32, #tpu.memory_space<vmem>>, %arg3: memref<1x768x2048xf32, #tpu.memory_space<vmem>>, %arg4: memref<1x2048x768xf32, #tpu.memory_space<vmem>>, %arg5: memref<1x1x128xf32, #tpu.memory_space<vmem>>, %arg6: memref<128x768xf32, #tpu.memory_space<vmem>>) attributes {dimension_semantics = [#tpu.dimension_semantics<arbitrary>], iteration_bounds = array<i64: 96>, scalar_prefetch = 1 : i64, scratch_operands = 0 : i64, tpu.core_type = #tpu.core_type<tc>, window_params = [{transform_indices = @transform_0, window_bounds = array<i64: 128, 768>}, {transform_indices = @transform_1, window_bounds = array<i64: 1, 768, 2048>}, {transform_indices = @transform_2, window_bounds = array<i64: 1, 2048, 768>}, {transform_indices = @transform_3, window_bounds = array<i64: 1, 1, 128>}, {transform_indices = @transform_4, window_bounds = array<i64: 128, 768>}]} {
    %get3A = arith.constant 96 : index
    %get3A_0 = memref.load %arg1[%get3A] : memref<104xi32, #tpu.memory_space<smem>>
    %lt3A = arith.cmpi slt, %arg0, %get3A_0 : i32
    %convert_element_type3A = arith.extui %lt3A : i1 to i32
    %cond3A = arith.constant 0 : i32
    %cond3A_1 = arith.cmpi ne, %convert_element_type3A, %cond3A : i32
    scf.if %cond3A_1 {
      %get3A_2 = arith.constant 0 : index
      %get3A_3 = arith.constant 0 : index
      %get3A_4 = vector.load %arg2[%get3A_2, %get3A_3] : memref<128x768xf32, #tpu.memory_space<vmem>>, vector<128x768xf32>
      %get3A_5 = arith.constant 0 : index
      %get3A_6 = arith.constant 0 : index
      %get3A_7 = arith.constant 0 : index
      %get3A_8 = vector.load %arg3[%get3A_5, %get3A_6, %get3A_7] : memref<1x768x2048xf32, #tpu.memory_space<vmem>>, vector<1x768x2048xf32>
      %get3A_9 = vector.shape_cast %get3A_8 : vector<1x768x2048xf32> to vector<768x2048xf32>
      %dot_general3A = arith.constant dense<0.000000e+00> : vector<128x2048xf32>
      %dot_general3A_10 = tpu.matmul %get3A_4, %get3A_9, %dot_general3A {dimension_numbers = #tpu.dot_dimension_numbers<[1], [0], [0], [1], [0, 0, 1, 1], [], []>, transpose_lhs_hint = false} : vector<128x768xf32>, vector<768x2048xf32>, vector<128x2048xf32> -> vector<128x2048xf32>
      %mul3A = arith.constant 5.000000e-01 : f32
      %mul3A_11 = vector.broadcast %mul3A : f32 to vector<128x2048xf32>
      %mul3A_12 = arith.mulf %mul3A_11, %dot_general3A_10 : vector<128x2048xf32>
      %mul3A_13 = arith.constant 0.707106769 : f32
      %mul3A_14 = vector.broadcast %mul3A_13 : f32 to vector<128x2048xf32>
      %mul3A_15 = arith.mulf %dot_general3A_10, %mul3A_14 : vector<128x2048xf32>
      %erf3A = math.erf %mul3A_15 : vector<128x2048xf32>
      %add3A = arith.constant 1.000000e+00 : f32
      %add3A_16 = vector.broadcast %add3A : f32 to vector<128x2048xf32>
      %add3A_17 = arith.addf %add3A_16, %erf3A : vector<128x2048xf32>
      %mul3A_18 = arith.mulf %mul3A_12, %add3A_17 : vector<128x2048xf32>
      %get3A_19 = arith.constant 0 : index
      %get3A_20 = arith.constant 0 : index
      %get3A_21 = arith.constant 0 : index
      %get3A_22 = vector.load %arg4[%get3A_19, %get3A_20, %get3A_21] : memref<1x2048x768xf32, #tpu.memory_space<vmem>>, vector<1x2048x768xf32>
      %get3A_23 = vector.shape_cast %get3A_22 : vector<1x2048x768xf32> to vector<2048x768xf32>
      %dot_general3A_24 = arith.constant dense<0.000000e+00> : vector<128x768xf32>
      %dot_general3A_25 = tpu.matmul %mul3A_18, %get3A_23, %dot_general3A_24 {dimension_numbers = #tpu.dot_dimension_numbers<[1], [0], [0], [1], [0, 0, 1, 1], [], []>, transpose_lhs_hint = false} : vector<128x2048xf32>, vector<2048x768xf32>, vector<128x768xf32> -> vector<128x768xf32>
      %get3A_26 = arith.constant 0 : index
      %get3A_27 = arith.constant 0 : index
      %get3A_28 = arith.constant 0 : index
      %get3A_29 = vector.load %arg5[%get3A_26, %get3A_27, %get3A_28] : memref<1x1x128xf32, #tpu.memory_space<vmem>>, vector<1x1x128xf32>
      %get3A_30 = vector.shape_cast %get3A_29 : vector<1x1x128xf32> to vector<128xf32>
      %broadcast_in_dim3A = vector.shape_cast %get3A_30 : vector<128xf32> to vector<128x1xf32>
      %mul3A_31 = vector.broadcast %broadcast_in_dim3A : vector<128x1xf32> to vector<128x768xf32>
      %mul3A_32 = arith.mulf %dot_general3A_25, %mul3A_31 : vector<128x768xf32>
      %swap3A = arith.constant 0 : index
      %swap3A_33 = arith.constant 0 : index
      %swap3A_34 = vector.load %arg6[%swap3A, %swap3A_33] : memref<128x768xf32, #tpu.memory_space<vmem>>, vector<128x768xf32>
      tpu.vector_store %arg6[%swap3A, %swap3A_33], %mul3A_32 {strides = array<i32>} : memref<128x768xf32, #tpu.memory_space<vmem>>, vector<128x768xf32>,
    } else {
    }
    return
  }
  func.func @transform_0(%arg0: i32, %arg1: memref<104xi32, #tpu.memory_space<smem>>) -> (i32, i32) {
    %get3A = arith.constant 96 : index
    %get3A_0 = memref.load %arg1[%get3A] : memref<104xi32, #tpu.memory_space<smem>>
    %lt3A = arith.cmpi slt, %arg0, %get3A_0 : i32
    %jit3A = arith.constant 0 : i32
    %select_n3A = arith.select %lt3A, %arg0, %jit3A : i32
    %c0_i32 = arith.constant 0 : i32
    %c0_i32_1 = arith.constant 0 : i32
    return %select_n3A, %c0_i32 : i32, i32
  }
  func.func @transform_1(%arg0: i32, %arg1: memref<104xi32, #tpu.memory_space<smem>>) -> (i32, i32, i32) {
    %get3A = arith.constant 96 : index
    %get3A_0 = memref.load %arg1[%get3A] : memref<104xi32, #tpu.memory_space<smem>>
    %sub3A = arith.constant 1 : i32
    %sub3A_1 = arith.subi %get3A_0, %sub3A : i32
    %max3A = arith.constant 0 : i32
    %max3A_2 = arith.maxsi %sub3A_1, %max3A : i32
    %min3A = arith.minsi %arg0, %max3A_2 : i32
    %get3A_3 = arith.index_cast %min3A : i32 to index
    %get3A_4 = memref.load %arg1[%get3A_3] : memref<104xi32, #tpu.memory_space<smem>>
    %c0_i32 = arith.constant 0 : i32
    %c0_i32_5 = arith.constant 0 : i32
    %c0_i32_6 = arith.constant 0 : i32
    return %get3A_4, %c0_i32, %c0_i32_5 : i32, i32, i32
  }
  func.func @transform_2(%arg0: i32, %arg1: memref<104xi32, #tpu.memory_space<smem>>) -> (i32, i32, i32) {
    %get3A = arith.constant 96 : index
    %get3A_0 = memref.load %arg1[%get3A] : memref<104xi32, #tpu.memory_space<smem>>
    %sub3A = arith.constant 1 : i32
    %sub3A_1 = arith.subi %get3A_0, %sub3A : i32
    %max3A = arith.constant 0 : i32
    %max3A_2 = arith.maxsi %sub3A_1, %max3A : i32
    %min3A = arith.minsi %arg0, %max3A_2 : i32
    %get3A_3 = arith.index_cast %min3A : i32 to index
    %get3A_4 = memref.load %arg1[%get3A_3] : memref<104xi32, #tpu.memory_space<smem>>
    %c0_i32 = arith.constant 0 : i32
    %c0_i32_5 = arith.constant 0 : i32
    %c0_i32_6 = arith.constant 0 : i32
    return %get3A_4, %c0_i32, %c0_i32_5 : i32, i32, i32
  }
  func.func @transform_3(%arg0: i32, %arg1: memref<104xi32, #tpu.memory_space<smem>>) -> (i32, i32, i32) {
    %get3A = arith.constant 96 : index
    %get3A_0 = memref.load %arg1[%get3A] : memref<104xi32, #tpu.memory_space<smem>>
    %lt3A = arith.cmpi slt, %arg0, %get3A_0 : i32
    %jit3A = arith.constant 0 : i32
    %select_n3A = arith.select %lt3A, %arg0, %jit3A : i32
    %c0_i32 = arith.constant 0 : i32
    %c0_i32_1 = arith.constant 0 : i32
    %c0_i32_2 = arith.constant 0 : i32
    return %select_n3A, %c0_i32, %c0_i32_1 : i32, i32, i32
  }
  func.func @transform_4(%arg0: i32, %arg1: memref<104xi32, #tpu.memory_space<smem>>) -> (i32, i32) {
    %get3A = arith.constant 96 : index
    %get3A_0 = memref.load %arg1[%get3A] : memref<104xi32, #tpu.memory_space<smem>>
    %lt3A = arith.cmpi slt, %arg0, %get3A_0 : i32
    %jit3A = arith.constant 96 : i32
    %select_n3A = arith.select %lt3A, %arg0, %jit3A : i32
    %c0_i32 = arith.constant 0 : i32
    %c0_i32_1 = arith.constant 0 : i32
    return %select_n3A, %c0_i32 : i32, i32
  }
}

</mosaic_0001>

<sc_bundles>
// kernel: kernel.6.cloned.1.call-start
scs
__scs_entry_jumppad:
0x0: {  	(pc) =	sbr.rel $0x88, $3  }
0x1: {  	(tag) =	ssettag $0x0;
	lr =	simm.s32 $0x1  }
0x2: {  	[smem:$0x3F9D] =	sst lr;
	_ =	strace $0xD0000000  }
0x3: {  	_ = 	snop  }
0x4: {  	_ = 	snop  }
0x5: {  	_ = 	snop  }
0x6: {  	_ = 	snop  }
0x7: {  	_ = 	snop  }
__scs_overlays_trampoline_lowered:
0x8: {  	[smem:$0x3FAC] =	sst s0  }
0x9: {  	[smem:$0x3FAD] =	sst s1  }
0xa: {  	[smem:$0x3FAE] =	sst s2  }
0xb: {  	[smem:$0x3FAF] =	sst s3  }
0xc: {  	[smem:$0x3FB0] =	sst s4  }
0xd: {  	[smem:$0x3FB1] =	sst s5  }
0xe: {  	[smem:$0x3FB2] =	sst s6  }
0xf: {  	[smem:$0x3FB3] =	sst s7  }
0x10: {  	[smem:$0x3FB4] =	sst s8  }
0x11: {  	[smem:$0x3FB5] =	sst s9;
	s0 =	simm.s32 @!p0 $0x0  }
0x12: {  	s1 =	sld [smem:$0x3F9B];
	s0 =	simm.s32 @p0 $0x1  }
0x13: {  	[smem:$0x3FB6] =	sst s0;
	s0 =	simm.s32 @!p1 $0x0  }
0x14: {  	s2 =	sld [smem:$0x3F9A];
	s0 =	simm.s32 @p1 $0x1  }
0x15: {  	[smem:$0x3FB7] =	sst s0;
	s0 =	simm.s32 @!p2 $0x0  }
0x16: {  	s3 =	sld [smem:$0x3FDB];
	s0 =	simm.s32 @p2 $0x1  }
0x17: {  	s4 =	simm.s32 $0x1BF5;
	[smem:$0x3FB9] =	sst s0  }
0x18: {  	s0 =	sld [smem:$0x3F9C];
	_ =	swait.ge [sflag:s4], $0x0  }
0x19: {  	s7 =	sld [smem:$0x3F9D]  }
0x1a: {  	s8 =	sadd.s32 $0xFFFFE003, lr  }
0x1b: {  	s9 =	sadd.s32 $0xFFFFFEF7, lr;
	s5 =	simm.s32 $0xFFFFFFFF;
	p2 =	slt.u32 s8, $0xFFFFF086  }
0x1c: {  	p1 =	slt.u32 s9, $0xF7A;
	s5 =	simm.s32 @!p2 $0x0  }
0x1d: {  	s5 =	simm.s32 @p1 $0x1;
	p0 =	seq.s32 s7, s2  }
0x1e: {  	s7 =	smul.u32 @!p0 $0xF7A, s2;
	p2 =	seq.s32 @!p0 s5, $0x0  }
0x1f: {  	s9 =	smul.u32 $0xF7A, s1;
	s8 =	simm.s32 @!p0 $0x1BF5;
	p2 =	por !p2, p0  }
0x20: {  	[sflag:s8] =	ssyncset.s32 @!p0 $0xFFFFF086;
	s6 =	sadd.s32 @!p0 s3, s7;
	s7 =	simm.s32 @!p0 $0x108  }
0x21: {  	s3 =	sadd.s32 s3, s9;
	s6 =	sadd.s32 @!p0 $0x88, s6;
	s7 =	simm.s32 @p2 $0x1082  }
0x22: {  	[simem:s7], [sflag:s8] =	dma.local @!p0 [hbm:s6], $0xF7A  }
0x23: {  	s9 =	sor.u32 $0xD0000000, s2;
	s6 =	simm.s32 $0x108;
	_ =	swait.ge @!p0 [sflag:s8], $0x0  }
0x24: {  	s3 =	sadd.s32 $0x88, s3;
	s6 =	simm.s32 @!p1 $0x1082;
	[sflag:s4] =	ssyncset.s32 $0xFFFFF086  }
0x25: {  	[simem:s6], [sflag:s4] =	dma.local [hbm:s3], $0xF7A  }
0x26: {  	[smem:$0x3F9D] =	sst s1;
	(tag) =	ssettag s2;
	_ =	strace s9  }
0x27: {  	s1 =	sld [smem:$0x3FAD]  }
0x28: {  	s2 =	sld [smem:$0x3FAE]  }
0x29: {  	s4 =	sld [smem:$0x3FB0]  }
0x2a: {  	p0 =	seq.s32 s5, $0x0;
	s5 =	sld [smem:$0x3FB1]  }
0x2b: {  	s6 =	sld [smem:$0x3FB2]  }
0x2c: {  	s7 =	sld [smem:$0x3FB3]  }
0x2d: {  	s3 =	simm.s32 $0x108;
	s8 =	sld [smem:$0x3FB4]  }
0x2e: {  	s3 =	simm.s32 @!p0 $0x1082;
	s9 =	sld [smem:$0x3FB5]  }
0x2f: {  	lr =	sadd.s32 s0, s3;
	s0 =	sld [smem:$0x3FAC]  }
0x30: {  	s3 =	sld [smem:$0x3FAF]  }
0x31: {  	[smem:$0x3FB8] =	sst s10  }
0x32: {  	s10 =	sld [smem:$0x3FB6];
	_ =	sdelay $0x3  }
0x33: {  	p0 =	seq.s32 s10, $0x1;
	s10 =	sld [smem:$0x3FB8];
	_ =	sdelay $0x3  }
0x34: {  	[smem:$0x3FB8] =	sst s10  }
0x35: {  	s10 =	sld [smem:$0x3FB7];
	_ =	sdelay $0x3  }
0x36: {  	p1 =	seq.s32 s10, $0x1;
	s10 =	sld [smem:$0x3FB8];
	_ =	sdelay $0x3  }
0x37: {  	[smem:$0x3FB8] =	sst s10  }
0x38: {  	s10 =	sld [smem:$0x3FB9]  }
0x39: {  	_ = 	snop;
	(pc) =	sbr.ind lr, $3  }
0x3a: {  	_ = 	snop  }
0x3b: {  	_ = 	snop  }
0x3c: {  	p2 =	seq.s32 s10, $0x1;
	s10 =	sld [smem:$0x3FB8]  }
0x3d: {  	_ =	shalt  }
0x3e: {  	_ =	shalt  }
0x3f: {  	_ =	shalt  }
0x40: {  	_ =	shalt  }
0x41: {  	_ =	shalt  }
0x42: {  	_ =	shalt  }
0x43: {  	_ =	shalt  }
0x44: {  	_ =	shalt  }
0x45: {  	_ =	shalt  }
0x46: {  	_ =	shalt  }
0x47: {  	_ =	shalt  }
0x48: {  	_ =	shalt  }
0x49: {  	_ =	shalt  }
0x4a: {  	_ =	shalt  }
0x4b: {  	_ =	shalt  }
0x4c: {  	_ =	shalt  }
0x4d: {  	_ =	shalt  }
0x4e: {  	_ =	shalt  }
0x4f: {  	_ =	shalt  }
0x50: {  	_ =	shalt  }
0x51: {  	_ =	shalt  }
0x52: {  	_ =	shalt  }
0x53: {  	_ =	shalt  }
0x54: {  	_ =	shalt  }
0x55: {  	_ =	shalt  }
0x56: {  	_ =	shalt  }
0x57: {  	_ =	shalt  }
0x58: {  	_ =	shalt  }
0x59: {  	_ =	shalt  }
0x5a: {  	_ =	shalt  }
0x5b: {  	_ =	shalt  }
0x5c: {  	_ =	shalt  }
0x5d: {  	_ =	shalt  }
0x5e: {  	_ =	shalt  }
0x5f: {  	_ =	shalt  }
0x60: {  	_ =	shalt  }
0x61: {  	_ =	shalt  }
0x62: {  	_ =	shalt  }
0x63: {  	_ =	shalt  }
0x64: {  	_ =	shalt  }
0x65: {  	_ =	shalt  }
0x66: {  	_ =	shalt  }
0x67: {  	_ =	shalt  }
0x68: {  	_ =	shalt  }
0x69: {  	_ =	shalt  }
0x6a: {  	_ =	shalt  }
0x6b: {  	_ =	shalt  }
0x6c: {  	_ =	shalt  }
0x6d: {  	_ =	shalt  }
0x6e: {  	_ =	shalt  }
0x6f: {  	_ =	shalt  }
0x70: {  	_ =	shalt  }
0x71: {  	_ =	shalt  }
0x72: {  	_ =	shalt  }
0x73: {  	_ =	shalt  }
0x74: {  	_ =	shalt  }
0x75: {  	_ =	shalt  }
0x76: {  	_ =	shalt  }
0x77: {  	_ =	shalt  }
0x78: {  	_ =	shalt  }
0x79: {  	_ =	shalt  }
0x7a: {  	_ =	shalt  }
0x7b: {  	_ =	shalt  }
0x7c: {  	_ =	shalt  }
0x7d: {  	_ =	shalt  }
0x7e: {  	_ =	shalt  }
0x7f: {  	_ =	shalt  }
0x80: {  	_ =	shalt  }
0x81: {  	_ =	shalt  }
0x82: {  	_ =	shalt  }
0x83: {  	_ =	shalt  }
0x84: {  	_ =	shalt  }
0x85: {  	_ =	shalt  }
0x86: {  	_ =	shalt  }
0x87: {  	_ =	shalt  }
.Lfunc_end0:
.L_simem_size_0:
called_computation_lowered:
.L_overlay_start_0:
0x88: {  	s2 =	sld [smem:$0x3FD9]  }
0x89: {  	s3 =	sld [smem:$0x3FFE];
	_ =	sdelay $0x1  }
0x8a: {  	s1 =	srdreg.scid  }
0x8b: {  	s0 =	sand.u32 $0x1, s1  }
0x8c: {  	s17 =	sshll.u32 s0, $0xA;
	s2 =	sadd.s32 s3, s2  }
0x8d: {  	s2 =	sadd.s32 s2, s17  }
0x8e: {  	[smem:$0x3FC4] =	sst s2  }
0x8f: {  	_ = 	snop  }
0x90: {  	s2 =	sld [smem:$0x3FC9]  }
0x91: {  	s18 =	sld [smem:$0x3FD0];
	(tm) =	ssettm $0x1  }
0x92: {  	s4 =	sld [smem:$0x3FFB];
	_ =	sdelay $0x3  }
0x93: {  	_ =	strace s4  }
0x94: {  	s4 =	sld [smem:$0x3FFC];
	_ =	sdelay $0x3  }
0x95: {  	_ =	strace s4  }
0x96: {  	s4 =	sld [smem:$0x3FFD];
	_ =	sdelay $0x3  }
0x97: {  	_ =	strace s4  }
0x98: {  	_ =	strace $0x8FFFFFFF  }
0x99: {  	s19 =	sld [smem:$0x3FDB];
	_ =	sdelay $0x1  }
0x9a: {  	s5 =	simm.s32 $_scs_section_size  }
0x9b: {  	s6 =	simm.s32 $_size__tile_overlayer_lowered;
	s7 =	simm.s32 $_tile_overlayer_lowered  }
0x9c: {  	s22 =	simm.s32 $0x1BFF;
	s21 =	sshll.u32 s7, $0x1;
	s4 =	sadd.s32 s5, s19  }
0x9d: {  	s8 =	simm.s32 $0x0;
	s20 =	sshll.u32 s6, $0x1;
	s6 =	sadd.s32 s21, s4  }
0x9e: {  	[timem:s8], [sflag:s22] =	dma.local [hbm:s6], s20  }
0x9f: {  	_ =	swait.ge [sflag:s22], s20  }
0xa0: {  	s5 =	ssub.s32 $0x0, s20;
	[sflag:s22] =	ssyncset.done $0x0  }
0xa1: {  	[sflag:s22] =	ssyncadd.s32 s5;
	_ =	sdelay $0x1  }
0xa2: {  	s23 =	simm.s32 $0x1B8B  }
0xa3: {  	_ =	swait.ge [sflag:s23], $0x1  }
0xa4: {  	[sflag:s23] =	ssyncset.done $0x0  }
0xa5: {  	s25 =	simm.s32 $0x1B8E;
	s24 =	sld [smem:$0x3FFE];
	[sflag:s23] =	ssyncadd.s32 $0xFFFFFFFF  }
0xa6: {  	s26 =	simm.s32 $execute0_lowered;
	[smem:$0x3FD2] =	sst s25  }
0xa7: {  	s6 =	sshll.u32 s26, $0x1;
	_ =	strace $0x80000046;
	[dreg:$0x1] =	wrdreg $0xFFFFFFFF  }
0xa8: {  	s28 =	simm.s32 $_size_execute0_lowered;
	s4 =	sadd.s32 s4, s6;
	[dreg:$0x0] =	wrdreg $0x0  }
0xa9: {  	s6 =	sshll.u32 s28, $0x1;
	[dreg:$0x2] =	wrdreg s4  }
0xaa: {  	[dreg:$0x3] =	wrdreg s6  }
0xab: {  	[dreg:$0x4] =	wrdreg $0xC0  }
0xac: {  	_ =	task [dreg:s8], $0x5FFFF  }
0xad: {  	[dreg:$0x1] =	wrdreg $0xFFFFFFFF  }
0xae: {  	[dreg:$0x0] =	wrdreg $0x60  }
0xaf: {  	[dreg:$0x2] =	wrdreg s2  }
0xb0: {  	[dreg:$0x3] =	wrdreg s24  }
0xb1: {  	[dreg:$0x4] =	wrdreg s18  }
0xb2: {  	[dreg:$0x5] =	wrdreg $0x18D000  }
0xb3: {  	[dreg:$0x6] =	wrdreg $0x190000  }
0xb4: {  	[dreg:$0x7] =	wrdreg $0x9  }
0xb5: {  	_ =	task.clear_ibuf [dreg:s8], $0x8FFFF;
	_ =	strace $0x90000046  }
0xb6: {  	s29 =	simm.s32 $0x9;
	_ =	strace $0x80000048  }
0xb7: {  	_ =	swait.ge [sflag:s29], $0x1  }
0xb8: {  	[sflag:s29] =	ssyncadd.s32 $0xFFFFFFFF  }
0xb9: {  	_ =	strace $0x90000048  }
0xba: {  	_ =	sfence  }
0xbb: {  	s30 =	sld [smem:$0x0];
	_ =	sdelay $0x2  }
0xbc: {  	s31 =	sshll.u32 s1, $0xD;
	s1 =	sshrl.u32 s1, $0x2  }
0xbd: {  	s3 =	sand.u32 $0x4000, s31;
	s1 =	sadd.s32 s1, s30  }
0xbe: {  	s0 =	sor.u32 s3, s0;
	s1 =	sshll.u32 s1, $0x11  }
0xbf: {  	s0 =	sor.u32 s1, s0  }
0xc0: {  	s0 =	sadd.s32 $0x8F2B, s0  }
0xc1: {  	[sflag:s0] =	ssyncadd.remote.s32 $0x1  }
0xc2: {  	_ =	sfence.sel $0xFFFF  }
0xc3: {  	[dreg:$0x0] =	wrdreg $0xFFFFFFFF;
	(pc) =	sbr.abs _section_cstart, $3  }
0xc4: {  	[dreg:$0x1] =	wrdreg $0xFFFFFFFF  }
0xc5: {  	_ =	task.clear_ibuf [dreg:s8], $0x2FFFF;
	_ =	strace $0x9FFFFFFF  }
0xc6: {  	(tm) =	ssettm $0x7FFFFFFF  }
0xc7: {  	_ =	shalt  }
tec
execute0_lowered:
.L_overlay_start_1:
0x0: {  	(tag) =	ssettag $0x1  }
0x1: {  	s1 =	rddreg [dreg:$0x0]  }
0x2: {  	s0 =	rddreg [dreg:$0x1]  }
0x3: {  	s9 =	rddreg [dreg:$0x2]  }
0x4: {  	s23 =	rddreg [dreg:$0x3]  }
0x5: {  	s26 =	rddreg [dreg:$0x4];
	s4 =	simm.s32 $0x0  }
0x6: {  	s2 =	srdreg.scid;
	s24 =	stileid.u32;
	s30 =	simm.s32 $0x4D00  }
0x7: {  	s31 =	simm.s32 $0x5500;
	[smem:$0x7FF] =	sst s4;
	s7 =	sadd.s32 $0x2200, s0  }
0x8: {  	s11 =	sadd.s32 $0x1C00, s0;
	s2 =	sand.u32 $0x1, s2;
	s8 =	sadd.s32 $0x1E00, s0  }
0x9: {  	s13 =	sadd.s32 $0x2000, s0;
	s3 =	smul.u32 $0x300, s24;
	s10 =	sadd.s32 $0x2400, s0  }
0xa: {  	s12 =	sshll.u32 s24, $0x8;
	p0 =	slt.u32 s24, $0x8;
	s5 =	ssub.s32 $0x2, s2  }
0xb: {  	_ =	strace $0x80000047;
	s2 =	sshll.u32 s2, $0x4;
	s6 =	sshrl.u32 s5, $0x1  }
0xc: {  	s17 =	sor.u32 s24, s2;
	s18 =	sadd.s32 s3, s23;
	s2 =	sand.u32 $0x700, s12  }
0xd: {  	s19 =	sadd.s32 s3, s26;
	s0 =	ssub.s32 s5, s6;
	s6 =	sor.u32 $0x10, s3  }
0xe: {  	[dreg:$0x6] =	wrdreg s18;
	s14 =	sshrl.u32 s2, $0x3;
	s5 =	smul.u32 $0x180, s17  }
0xf: {  	[dreg:$0x7] =	wrdreg s19;
	s28 =	sor.u32 $0xE0, s2;
	s29 =	sor.u32 $0xF0, s2  }
0x10: {  	v0 =	vlaneseq.u32;
	s15 =	sadd.s32 s11, s14;
	s12 =	sadd.s32 s13, s14;
	s14 =	sor.u32 $0x10, s14  }
0x11: {  	v6 =	vor.u32 s6, v0;
	s6 =	sadd.s32 $0x150, s3;
	v26 =	vor.u32 s28, v0;
	v27 =	vor.u32 s29, v0;
	s28 =	simm.s32 $0x3D00;
	s29 =	simm.s32 $0x4500  }
0x12: {  	s16 =	sadd.s32 s5, s23;
	s17 =	sor.u32 $0x40, s5;
	s18 =	sadd.s32 $0x80, s5  }
0x13: {  	s19 =	sadd.s32 $0xC0, s5;
	v38 =	vor.u32 s6, v0;
	s6 =	sadd.s32 $0x270, s3;
	[dreg:$0x8] =	wrdreg s16  }
0x14: {  	s20 =	sadd.s32 s17, s23;
	s21 =	sadd.s32 s18, s23;
	s22 =	sadd.s32 s19, s23  }
0x15: {  	s16 =	sshrl.u32 s5, $0x3;
	s17 =	sshrl.u32 s17, $0x3;
	[dreg:$0x9] =	wrdreg s20  }
0x16: {  	s19 =	sshrl.u32 s19, $0x3;
	[dreg:$0xa] =	wrdreg s21;
	s20 =	sadd.s32 $0x100, s5  }
0x17: {  	[dreg:$0xb] =	wrdreg s22;
	s21 =	sadd.s32 $0x140, s5;
	s22 =	sadd.s32 s11, s14  }
0x18: {  	s14 =	sadd.s32 s13, s14;
	s11 =	sor.u32 $0x30, s3;
	s13 =	sor.u32 $0x40, s3  }
0x19: {  	s5 =	sadd.s32 s5, s26;
	s26 =	sor.u32 $0x50, s2;
	s25 =	sadd.s32 s20, s23  }
0x1a: {  	s20 =	sshrl.u32 s20, $0x3;
	v8 =	vor.u32 s11, v0;
	s11 =	sadd.s32 $0x170, s3;
	v9 =	vor.u32 s13, v0;
	s13 =	sadd.s32 $0x180, s3  }
0x1b: {  	[dreg:$0xc] =	wrdreg s25;
	s25 =	sadd.s32 s21, s23;
	s23 =	sadd.s32 s9, s16  }
0x1c: {  	s9 =	sor.u32 $0x20, s3;
	v40 =	vor.u32 s11, v0;
	s11 =	sadd.s32 $0x2B0, s3;
	[dreg:$0xd] =	wrdreg s25  }
0x1d: {  	v41 =	vor.u32 s13, v0;
	s13 =	sadd.s32 $0x2C0, s3;
	s25 =	smul.u32 $0x300, s16;
	[dreg:$0xe] =	wrdreg s23  }
0x1e: {  	s23 =	smul.u32 $0x300, s17;
	v7 =	vor.u32 s9, v0;
	s9 =	sadd.s32 $0x160, s3;
	v60 =	vor.u32 s11, v0;
	s11 =	simm.s32 $0xA80  }
0x1f: {  	v61 =	vor.u32 s13, v0;
	s13 =	simm.s32 $0xB00;
	v39 =	vor.u32 s9, v0;
	s9 =	sadd.s32 $0x2A0, s3;
	[smem:$0x7FA] =	sst s11  }
0x20: {  	[smem:$0x7FB] =	sst s13;
	s16 =	sadd.s32 s10, s25;
	s25 =	sshrl.u32 s18, $0x3  }
0x21: {  	s18 =	sadd.s32 s10, s23;
	s23 =	smul.u32 $0x300, s20;
	[dreg:$0xf] =	wrdreg s16  }
0x22: {  	s20 =	sor.u32 $0x70, s3;
	s17 =	smul.u32 $0x300, s25;
	[dreg:$0x10] =	wrdreg s18  }
0x23: {  	s16 =	smul.u32 $0x300, s19;
	s19 =	sor.u32 $0x50, s3;
	s18 =	sor.u32 $0x60, s3  }
0x24: {  	vm0 =	vmmov $0xffff;
	v16 =	vor.u32 s3, v0;
	s25 =	sshrl.u32 s21, $0x3;
	v12 =	vor.u32 s20, v0;
	s20 =	sadd.s32 $0x1D0, s3;
	s21 =	sadd.s32 s10, s23  }
0x25: {  	v17 =	vor.u32 s2, v0;
	v16 =	vand.u32 $0x70F, v16;
	v56 =	vor.u32 s6, v0;
	s23 =	smul.u32 $0x300, s25;
	s25 =	sshll.u32 s24, $0x5;
	s24 =	simm.s32 $0x180  }
0x26: {  	v10 =	vor.u32 s19, v0;
	v11 =	vor.u32 s18, v0;
	s18 =	sadd.s32 $0x190, s3;
	s19 =	sadd.s32 $0x1A0, s3;
	v46 =	vor.u32 s20, v0;
	s20 =	sor.u32 $0x40, s2  }
0x27: {  	v6 =	vand.u32 $0x71F, v6;
	v38 =	vand.u32 $0x75F, v38;
	v56 =	vand.u32 $0x77F, v56;
	s17 =	sadd.s32 s10, s17;
	s16 =	sadd.s32 s10, s16;
	[dreg:$0x13] =	wrdreg s21  }
0x28: {  	[tilespmem:$0x1FF90] =	vst v17;
	v17 =	vor.u32 s26, v0;
	v40 =	vand.u32 $0x77F, v40;
	v41 =	vand.u32 $0x78F, v41;
	s21 =	simm.s32 $0x300;
	[dreg:$0x1c] =	wrdreg s24;
	s24 =	sadd.s32 $0x130, s3  }
0x29: {  	[tilespmem:$0x1FFB0] =	vst v6;
	v6 =	vand.u32 $0x72F, v7;
	v42 =	vor.u32 s18, v0;
	v43 =	vor.u32 s19, v0;
	s18 =	sadd.s32 $0x2D0, s3;
	s19 =	sadd.s32 $0x2E0, s3;
	[dreg:$0x11] =	wrdreg s17  }
0x2a: {  	v60 =	vand.u32 $0x7BF, v60;
	v61 =	vand.u32 $0x7CF, v61;
	v59 =	vor.u32 s9, v0;
	[dreg:$0x12] =	wrdreg s16;
	s10 =	sadd.s32 s10, s23;
	s17 =	sadd.s32 s7, s25  }
0x2b: {  	[tilespmem:$0x1FFC0] =	vst v6;
	v6 =	vand.u32 $0x73F, v8;
	v39 =	vand.u32 $0x76F, v39;
	v59 =	vand.u32 $0x7AF, v59;
	s16 =	sor.u32 $0x10, s25;
	[dreg:$0x19] =	wrdreg s21;
	s23 =	simm.s32 $0x100  }
0x2c: {  	v8 =	vand.u32 $0x75F, v10;
	v10 =	vand.u32 $0x76F, v11;
	s21 =	sor.u32 $0xF0, s3;
	v36 =	vor.u32 s24, v0;
	s24 =	sadd.s32 $0x280, s3;
	[dreg:$0x14] =	wrdreg s10  }
0x2d: {  	[tilespmem:$0x1FFA0] =	vst v16;
	v11 =	vand.u32 $0x77F, v12;
	v16 =	vor.u32 s20, v0;
	v46 =	vand.u32 $0x7DF, v46;
	s10 =	sor.u32 $0x80, s3;
	s15 =	smov.u32 @p0 s17;
	s17 =	sadd.s32 s8, s25  }
0x2e: {  	v62 =	vor.u32 s18, v0;
	v63 =	vor.u32 s19, v0;
	v42 =	vand.u32 $0x79F, v42;
	s7 =	sadd.s32 s7, s16;
	s8 =	sadd.s32 s8, s16;
	s16 =	sor.u32 $0xD0, s3  }
0x2f: {  	v43 =	vand.u32 $0x7AF, v43;
	[dreg:$0x1b] =	wrdreg s23;
	s25 =	simm.s32 $0x900;
	s23 =	sadd.s32 $0x120, s3;
	v4 =	vor.u32 s21, v0;
	v57 =	vor.u32 s24, v0  }
0x30: {  	s21 =	sadd.s32 $0x230, s3;
	s24 =	sor.u32 $0xC0, s2;
	v36 =	vand.u32 $0x73F, v36;
	v62 =	vand.u32 $0x7DF, v62;
	v63 =	vand.u32 $0x7EF, v63;
	[dreg:$0x15] =	wrdreg s15  }
0x31: {  	s15 =	sor.u32 $0x90, s3;
	s12 =	smov.u32 @p0 s17;
	s22 =	smov.u32 @p0 s7;
	v13 =	vor.u32 s10, v0;
	v30 =	vor.u32 s16, v0;
	v35 =	vor.u32 s23, v0  }
0x32: {  	s7 =	sor.u32 $0xA0, s3;
	s14 =	smov.u32 @p0 s8;
	s8 =	sor.u32 $0xB0, s3;
	v52 =	vor.u32 s21, v0;
	v24 =	vor.u32 s24, v0;
	v32 =	vand.u32 $0x7FF, v4  }
0x33: {  	s17 =	sor.u32 $0xE0, s3;
	[dreg:$0x1d] =	wrdreg s25;
	s25 =	sadd.s32 $0x140, s3;
	v57 =	vand.u32 $0x78F, v57;
	v14 =	vor.u32 s15, v0;
	v15 =	vor.u32 s7, v0  }
0x34: {  	s10 =	sadd.s32 $0x1B0, s3;
	s16 =	sadd.s32 $0x210, s3;
	s23 =	sadd.s32 $0x260, s3;
	v28 =	vor.u32 s8, v0;
	v3 =	vor.u32 s17, v0;
	v37 =	vor.u32 s25, v0  }
0x35: {  	s6 =	sadd.s32 $0x100, s1;
	s21 =	sor.u32 $0x80, s2;
	[dreg:$0x16] =	wrdreg s12;
	v44 =	vor.u32 s10, v0;
	v50 =	vor.u32 s16, v0;
	v55 =	vor.u32 s23, v0  }
0x36: {  	s26 =	simm.s32 $0x3500;
	[dreg:$0x18] =	wrdreg s14;
	s14 =	sor.u32 $0xC0, s3;
	v12 =	vand.u32 $0x78F, v13;
	v20 =	vor.u32 s21, v0;
	v30 =	vand.u32 $0x7DF, v30  }
0x37: {  	s12 =	sadd.s32 $0x100, s3;
	s15 =	sadd.s32 $0x1C0, s3;
	s7 =	sadd.s32 $0x1E0, s3;
	v35 =	vand.u32 $0x72F, v35;
	v52 =	vand.u32 $0x73F, v52;
	v2 =	vor.u32 s14, v0  }
0x38: {  	s8 =	sadd.s32 $0x1F0, s3;
	s17 =	sadd.s32 $0x220, s3;
	s25 =	sadd.s32 $0x290, s3;
	v33 =	vor.u32 s12, v0;
	v45 =	vor.u32 s15, v0;
	v47 =	vor.u32 s7, v0  }
0x39: {  	s11 =	simm.s32 $0x9D00;
	s9 =	simm.s32 $0xA00;
	s10 =	sor.u32 $0x10, s2;
	v48 =	vor.u32 s8, v0;
	v51 =	vor.u32 s17, v0;
	v58 =	vor.u32 s25, v0  }
0x3a: {  	[dreg:$0x1f] =	wrdreg s9;
	[tilespmem:$0x1FFD0] =	vst v6;
	s16 =	sor.u32 $0x60, s2;
	s23 =	sor.u32 $0xB0, s2;
	v6 =	vor.u32 s10, v0;
	v13 =	vand.u32 $0x79F, v14;
	v14 =	vand.u32 $0x7AF, v15  }
0x3b: {  	s13 =	simm.s32 $0xA500;
	[dreg:$0x17] =	wrdreg s22;
	s22 =	simm.s32 $0x600;
	v18 =	vor.u32 s16, v0;
	v23 =	vor.u32 s23, v0;
	v28 =	vand.u32 $0x7BF, v28  }
0x3c: {  	s9 =	simm.s32 $0x5;
	[dreg:$0x1a] =	wrdreg s22;
	s22 =	sadd.s32 $0x110, s3;
	v31 =	vand.u32 $0x7EF, v3;
	v37 =	vand.u32 $0x74F, v37;
	v44 =	vand.u32 $0x7BF, v44  }
0x3d: {  	s18 =	simm.s32 $0xB80;
	s14 =	sadd.s32 $0x200, s3;
	s12 =	sadd.s32 $0x240, s3;
	v50 =	vand.u32 $0x71F, v50;
	v55 =	vand.u32 $0x76F, v55;
	v5 =	vor.u32 s22, v0  }
0x3e: {  	s15 =	sor.u32 $0x20, s2;
	s17 =	sor.u32 $0x70, s2;
	s25 =	sor.u32 $0xD0, s2;
	v49 =	vor.u32 s14, v0;
	v53 =	vor.u32 s12, v0;
	[tilespmem:$0x1FFE0] =	vst v6;
	v6 =	vand.u32 $0x74F, v9  }
0x3f: {  	s20 =	simm.s32 $0x4;
	s19 =	sshrl.u32 s5, $0x3;
	[smem:$0x7FC] =	sst s18;
	v9 =	vor.u32 s15, v0;
	v19 =	vor.u32 s17, v0;
	v25 =	vor.u32 s25, v0  }
0x40: {  	[smem:$0x7FD] =	sst s19;
	s18 =	simm.s32 $0x2;
	s19 =	simm.s32 $0x3;
	v29 =	vand.u32 $0x7CF, v2;
	v33 =	vand.u32 $0x70F, v33;
	v45 =	vand.u32 $0x7CF, v45  }
0x41: {  	s8 =	simm.s32 $0x980;
	s7 =	sadd.s32 $0x200, s1;
	s22 =	sadd.s32 $0x250, s3;
	v47 =	vand.u32 $0x7EF, v47;
	v48 =	vand.u32 $0x7FF, v48;
	v51 =	vand.u32 $0x72F, v51  }
0x42: {  	s3 =	sadd.s32 $0x2F0, s3;
	s14 =	sor.u32 $0x30, s2;
	s12 =	sor.u32 $0x90, s2;
	v58 =	vand.u32 $0x79F, v58;
	v2 =	vimm.f32 $0.0e+00;
	v54 =	vor.u32 s22, v0  }
0x43: {  	s16 =	simm.s32 $0x8D00;
	[dreg:$0x1e] =	wrdreg s8;
	s8 =	smax.u32 s0, $0x1;
	v1 =	vor.u32 s3, v0;
	v15 =	vor.u32 s14, v0;
	v21 =	vor.u32 s12, v0  }
0x44: {  	s15 =	simm.s32 $0xD00;
	s17 =	simm.s32 $0x9500;
	s22 =	sor.u32 $0xA0, s2;
	v34 =	vand.u32 $0x71F, v5;
	v49 =	vand.u32 $0x70F, v49;
	v53 =	vand.u32 $0x74F, v53  }
0x45: {  	[tilespmem:$0x1FFF0] =	vst v6;
	s12 =	simm.s32 $0x8500;
	s14 =	simm.s32 $0xAD00;
	s2 =	simm.s32 $0xCD00;
	v22 =	vor.u32 s22, v0;
	v54 =	vand.u32 $0x75F, v54;
	v1 =	vand.u32 $0x7FF, v1  }
.LBB2_1:
0x46: {  	[tilespmem:$0x600] =	vst v2  }
0x47: {  	[tilespmem:$0x610] =	vst v2  }
0x48: {  	[tilespmem:$0x620] =	vst v2  }
0x49: {  	[tilespmem:$0x630] =	vst v2  }
0x4a: {  	[tilespmem:$0x640] =	vst v2  }
0x4b: {  	[tilespmem:$0x350] =	vst v8  }
0x4c: {  	[tilespmem:$0x650] =	vst v2  }
0x4d: {  	[tilespmem:$0x360] =	vst v10  }
0x4e: {  	[tilespmem:$0x660] =	vst v2  }
0x4f: {  	[tilespmem:$0x370] =	vst v11  }
0x50: {  	[tilespmem:$0x670] =	vst v2  }
0x51: {  	[tilespmem:$0x380] =	vst v12  }
0x52: {  	[tilespmem:$0x680] =	vst v2  }
0x53: {  	[tilespmem:$0x390] =	vst v13  }
0x54: {  	[tilespmem:$0x690] =	vst v2  }
0x55: {  	[tilespmem:$0x3A0] =	vst v14  }
0x56: {  	[tilespmem:$0x6A0] =	vst v2  }
0x57: {  	[tilespmem:$0x3B0] =	vst v28  }
0x58: {  	[tilespmem:$0x6B0] =	vst v2  }
0x59: {  	[tilespmem:$0x3C0] =	vst v29  }
0x5a: {  	[tilespmem:$0x6C0] =	vst v2  }
0x5b: {  	[tilespmem:$0x3D0] =	vst v30  }
0x5c: {  	[tilespmem:$0x6D0] =	vst v2  }
0x5d: {  	[tilespmem:$0x3E0] =	vst v31  }
0x5e: {  	[tilespmem:$0x6E0] =	vst v2  }
0x5f: {  	[tilespmem:$0x3F0] =	vst v32  }
0x60: {  	[tilespmem:$0x6F0] =	vst v2  }
0x61: {  	[tilespmem:$0x400] =	vst v33  }
0x62: {  	[tilespmem:$0x700] =	vst v2  }
0x63: {  	[tilespmem:$0x410] =	vst v34  }
0x64: {  	[tilespmem:$0x710] =	vst v2  }
0x65: {  	[tilespmem:$0x420] =	vst v35  }
0x66: {  	[tilespmem:$0x720] =	vst v2  }
0x67: {  	[tilespmem:$0x430] =	vst v36  }
0x68: {  	[tilespmem:$0x730] =	vst v2  }
0x69: {  	[tilespmem:$0x440] =	vst v37  }
0x6a: {  	[tilespmem:$0x740] =	vst v2  }
0x6b: {  	[tilespmem:$0x450] =	vst v38  }
0x6c: {  	[tilespmem:$0x750] =	vst v2  }
0x6d: {  	[tilespmem:$0x460] =	vst v39  }
0x6e: {  	[tilespmem:$0x760] =	vst v2  }
0x6f: {  	[tilespmem:$0x470] =	vst v40  }
0x70: {  	[tilespmem:$0x770] =	vst v2  }
0x71: {  	[tilespmem:$0x480] =	vst v41  }
0x72: {  	[tilespmem:$0x780] =	vst v2  }
0x73: {  	[tilespmem:$0x490] =	vst v42  }
0x74: {  	[tilespmem:$0x790] =	vst v2  }
0x75: {  	[tilespmem:$0x4A0] =	vst v43  }
0x76: {  	[tilespmem:$0x7A0] =	vst v2  }
0x77: {  	[tilespmem:$0x4B0] =	vst v44  }
0x78: {  	[tilespmem:$0x7B0] =	vst v2  }
0x79: {  	[tilespmem:$0x4C0] =	vst v45  }
0x7a: {  	[tilespmem:$0x7C0] =	vst v2  }
0x7b: {  	[tilespmem:$0x4D0] =	vst v46  }
0x7c: {  	[tilespmem:$0x7D0] =	vst v2  }
0x7d: {  	[tilespmem:$0x4E0] =	vst v47  }
0x7e: {  	[tilespmem:$0x7E0] =	vst v2  }
0x7f: {  	[tilespmem:$0x4F0] =	vst v48  }
0x80: {  	[tilespmem:$0x7F0] =	vst v2  }
0x81: {  	[tilespmem:$0x500] =	vst v49  }
0x82: {  	[tilespmem:$0x800] =	vst v2  }
0x83: {  	[tilespmem:$0x510] =	vst v50  }
0x84: {  	[tilespmem:$0x810] =	vst v2  }
0x85: {  	[tilespmem:$0x520] =	vst v51  }
0x86: {  	[tilespmem:$0x820] =	vst v2  }
0x87: {  	[tilespmem:$0x530] =	vst v52  }
0x88: {  	[tilespmem:$0x830] =	vst v2  }
0x89: {  	[tilespmem:$0x540] =	vst v53  }
0x8a: {  	[tilespmem:$0x840] =	vst v2  }
0x8b: {  	[tilespmem:$0x550] =	vst v54  }
0x8c: {  	v3 =	vld [tilespmem:$0x1FFA0];
	[tilespmem:$0x850] =	vst v2  }
0x8d: {  	[tilespmem:$0x560] =	vst v55  }
0x8e: {  	[tilespmem:$0x860] =	vst v2  }
0x8f: {  	[tilespmem:$0x570] =	vst v56  }
0x90: {  	[tilespmem:$0x870] =	vst v2  }
0x91: {  	[tilespmem:$0x300] =	vst v3;
	v3 =	vld [tilespmem:$0x1FFB0]  }
0x92: {  	[tilespmem:$0x580] =	vst v57  }
0x93: {  	[tilespmem:$0x880] =	vst v2  }
0x94: {  	[tilespmem:$0x590] =	vst v58  }
0x95: {  	[tilespmem:$0x890] =	vst v2  }
0x96: {  	[tilespmem:$0x310] =	vst v3;
	v3 =	vld [tilespmem:$0x1FFC0]  }
0x97: {  	[tilespmem:$0x5A0] =	vst v59  }
0x98: {  	[tilespmem:$0x8A0] =	vst v2  }
0x99: {  	[tilespmem:$0x5B0] =	vst v60  }
0x9a: {  	[tilespmem:$0x8B0] =	vst v2  }
0x9b: {  	[tilespmem:$0x320] =	vst v3;
	v3 =	vld [tilespmem:$0x1FFD0]  }
0x9c: {  	[tilespmem:$0x5C0] =	vst v61  }
0x9d: {  	[tilespmem:$0x8C0] =	vst v2  }
0x9e: {  	[tilespmem:$0x5D0] =	vst v62  }
0x9f: {  	[tilespmem:$0x8D0] =	vst v2  }
0xa0: {  	[tilespmem:$0x330] =	vst v3;
	v3 =	vld [tilespmem:$0x1FFF0]  }
0xa1: {  	[tilespmem:$0x5E0] =	vst v63  }
0xa2: {  	[tilespmem:$0x8E0] =	vst v2  }
0xa3: {  	[tilespmem:$0x5F0] =	vst v1  }
0xa4: {  	s21 =	rddreg [dreg:$0x6];
	[tilespmem:$0x8F0] =	vst v2  }
0xa5: {  	s22 =	rddreg [dreg:$0x19];
	[tilespmem:$0x340] =	vst v3  }
0xa6: {  	[spmem:s21] =	stream.linear.scatter [tilespmem:s22], [sflag:$0x5], $0x300, $0x38;
	[tilespmem:$0x19300] =	vst v63  }
0xa7: {  	_ =	swait.ge [sflag:s9], $0x300  }
0xa8: {  	s0 =	rddreg [dreg:$0x7];
	[sflag:s9] =	ssyncset.done $0x0  }
0xa9: {  	s3 =	rddreg [dreg:$0x1a];
	[sflag:s9] =	ssyncadd.s32 $0xFFFFFD00  }
0xaa: {  	[spmem:s0] =	stream.linear.scatter [tilespmem:s3], [sflag:$0x5], $0x300, $0x38;
	[tilespmem:$0x19300] =	vst v63  }
0xab: {  	_ =	swait.ge [sflag:s9], $0x300  }
0xac: {  	[sflag:s9] =	ssyncset.done $0x0  }
0xad: {  	[sflag:s9] =	ssyncadd.s32 $0xFFFFFD00  }
0xae: {  	[bflag:$0x0] =	sbarrier.arrive $0xFFFF  }
0xaf: {  	s5 =	rddreg [dreg:$0x15]  }
0xb0: {  	[tilespmem:s4], [sflag:$0x5] =	stream.linear.gather [hbm4b:s5+s4], $0x80, $0x38;
	[tilespmem:$0x19300] =	vst v63  }
0xb1: {  	_ =	swait.ge [sflag:s9], $0x80  }
0xb2: {  	[sflag:s9] =	ssyncset.done $0x0  }
0xb3: {  	s24 =	simm.s32 $0x200;
	s10 =	rddreg [dreg:$0x16];
	[sflag:s9] =	ssyncadd.s32 $0xFFFFFF80  }
0xb4: {  	[tilespmem:s24], [sflag:$0x5] =	stream.linear.gather [hbm4b:s10+s4], $0x80, $0x38;
	[tilespmem:$0x19300] =	vst v63  }
0xb5: {  	_ =	swait.ge [sflag:s9], $0x80  }
0xb6: {  	[sflag:s9] =	ssyncset.done $0x0  }
0xb7: {  	s0 =	simm.s32 $0x80;
	s22 =	rddreg [dreg:$0x17];
	[sflag:s9] =	ssyncadd.s32 $0xFFFFFF80  }
0xb8: {  	[tilespmem:s0], [sflag:$0x5] =	stream.linear.gather [hbm4b:s22+s4], $0x80, $0x38;
	[tilespmem:$0x19300] =	vst v63  }
0xb9: {  	_ =	swait.ge [sflag:s9], $0x80  }
0xba: {  	[sflag:s9] =	ssyncset.done $0x0  }
0xbb: {  	s25 =	simm.s32 $0x280;
	s23 =	rddreg [dreg:$0x18];
	[sflag:s9] =	ssyncadd.s32 $0xFFFFFF80  }
0xbc: {  	[tilespmem:s25], [sflag:$0x5] =	stream.linear.gather [hbm4b:s23+s4], $0x80, $0x38;
	[tilespmem:$0x19300] =	vst v63  }
0xbd: {  	_ =	swait.ge [sflag:s9], $0x80  }
0xbe: {  	[sflag:s9] =	ssyncset.done $0x0  }
0xbf: {  	[sflag:s9] =	ssyncadd.s32 $0xFFFFFF80  }
0xc0: {  	[tilespmem:$0x120] =	vst v9  }
0xc1: {  	[tilespmem:$0x130] =	vst v15  }
0xc2: {  	[tilespmem:$0x140] =	vst v16  }
0xc3: {  	[tilespmem:$0x150] =	vst v17  }
0xc4: {  	[tilespmem:$0x160] =	vst v18  }
0xc5: {  	v3 =	vld [tilespmem:$0x1FF90];
	[tilespmem:$0x170] =	vst v19  }
0xc6: {  	[tilespmem:$0x180] =	vst v20  }
0xc7: {  	[tilespmem:$0x190] =	vst v21  }
0xc8: {  	[tilespmem:$0x1A0] =	vst v22  }
0xc9: {  	[tilespmem:$0x1B0] =	vst v23  }
0xca: {  	[tilespmem:$0x100] =	vst v3;
	v3 =	vld [tilespmem:$0x1FFE0]  }
0xcb: {  	[tilespmem:$0x1C0] =	vst v24  }
0xcc: {  	[tilespmem:$0x1D0] =	vst v25  }
0xcd: {  	[tilespmem:$0x1E0] =	vst v26  }
0xce: {  	s3 =	rddreg [dreg:$0x1b];
	[tilespmem:$0x1F0] =	vst v27  }
0xcf: {  	s5 =	rddreg [dreg:$0x3];
	[tilespmem:$0x110] =	vst v3  }
0xd0: {  	[spmem:s5] =	stream.indirect.scatter [tilespmem:s3], [sflag:$0x5], $0x1, s4, s0, $0xb8;
	[tilespmem:$0x19300] =	vst v63  }
0xd1: {  	_ =	swait.ge [sflag:s9], $0x80  }
0xd2: {  	[sflag:s9] =	ssyncset.done $0x0  }
0xd3: {  	[sflag:s9] =	ssyncadd.s32 $0xFFFFFF80  }
0xd4: {  	s23 =	rddreg [dreg:$0x4]  }
0xd5: {  	[spmem:s23] =	stream.indirect.scatter [tilespmem:s24], [sflag:$0x5], $0x1, s4, s0, $0xb8;
	[tilespmem:$0x19300] =	vst v63  }
0xd6: {  	_ =	swait.ge [sflag:s9], $0x80  }
0xd7: {  	[sflag:s9] =	ssyncset.done $0x0  }
0xd8: {  	s10 =	rddreg [dreg:$0x1c];
	[sflag:s9] =	ssyncadd.s32 $0xFFFFFF80  }
0xd9: {  	[spmem:s5] =	stream.indirect.scatter [tilespmem:s10], [sflag:$0x5], $0x1, s0, s0, $0xb8;
	[tilespmem:$0x19300] =	vst v63  }
0xda: {  	_ =	swait.ge [sflag:s9], $0x80  }
0xdb: {  	[sflag:s9] =	ssyncset.done $0x0  }
0xdc: {  	[sflag:s9] =	ssyncadd.s32 $0xFFFFFF80  }
0xdd: {  	[spmem:s23] =	stream.indirect.scatter [tilespmem:s25], [sflag:$0x5], $0x1, s0, s0, $0xb8;
	[tilespmem:$0x19300] =	vst v63  }
0xde: {  	_ =	swait.ge [sflag:s9], $0x80  }
0xdf: {  	[sflag:s9] =	ssyncset.done $0x0  }
0xe0: {  	[sflag:s9] =	ssyncadd.s32 $0xFFFFFF80  }
0xe1: {  	[bflag:$0x0] =	sbarrier.arrive $0xFFFF  }
0xe2: {  	s22 =	rddreg [dreg:$0x8]  }
0xe3: {  	s23 =	rddreg [dreg:$0x1d]  }
0xe4: {  	[tilespmem:s23], [sflag:$0x5] =	stream.linear.gather [spmem:s22], $0x40, $0x38;
	[tilespmem:$0x19300] =	vst v63  }
0xe5: {  	_ =	swait.ge [sflag:s9], $0x40  }
0xe6: {  	s24 =	rddreg [dreg:$0x9];
	[sflag:s9] =	ssyncset.done $0x0  }
0xe7: {  	s25 =	rddreg [dreg:$0x1e];
	[sflag:s9] =	ssyncadd.s32 $0xFFFFFFC0  }
0xe8: {  	[tilespmem:s25], [sflag:$0x5] =	stream.linear.gather [spmem:s24], $0x40, $0x38;
	[tilespmem:$0x19300] =	vst v63  }
0xe9: {  	_ =	swait.ge [sflag:s9], $0x40  }
0xea: {  	s0 =	rddreg [dreg:$0xa];
	[sflag:s9] =	ssyncset.done $0x0  }
0xeb: {  	s3 =	rddreg [dreg:$0x1f];
	[sflag:s9] =	ssyncadd.s32 $0xFFFFFFC0  }
0xec: {  	[tilespmem:s3], [sflag:$0x5] =	stream.linear.gather [spmem:s0], $0x40, $0x38;
	[tilespmem:$0x19300] =	vst v63  }
0xed: {  	_ =	swait.ge [sflag:s9], $0x40  }
0xee: {  	s10 =	sld [smem:$0x7FA]  }
0xef: {  	[sflag:s9] =	ssyncset.done $0x0  }
0xf0: {  	s5 =	rddreg [dreg:$0xb];
	[sflag:s9] =	ssyncadd.s32 $0xFFFFFFC0  }
0xf1: {  	[tilespmem:s10], [sflag:$0x5] =	stream.linear.gather [spmem:s5], $0x40, $0x38;
	[tilespmem:$0x19300] =	vst v63  }
0xf2: {  	_ =	swait.ge [sflag:s9], $0x40  }
0xf3: {  	s23 =	sld [smem:$0x7FB]  }
0xf4: {  	[sflag:s9] =	ssyncset.done $0x0  }
0xf5: {  	s22 =	rddreg [dreg:$0xc];
	[sflag:s9] =	ssyncadd.s32 $0xFFFFFFC0  }
0xf6: {  	[tilespmem:s23], [sflag:$0x5] =	stream.linear.gather [spmem:s22], $0x40, $0x38;
	[tilespmem:$0x19300] =	vst v63  }
0xf7: {  	_ =	swait.ge [sflag:s9], $0x40  }
0xf8: {  	s25 =	sld [smem:$0x7FC]  }
0xf9: {  	[sflag:s9] =	ssyncset.done $0x0  }
0xfa: {  	s24 =	rddreg [dreg:$0xd];
	[sflag:s9] =	ssyncadd.s32 $0xFFFFFFC0  }
0xfb: {  	[tilespmem:s25], [sflag:$0x5] =	stream.linear.gather [spmem:s24], $0x40, $0x38;
	[tilespmem:$0x19300] =	vst v63  }
0xfc: {  	_ =	swait.ge [sflag:s9], $0x40  }
0xfd: {  	s5 =	stileid.u32;
	s3 =	sld [smem:$0x7FD]  }
0xfe: {  	s23 =	sshll.u32 s5, $0x6;
	[sflag:s9] =	ssyncset.done $0x0  }
0xff: {  	s23 =	sor.u32 $0x1C05, s23;
	s0 =	rddreg [dreg:$0xe];
	[sflag:s9] =	ssyncadd.s32 $0xFFFFFFC0  }
0x100: {  	[hbm:s0], [sflag:s23] =	dma.local [spmem:s3], $0x30  }
0x101: {  	_ =	swait.ge [sflag:s9], $0x30  }
0x102: {  	[sflag:s9] =	ssyncset.done $0x0  }
0x103: {  	[sflag:s9] =	ssyncadd.s32 $0xFFFFFFD0  }
0x104: {  	v3 =	vld [tilespmem:$0x900];
	_ =	sdelay $0x4  }
0x105: {  	v4 =	vshrl.u32 v3, $0x3  }
0x106: {  	v4 =	vmul.u32 $0x30, v4  }
0x107: {  	v3 =	vand.u32 $0x7, v3  }
0x108: {  	v6 =	vor.u32 v3, v4;
	v4 =	vand.u32 $0x7, v0;
	v3 =	vshrl.u32 v0, $0x3  }
0x109: {  	v5 =	vperm.xlane v6, v4;
	v3 =	vmul.u32 $0x8, v3;
	_ =	sdelay $0x1  }
0x10a: {  	v7 =	vadd.s32 v3, v5;
	_ =	sdelay $0x2  }
0x10b: {  	v5 =	vor.u32 $0x8, v0  }
0x10c: {  	v6 =	vperm.xlane v6, v5  }
0x10d: {  	[tilespmem:s15], [sflag:$0x1] =	stream.indirect_vreg.gather [hbm4b:s1+s4], $0x80, v7, vm0, $0xb8;
	[tilespmem:$0x19300] =	vst v63  }
0x10e: {  	s22 =	simm.s32 $0x1500;
	v6 =	vadd.s32 v3, v6  }
0x10f: {  	[tilespmem:s22], [sflag:$0x1] =	stream.indirect_vreg.gather [hbm4b:s6+s4], $0x80, v7, vm0, $0xb8;
	[tilespmem:$0x19300] =	vst v63  }
0x110: {  	s23 =	simm.s32 $0x1D00  }
0x111: {  	[tilespmem:s23], [sflag:$0x1] =	stream.indirect_vreg.gather [hbm4b:s7+s4], $0x80, v7, vm0, $0xb8;
	[tilespmem:$0x19300] =	vst v63  }
0x112: {  	s24 =	simm.s32 $0x2500  }
0x113: {  	[tilespmem:s24], [sflag:$0x1] =	stream.indirect_vreg.gather [hbm4b:s1+s4], $0x80, v6, vm0, $0xb8;
	[tilespmem:$0x19300] =	vst v63  }
0x114: {  	s25 =	simm.s32 $0x2D00  }
0x115: {  	[tilespmem:s25], [sflag:$0x1] =	stream.indirect_vreg.gather [hbm4b:s6+s4], $0x80, v6, vm0, $0xb8;
	[tilespmem:$0x19300] =	vst v63  }
0x116: {  	_ = 	snop  }
0x117: {  	[tilespmem:s26], [sflag:$0x1] =	stream.indirect_vreg.gather [hbm4b:s7+s4], $0x80, v6, vm0, $0xb8;
	[tilespmem:$0x19300] =	vst v63  }
0x118: {  	v6 =	vld [tilespmem:$0x910];
	_ =	sdelay $0x4  }
0x119: {  	v7 =	vshrl.u32 v6, $0x3  }
0x11a: {  	v7 =	vmul.u32 $0x30, v7  }
0x11b: {  	v6 =	vand.u32 $0x7, v6  }
0x11c: {  	v6 =	vor.u32 v6, v7  }
0x11d: {  	v7 =	vperm.xlane v6, v4;
	_ =	sdelay $0x1  }
0x11e: {  	v7 =	vadd.s32 v3, v7;
	_ =	sdelay $0x3  }
0x11f: {  	v6 =	vperm.xlane v6, v5  }
0x120: {  	[tilespmem:s28], [sflag:$0x1] =	stream.indirect_vreg.gather [hbm4b:s1+s4], $0x80, v7, vm0, $0xb8;
	[tilespmem:$0x19300] =	vst v63  }
0x121: {  	v6 =	vadd.s32 v3, v6  }
0x122: {  	[tilespmem:s29], [sflag:$0x1] =	stream.indirect_vreg.gather [hbm4b:s6+s4], $0x80, v7, vm0, $0xb8;
	[tilespmem:$0x19300] =	vst v63  }
0x123: {  	_ = 	snop  }
0x124: {  	[tilespmem:s30], [sflag:$0x1] =	stream.indirect_vreg.gather [hbm4b:s7+s4], $0x80, v7, vm0, $0xb8;
	[tilespmem:$0x19300] =	vst v63  }
0x125: {  	_ = 	snop  }
0x126: {  	[tilespmem:s31], [sflag:$0x1] =	stream.indirect_vreg.gather [hbm4b:s1+s4], $0x80, v6, vm0, $0xb8;
	[tilespmem:$0x19300] =	vst v63  }
0x127: {  	s10 =	simm.s32 $0x5D00  }
0x128: {  	[tilespmem:s10], [sflag:$0x1] =	stream.indirect_vreg.gather [hbm4b:s6+s4], $0x80, v6, vm0, $0xb8;
	[tilespmem:$0x19300] =	vst v63  }
0x129: {  	s21 =	simm.s32 $0x6500  }
0x12a: {  	[tilespmem:s21], [sflag:$0x1] =	stream.indirect_vreg.gather [hbm4b:s7+s4], $0x80, v6, vm0, $0xb8;
	[tilespmem:$0x19300] =	vst v63  }
0x12b: {  	v6 =	vld [tilespmem:$0x920];
	_ =	sdelay $0x4  }
0x12c: {  	v7 =	vshrl.u32 v6, $0x3  }
0x12d: {  	v7 =	vmul.u32 $0x30, v7  }
0x12e: {  	v6 =	vand.u32 $0x7, v6  }
0x12f: {  	v6 =	vor.u32 v6, v7  }
0x130: {  	v7 =	vperm.xlane v6, v4;
	_ =	sdelay $0x1  }
0x131: {  	v7 =	vadd.s32 v3, v7;
	_ =	sdelay $0x3  }
0x132: {  	s3 =	simm.s32 $0x6D00;
	v6 =	vperm.xlane v6, v5  }
0x133: {  	[tilespmem:s3], [sflag:$0x1] =	stream.indirect_vreg.gather [hbm4b:s1+s4], $0x80, v7, vm0, $0xb8;
	[tilespmem:$0x19300] =	vst v63  }
0x134: {  	s10 =	simm.s32 $0x7500;
	v6 =	vadd.s32 v3, v6  }
0x135: {  	[tilespmem:s10], [sflag:$0x1] =	stream.indirect_vreg.gather [hbm4b:s6+s4], $0x80, v7, vm0, $0xb8;
	[tilespmem:$0x19300] =	vst v63  }
0x136: {  	s10 =	simm.s32 $0x7D00  }
0x137: {  	[tilespmem:s10], [sflag:$0x1] =	stream.indirect_vreg.gather [hbm4b:s7+s4], $0x80, v7, vm0, $0xb8;
	[tilespmem:$0x19300] =	vst v63  }
0x138: {  	_ = 	snop  }
0x139: {  	[tilespmem:s12], [sflag:$0x1] =	stream.indirect_vreg.gather [hbm4b:s1+s4], $0x80, v6, vm0, $0xb8;
	[tilespmem:$0x19300] =	vst v63  }
0x13a: {  	_ = 	snop  }
0x13b: {  	[tilespmem:s16], [sflag:$0x1] =	stream.indirect_vreg.gather [hbm4b:s6+s4], $0x80, v6, vm0, $0xb8;
	[tilespmem:$0x19300] =	vst v63  }
0x13c: {  	_ = 	snop  }
0x13d: {  	[tilespmem:s17], [sflag:$0x1] =	stream.indirect_vreg.gather [hbm4b:s7+s4], $0x80, v6, vm0, $0xb8;
	[tilespmem:$0x19300] =	vst v63  }
0x13e: {  	v6 =	vld [tilespmem:$0x930];
	_ =	sdelay $0x4  }
0x13f: {  	v7 =	vshrl.u32 v6, $0x3  }
0x140: {  	v7 =	vmul.u32 $0x30, v7  }
0x141: {  	v6 =	vand.u32 $0x7, v6  }
0x142: {  	v6 =	vor.u32 v6, v7  }
0x143: {  	v7 =	vperm.xlane v6, v4;
	_ =	sdelay $0x1  }
0x144: {  	v7 =	vadd.s32 v3, v7;
	_ =	sdelay $0x3  }
0x145: {  	v6 =	vperm.xlane v6, v5  }
0x146: {  	[tilespmem:s11], [sflag:$0x1] =	stream.indirect_vreg.gather [hbm4b:s1+s4], $0x80, v7, vm0, $0xb8;
	[tilespmem:$0x19300] =	vst v63  }
0x147: {  	v6 =	vadd.s32 v3, v6  }
0x148: {  	[tilespmem:s13], [sflag:$0x1] =	stream.indirect_vreg.gather [hbm4b:s6+s4], $0x80, v7, vm0, $0xb8;
	[tilespmem:$0x19300] =	vst v63  }
0x149: {  	_ = 	snop  }
0x14a: {  	[tilespmem:s14], [sflag:$0x1] =	stream.indirect_vreg.gather [hbm4b:s7+s4], $0x80, v7, vm0, $0xb8;
	[tilespmem:$0x19300] =	vst v63  }
0x14b: {  	s21 =	simm.s32 $0xB500  }
0x14c: {  	[tilespmem:s21], [sflag:$0x1] =	stream.indirect_vreg.gather [hbm4b:s1+s4], $0x80, v6, vm0, $0xb8;
	[tilespmem:$0x19300] =	vst v63  }
0x14d: {  	s3 =	simm.s32 $0xBD00  }
0x14e: {  	[tilespmem:s3], [sflag:$0x1] =	stream.indirect_vreg.gather [hbm4b:s6+s4], $0x80, v6, vm0, $0xb8;
	[tilespmem:$0x19300] =	vst v63  }
0x14f: {  	s0 =	simm.s32 $0x1;
	s21 =	simm.s32 $0xC500  }
0x150: {  	[tilespmem:s21], [sflag:$0x1] =	stream.indirect_vreg.gather [hbm4b:s7+s4], $0x80, v6, vm0, $0xb8;
	[tilespmem:$0x19300] =	vst v63  }
0x151: {  	_ =	swait.ge [sflag:s0], $0xC000  }
0x152: {  	[sflag:s0] =	ssyncset.done $0x0  }
0x153: {  	[sflag:s0] =	ssyncadd.s32 $0xFFFF4000  }
0x154: {  	v6 =	vld [tilespmem:$0x980];
	_ =	sdelay $0x4  }
0x155: {  	v7 =	vshrl.u32 v6, $0x3  }
0x156: {  	v7 =	vmul.u32 $0x30, v7  }
0x157: {  	v6 =	vand.u32 $0x7, v6  }
0x158: {  	v6 =	vor.u32 v6, v7  }
0x159: {  	v7 =	vperm.xlane v6, v4;
	_ =	sdelay $0x1  }
0x15a: {  	v7 =	vadd.s32 v3, v7;
	_ =	sdelay $0x3  }
0x15b: {  	v6 =	vperm.xlane v6, v5  }
0x15c: {  	[tilespmem:s2], [sflag:$0x2] =	stream.indirect_vreg.gather [hbm4b:s1+s4], $0x80, v7, vm0, $0xb8;
	[tilespmem:$0x19300] =	vst v63  }
0x15d: {  	s3 =	simm.s32 $0xD500;
	v6 =	vadd.s32 v3, v6  }
0x15e: {  	[tilespmem:s3], [sflag:$0x2] =	stream.indirect_vreg.gather [hbm4b:s6+s4], $0x80, v7, vm0, $0xb8;
	[tilespmem:$0x19300] =	vst v63  }
0x15f: {  	s3 =	simm.s32 $0xDD00  }
0x160: {  	[tilespmem:s3], [sflag:$0x2] =	stream.indirect_vreg.gather [hbm4b:s7+s4], $0x80, v7, vm0, $0xb8;
	[tilespmem:$0x19300] =	vst v63  }
0x161: {  	s3 =	simm.s32 $0xE500  }
0x162: {  	[tilespmem:s3], [sflag:$0x2] =	stream.indirect_vreg.gather [hbm4b:s1+s4], $0x80, v6, vm0, $0xb8;
	[tilespmem:$0x19300] =	vst v63  }
0x163: {  	s3 =	simm.s32 $0xED00  }
0x164: {  	[tilespmem:s3], [sflag:$0x2] =	stream.indirect_vreg.gather [hbm4b:s6+s4], $0x80, v6, vm0, $0xb8;
	[tilespmem:$0x19300] =	vst v63  }
0x165: {  	s3 =	simm.s32 $0xF500  }
0x166: {  	[tilespmem:s3], [sflag:$0x2] =	stream.indirect_vreg.gather [hbm4b:s7+s4], $0x80, v6, vm0, $0xb8;
	[tilespmem:$0x19300] =	vst v63  }
0x167: {  	v6 =	vld [tilespmem:$0x990];
	_ =	sdelay $0x4  }
0x168: {  	v7 =	vshrl.u32 v6, $0x3  }
0x169: {  	v7 =	vmul.u32 $0x30, v7  }
0x16a: {  	v6 =	vand.u32 $0x7, v6  }
0x16b: {  	v6 =	vor.u32 v6, v7  }
0x16c: {  	v7 =	vperm.xlane v6, v4;
	_ =	sdelay $0x1  }
0x16d: {  	v7 =	vadd.s32 v3, v7;
	_ =	sdelay $0x3  }
0x16e: {  	s3 =	simm.s32 $0xFD00;
	v6 =	vperm.xlane v6, v5  }
0x16f: {  	[tilespmem:s3], [sflag:$0x2] =	stream.indirect_vreg.gather [hbm4b:s1+s4], $0x80, v7, vm0, $0xb8;
	[tilespmem:$0x19300] =	vst v63  }
0x170: {  	v6 =	vadd.s32 v3, v6;
	s3 =	simm.s32 $0x10500  }
0x171: {  	[tilespmem:s3], [sflag:$0x2] =	stream.indirect_vreg.gather [hbm4b:s6+s4], $0x80, v7, vm0, $0xb8;
	[tilespmem:$0x19300] =	vst v63  }
0x172: {  	s3 =	simm.s32 $0x10D00  }
0x173: {  	[tilespmem:s3], [sflag:$0x2] =	stream.indirect_vreg.gather [hbm4b:s7+s4], $0x80, v7, vm0, $0xb8;
	[tilespmem:$0x19300] =	vst v63  }
0x174: {  	s3 =	simm.s32 $0x11500  }
0x175: {  	[tilespmem:s3], [sflag:$0x2] =	stream.indirect_vreg.gather [hbm4b:s1+s4], $0x80, v6, vm0, $0xb8;
	[tilespmem:$0x19300] =	vst v63  }
0x176: {  	s3 =	simm.s32 $0x11D00  }
0x177: {  	[tilespmem:s3], [sflag:$0x2] =	stream.indirect_vreg.gather [hbm4b:s6+s4], $0x80, v6, vm0, $0xb8;
	[tilespmem:$0x19300] =	vst v63  }
0x178: {  	s3 =	simm.s32 $0x12500  }
0x179: {  	[tilespmem:s3], [sflag:$0x2] =	stream.indirect_vreg.gather [hbm4b:s7+s4], $0x80, v6, vm0, $0xb8;
	[tilespmem:$0x19300] =	vst v63  }
0x17a: {  	v6 =	vld [tilespmem:$0x9A0];
	_ =	sdelay $0x4  }
0x17b: {  	v7 =	vshrl.u32 v6, $0x3  }
0x17c: {  	v7 =	vmul.u32 $0x30, v7  }
0x17d: {  	v6 =	vand.u32 $0x7, v6  }
0x17e: {  	v6 =	vor.u32 v6, v7  }
0x17f: {  	v7 =	vperm.xlane v6, v4;
	_ =	sdelay $0x1  }
0x180: {  	v7 =	vadd.s32 v3, v7;
	_ =	sdelay $0x3  }
0x181: {  	s3 =	simm.s32 $0x12D00;
	v6 =	vperm.xlane v6, v5  }
0x182: {  	[tilespmem:s3], [sflag:$0x2] =	stream.indirect_vreg.gather [hbm4b:s1+s4], $0x80, v7, vm0, $0xb8;
	[tilespmem:$0x19300] =	vst v63  }
0x183: {  	v6 =	vadd.s32 v3, v6;
	s3 =	simm.s32 $0x13500  }
0x184: {  	[tilespmem:s3], [sflag:$0x2] =	stream.indirect_vreg.gather [hbm4b:s6+s4], $0x80, v7, vm0, $0xb8;
	[tilespmem:$0x19300] =	vst v63  }
0x185: {  	s3 =	simm.s32 $0x13D00  }
0x186: {  	[tilespmem:s3], [sflag:$0x2] =	stream.indirect_vreg.gather [hbm4b:s7+s4], $0x80, v7, vm0, $0xb8;
	[tilespmem:$0x19300] =	vst v63  }
0x187: {  	s3 =	simm.s32 $0x14500  }
0x188: {  	[tilespmem:s3], [sflag:$0x2] =	stream.indirect_vreg.gather [hbm4b:s1+s4], $0x80, v6, vm0, $0xb8;
	[tilespmem:$0x19300] =	vst v63  }
0x189: {  	s3 =	simm.s32 $0x14D00  }
0x18a: {  	[tilespmem:s3], [sflag:$0x2] =	stream.indirect_vreg.gather [hbm4b:s6+s4], $0x80, v6, vm0, $0xb8;
	[tilespmem:$0x19300] =	vst v63  }
0x18b: {  	s3 =	simm.s32 $0x15500  }
0x18c: {  	[tilespmem:s3], [sflag:$0x2] =	stream.indirect_vreg.gather [hbm4b:s7+s4], $0x80, v6, vm0, $0xb8;
	[tilespmem:$0x19300] =	vst v63  }
0x18d: {  	v6 =	vld [tilespmem:$0x9B0];
	_ =	sdelay $0x4  }
0x18e: {  	v7 =	vshrl.u32 v6, $0x3  }
0x18f: {  	v7 =	vmul.u32 $0x30, v7  }
0x190: {  	v6 =	vand.u32 $0x7, v6  }
0x191: {  	v6 =	vor.u32 v6, v7  }
0x192: {  	v7 =	vperm.xlane v6, v4;
	_ =	sdelay $0x1  }
0x193: {  	v7 =	vadd.s32 v3, v7;
	_ =	sdelay $0x3  }
0x194: {  	s3 =	simm.s32 $0x15D00;
	v6 =	vperm.xlane v6, v5  }
0x195: {  	[tilespmem:s3], [sflag:$0x2] =	stream.indirect_vreg.gather [hbm4b:s1+s4], $0x80, v7, vm0, $0xb8;
	[tilespmem:$0x19300] =	vst v63  }
0x196: {  	v6 =	vadd.s32 v3, v6;
	s3 =	simm.s32 $0x16500  }
0x197: {  	[tilespmem:s3], [sflag:$0x2] =	stream.indirect_vreg.gather [hbm4b:s6+s4], $0x80, v7, vm0, $0xb8;
	[tilespmem:$0x19300] =	vst v63  }
0x198: {  	s3 =	simm.s32 $0x16D00  }
0x199: {  	[tilespmem:s3], [sflag:$0x2] =	stream.indirect_vreg.gather [hbm4b:s7+s4], $0x80, v7, vm0, $0xb8;
	[tilespmem:$0x19300] =	vst v63  }
0x19a: {  	s3 =	simm.s32 $0x17500  }
0x19b: {  	[tilespmem:s3], [sflag:$0x2] =	stream.indirect_vreg.gather [hbm4b:s1+s4], $0x80, v6, vm0, $0xb8;
	[tilespmem:$0x19300] =	vst v63  }
0x19c: {  	s3 =	simm.s32 $0x17D00  }
0x19d: {  	[tilespmem:s3], [sflag:$0x2] =	stream.indirect_vreg.gather [hbm4b:s6+s4], $0x80, v6, vm0, $0xb8;
	[tilespmem:$0x19300] =	vst v63  }
0x19e: {  	s3 =	simm.s32 $0x18500  }
0x19f: {  	[tilespmem:s3], [sflag:$0x2] =	stream.indirect_vreg.gather [hbm4b:s7+s4], $0x80, v6, vm0, $0xb8;
	[tilespmem:$0x19300] =	vst v63  }
0x1a0: {  	s21 =	rddreg [dreg:$0xf]  }
0x1a1: {  	[hbm4b:s21+s4] =	stream.linear.scatter [tilespmem:s15], [sflag:$0x3], $0xC000, $0x38;
	[tilespmem:$0x19300] =	vst v63  }
0x1a2: {  	_ =	swait.ge [sflag:s18], $0xC000  }
0x1a3: {  	[sflag:s18] =	ssyncset.done $0x0  }
0x1a4: {  	[sflag:s18] =	ssyncadd.s32 $0xFFFF4000  }
0x1a5: {  	_ =	swait.ge [sflag:s19], $0xC000  }
0x1a6: {  	[sflag:s19] =	ssyncset.done $0x0  }
0x1a7: {  	[sflag:s19] =	ssyncadd.s32 $0xFFFF4000  }
0x1a8: {  	v6 =	vld [tilespmem:$0xA00];
	_ =	sdelay $0x4  }
0x1a9: {  	v7 =	vshrl.u32 v6, $0x3  }
0x1aa: {  	v7 =	vmul.u32 $0x30, v7  }
0x1ab: {  	v6 =	vand.u32 $0x7, v6  }
0x1ac: {  	v6 =	vor.u32 v6, v7  }
0x1ad: {  	v7 =	vperm.xlane v6, v4;
	_ =	sdelay $0x1  }
0x1ae: {  	v7 =	vadd.s32 v3, v7;
	_ =	sdelay $0x3  }
0x1af: {  	v6 =	vperm.xlane v6, v5  }
0x1b0: {  	[tilespmem:s15], [sflag:$0x1] =	stream.indirect_vreg.gather [hbm4b:s1+s4], $0x80, v7, vm0, $0xb8;
	[tilespmem:$0x19300] =	vst v63  }
0x1b1: {  	v6 =	vadd.s32 v3, v6  }
0x1b2: {  	[tilespmem:s22], [sflag:$0x1] =	stream.indirect_vreg.gather [hbm4b:s6+s4], $0x80, v7, vm0, $0xb8;
	[tilespmem:$0x19300] =	vst v63  }
0x1b3: {  	_ = 	snop  }
0x1b4: {  	[tilespmem:s23], [sflag:$0x1] =	stream.indirect_vreg.gather [hbm4b:s7+s4], $0x80, v7, vm0, $0xb8;
	[tilespmem:$0x19300] =	vst v63  }
0x1b5: {  	_ = 	snop  }
0x1b6: {  	[tilespmem:s24], [sflag:$0x1] =	stream.indirect_vreg.gather [hbm4b:s1+s4], $0x80, v6, vm0, $0xb8;
	[tilespmem:$0x19300] =	vst v63  }
0x1b7: {  	_ = 	snop  }
0x1b8: {  	[tilespmem:s25], [sflag:$0x1] =	stream.indirect_vreg.gather [hbm4b:s6+s4], $0x80, v6, vm0, $0xb8;
	[tilespmem:$0x19300] =	vst v63  }
0x1b9: {  	_ = 	snop  }
0x1ba: {  	[tilespmem:s26], [sflag:$0x1] =	stream.indirect_vreg.gather [hbm4b:s7+s4], $0x80, v6, vm0, $0xb8;
	[tilespmem:$0x19300] =	vst v63  }
0x1bb: {  	v6 =	vld [tilespmem:$0xA10];
	_ =	sdelay $0x4  }
0x1bc: {  	v7 =	vshrl.u32 v6, $0x3  }
0x1bd: {  	v7 =	vmul.u32 $0x30, v7  }
0x1be: {  	v6 =	vand.u32 $0x7, v6  }
0x1bf: {  	v6 =	vor.u32 v6, v7  }
0x1c0: {  	v7 =	vperm.xlane v6, v4;
	_ =	sdelay $0x1  }
0x1c1: {  	v7 =	vadd.s32 v3, v7;
	_ =	sdelay $0x3  }
0x1c2: {  	v6 =	vperm.xlane v6, v5  }
0x1c3: {  	[tilespmem:s28], [sflag:$0x1] =	stream.indirect_vreg.gather [hbm4b:s1+s4], $0x80, v7, vm0, $0xb8;
	[tilespmem:$0x19300] =	vst v63  }
0x1c4: {  	v6 =	vadd.s32 v3, v6  }
0x1c5: {  	[tilespmem:s29], [sflag:$0x1] =	stream.indirect_vreg.gather [hbm4b:s6+s4], $0x80, v7, vm0, $0xb8;
	[tilespmem:$0x19300] =	vst v63  }
0x1c6: {  	_ = 	snop  }
0x1c7: {  	[tilespmem:s30], [sflag:$0x1] =	stream.indirect_vreg.gather [hbm4b:s7+s4], $0x80, v7, vm0, $0xb8;
	[tilespmem:$0x19300] =	vst v63  }
0x1c8: {  	_ = 	snop  }
0x1c9: {  	[tilespmem:s31], [sflag:$0x1] =	stream.indirect_vreg.gather [hbm4b:s1+s4], $0x80, v6, vm0, $0xb8;
	[tilespmem:$0x19300] =	vst v63  }
0x1ca: {  	s21 =	simm.s32 $0x5D00  }
0x1cb: {  	[tilespmem:s21], [sflag:$0x1] =	stream.indirect_vreg.gather [hbm4b:s6+s4], $0x80, v6, vm0, $0xb8;
	[tilespmem:$0x19300] =	vst v63  }
0x1cc: {  	s5 =	simm.s32 $0x6500  }
0x1cd: {  	[tilespmem:s5], [sflag:$0x1] =	stream.indirect_vreg.gather [hbm4b:s7+s4], $0x80, v6, vm0, $0xb8;
	[tilespmem:$0x19300] =	vst v63  }
0x1ce: {  	v6 =	vld [tilespmem:$0xA20];
	_ =	sdelay $0x4  }
0x1cf: {  	v7 =	vshrl.u32 v6, $0x3  }
0x1d0: {  	v7 =	vmul.u32 $0x30, v7  }
0x1d1: {  	v6 =	vand.u32 $0x7, v6  }
0x1d2: {  	v6 =	vor.u32 v6, v7  }
0x1d3: {  	v7 =	vperm.xlane v6, v4;
	_ =	sdelay $0x1  }
0x1d4: {  	v7 =	vadd.s32 v3, v7;
	_ =	sdelay $0x3  }
0x1d5: {  	s5 =	simm.s32 $0x6D00;
	v6 =	vperm.xlane v6, v5  }
0x1d6: {  	[tilespmem:s5], [sflag:$0x1] =	stream.indirect_vreg.gather [hbm4b:s1+s4], $0x80, v7, vm0, $0xb8;
	[tilespmem:$0x19300] =	vst v63  }
0x1d7: {  	s21 =	simm.s32 $0x7500;
	v6 =	vadd.s32 v3, v6  }
0x1d8: {  	[tilespmem:s21], [sflag:$0x1] =	stream.indirect_vreg.gather [hbm4b:s6+s4], $0x80, v7, vm0, $0xb8;
	[tilespmem:$0x19300] =	vst v63  }
0x1d9: {  	_ = 	snop  }
0x1da: {  	[tilespmem:s10], [sflag:$0x1] =	stream.indirect_vreg.gather [hbm4b:s7+s4], $0x80, v7, vm0, $0xb8;
	[tilespmem:$0x19300] =	vst v63  }
0x1db: {  	_ = 	snop  }
0x1dc: {  	[tilespmem:s12], [sflag:$0x1] =	stream.indirect_vreg.gather [hbm4b:s1+s4], $0x80, v6, vm0, $0xb8;
	[tilespmem:$0x19300] =	vst v63  }
0x1dd: {  	_ = 	snop  }
0x1de: {  	[tilespmem:s16], [sflag:$0x1] =	stream.indirect_vreg.gather [hbm4b:s6+s4], $0x80, v6, vm0, $0xb8;
	[tilespmem:$0x19300] =	vst v63  }
0x1df: {  	_ = 	snop  }
0x1e0: {  	[tilespmem:s17], [sflag:$0x1] =	stream.indirect_vreg.gather [hbm4b:s7+s4], $0x80, v6, vm0, $0xb8;
	[tilespmem:$0x19300] =	vst v63  }
0x1e1: {  	v6 =	vld [tilespmem:$0xA30];
	_ =	sdelay $0x4  }
0x1e2: {  	v7 =	vshrl.u32 v6, $0x3  }
0x1e3: {  	v7 =	vmul.u32 $0x30, v7  }
0x1e4: {  	v6 =	vand.u32 $0x7, v6  }
0x1e5: {  	v6 =	vor.u32 v6, v7  }
0x1e6: {  	v7 =	vperm.xlane v6, v4;
	_ =	sdelay $0x1  }
0x1e7: {  	v7 =	vadd.s32 v3, v7;
	_ =	sdelay $0x3  }
0x1e8: {  	v6 =	vperm.xlane v6, v5  }
0x1e9: {  	[tilespmem:s11], [sflag:$0x1] =	stream.indirect_vreg.gather [hbm4b:s1+s4], $0x80, v7, vm0, $0xb8;
	[tilespmem:$0x19300] =	vst v63  }
0x1ea: {  	v6 =	vadd.s32 v3, v6  }
0x1eb: {  	[tilespmem:s13], [sflag:$0x1] =	stream.indirect_vreg.gather [hbm4b:s6+s4], $0x80, v7, vm0, $0xb8;
	[tilespmem:$0x19300] =	vst v63  }
0x1ec: {  	_ = 	snop  }
0x1ed: {  	[tilespmem:s14], [sflag:$0x1] =	stream.indirect_vreg.gather [hbm4b:s7+s4], $0x80, v7, vm0, $0xb8;
	[tilespmem:$0x19300] =	vst v63  }
0x1ee: {  	s5 =	simm.s32 $0xB500  }
0x1ef: {  	[tilespmem:s5], [sflag:$0x1] =	stream.indirect_vreg.gather [hbm4b:s1+s4], $0x80, v6, vm0, $0xb8;
	[tilespmem:$0x19300] =	vst v63  }
0x1f0: {  	s21 =	simm.s32 $0xBD00  }
0x1f1: {  	[tilespmem:s21], [sflag:$0x1] =	stream.indirect_vreg.gather [hbm4b:s6+s4], $0x80, v6, vm0, $0xb8;
	[tilespmem:$0x19300] =	vst v63  }
0x1f2: {  	s5 =	simm.s32 $0xC500  }
0x1f3: {  	[tilespmem:s5], [sflag:$0x1] =	stream.indirect_vreg.gather [hbm4b:s7+s4], $0x80, v6, vm0, $0xb8;
	[tilespmem:$0x19300] =	vst v63  }
0x1f4: {  	s21 =	rddreg [dreg:$0x10]  }
0x1f5: {  	[hbm4b:s21+s4] =	stream.linear.scatter [tilespmem:s2], [sflag:$0x4], $0xC000, $0x38;
	[tilespmem:$0x19300] =	vst v63  }
0x1f6: {  	_ =	swait.ge [sflag:s0], $0xC000  }
0x1f7: {  	[sflag:s0] =	ssyncset.done $0x0  }
0x1f8: {  	[sflag:s0] =	ssyncadd.s32 $0xFFFF4000  }
0x1f9: {  	_ =	swait.ge [sflag:s20], $0xC000  }
0x1fa: {  	[sflag:s20] =	ssyncset.done $0x0  }
0x1fb: {  	[sflag:s20] =	ssyncadd.s32 $0xFFFF4000  }
0x1fc: {  	v6 =	vld [tilespmem:$0xA80];
	_ =	sdelay $0x4  }
0x1fd: {  	v7 =	vshrl.u32 v6, $0x3  }
0x1fe: {  	v7 =	vmul.u32 $0x30, v7  }
0x1ff: {  	v6 =	vand.u32 $0x7, v6  }
0x200: {  	v6 =	vor.u32 v6, v7  }
0x201: {  	v7 =	vperm.xlane v6, v4;
	_ =	sdelay $0x1  }
0x202: {  	v7 =	vadd.s32 v3, v7;
	_ =	sdelay $0x3  }
0x203: {  	v6 =	vperm.xlane v6, v5  }
0x204: {  	[tilespmem:s2], [sflag:$0x2] =	stream.indirect_vreg.gather [hbm4b:s1+s4], $0x80, v7, vm0, $0xb8;
	[tilespmem:$0x19300] =	vst v63  }
0x205: {  	s3 =	simm.s32 $0xD500;
	v6 =	vadd.s32 v3, v6  }
0x206: {  	[tilespmem:s3], [sflag:$0x2] =	stream.indirect_vreg.gather [hbm4b:s6+s4], $0x80, v7, vm0, $0xb8;
	[tilespmem:$0x19300] =	vst v63  }
0x207: {  	s5 =	simm.s32 $0xDD00  }
0x208: {  	[tilespmem:s5], [sflag:$0x2] =	stream.indirect_vreg.gather [hbm4b:s7+s4], $0x80, v7, vm0, $0xb8;
	[tilespmem:$0x19300] =	vst v63  }
0x209: {  	s5 =	simm.s32 $0xE500  }
0x20a: {  	[tilespmem:s5], [sflag:$0x2] =	stream.indirect_vreg.gather [hbm4b:s1+s4], $0x80, v6, vm0, $0xb8;
	[tilespmem:$0x19300] =	vst v63  }
0x20b: {  	s5 =	simm.s32 $0xED00  }
0x20c: {  	[tilespmem:s5], [sflag:$0x2] =	stream.indirect_vreg.gather [hbm4b:s6+s4], $0x80, v6, vm0, $0xb8;
	[tilespmem:$0x19300] =	vst v63  }
0x20d: {  	s5 =	simm.s32 $0xF500  }
0x20e: {  	[tilespmem:s5], [sflag:$0x2] =	stream.indirect_vreg.gather [hbm4b:s7+s4], $0x80, v6, vm0, $0xb8;
	[tilespmem:$0x19300] =	vst v63  }
0x20f: {  	v6 =	vld [tilespmem:$0xA90];
	_ =	sdelay $0x4  }
0x210: {  	v7 =	vshrl.u32 v6, $0x3  }
0x211: {  	v7 =	vmul.u32 $0x30, v7  }
0x212: {  	v6 =	vand.u32 $0x7, v6  }
0x213: {  	v6 =	vor.u32 v6, v7  }
0x214: {  	v7 =	vperm.xlane v6, v4;
	_ =	sdelay $0x1  }
0x215: {  	v7 =	vadd.s32 v3, v7;
	_ =	sdelay $0x3  }
0x216: {  	s5 =	simm.s32 $0xFD00;
	v6 =	vperm.xlane v6, v5  }
0x217: {  	[tilespmem:s5], [sflag:$0x2] =	stream.indirect_vreg.gather [hbm4b:s1+s4], $0x80, v7, vm0, $0xb8;
	[tilespmem:$0x19300] =	vst v63  }
0x218: {  	v6 =	vadd.s32 v3, v6;
	s5 =	simm.s32 $0x10500  }
0x219: {  	[tilespmem:s5], [sflag:$0x2] =	stream.indirect_vreg.gather [hbm4b:s6+s4], $0x80, v7, vm0, $0xb8;
	[tilespmem:$0x19300] =	vst v63  }
0x21a: {  	s5 =	simm.s32 $0x10D00  }
0x21b: {  	[tilespmem:s5], [sflag:$0x2] =	stream.indirect_vreg.gather [hbm4b:s7+s4], $0x80, v7, vm0, $0xb8;
	[tilespmem:$0x19300] =	vst v63  }
0x21c: {  	s5 =	simm.s32 $0x11500  }
0x21d: {  	[tilespmem:s5], [sflag:$0x2] =	stream.indirect_vreg.gather [hbm4b:s1+s4], $0x80, v6, vm0, $0xb8;
	[tilespmem:$0x19300] =	vst v63  }
0x21e: {  	s5 =	simm.s32 $0x11D00  }
0x21f: {  	[tilespmem:s5], [sflag:$0x2] =	stream.indirect_vreg.gather [hbm4b:s6+s4], $0x80, v6, vm0, $0xb8;
	[tilespmem:$0x19300] =	vst v63  }
0x220: {  	s5 =	simm.s32 $0x12500  }
0x221: {  	[tilespmem:s5], [sflag:$0x2] =	stream.indirect_vreg.gather [hbm4b:s7+s4], $0x80, v6, vm0, $0xb8;
	[tilespmem:$0x19300] =	vst v63  }
0x222: {  	v6 =	vld [tilespmem:$0xAA0];
	_ =	sdelay $0x4  }
0x223: {  	v7 =	vshrl.u32 v6, $0x3  }
0x224: {  	v7 =	vmul.u32 $0x30, v7  }
0x225: {  	v6 =	vand.u32 $0x7, v6  }
0x226: {  	v6 =	vor.u32 v6, v7  }
0x227: {  	v7 =	vperm.xlane v6, v4;
	_ =	sdelay $0x1  }
0x228: {  	v7 =	vadd.s32 v3, v7;
	_ =	sdelay $0x3  }
0x229: {  	s5 =	simm.s32 $0x12D00;
	v6 =	vperm.xlane v6, v5  }
0x22a: {  	[tilespmem:s5], [sflag:$0x2] =	stream.indirect_vreg.gather [hbm4b:s1+s4], $0x80, v7, vm0, $0xb8;
	[tilespmem:$0x19300] =	vst v63  }
0x22b: {  	v6 =	vadd.s32 v3, v6;
	s5 =	simm.s32 $0x13500  }
0x22c: {  	[tilespmem:s5], [sflag:$0x2] =	stream.indirect_vreg.gather [hbm4b:s6+s4], $0x80, v7, vm0, $0xb8;
	[tilespmem:$0x19300] =	vst v63  }
0x22d: {  	s5 =	simm.s32 $0x13D00  }
0x22e: {  	[tilespmem:s5], [sflag:$0x2] =	stream.indirect_vreg.gather [hbm4b:s7+s4], $0x80, v7, vm0, $0xb8;
	[tilespmem:$0x19300] =	vst v63  }
0x22f: {  	s5 =	simm.s32 $0x14500  }
0x230: {  	[tilespmem:s5], [sflag:$0x2] =	stream.indirect_vreg.gather [hbm4b:s1+s4], $0x80, v6, vm0, $0xb8;
	[tilespmem:$0x19300] =	vst v63  }
0x231: {  	s5 =	simm.s32 $0x14D00  }
0x232: {  	[tilespmem:s5], [sflag:$0x2] =	stream.indirect_vreg.gather [hbm4b:s6+s4], $0x80, v6, vm0, $0xb8;
	[tilespmem:$0x19300] =	vst v63  }
0x233: {  	s5 =	simm.s32 $0x15500  }
0x234: {  	[tilespmem:s5], [sflag:$0x2] =	stream.indirect_vreg.gather [hbm4b:s7+s4], $0x80, v6, vm0, $0xb8;
	[tilespmem:$0x19300] =	vst v63  }
0x235: {  	v6 =	vld [tilespmem:$0xAB0];
	_ =	sdelay $0x4  }
0x236: {  	v7 =	vshrl.u32 v6, $0x3  }
0x237: {  	v7 =	vmul.u32 $0x30, v7  }
0x238: {  	v6 =	vand.u32 $0x7, v6  }
0x239: {  	v6 =	vor.u32 v6, v7  }
0x23a: {  	v7 =	vperm.xlane v6, v4;
	_ =	sdelay $0x1  }
0x23b: {  	v7 =	vadd.s32 v3, v7;
	_ =	sdelay $0x3  }
0x23c: {  	s5 =	simm.s32 $0x15D00;
	v6 =	vperm.xlane v6, v5  }
0x23d: {  	[tilespmem:s5], [sflag:$0x2] =	stream.indirect_vreg.gather [hbm4b:s1+s4], $0x80, v7, vm0, $0xb8;
	[tilespmem:$0x19300] =	vst v63  }
0x23e: {  	v6 =	vadd.s32 v3, v6;
	s5 =	simm.s32 $0x16500  }
0x23f: {  	[tilespmem:s5], [sflag:$0x2] =	stream.indirect_vreg.gather [hbm4b:s6+s4], $0x80, v7, vm0, $0xb8;
	[tilespmem:$0x19300] =	vst v63  }
0x240: {  	s5 =	simm.s32 $0x16D00  }
0x241: {  	[tilespmem:s5], [sflag:$0x2] =	stream.indirect_vreg.gather [hbm4b:s7+s4], $0x80, v7, vm0, $0xb8;
	[tilespmem:$0x19300] =	vst v63  }
0x242: {  	s5 =	simm.s32 $0x17500  }
0x243: {  	[tilespmem:s5], [sflag:$0x2] =	stream.indirect_vreg.gather [hbm4b:s1+s4], $0x80, v6, vm0, $0xb8;
	[tilespmem:$0x19300] =	vst v63  }
0x244: {  	s5 =	simm.s32 $0x17D00  }
0x245: {  	[tilespmem:s5], [sflag:$0x2] =	stream.indirect_vreg.gather [hbm4b:s6+s4], $0x80, v6, vm0, $0xb8;
	[tilespmem:$0x19300] =	vst v63  }
0x246: {  	s5 =	simm.s32 $0x18500  }
0x247: {  	[tilespmem:s5], [sflag:$0x2] =	stream.indirect_vreg.gather [hbm4b:s7+s4], $0x80, v6, vm0, $0xb8;
	[tilespmem:$0x19300] =	vst v63  }
0x248: {  	s21 =	rddreg [dreg:$0x11]  }
0x249: {  	[hbm4b:s21+s4] =	stream.linear.scatter [tilespmem:s15], [sflag:$0x3], $0xC000, $0x38;
	[tilespmem:$0x19300] =	vst v63  }
0x24a: {  	_ =	swait.ge [sflag:s18], $0xC000  }
0x24b: {  	[sflag:s18] =	ssyncset.done $0x0  }
0x24c: {  	[sflag:s18] =	ssyncadd.s32 $0xFFFF4000  }
0x24d: {  	_ =	swait.ge [sflag:s19], $0xC000  }
0x24e: {  	[sflag:s19] =	ssyncset.done $0x0  }
0x24f: {  	[sflag:s19] =	ssyncadd.s32 $0xFFFF4000  }
0x250: {  	v6 =	vld [tilespmem:$0xB00];
	_ =	sdelay $0x4  }
0x251: {  	v7 =	vshrl.u32 v6, $0x3  }
0x252: {  	v7 =	vmul.u32 $0x30, v7  }
0x253: {  	v6 =	vand.u32 $0x7, v6  }
0x254: {  	v6 =	vor.u32 v6, v7  }
0x255: {  	v7 =	vperm.xlane v6, v4;
	_ =	sdelay $0x1  }
0x256: {  	v7 =	vadd.s32 v3, v7;
	_ =	sdelay $0x3  }
0x257: {  	v6 =	vperm.xlane v6, v5  }
0x258: {  	[tilespmem:s15], [sflag:$0x1] =	stream.indirect_vreg.gather [hbm4b:s1+s4], $0x80, v7, vm0, $0xb8;
	[tilespmem:$0x19300] =	vst v63  }
0x259: {  	v6 =	vadd.s32 v3, v6  }
0x25a: {  	[tilespmem:s22], [sflag:$0x1] =	stream.indirect_vreg.gather [hbm4b:s6+s4], $0x80, v7, vm0, $0xb8;
	[tilespmem:$0x19300] =	vst v63  }
0x25b: {  	_ = 	snop  }
0x25c: {  	[tilespmem:s23], [sflag:$0x1] =	stream.indirect_vreg.gather [hbm4b:s7+s4], $0x80, v7, vm0, $0xb8;
	[tilespmem:$0x19300] =	vst v63  }
0x25d: {  	_ = 	snop  }
0x25e: {  	[tilespmem:s24], [sflag:$0x1] =	stream.indirect_vreg.gather [hbm4b:s1+s4], $0x80, v6, vm0, $0xb8;
	[tilespmem:$0x19300] =	vst v63  }
0x25f: {  	_ = 	snop  }
0x260: {  	[tilespmem:s25], [sflag:$0x1] =	stream.indirect_vreg.gather [hbm4b:s6+s4], $0x80, v6, vm0, $0xb8;
	[tilespmem:$0x19300] =	vst v63  }
0x261: {  	_ = 	snop  }
0x262: {  	[tilespmem:s26], [sflag:$0x1] =	stream.indirect_vreg.gather [hbm4b:s7+s4], $0x80, v6, vm0, $0xb8;
	[tilespmem:$0x19300] =	vst v63  }
0x263: {  	v6 =	vld [tilespmem:$0xB10];
	_ =	sdelay $0x4  }
0x264: {  	v7 =	vshrl.u32 v6, $0x3  }
0x265: {  	v7 =	vmul.u32 $0x30, v7  }
0x266: {  	v6 =	vand.u32 $0x7, v6  }
0x267: {  	v6 =	vor.u32 v6, v7  }
0x268: {  	v7 =	vperm.xlane v6, v4;
	_ =	sdelay $0x1  }
0x269: {  	v7 =	vadd.s32 v3, v7;
	_ =	sdelay $0x3  }
0x26a: {  	v6 =	vperm.xlane v6, v5  }
0x26b: {  	[tilespmem:s28], [sflag:$0x1] =	stream.indirect_vreg.gather [hbm4b:s1+s4], $0x80, v7, vm0, $0xb8;
	[tilespmem:$0x19300] =	vst v63  }
0x26c: {  	v6 =	vadd.s32 v3, v6  }
0x26d: {  	[tilespmem:s29], [sflag:$0x1] =	stream.indirect_vreg.gather [hbm4b:s6+s4], $0x80, v7, vm0, $0xb8;
	[tilespmem:$0x19300] =	vst v63  }
0x26e: {  	_ = 	snop  }
0x26f: {  	[tilespmem:s30], [sflag:$0x1] =	stream.indirect_vreg.gather [hbm4b:s7+s4], $0x80, v7, vm0, $0xb8;
	[tilespmem:$0x19300] =	vst v63  }
0x270: {  	_ = 	snop  }
0x271: {  	[tilespmem:s31], [sflag:$0x1] =	stream.indirect_vreg.gather [hbm4b:s1+s4], $0x80, v6, vm0, $0xb8;
	[tilespmem:$0x19300] =	vst v63  }
0x272: {  	s25 =	simm.s32 $0x5D00  }
0x273: {  	[tilespmem:s25], [sflag:$0x1] =	stream.indirect_vreg.gather [hbm4b:s6+s4], $0x80, v6, vm0, $0xb8;
	[tilespmem:$0x19300] =	vst v63  }
0x274: {  	s22 =	simm.s32 $0x6500  }
0x275: {  	[tilespmem:s22], [sflag:$0x1] =	stream.indirect_vreg.gather [hbm4b:s7+s4], $0x80, v6, vm0, $0xb8;
	[tilespmem:$0x19300] =	vst v63  }
0x276: {  	v6 =	vld [tilespmem:$0xB20];
	_ =	sdelay $0x4  }
0x277: {  	v7 =	vshrl.u32 v6, $0x3  }
0x278: {  	v7 =	vmul.u32 $0x30, v7  }
0x279: {  	v6 =	vand.u32 $0x7, v6  }
0x27a: {  	v6 =	vor.u32 v6, v7  }
0x27b: {  	v7 =	vperm.xlane v6, v4;
	_ =	sdelay $0x1  }
0x27c: {  	v7 =	vadd.s32 v3, v7;
	_ =	sdelay $0x3  }
0x27d: {  	s23 =	simm.s32 $0x6D00;
	v6 =	vperm.xlane v6, v5  }
0x27e: {  	[tilespmem:s23], [sflag:$0x1] =	stream.indirect_vreg.gather [hbm4b:s1+s4], $0x80, v7, vm0, $0xb8;
	[tilespmem:$0x19300] =	vst v63  }
0x27f: {  	s24 =	simm.s32 $0x7500;
	v6 =	vadd.s32 v3, v6  }
0x280: {  	[tilespmem:s24], [sflag:$0x1] =	stream.indirect_vreg.gather [hbm4b:s6+s4], $0x80, v7, vm0, $0xb8;
	[tilespmem:$0x19300] =	vst v63  }
0x281: {  	_ = 	snop  }
0x282: {  	[tilespmem:s10], [sflag:$0x1] =	stream.indirect_vreg.gather [hbm4b:s7+s4], $0x80, v7, vm0, $0xb8;
	[tilespmem:$0x19300] =	vst v63  }
0x283: {  	_ = 	snop  }
0x284: {  	[tilespmem:s12], [sflag:$0x1] =	stream.indirect_vreg.gather [hbm4b:s1+s4], $0x80, v6, vm0, $0xb8;
	[tilespmem:$0x19300] =	vst v63  }
0x285: {  	_ = 	snop  }
0x286: {  	[tilespmem:s16], [sflag:$0x1] =	stream.indirect_vreg.gather [hbm4b:s6+s4], $0x80, v6, vm0, $0xb8;
	[tilespmem:$0x19300] =	vst v63  }
0x287: {  	_ = 	snop  }
0x288: {  	[tilespmem:s17], [sflag:$0x1] =	stream.indirect_vreg.gather [hbm4b:s7+s4], $0x80, v6, vm0, $0xb8;
	[tilespmem:$0x19300] =	vst v63  }
0x289: {  	v6 =	vld [tilespmem:$0xB30];
	_ =	sdelay $0x4  }
0x28a: {  	v7 =	vshrl.u32 v6, $0x3  }
0x28b: {  	v7 =	vmul.u32 $0x30, v7  }
0x28c: {  	v6 =	vand.u32 $0x7, v6  }
0x28d: {  	v6 =	vor.u32 v6, v7  }
0x28e: {  	v7 =	vperm.xlane v6, v4;
	_ =	sdelay $0x1  }
0x28f: {  	v7 =	vadd.s32 v3, v7;
	_ =	sdelay $0x3  }
0x290: {  	v6 =	vperm.xlane v6, v5  }
0x291: {  	[tilespmem:s11], [sflag:$0x1] =	stream.indirect_vreg.gather [hbm4b:s1+s4], $0x80, v7, vm0, $0xb8;
	[tilespmem:$0x19300] =	vst v63  }
0x292: {  	v6 =	vadd.s32 v3, v6  }
0x293: {  	[tilespmem:s13], [sflag:$0x1] =	stream.indirect_vreg.gather [hbm4b:s6+s4], $0x80, v7, vm0, $0xb8;
	[tilespmem:$0x19300] =	vst v63  }
0x294: {  	_ = 	snop  }
0x295: {  	[tilespmem:s14], [sflag:$0x1] =	stream.indirect_vreg.gather [hbm4b:s7+s4], $0x80, v7, vm0, $0xb8;
	[tilespmem:$0x19300] =	vst v63  }
0x296: {  	s25 =	simm.s32 $0xB500  }
0x297: {  	[tilespmem:s25], [sflag:$0x1] =	stream.indirect_vreg.gather [hbm4b:s1+s4], $0x80, v6, vm0, $0xb8;
	[tilespmem:$0x19300] =	vst v63  }
0x298: {  	s21 =	simm.s32 $0xBD00  }
0x299: {  	[tilespmem:s21], [sflag:$0x1] =	stream.indirect_vreg.gather [hbm4b:s6+s4], $0x80, v6, vm0, $0xb8;
	[tilespmem:$0x19300] =	vst v63  }
0x29a: {  	s23 =	simm.s32 $0xC500  }
0x29b: {  	[tilespmem:s23], [sflag:$0x1] =	stream.indirect_vreg.gather [hbm4b:s7+s4], $0x80, v6, vm0, $0xb8;
	[tilespmem:$0x19300] =	vst v63  }
0x29c: {  	s22 =	rddreg [dreg:$0x12]  }
0x29d: {  	[hbm4b:s22+s4] =	stream.linear.scatter [tilespmem:s2], [sflag:$0x4], $0xC000, $0x38;
	[tilespmem:$0x19300] =	vst v63  }
0x29e: {  	_ =	swait.ge [sflag:s0], $0xC000  }
0x29f: {  	[sflag:s0] =	ssyncset.done $0x0  }
0x2a0: {  	[sflag:s0] =	ssyncadd.s32 $0xFFFF4000  }
0x2a1: {  	_ =	swait.ge [sflag:s20], $0xC000  }
0x2a2: {  	[sflag:s20] =	ssyncset.done $0x0  }
0x2a3: {  	[sflag:s20] =	ssyncadd.s32 $0xFFFF4000  }
0x2a4: {  	v6 =	vld [tilespmem:$0xB80];
	_ =	sdelay $0x4  }
0x2a5: {  	v7 =	vshrl.u32 v6, $0x3  }
0x2a6: {  	v7 =	vmul.u32 $0x30, v7  }
0x2a7: {  	v6 =	vand.u32 $0x7, v6  }
0x2a8: {  	v6 =	vor.u32 v6, v7  }
0x2a9: {  	v7 =	vperm.xlane v6, v4;
	_ =	sdelay $0x1  }
0x2aa: {  	v7 =	vadd.s32 v3, v7;
	_ =	sdelay $0x3  }
0x2ab: {  	v6 =	vperm.xlane v6, v5  }
0x2ac: {  	[tilespmem:s2], [sflag:$0x2] =	stream.indirect_vreg.gather [hbm4b:s1+s4], $0x80, v7, vm0, $0xb8;
	[tilespmem:$0x19300] =	vst v63  }
0x2ad: {  	v6 =	vadd.s32 v3, v6  }
0x2ae: {  	[tilespmem:s3], [sflag:$0x2] =	stream.indirect_vreg.gather [hbm4b:s6+s4], $0x80, v7, vm0, $0xb8;
	[tilespmem:$0x19300] =	vst v63  }
0x2af: {  	s24 =	simm.s32 $0xDD00  }
0x2b0: {  	[tilespmem:s24], [sflag:$0x2] =	stream.indirect_vreg.gather [hbm4b:s7+s4], $0x80, v7, vm0, $0xb8;
	[tilespmem:$0x19300] =	vst v63  }
0x2b1: {  	s25 =	simm.s32 $0xE500  }
0x2b2: {  	[tilespmem:s25], [sflag:$0x2] =	stream.indirect_vreg.gather [hbm4b:s1+s4], $0x80, v6, vm0, $0xb8;
	[tilespmem:$0x19300] =	vst v63  }
0x2b3: {  	s3 =	simm.s32 $0xED00  }
0x2b4: {  	[tilespmem:s3], [sflag:$0x2] =	stream.indirect_vreg.gather [hbm4b:s6+s4], $0x80, v6, vm0, $0xb8;
	[tilespmem:$0x19300] =	vst v63  }
0x2b5: {  	s10 =	simm.s32 $0xF500  }
0x2b6: {  	[tilespmem:s10], [sflag:$0x2] =	stream.indirect_vreg.gather [hbm4b:s7+s4], $0x80, v6, vm0, $0xb8;
	[tilespmem:$0x19300] =	vst v63  }
0x2b7: {  	v6 =	vld [tilespmem:$0xB90];
	_ =	sdelay $0x4  }
0x2b8: {  	v7 =	vshrl.u32 v6, $0x3  }
0x2b9: {  	v7 =	vmul.u32 $0x30, v7  }
0x2ba: {  	v6 =	vand.u32 $0x7, v6  }
0x2bb: {  	v6 =	vor.u32 v6, v7  }
0x2bc: {  	v7 =	vperm.xlane v6, v4;
	_ =	sdelay $0x1  }
0x2bd: {  	v7 =	vadd.s32 v3, v7;
	_ =	sdelay $0x3  }
0x2be: {  	s21 =	simm.s32 $0xFD00;
	v6 =	vperm.xlane v6, v5  }
0x2bf: {  	[tilespmem:s21], [sflag:$0x2] =	stream.indirect_vreg.gather [hbm4b:s1+s4], $0x80, v7, vm0, $0xb8;
	[tilespmem:$0x19300] =	vst v63  }
0x2c0: {  	s22 =	simm.s32 $0x10500;
	v6 =	vadd.s32 v3, v6  }
0x2c1: {  	[tilespmem:s22], [sflag:$0x2] =	stream.indirect_vreg.gather [hbm4b:s6+s4], $0x80, v7, vm0, $0xb8;
	[tilespmem:$0x19300] =	vst v63  }
0x2c2: {  	s23 =	simm.s32 $0x10D00  }
0x2c3: {  	[tilespmem:s23], [sflag:$0x2] =	stream.indirect_vreg.gather [hbm4b:s7+s4], $0x80, v7, vm0, $0xb8;
	[tilespmem:$0x19300] =	vst v63  }
0x2c4: {  	s24 =	simm.s32 $0x11500  }
0x2c5: {  	[tilespmem:s24], [sflag:$0x2] =	stream.indirect_vreg.gather [hbm4b:s1+s4], $0x80, v6, vm0, $0xb8;
	[tilespmem:$0x19300] =	vst v63  }
0x2c6: {  	s25 =	simm.s32 $0x11D00  }
0x2c7: {  	[tilespmem:s25], [sflag:$0x2] =	stream.indirect_vreg.gather [hbm4b:s6+s4], $0x80, v6, vm0, $0xb8;
	[tilespmem:$0x19300] =	vst v63  }
0x2c8: {  	s3 =	simm.s32 $0x12500  }
0x2c9: {  	[tilespmem:s3], [sflag:$0x2] =	stream.indirect_vreg.gather [hbm4b:s7+s4], $0x80, v6, vm0, $0xb8;
	[tilespmem:$0x19300] =	vst v63  }
0x2ca: {  	v6 =	vld [tilespmem:$0xBA0];
	_ =	sdelay $0x4  }
0x2cb: {  	v7 =	vshrl.u32 v6, $0x3  }
0x2cc: {  	v7 =	vmul.u32 $0x30, v7  }
0x2cd: {  	v6 =	vand.u32 $0x7, v6  }
0x2ce: {  	v6 =	vor.u32 v6, v7  }
0x2cf: {  	v7 =	vperm.xlane v6, v4;
	_ =	sdelay $0x1  }
0x2d0: {  	v7 =	vadd.s32 v3, v7;
	_ =	sdelay $0x3  }
0x2d1: {  	s10 =	simm.s32 $0x12D00;
	v6 =	vperm.xlane v6, v5  }
0x2d2: {  	[tilespmem:s10], [sflag:$0x2] =	stream.indirect_vreg.gather [hbm4b:s1+s4], $0x80, v7, vm0, $0xb8;
	[tilespmem:$0x19300] =	vst v63  }
0x2d3: {  	s21 =	simm.s32 $0x13500;
	v6 =	vadd.s32 v3, v6  }
0x2d4: {  	[tilespmem:s21], [sflag:$0x2] =	stream.indirect_vreg.gather [hbm4b:s6+s4], $0x80, v7, vm0, $0xb8;
	[tilespmem:$0x19300] =	vst v63  }
0x2d5: {  	s22 =	simm.s32 $0x13D00  }
0x2d6: {  	[tilespmem:s22], [sflag:$0x2] =	stream.indirect_vreg.gather [hbm4b:s7+s4], $0x80, v7, vm0, $0xb8;
	[tilespmem:$0x19300] =	vst v63  }
0x2d7: {  	s23 =	simm.s32 $0x14500  }
0x2d8: {  	[tilespmem:s23], [sflag:$0x2] =	stream.indirect_vreg.gather [hbm4b:s1+s4], $0x80, v6, vm0, $0xb8;
	[tilespmem:$0x19300] =	vst v63  }
0x2d9: {  	s24 =	simm.s32 $0x14D00  }
0x2da: {  	[tilespmem:s24], [sflag:$0x2] =	stream.indirect_vreg.gather [hbm4b:s6+s4], $0x80, v6, vm0, $0xb8;
	[tilespmem:$0x19300] =	vst v63  }
0x2db: {  	s25 =	simm.s32 $0x15500  }
0x2dc: {  	[tilespmem:s25], [sflag:$0x2] =	stream.indirect_vreg.gather [hbm4b:s7+s4], $0x80, v6, vm0, $0xb8;
	[tilespmem:$0x19300] =	vst v63  }
0x2dd: {  	v6 =	vld [tilespmem:$0xBB0];
	_ =	sdelay $0x4  }
0x2de: {  	v7 =	vshrl.u32 v6, $0x3  }
0x2df: {  	v7 =	vmul.u32 $0x30, v7  }
0x2e0: {  	v6 =	vand.u32 $0x7, v6  }
0x2e1: {  	v6 =	vor.u32 v6, v7  }
0x2e2: {  	v4 =	vperm.xlane v6, v4;
	_ =	sdelay $0x1  }
0x2e3: {  	v4 =	vadd.s32 v3, v4;
	_ =	sdelay $0x3  }
0x2e4: {  	s3 =	simm.s32 $0x15D00;
	v5 =	vperm.xlane v6, v5  }
0x2e5: {  	[tilespmem:s3], [sflag:$0x2] =	stream.indirect_vreg.gather [hbm4b:s1+s4], $0x80, v4, vm0, $0xb8;
	[tilespmem:$0x19300] =	vst v63  }
0x2e6: {  	s10 =	simm.s32 $0x16500;
	v3 =	vadd.s32 v3, v5  }
0x2e7: {  	[tilespmem:s10], [sflag:$0x2] =	stream.indirect_vreg.gather [hbm4b:s6+s4], $0x80, v4, vm0, $0xb8;
	[tilespmem:$0x19300] =	vst v63  }
0x2e8: {  	s21 =	simm.s32 $0x16D00  }
0x2e9: {  	[tilespmem:s21], [sflag:$0x2] =	stream.indirect_vreg.gather [hbm4b:s7+s4], $0x80, v4, vm0, $0xb8;
	[tilespmem:$0x19300] =	vst v63  }
0x2ea: {  	s22 =	simm.s32 $0x17500  }
0x2eb: {  	[tilespmem:s22], [sflag:$0x2] =	stream.indirect_vreg.gather [hbm4b:s1+s4], $0x80, v3, vm0, $0xb8;
	[tilespmem:$0x19300] =	vst v63  }
0x2ec: {  	s23 =	simm.s32 $0x17D00  }
0x2ed: {  	[tilespmem:s23], [sflag:$0x2] =	stream.indirect_vreg.gather [hbm4b:s6+s4], $0x80, v3, vm0, $0xb8;
	[tilespmem:$0x19300] =	vst v63  }
0x2ee: {  	s5 =	simm.s32 $0x18500  }
0x2ef: {  	[tilespmem:s5], [sflag:$0x2] =	stream.indirect_vreg.gather [hbm4b:s7+s4], $0x80, v3, vm0, $0xb8;
	[tilespmem:$0x19300] =	vst v63  }
0x2f0: {  	s24 =	rddreg [dreg:$0x13]  }
0x2f1: {  	[hbm4b:s24+s4] =	stream.linear.scatter [tilespmem:s15], [sflag:$0x3], $0xC000, $0x38;
	[tilespmem:$0x19300] =	vst v63  }
0x2f2: {  	_ =	swait.ge [sflag:s18], $0xC000  }
0x2f3: {  	[sflag:s18] =	ssyncset.done $0x0  }
0x2f4: {  	s25 =	rddreg [dreg:$0x14];
	[sflag:s18] =	ssyncadd.s32 $0xFFFF4000  }
0x2f5: {  	[hbm4b:s25+s4] =	stream.linear.scatter [tilespmem:s2], [sflag:$0x4], $0xC000, $0x38;
	[tilespmem:$0x19300] =	vst v63  }
0x2f6: {  	p0 =	sne.s32 s8, $0x1;
	_ =	swait.ge [sflag:s19], $0xC000  }
.Ltmp0:
0x2f7: {  	[sflag:s19] =	ssyncset.done $0x0;
	(pc) =	sbr.rel @p0 .LBB2_1-.Ltmp0, $4  }
0x2f8: {  	[sflag:s19] =	ssyncadd.s32 $0xFFFF4000  }
0x2f9: {  	_ =	swait.ge [sflag:s20], $0xC000  }
0x2fa: {  	[sflag:s20] =	ssyncset.done $0x0  }
0x2fb: {  	s8 =	sadd.s32 $0xFFFFFFFF, s8;
	[sflag:s20] =	ssyncadd.s32 $0xFFFF4000  }
0x2fc: {  	_ =	sfence.sel $0x180000  }
0x2fd: {  	[bflag:$0x0] =	sbarrier.arrive $0xFFFF  }
0x2fe: {  	_ =	strace $0x90000047  }
0x2ff: {  	s0 =	stileid.u32;
	[bflag:$0x2] =	sbarrier.arrive $0xFFFF  }
0x300: {  	p0 =	sne.s32 s0, $0x0;
	s0 =	rddreg [dreg:$0x5]  }
0x301: {  	s0 =	sadd.s32 @!p0 $0x100000, s0  }
0x302: {  	[sflag:s0] =	ssyncadd.tile.s32 @!p0 $0x1;
	_ =	shalt  }
.Lfunc_end2:
_tile_overlayer_lowered:
.L_overlay_start_2:
0x303: {  	(tag) =	ssettag $0x2  }
0x304: {  	s0 =	rddreg [dreg:$0x0];
	s2 =	stileid.u32  }
0x305: {  	s1 =	rddreg [dreg:$0x1];
	p0 =	sne.s32 s2, $0x0  }
0x306: {  	s3 =	rddreg [dreg:$0x2];
	[bflag:$0x3] =	sbarrier.arrive $0xFFFF;
	s2 =	simm.s32 @!p0 $0x1C05  }
0x307: {  	[timem:s3], [sflag:s2] =	dma.local @!p0 [hbm:s0], s1  }
0x308: {  	s0 =	simm.s32 @!p0 $0x5  }
0x309: {  	_ =	swait.ge @!p0 [sflag:s0], s1  }
0x30a: {  	s1 =	ssub.s32 @!p0 $0x0, s1;
	[sflag:s0] =	ssyncset.done @!p0 $0x0  }
0x30b: {  	[sflag:s0] =	ssyncadd.s32 @!p0 s1  }
0x30c: {  	[bflag:$0x3] =	sbarrier.arrive $0xFFFF  }
0x30d: {  	_ =	shalt  }

// kernel: kernel.9.cloned.1.call-start
scs
__scs_entry_jumppad:
0x0: {  	(pc) =	sbr.rel $0x88, $3  }
0x1: {  	(tag) =	ssettag $0x0;
	lr =	simm.s32 $0x1  }
0x2: {  	[smem:$0x3F9D] =	sst lr;
	_ =	strace $0xD0000000  }
0x3: {  	_ = 	snop  }
0x4: {  	_ = 	snop  }
0x5: {  	_ = 	snop  }
0x6: {  	_ = 	snop  }
0x7: {  	_ = 	snop  }
__scs_overlays_trampoline_lowered:
0x8: {  	[smem:$0x3FAC] =	sst s0  }
0x9: {  	[smem:$0x3FAD] =	sst s1  }
0xa: {  	[smem:$0x3FAE] =	sst s2  }
0xb: {  	[smem:$0x3FAF] =	sst s3  }
0xc: {  	[smem:$0x3FB0] =	sst s4  }
0xd: {  	[smem:$0x3FB1] =	sst s5  }
0xe: {  	[smem:$0x3FB2] =	sst s6  }
0xf: {  	[smem:$0x3FB3] =	sst s7  }
0x10: {  	[smem:$0x3FB4] =	sst s8  }
0x11: {  	[smem:$0x3FB5] =	sst s9;
	s0 =	simm.s32 @!p0 $0x0  }
0x12: {  	s1 =	sld [smem:$0x3F9B];
	s0 =	simm.s32 @p0 $0x1  }
0x13: {  	[smem:$0x3FB6] =	sst s0;
	s0 =	simm.s32 @!p1 $0x0  }
0x14: {  	s2 =	sld [smem:$0x3F9A];
	s0 =	simm.s32 @p1 $0x1  }
0x15: {  	[smem:$0x3FB7] =	sst s0;
	s0 =	simm.s32 @!p2 $0x0  }
0x16: {  	s3 =	sld [smem:$0x3FDB];
	s0 =	simm.s32 @p2 $0x1  }
0x17: {  	s4 =	simm.s32 $0x1BF5;
	[smem:$0x3FB9] =	sst s0  }
0x18: {  	s0 =	sld [smem:$0x3F9C];
	_ =	swait.ge [sflag:s4], $0x0  }
0x19: {  	s7 =	sld [smem:$0x3F9D]  }
0x1a: {  	s8 =	sadd.s32 $0xFFFFE003, lr  }
0x1b: {  	s9 =	sadd.s32 $0xFFFFFEF7, lr;
	s5 =	simm.s32 $0xFFFFFFFF;
	p2 =	slt.u32 s8, $0xFFFFF086  }
0x1c: {  	p1 =	slt.u32 s9, $0xF7A;
	s5 =	simm.s32 @!p2 $0x0  }
0x1d: {  	s5 =	simm.s32 @p1 $0x1;
	p0 =	seq.s32 s7, s2  }
0x1e: {  	s7 =	smul.u32 @!p0 $0xF7A, s2;
	p2 =	seq.s32 @!p0 s5, $0x0  }
0x1f: {  	s9 =	smul.u32 $0xF7A, s1;
	s8 =	simm.s32 @!p0 $0x1BF5;
	p2 =	por !p2, p0  }
0x20: {  	[sflag:s8] =	ssyncset.s32 @!p0 $0xFFFFF086;
	s6 =	sadd.s32 @!p0 s3, s7;
	s7 =	simm.s32 @!p0 $0x108  }
0x21: {  	s3 =	sadd.s32 s3, s9;
	s6 =	sadd.s32 @!p0 $0x88, s6;
	s7 =	simm.s32 @p2 $0x1082  }
0x22: {  	[simem:s7], [sflag:s8] =	dma.local @!p0 [hbm:s6], $0xF7A  }
0x23: {  	s9 =	sor.u32 $0xD0000000, s2;
	s6 =	simm.s32 $0x108;
	_ =	swait.ge @!p0 [sflag:s8], $0x0  }
0x24: {  	s3 =	sadd.s32 $0x88, s3;
	s6 =	simm.s32 @!p1 $0x1082;
	[sflag:s4] =	ssyncset.s32 $0xFFFFF086  }
0x25: {  	[simem:s6], [sflag:s4] =	dma.local [hbm:s3], $0xF7A  }
0x26: {  	[smem:$0x3F9D] =	sst s1;
	(tag) =	ssettag s2;
	_ =	strace s9  }
0x27: {  	s1 =	sld [smem:$0x3FAD]  }
0x28: {  	s2 =	sld [smem:$0x3FAE]  }
0x29: {  	s4 =	sld [smem:$0x3FB0]  }
0x2a: {  	p0 =	seq.s32 s5, $0x0;
	s5 =	sld [smem:$0x3FB1]  }
0x2b: {  	s6 =	sld [smem:$0x3FB2]  }
0x2c: {  	s7 =	sld [smem:$0x3FB3]  }
0x2d: {  	s3 =	simm.s32 $0x108;
	s8 =	sld [smem:$0x3FB4]  }
0x2e: {  	s3 =	simm.s32 @!p0 $0x1082;
	s9 =	sld [smem:$0x3FB5]  }
0x2f: {  	lr =	sadd.s32 s0, s3;
	s0 =	sld [smem:$0x3FAC]  }
0x30: {  	s3 =	sld [smem:$0x3FAF]  }
0x31: {  	[smem:$0x3FB8] =	sst s10  }
0x32: {  	s10 =	sld [smem:$0x3FB6];
	_ =	sdelay $0x3  }
0x33: {  	p0 =	seq.s32 s10, $0x1;
	s10 =	sld [smem:$0x3FB8];
	_ =	sdelay $0x3  }
0x34: {  	[smem:$0x3FB8] =	sst s10  }
0x35: {  	s10 =	sld [smem:$0x3FB7];
	_ =	sdelay $0x3  }
0x36: {  	p1 =	seq.s32 s10, $0x1;
	s10 =	sld [smem:$0x3FB8];
	_ =	sdelay $0x3  }
0x37: {  	[smem:$0x3FB8] =	sst s10  }
0x38: {  	s10 =	sld [smem:$0x3FB9]  }
0x39: {  	_ = 	snop;
	(pc) =	sbr.ind lr, $3  }
0x3a: {  	_ = 	snop  }
0x3b: {  	_ = 	snop  }
0x3c: {  	p2 =	seq.s32 s10, $0x1;
	s10 =	sld [smem:$0x3FB8]  }
0x3d: {  	_ =	shalt  }
0x3e: {  	_ =	shalt  }
0x3f: {  	_ =	shalt  }
0x40: {  	_ =	shalt  }
0x41: {  	_ =	shalt  }
0x42: {  	_ =	shalt  }
0x43: {  	_ =	shalt  }
0x44: {  	_ =	shalt  }
0x45: {  	_ =	shalt  }
0x46: {  	_ =	shalt  }
0x47: {  	_ =	shalt  }
0x48: {  	_ =	shalt  }
0x49: {  	_ =	shalt  }
0x4a: {  	_ =	shalt  }
0x4b: {  	_ =	shalt  }
0x4c: {  	_ =	shalt  }
0x4d: {  	_ =	shalt  }
0x4e: {  	_ =	shalt  }
0x4f: {  	_ =	shalt  }
0x50: {  	_ =	shalt  }
0x51: {  	_ =	shalt  }
0x52: {  	_ =	shalt  }
0x53: {  	_ =	shalt  }
0x54: {  	_ =	shalt  }
0x55: {  	_ =	shalt  }
0x56: {  	_ =	shalt  }
0x57: {  	_ =	shalt  }
0x58: {  	_ =	shalt  }
0x59: {  	_ =	shalt  }
0x5a: {  	_ =	shalt  }
0x5b: {  	_ =	shalt  }
0x5c: {  	_ =	shalt  }
0x5d: {  	_ =	shalt  }
0x5e: {  	_ =	shalt  }
0x5f: {  	_ =	shalt  }
0x60: {  	_ =	shalt  }
0x61: {  	_ =	shalt  }
0x62: {  	_ =	shalt  }
0x63: {  	_ =	shalt  }
0x64: {  	_ =	shalt  }
0x65: {  	_ =	shalt  }
0x66: {  	_ =	shalt  }
0x67: {  	_ =	shalt  }
0x68: {  	_ =	shalt  }
0x69: {  	_ =	shalt  }
0x6a: {  	_ =	shalt  }
0x6b: {  	_ =	shalt  }
0x6c: {  	_ =	shalt  }
0x6d: {  	_ =	shalt  }
0x6e: {  	_ =	shalt  }
0x6f: {  	_ =	shalt  }
0x70: {  	_ =	shalt  }
0x71: {  	_ =	shalt  }
0x72: {  	_ =	shalt  }
0x73: {  	_ =	shalt  }
0x74: {  	_ =	shalt  }
0x75: {  	_ =	shalt  }
0x76: {  	_ =	shalt  }
0x77: {  	_ =	shalt  }
0x78: {  	_ =	shalt  }
0x79: {  	_ =	shalt  }
0x7a: {  	_ =	shalt  }
0x7b: {  	_ =	shalt  }
0x7c: {  	_ =	shalt  }
0x7d: {  	_ =	shalt  }
0x7e: {  	_ =	shalt  }
0x7f: {  	_ =	shalt  }
0x80: {  	_ =	shalt  }
0x81: {  	_ =	shalt  }
0x82: {  	_ =	shalt  }
0x83: {  	_ =	shalt  }
0x84: {  	_ =	shalt  }
0x85: {  	_ =	shalt  }
0x86: {  	_ =	shalt  }
0x87: {  	_ =	shalt  }
.Lfunc_end0:
.L_simem_size_0:
called_computation.1_lowered:
.L_overlay_start_0:
0x88: {  	s2 =	sld [smem:$0x3FD9]  }
0x89: {  	s3 =	sld [smem:$0x3FFE];
	_ =	sdelay $0x1  }
0x8a: {  	s1 =	srdreg.scid  }
0x8b: {  	s0 =	sand.u32 $0x1, s1  }
0x8c: {  	s17 =	sshll.u32 s0, $0xA;
	s2 =	sadd.s32 s3, s2  }
0x8d: {  	s2 =	sadd.s32 s2, s17  }
0x8e: {  	[smem:$0x3FC4] =	sst s2  }
0x8f: {  	_ = 	snop  }
0x90: {  	s2 =	sld [smem:$0x3FD0];
	(tm) =	ssettm $0x1  }
0x91: {  	s18 =	sld [smem:$0x3FFB];
	_ =	sdelay $0x3  }
0x92: {  	_ =	strace s18  }
0x93: {  	s3 =	sld [smem:$0x3FFC];
	_ =	sdelay $0x3  }
0x94: {  	_ =	strace s3  }
0x95: {  	s3 =	sld [smem:$0x3FFD];
	_ =	sdelay $0x3  }
0x96: {  	_ =	strace s3  }
0x97: {  	_ =	strace $0x8FFFFFFF  }
0x98: {  	s19 =	sld [smem:$0x3FDB];
	_ =	sdelay $0x1  }
0x99: {  	s4 =	simm.s32 $_scs_section_size  }
0x9a: {  	s5 =	simm.s32 $_size__tile_overlayer_lowered;
	s6 =	simm.s32 $_tile_overlayer_lowered  }
0x9b: {  	s22 =	simm.s32 $0x1BFF;
	s21 =	sshll.u32 s6, $0x1;
	s3 =	sadd.s32 s4, s19  }
0x9c: {  	s7 =	simm.s32 $0x0;
	s20 =	sshll.u32 s5, $0x1;
	s5 =	sadd.s32 s21, s3  }
0x9d: {  	[timem:s7], [sflag:s22] =	dma.local [hbm:s5], s20  }
0x9e: {  	_ =	swait.ge [sflag:s22], s20  }
0x9f: {  	s4 =	ssub.s32 $0x0, s20;
	[sflag:s22] =	ssyncset.done $0x0  }
0xa0: {  	[sflag:s22] =	ssyncadd.s32 s4;
	_ =	sdelay $0x1  }
0xa1: {  	s23 =	simm.s32 $0x1B8B  }
0xa2: {  	_ =	swait.ge [sflag:s23], $0x1  }
0xa3: {  	[sflag:s23] =	ssyncset.done $0x0  }
0xa4: {  	s25 =	simm.s32 $0x1B8E;
	s24 =	sld [smem:$0x3FFE];
	[sflag:s23] =	ssyncadd.s32 $0xFFFFFFFF  }
0xa5: {  	s26 =	simm.s32 $execute0_lowered;
	[smem:$0x3FD2] =	sst s25  }
0xa6: {  	s5 =	sshll.u32 s26, $0x1;
	_ =	strace $0x80000049;
	[dreg:$0x1] =	wrdreg $0xFFFFFFFF  }
0xa7: {  	s28 =	simm.s32 $_size_execute0_lowered;
	s3 =	sadd.s32 s3, s5;
	[dreg:$0x0] =	wrdreg $0x0  }
0xa8: {  	s5 =	sshll.u32 s28, $0x1;
	[dreg:$0x2] =	wrdreg s3  }
0xa9: {  	[dreg:$0x3] =	wrdreg s5  }
0xaa: {  	[dreg:$0x4] =	wrdreg $0xC0  }
0xab: {  	_ =	task [dreg:s7], $0x5FFFF  }
0xac: {  	[dreg:$0x1] =	wrdreg $0xFFFFFFFF  }
0xad: {  	[dreg:$0x0] =	wrdreg $0x60  }
0xae: {  	[dreg:$0x2] =	wrdreg s24  }
0xaf: {  	[dreg:$0x3] =	wrdreg s2  }
0xb0: {  	[dreg:$0x4] =	wrdreg $0x9  }
0xb1: {  	_ =	task.clear_ibuf [dreg:s7], $0x5FFFF;
	_ =	strace $0x90000049  }
0xb2: {  	s29 =	simm.s32 $0x9;
	_ =	strace $0x8000004B  }
0xb3: {  	_ =	swait.ge [sflag:s29], $0x1  }
0xb4: {  	[sflag:s29] =	ssyncadd.s32 $0xFFFFFFFF  }
0xb5: {  	_ =	strace $0x9000004B  }
0xb6: {  	_ =	sfence  }
0xb7: {  	s30 =	sld [smem:$0x0];
	_ =	sdelay $0x2  }
0xb8: {  	s31 =	sshll.u32 s1, $0xD;
	s1 =	sshrl.u32 s1, $0x2  }
0xb9: {  	s3 =	sand.u32 $0x4000, s31;
	s1 =	sadd.s32 s1, s30  }
0xba: {  	s0 =	sor.u32 s3, s0;
	s1 =	sshll.u32 s1, $0x11  }
0xbb: {  	s0 =	sor.u32 s1, s0  }
0xbc: {  	s0 =	sadd.s32 $0x8F2B, s0  }
0xbd: {  	[sflag:s0] =	ssyncadd.remote.s32 $0x1  }
0xbe: {  	_ =	sfence.sel $0xFFFF  }
0xbf: {  	[dreg:$0x0] =	wrdreg $0xFFFFFFFF;
	(pc) =	sbr.abs _section_cstart, $3  }
0xc0: {  	[dreg:$0x1] =	wrdreg $0xFFFFFFFF  }
0xc1: {  	_ =	task.clear_ibuf [dreg:s7], $0x2FFFF;
	_ =	strace $0x9FFFFFFF  }
0xc2: {  	(tm) =	ssettm $0x7FFFFFFF  }
0xc3: {  	_ =	shalt  }
tec
execute0_lowered:
.L_overlay_start_1:
0x0: {  	(tag) =	ssettag $0x1  }
0x1: {  	s0 =	rddreg [dreg:$0x0]  }
0x2: {  	s1 =	rddreg [dreg:$0x1]  }
0x3: {  	s3 =	srdreg.scid;
	s2 =	simm.s32 $0x0;
	s4 =	stileid.u32  }
0x4: {  	s12 =	simm.s32 $0x100;
	s29 =	simm.s32 $0x12900;
	s30 =	simm.s32 $0x13100  }
0x5: {  	s31 =	simm.s32 $0x13900;
	s11 =	simm.s32 $0x15100;
	s13 =	simm.s32 $0x15900  }
0x6: {  	s14 =	simm.s32 $0x16100;
	s15 =	simm.s32 $0x16900;
	s16 =	simm.s32 $0x17100  }
0x7: {  	s17 =	simm.s32 $0x17900;
	s18 =	simm.s32 $0x1;
	s19 =	simm.s32 $0x0  }
0x8: {  	s3 =	sand.u32 $0x1, s3;
	[smem:$0x7FF] =	sst s2;
	s4 =	sshll.u32 s4, $0x4  }
0x9: {  	s5 =	sshll.u32 s3, $0x3;
	_ =	strace $0x8000004A;
	s7 =	ssub.s32 $0x2, s3  }
0xa: {  	s3 =	sadd.s32 $0x122400, s0;
	s6 =	sor.u32 s5, s4;
	s8 =	sshrl.u32 s7, $0x1  }
0xb: {  	s5 =	sadd.s32 s6, s0;
	s9 =	smul.u32 $0x300, s6;
	s6 =	sadd.s32 $0x122500, s0  }
0xc: {  	v2 =	vlaneseq.u32;
	s10 =	ssub.s32 s7, s8;
	s7 =	sadd.s32 $0x122600, s0;
	s0 =	simm.s32 $0x14100  }
0xd: {  	vm0 =	vmmov $0xffff;
	v1 =	vshrl.u32 v2, $0x3;
	s4 =	sadd.s32 $0x2200, s5;
	s5 =	sadd.s32 $0x1C00, s5;
	s8 =	sadd.s32 s1, s9  }
0xe: {  	v0 =	vand.u32 $0x7, v2;
	v2 =	vor.u32 $0x8, v2;
	v1 =	vmul.u32 $0x8, v1;
	s9 =	smax.u32 s10, $0x1;
	s10 =	simm.s32 $0x2;
	s1 =	simm.s32 $0x14900  }
.LBB2_1:
0xf: {  	[tilespmem:s2], [sflag:$0x2] =	stream.linear.gather [hbm4b:s4+s2], $0x40, $0x38;
	[tilespmem:$0x18100] =	vst v63  }
0x10: {  	_ =	swait.ge [sflag:s10], $0x40  }
0x11: {  	[sflag:s10] =	ssyncset.done $0x0  }
0x12: {  	s20 =	simm.s32 $0x80;
	[sflag:s10] =	ssyncadd.s32 $0xFFFFFFC0  }
0x13: {  	[tilespmem:s20], [sflag:$0x2] =	stream.linear.gather [hbm4b:s5+s2], $0x40, $0x38;
	[tilespmem:$0x18100] =	vst v63  }
0x14: {  	_ =	swait.ge [sflag:s10], $0x40  }
0x15: {  	[sflag:s10] =	ssyncset.done $0x0  }
0x16: {  	[sflag:s10] =	ssyncadd.s32 $0xFFFFFFC0  }
0x17: {  	v3 =	vld [tilespmem:$0x0];
	_ =	sdelay $0x4  }
0x18: {  	v4 =	vshrl.u32 v3, $0x3  }
0x19: {  	v4 =	vmul.u32 $0x30, v4  }
0x1a: {  	v3 =	vand.u32 $0x7, v3  }
0x1b: {  	v3 =	vor.u32 v3, v4  }
0x1c: {  	v4 =	vperm.xlane v3, v0;
	_ =	sdelay $0x1  }
0x1d: {  	v4 =	vadd.s32 v1, v4;
	_ =	sdelay $0x3  }
0x1e: {  	v3 =	vperm.xlane v3, v2  }
0x1f: {  	[tilespmem:s12], [sflag:$0x1] =	stream.indirect_vreg.gather [hbm4b:s3+s2], $0x80, v4, vm0, $0xb8;
	[tilespmem:$0x18100] =	vst v63  }
0x20: {  	s26 =	simm.s32 $0x900;
	v3 =	vadd.s32 v1, v3  }
0x21: {  	[tilespmem:s26], [sflag:$0x1] =	stream.indirect_vreg.gather [hbm4b:s6+s2], $0x80, v4, vm0, $0xb8;
	[tilespmem:$0x18100] =	vst v63  }
0x22: {  	s28 =	simm.s32 $0x1100  }
0x23: {  	[tilespmem:s28], [sflag:$0x1] =	stream.indirect_vreg.gather [hbm4b:s7+s2], $0x80, v4, vm0, $0xb8;
	[tilespmem:$0x18100] =	vst v63  }
0x24: {  	s21 =	simm.s32 $0x1900  }
0x25: {  	[tilespmem:s21], [sflag:$0x1] =	stream.indirect_vreg.gather [hbm4b:s3+s2], $0x80, v3, vm0, $0xb8;
	[tilespmem:$0x18100] =	vst v63  }
0x26: {  	s22 =	simm.s32 $0x2100  }
0x27: {  	[tilespmem:s22], [sflag:$0x1] =	stream.indirect_vreg.gather [hbm4b:s6+s2], $0x80, v3, vm0, $0xb8;
	[tilespmem:$0x18100] =	vst v63  }
0x28: {  	s23 =	simm.s32 $0x2900  }
0x29: {  	[tilespmem:s23], [sflag:$0x1] =	stream.indirect_vreg.gather [hbm4b:s7+s2], $0x80, v3, vm0, $0xb8;
	[tilespmem:$0x18100] =	vst v63  }
0x2a: {  	v3 =	vld [tilespmem:$0x10];
	_ =	sdelay $0x4  }
0x2b: {  	v4 =	vshrl.u32 v3, $0x3  }
0x2c: {  	v4 =	vmul.u32 $0x30, v4  }
0x2d: {  	v3 =	vand.u32 $0x7, v3  }
0x2e: {  	v3 =	vor.u32 v3, v4  }
0x2f: {  	v4 =	vperm.xlane v3, v0;
	_ =	sdelay $0x1  }
0x30: {  	v4 =	vadd.s32 v1, v4;
	_ =	sdelay $0x3  }
0x31: {  	s24 =	simm.s32 $0x3100;
	v3 =	vperm.xlane v3, v2  }
0x32: {  	[tilespmem:s24], [sflag:$0x1] =	stream.indirect_vreg.gather [hbm4b:s3+s2], $0x80, v4, vm0, $0xb8;
	[tilespmem:$0x18100] =	vst v63  }
0x33: {  	s25 =	simm.s32 $0x3900;
	v3 =	vadd.s32 v1, v3  }
0x34: {  	[tilespmem:s25], [sflag:$0x1] =	stream.indirect_vreg.gather [hbm4b:s6+s2], $0x80, v4, vm0, $0xb8;
	[tilespmem:$0x18100] =	vst v63  }
0x35: {  	s26 =	simm.s32 $0x4100  }
0x36: {  	[tilespmem:s26], [sflag:$0x1] =	stream.indirect_vreg.gather [hbm4b:s7+s2], $0x80, v4, vm0, $0xb8;
	[tilespmem:$0x18100] =	vst v63  }
0x37: {  	s28 =	simm.s32 $0x4900  }
0x38: {  	[tilespmem:s28], [sflag:$0x1] =	stream.indirect_vreg.gather [hbm4b:s3+s2], $0x80, v3, vm0, $0xb8;
	[tilespmem:$0x18100] =	vst v63  }
0x39: {  	s21 =	simm.s32 $0x5100  }
0x3a: {  	[tilespmem:s21], [sflag:$0x1] =	stream.indirect_vreg.gather [hbm4b:s6+s2], $0x80, v3, vm0, $0xb8;
	[tilespmem:$0x18100] =	vst v63  }
0x3b: {  	s22 =	simm.s32 $0x5900  }
0x3c: {  	[tilespmem:s22], [sflag:$0x1] =	stream.indirect_vreg.gather [hbm4b:s7+s2], $0x80, v3, vm0, $0xb8;
	[tilespmem:$0x18100] =	vst v63  }
0x3d: {  	v3 =	vld [tilespmem:$0x20];
	_ =	sdelay $0x4  }
0x3e: {  	v4 =	vshrl.u32 v3, $0x3  }
0x3f: {  	v4 =	vmul.u32 $0x30, v4  }
0x40: {  	v3 =	vand.u32 $0x7, v3  }
0x41: {  	v3 =	vor.u32 v3, v4  }
0x42: {  	v4 =	vperm.xlane v3, v0;
	_ =	sdelay $0x1  }
0x43: {  	v4 =	vadd.s32 v1, v4;
	_ =	sdelay $0x3  }
0x44: {  	s23 =	simm.s32 $0x6100;
	v3 =	vperm.xlane v3, v2  }
0x45: {  	[tilespmem:s23], [sflag:$0x1] =	stream.indirect_vreg.gather [hbm4b:s3+s2], $0x80, v4, vm0, $0xb8;
	[tilespmem:$0x18100] =	vst v63  }
0x46: {  	s24 =	simm.s32 $0x6900;
	v3 =	vadd.s32 v1, v3  }
0x47: {  	[tilespmem:s24], [sflag:$0x1] =	stream.indirect_vreg.gather [hbm4b:s6+s2], $0x80, v4, vm0, $0xb8;
	[tilespmem:$0x18100] =	vst v63  }
0x48: {  	s25 =	simm.s32 $0x7100  }
0x49: {  	[tilespmem:s25], [sflag:$0x1] =	stream.indirect_vreg.gather [hbm4b:s7+s2], $0x80, v4, vm0, $0xb8;
	[tilespmem:$0x18100] =	vst v63  }
0x4a: {  	s26 =	simm.s32 $0x7900  }
0x4b: {  	[tilespmem:s26], [sflag:$0x1] =	stream.indirect_vreg.gather [hbm4b:s3+s2], $0x80, v3, vm0, $0xb8;
	[tilespmem:$0x18100] =	vst v63  }
0x4c: {  	s28 =	simm.s32 $0x8100  }
0x4d: {  	[tilespmem:s28], [sflag:$0x1] =	stream.indirect_vreg.gather [hbm4b:s6+s2], $0x80, v3, vm0, $0xb8;
	[tilespmem:$0x18100] =	vst v63  }
0x4e: {  	s21 =	simm.s32 $0x8900  }
0x4f: {  	[tilespmem:s21], [sflag:$0x1] =	stream.indirect_vreg.gather [hbm4b:s7+s2], $0x80, v3, vm0, $0xb8;
	[tilespmem:$0x18100] =	vst v63  }
0x50: {  	v3 =	vld [tilespmem:$0x30];
	_ =	sdelay $0x4  }
0x51: {  	v4 =	vshrl.u32 v3, $0x3  }
0x52: {  	v4 =	vmul.u32 $0x30, v4  }
0x53: {  	v3 =	vand.u32 $0x7, v3  }
0x54: {  	v3 =	vor.u32 v3, v4  }
0x55: {  	v4 =	vperm.xlane v3, v0;
	_ =	sdelay $0x1  }
0x56: {  	v4 =	vadd.s32 v1, v4;
	_ =	sdelay $0x3  }
0x57: {  	s22 =	simm.s32 $0x9100;
	v3 =	vperm.xlane v3, v2  }
0x58: {  	[tilespmem:s22], [sflag:$0x1] =	stream.indirect_vreg.gather [hbm4b:s3+s2], $0x80, v4, vm0, $0xb8;
	[tilespmem:$0x18100] =	vst v63  }
0x59: {  	s23 =	simm.s32 $0x9900;
	v3 =	vadd.s32 v1, v3  }
0x5a: {  	[tilespmem:s23], [sflag:$0x1] =	stream.indirect_vreg.gather [hbm4b:s6+s2], $0x80, v4, vm0, $0xb8;
	[tilespmem:$0x18100] =	vst v63  }
0x5b: {  	s24 =	simm.s32 $0xA100  }
0x5c: {  	[tilespmem:s24], [sflag:$0x1] =	stream.indirect_vreg.gather [hbm4b:s7+s2], $0x80, v4, vm0, $0xb8;
	[tilespmem:$0x18100] =	vst v63  }
0x5d: {  	s25 =	simm.s32 $0xA900  }
0x5e: {  	[tilespmem:s25], [sflag:$0x1] =	stream.indirect_vreg.gather [hbm4b:s3+s2], $0x80, v3, vm0, $0xb8;
	[tilespmem:$0x18100] =	vst v63  }
0x5f: {  	s26 =	simm.s32 $0xB100  }
0x60: {  	[tilespmem:s26], [sflag:$0x1] =	stream.indirect_vreg.gather [hbm4b:s6+s2], $0x80, v3, vm0, $0xb8;
	[tilespmem:$0x18100] =	vst v63  }
0x61: {  	s28 =	simm.s32 $0xB900  }
0x62: {  	[tilespmem:s28], [sflag:$0x1] =	stream.indirect_vreg.gather [hbm4b:s7+s2], $0x80, v3, vm0, $0xb8;
	[tilespmem:$0x18100] =	vst v63  }
0x63: {  	v3 =	vld [tilespmem:$0x80];
	_ =	sdelay $0x4  }
0x64: {  	v4 =	vshrl.u32 v3, $0x3  }
0x65: {  	v4 =	vmul.u32 $0x30, v4  }
0x66: {  	v3 =	vand.u32 $0x7, v3  }
0x67: {  	v3 =	vor.u32 v3, v4  }
0x68: {  	v4 =	vperm.xlane v3, v0;
	_ =	sdelay $0x1  }
0x69: {  	v4 =	vadd.s32 v1, v4;
	_ =	sdelay $0x3  }
0x6a: {  	s21 =	simm.s32 $0xC100;
	v3 =	vperm.xlane v3, v2  }
0x6b: {  	[tilespmem:s21], [sflag:$0x1] =	stream.indirect_vreg.gather [hbm4b:s3+s2], $0x80, v4, vm0, $0xb8;
	[tilespmem:$0x18100] =	vst v63  }
0x6c: {  	s22 =	simm.s32 $0xC900;
	v3 =	vadd.s32 v1, v3  }
0x6d: {  	[tilespmem:s22], [sflag:$0x1] =	stream.indirect_vreg.gather [hbm4b:s6+s2], $0x80, v4, vm0, $0xb8;
	[tilespmem:$0x18100] =	vst v63  }
0x6e: {  	s23 =	simm.s32 $0xD100  }
0x6f: {  	[tilespmem:s23], [sflag:$0x1] =	stream.indirect_vreg.gather [hbm4b:s7+s2], $0x80, v4, vm0, $0xb8;
	[tilespmem:$0x18100] =	vst v63  }
0x70: {  	s24 =	simm.s32 $0xD900  }
0x71: {  	[tilespmem:s24], [sflag:$0x1] =	stream.indirect_vreg.gather [hbm4b:s3+s2], $0x80, v3, vm0, $0xb8;
	[tilespmem:$0x18100] =	vst v63  }
0x72: {  	s25 =	simm.s32 $0xE100  }
0x73: {  	[tilespmem:s25], [sflag:$0x1] =	stream.indirect_vreg.gather [hbm4b:s6+s2], $0x80, v3, vm0, $0xb8;
	[tilespmem:$0x18100] =	vst v63  }
0x74: {  	s26 =	simm.s32 $0xE900  }
0x75: {  	[tilespmem:s26], [sflag:$0x1] =	stream.indirect_vreg.gather [hbm4b:s7+s2], $0x80, v3, vm0, $0xb8;
	[tilespmem:$0x18100] =	vst v63  }
0x76: {  	v3 =	vld [tilespmem:$0x90];
	_ =	sdelay $0x4  }
0x77: {  	v4 =	vshrl.u32 v3, $0x3  }
0x78: {  	v4 =	vmul.u32 $0x30, v4  }
0x79: {  	v3 =	vand.u32 $0x7, v3  }
0x7a: {  	v3 =	vor.u32 v3, v4  }
0x7b: {  	v4 =	vperm.xlane v3, v0;
	_ =	sdelay $0x1  }
0x7c: {  	v4 =	vadd.s32 v1, v4;
	_ =	sdelay $0x3  }
0x7d: {  	s28 =	simm.s32 $0xF100;
	v3 =	vperm.xlane v3, v2  }
0x7e: {  	[tilespmem:s28], [sflag:$0x1] =	stream.indirect_vreg.gather [hbm4b:s3+s2], $0x80, v4, vm0, $0xb8;
	[tilespmem:$0x18100] =	vst v63  }
0x7f: {  	s21 =	simm.s32 $0xF900;
	v3 =	vadd.s32 v1, v3  }
0x80: {  	[tilespmem:s21], [sflag:$0x1] =	stream.indirect_vreg.gather [hbm4b:s6+s2], $0x80, v4, vm0, $0xb8;
	[tilespmem:$0x18100] =	vst v63  }
0x81: {  	s22 =	simm.s32 $0x10100  }
0x82: {  	[tilespmem:s22], [sflag:$0x1] =	stream.indirect_vreg.gather [hbm4b:s7+s2], $0x80, v4, vm0, $0xb8;
	[tilespmem:$0x18100] =	vst v63  }
0x83: {  	s23 =	simm.s32 $0x10900  }
0x84: {  	[tilespmem:s23], [sflag:$0x1] =	stream.indirect_vreg.gather [hbm4b:s3+s2], $0x80, v3, vm0, $0xb8;
	[tilespmem:$0x18100] =	vst v63  }
0x85: {  	s24 =	simm.s32 $0x11100  }
0x86: {  	[tilespmem:s24], [sflag:$0x1] =	stream.indirect_vreg.gather [hbm4b:s6+s2], $0x80, v3, vm0, $0xb8;
	[tilespmem:$0x18100] =	vst v63  }
0x87: {  	s25 =	simm.s32 $0x11900  }
0x88: {  	[tilespmem:s25], [sflag:$0x1] =	stream.indirect_vreg.gather [hbm4b:s7+s2], $0x80, v3, vm0, $0xb8;
	[tilespmem:$0x18100] =	vst v63  }
0x89: {  	v3 =	vld [tilespmem:$0xA0];
	_ =	sdelay $0x4  }
0x8a: {  	v4 =	vshrl.u32 v3, $0x3  }
0x8b: {  	v4 =	vmul.u32 $0x30, v4  }
0x8c: {  	v3 =	vand.u32 $0x7, v3  }
0x8d: {  	v3 =	vor.u32 v3, v4  }
0x8e: {  	v4 =	vperm.xlane v3, v0;
	_ =	sdelay $0x1  }
0x8f: {  	v4 =	vadd.s32 v1, v4;
	_ =	sdelay $0x3  }
0x90: {  	s26 =	simm.s32 $0x12100;
	v3 =	vperm.xlane v3, v2  }
0x91: {  	[tilespmem:s26], [sflag:$0x1] =	stream.indirect_vreg.gather [hbm4b:s3+s2], $0x80, v4, vm0, $0xb8;
	[tilespmem:$0x18100] =	vst v63  }
0x92: {  	v3 =	vadd.s32 v1, v3  }
0x93: {  	[tilespmem:s29], [sflag:$0x1] =	stream.indirect_vreg.gather [hbm4b:s6+s2], $0x80, v4, vm0, $0xb8;
	[tilespmem:$0x18100] =	vst v63  }
0x94: {  	_ = 	snop  }
0x95: {  	[tilespmem:s30], [sflag:$0x1] =	stream.indirect_vreg.gather [hbm4b:s7+s2], $0x80, v4, vm0, $0xb8;
	[tilespmem:$0x18100] =	vst v63  }
0x96: {  	_ = 	snop  }
0x97: {  	[tilespmem:s31], [sflag:$0x1] =	stream.indirect_vreg.gather [hbm4b:s3+s2], $0x80, v3, vm0, $0xb8;
	[tilespmem:$0x18100] =	vst v63  }
0x98: {  	_ = 	snop  }
0x99: {  	[tilespmem:s0], [sflag:$0x1] =	stream.indirect_vreg.gather [hbm4b:s6+s2], $0x80, v3, vm0, $0xb8;
	[tilespmem:$0x18100] =	vst v63  }
0x9a: {  	_ = 	snop  }
0x9b: {  	[tilespmem:s1], [sflag:$0x1] =	stream.indirect_vreg.gather [hbm4b:s7+s2], $0x80, v3, vm0, $0xb8;
	[tilespmem:$0x18100] =	vst v63  }
0x9c: {  	v3 =	vld [tilespmem:$0xB0];
	_ =	sdelay $0x4  }
0x9d: {  	v4 =	vshrl.u32 v3, $0x3  }
0x9e: {  	v4 =	vmul.u32 $0x30, v4  }
0x9f: {  	v3 =	vand.u32 $0x7, v3  }
0xa0: {  	v3 =	vor.u32 v3, v4  }
0xa1: {  	v4 =	vperm.xlane v3, v0;
	_ =	sdelay $0x1  }
0xa2: {  	v4 =	vadd.s32 v1, v4;
	_ =	sdelay $0x3  }
0xa3: {  	v3 =	vperm.xlane v3, v2  }
0xa4: {  	[tilespmem:s11], [sflag:$0x1] =	stream.indirect_vreg.gather [hbm4b:s3+s2], $0x80, v4, vm0, $0xb8;
	[tilespmem:$0x18100] =	vst v63  }
0xa5: {  	v3 =	vadd.s32 v1, v3  }
0xa6: {  	[tilespmem:s13], [sflag:$0x1] =	stream.indirect_vreg.gather [hbm4b:s6+s2], $0x80, v4, vm0, $0xb8;
	[tilespmem:$0x18100] =	vst v63  }
0xa7: {  	_ = 	snop  }
0xa8: {  	[tilespmem:s14], [sflag:$0x1] =	stream.indirect_vreg.gather [hbm4b:s7+s2], $0x80, v4, vm0, $0xb8;
	[tilespmem:$0x18100] =	vst v63  }
0xa9: {  	s28 =	smul.u32 $0xAAAB, s2  }
0xaa: {  	[tilespmem:s15], [sflag:$0x1] =	stream.indirect_vreg.gather [hbm4b:s3+s2], $0x80, v3, vm0, $0xb8;
	[tilespmem:$0x18100] =	vst v63  }
0xab: {  	s21 =	sshrl.u32 s28, $0x15;
	s20 =	sshrl.u32 s28, $0xE  }
0xac: {  	[tilespmem:s16], [sflag:$0x1] =	stream.indirect_vreg.gather [hbm4b:s6+s2], $0x80, v3, vm0, $0xb8;
	[tilespmem:$0x18100] =	vst v63  }
0xad: {  	s21 =	smul.u32 $0x30, s21;
	s20 =	sand.u32 $0x380, s20;
	s22 =	sshrl.u32 s28, $0x18  }
0xae: {  	[tilespmem:s17], [sflag:$0x1] =	stream.indirect_vreg.gather [hbm4b:s7+s2], $0x80, v3, vm0, $0xb8;
	[tilespmem:$0x18100] =	vst v63  }
0xaf: {  	s21 =	ssub.s32 $0x0, s21;
	s22 =	smul.u32 $0x1800, s22;
	_ =	swait.ge [sflag:s18], $0xC000  }
0xb0: {  	s23 =	simm.s32 $0x1;
	s24 =	sshll.u32 s21, $0x7;
	[sflag:s18] =	ssyncset.done $0x0  }
0xb1: {  	s23 =	smul.u32 $0xAAAB, s23;
	s24 =	sand.u32 $0x1C00, s24;
	[sflag:s18] =	ssyncadd.s32 $0xFFFF4000  }
0xb2: {  	s21 =	sshll.u32 s21, $0x4;
	s22 =	sadd.s32 s24, s22;
	_ =	swait.ge [sflag:s18], $0xC000  }
0xb3: {  	s21 =	sand.u32 $0x70, s21;
	s20 =	sor.u32 s20, s22;
	[sflag:s18] =	ssyncset.done $0x0  }
0xb4: {  	s24 =	sshrl.u32 s23, $0x15;
	s20 =	sor.u32 s21, s20;
	[sflag:s18] =	ssyncadd.s32 $0xFFFF4000  }
0xb5: {  	s25 =	smul.u32 $0x30, s24;
	v3 =	vld [tilespmem:s20+$0xC100]  }
0xb6: {  	v4 =	vld [tilespmem:s20+$0x100]  }
0xb7: {  	s24 =	ssub.s32 $0x1, s25;
	s26 =	sshrl.u32 s23, $0x18  }
0xb8: {  	s22 =	simm.s32 $0x2;
	s28 =	sshll.u32 s24, $0x7;
	s21 =	smul.u32 $0x1800, s26  }
0xb9: {  	s25 =	sand.u32 $0x1C00, s28;
	s23 =	sshrl.u32 s23, $0xE;
	s26 =	sshll.u32 s24, $0x4  }
0xba: {  	s23 =	sand.u32 $0x380, s23;
	s25 =	sadd.s32 s25, s21;
	s21 =	smul.u32 $0xAAAB, s22  }
0xbb: {  	s24 =	sor.u32 s23, s25;
	s23 =	simm.s32 $0x3;
	s25 =	sand.u32 $0x70, s26;
	v3 =	vadd.f32 v3, v4  }
.LBB2_2:
0xbc: {  	p0 =	sne.s32 s23, $0xBFF;
	s26 =	sshrl.u32 s21, $0x15;
	s24 =	sor.u32 s25, s24  }
0xbd: {  	s25 =	smul.u32 $0x30, s26;
	v4 =	vld [tilespmem:s24+$0xC100];
	[tilespmem:s20+$0x100] =	vst v3;
	s20 =	smov.u32 s24  }
0xbe: {  	v3 =	vld [tilespmem:s20+$0x100]  }
.Ltmp0:
0xbf: {  	s24 =	ssub.s32 s22, s25;
	s22 =	sshrl.u32 s21, $0x18;
	(pc) =	sbr.rel @p0 .LBB2_2-.Ltmp0, $4  }
0xc0: {  	s25 =	smul.u32 $0x1800, s22;
	s26 =	sshll.u32 s24, $0x7;
	s22 =	smov.u32 s23  }
0xc1: {  	s28 =	sshrl.u32 s21, $0xE;
	s21 =	smul.u32 $0xAAAB, s23;
	s26 =	sand.u32 $0x1C00, s26  }
0xc2: {  	s28 =	sand.u32 $0x380, s28;
	s24 =	sshll.u32 s24, $0x4;
	s26 =	sadd.s32 s26, s25  }
0xc3: {  	s23 =	sadd.s32 $0x1, s23;
	s25 =	sand.u32 $0x70, s24;
	s24 =	sor.u32 s28, s26;
	v3 =	vadd.f32 v4, v3  }
0xc4: {  	s23 =	sshrl.u32 s21, $0x15;
	s24 =	sor.u32 s25, s24  }
0xc5: {  	s23 =	smul.u32 $0x30, s23;
	v4 =	vld [tilespmem:s24+$0xC100];
	[tilespmem:s20+$0x100] =	vst v3  }
0xc6: {  	v3 =	vld [tilespmem:s24+$0x100]  }
0xc7: {  	s26 =	sshrl.u32 s21, $0x18;
	s25 =	ssub.s32 s22, s23  }
0xc8: {  	s22 =	smul.u32 $0x1800, s26;
	s23 =	sshll.u32 s25, $0x7  }
0xc9: {  	s28 =	sshrl.u32 s21, $0xE;
	s23 =	sand.u32 $0x1C00, s23  }
0xca: {  	s21 =	sand.u32 $0x380, s28;
	s20 =	sshll.u32 s25, $0x4;
	s22 =	sadd.s32 s23, s22  }
0xcb: {  	s20 =	sand.u32 $0x70, s20;
	s21 =	sor.u32 s21, s22;
	v3 =	vadd.f32 v4, v3  }
0xcc: {  	s20 =	sor.u32 s20, s21  }
0xcd: {  	v63 =	vld [tilespmem:s20+$0xC100];
	[tilespmem:s24+$0x100] =	vst v3  }
0xce: {  	v3 =	vld [tilespmem:s20+$0x100];
	_ =	sdelay $0x4  }
0xcf: {  	s19 =	sadd.s32 $0x1, s19;
	v3 =	vadd.f32 v63, v3  }
0xd0: {  	p0 =	sne.s32 s19, s9  }
.Ltmp1:
0xd1: {  	[tilespmem:s20+$0x100] =	vst v3;
	(pc) =	sbr.rel @p0 .LBB2_1-.Ltmp1, $4  }
0xd2: {  	[hbm4b:s8+s2] =	stream.linear.scatter [tilespmem:s12], [sflag:$0x2], $0xC000, $0x38;
	[tilespmem:$0x18100] =	vst v63  }
0xd3: {  	_ =	swait.ge [sflag:s10], $0xC000  }
0xd4: {  	[sflag:s10] =	ssyncset.done $0x0  }
0xd5: {  	[sflag:s10] =	ssyncadd.s32 $0xFFFF4000  }
0xd6: {  	_ =	sfence.sel $0x180000  }
0xd7: {  	[bflag:$0x0] =	sbarrier.arrive $0xFFFF  }
0xd8: {  	_ =	strace $0x9000004A  }
0xd9: {  	s0 =	stileid.u32;
	[bflag:$0x2] =	sbarrier.arrive $0xFFFF  }
0xda: {  	p0 =	sne.s32 s0, $0x0;
	s0 =	rddreg [dreg:$0x2]  }
0xdb: {  	s0 =	sadd.s32 @!p0 $0x100000, s0  }
0xdc: {  	[sflag:s0] =	ssyncadd.tile.s32 @!p0 $0x1;
	_ =	shalt  }
.Lfunc_end2:
_tile_overlayer_lowered:
.L_overlay_start_2:
0xdd: {  	(tag) =	ssettag $0x2  }
0xde: {  	s0 =	rddreg [dreg:$0x0];
	s2 =	stileid.u32  }
0xdf: {  	s1 =	rddreg [dreg:$0x1];
	p0 =	sne.s32 s2, $0x0  }
0xe0: {  	s3 =	rddreg [dreg:$0x2];
	[bflag:$0x3] =	sbarrier.arrive $0xFFFF;
	s2 =	simm.s32 @!p0 $0x1C02  }
0xe1: {  	[timem:s3], [sflag:s2] =	dma.local @!p0 [hbm:s0], s1  }
0xe2: {  	s0 =	simm.s32 @!p0 $0x2  }
0xe3: {  	_ =	swait.ge @!p0 [sflag:s0], s1  }
0xe4: {  	s1 =	ssub.s32 @!p0 $0x0, s1;
	[sflag:s0] =	ssyncset.done @!p0 $0x0  }
0xe5: {  	[sflag:s0] =	ssyncadd.s32 @!p0 s1  }
0xe6: {  	[bflag:$0x3] =	sbarrier.arrive $0xFFFF  }
0xe7: {  	_ =	shalt  }

</sc_bundles>
